<compile_context>
chip_gen: v7x
topology: tpu7x:2x2x1
jax: 0.10.2.dev20260603
libtpu: 0.0.44.dev20260713+nightly
codegen_flags: <defaults>
</compile_context>

<pallas_src>
import functools

import jax
import jax.numpy as jnp
from jax import lax
from jax.experimental import pallas as pl
from jax.experimental.pallas import tpu as pltpu
from jax.experimental.pallas import tpu_sc as plsc

N_NODES = 10000
D = 128
NC, NS = 2, 16
NW = NC * NS
N_PAD = 10240
E = 320000
E_PAD = 327680
EPW = E_PAD // NW
CHUNK = 128
NCHUNK = EPW // CHUNK
RPT = N_PAD // NS
MM_BLK = 1000


def _fill_iota(idx_v, base):
    for m in range(CHUNK // 16):
        idx_v[pl.ds(m * 16, 16)] = lax.iota(jnp.int32, 16) + (base + m * 16)


def _fill_from(idx_v, src_v, j):
    for m in range(CHUNK // 16):
        idx_v[pl.ds(m * 16, 16)] = src_v[j, pl.ds(m * 16, 16)]


@functools.cache
def _sc_kernels():
    mesh = plsc.VectorSubcoreMesh(
        core_axis_name="c", subcore_axis_name="s", num_cores=NC, num_subcores=NS
    )

    @functools.partial(
        pl.kernel,
        out_type=jax.ShapeDtypeStruct((NC, N_PAD, D), jnp.float32),
        mesh=mesh,
        scratch_types=[
            pltpu.VMEM((NCHUNK, CHUNK), jnp.int32),
            pltpu.VMEM((CHUNK,), jnp.int32),
            pltpu.VMEM((CHUNK, D), jnp.float32),
            pltpu.VMEM((CHUNK, D), jnp.float32),
            pltpu.VMEM_SHARED((N_PAD, D), jnp.float32),
        ],
    )
    def deg_kernel(col_hbm, ones_hbm, zeros_hbm, out_hbm, col_v, cidx_v, ones_v,
                   zb_v, cnt_sh):
        c = lax.axis_index("c")
        s = lax.axis_index("s")
        wid = c * NS + s
        pltpu.sync_copy(ones_hbm, ones_v)
        pltpu.sync_copy(zeros_hbm, zb_v)
        pltpu.sync_copy(col_hbm.at[wid], col_v)
        for k in range(RPT // CHUNK):
            _fill_iota(cidx_v, s * RPT + k * CHUNK)
            pltpu.sync_copy(zb_v, cnt_sh.at[cidx_v])
        plsc.subcore_barrier()

        def body(j, carry):
            _fill_from(cidx_v, col_v, j)
            pltpu.sync_copy(ones_v, cnt_sh.at[cidx_v], add=True)
            return carry

        lax.fori_loop(0, NCHUNK, body, 0)
        plsc.subcore_barrier()
        for k in range(RPT // CHUNK):
            _fill_iota(cidx_v, s * RPT + k * CHUNK)
            pltpu.sync_copy(cnt_sh.at[cidx_v], zb_v)
            pltpu.sync_copy(zb_v, out_hbm.at[c, pl.ds(s * RPT + k * CHUNK, CHUNK)])

    @functools.partial(
        pl.kernel,
        out_type=jax.ShapeDtypeStruct((NC, N_PAD, D), jnp.float32),
        mesh=mesh,
        scratch_types=[
            pltpu.VMEM((CHUNK,), jnp.int32),
            pltpu.VMEM((CHUNK,), jnp.int32),
            pltpu.VMEM((CHUNK,), jnp.int32),
            pltpu.VMEM((CHUNK, D), jnp.float32),
            pltpu.VMEM((CHUNK, D), jnp.float32),
            pltpu.VMEM_SHARED((N_PAD, D), jnp.float32),
            pltpu.SemaphoreType.DMA,
            pltpu.SemaphoreType.DMA,
        ],
    )
    def agg_kernel(hp_hbm, row_hbm, col_hbm, zeros_hbm, out_hbm,
                   ridxa_v, ridxb_v, cidx_v, bufa_v, bufb_v,
                   acc_sh, sema, semb):
        c = lax.axis_index("c")
        s = lax.axis_index("s")
        wid = c * NS + s
        pltpu.sync_copy(zeros_hbm, bufa_v)
        for k in range(RPT // CHUNK):
            _fill_iota(cidx_v, s * RPT + k * CHUNK)
            pltpu.sync_copy(bufa_v, acc_sh.at[cidx_v])
        plsc.subcore_barrier()

        pltpu.sync_copy(row_hbm.at[wid, 0], ridxa_v)
        pltpu.async_copy(hp_hbm.at[ridxa_v], bufa_v, sema)

        def body(i, carry):
            pltpu.sync_copy(row_hbm.at[wid, 2 * i + 1], ridxb_v)
            cpb = pltpu.async_copy(hp_hbm.at[ridxb_v], bufb_v, semb)
            pltpu.make_async_copy(hp_hbm.at[ridxa_v], bufa_v, sema).wait()
            pltpu.sync_copy(col_hbm.at[wid, 2 * i], cidx_v)
            pltpu.sync_copy(bufa_v, acc_sh.at[cidx_v], add=True)

            @pl.when(i < NCHUNK // 2 - 1)
            def _():
                pltpu.sync_copy(row_hbm.at[wid, 2 * i + 2], ridxa_v)
                pltpu.async_copy(hp_hbm.at[ridxa_v], bufa_v, sema)

            cpb.wait()
            pltpu.sync_copy(col_hbm.at[wid, 2 * i + 1], cidx_v)
            pltpu.sync_copy(bufb_v, acc_sh.at[cidx_v], add=True)
            return carry

        lax.fori_loop(0, NCHUNK // 2, body, 0)
        plsc.subcore_barrier()
        for k in range(RPT // CHUNK):
            _fill_iota(cidx_v, s * RPT + k * CHUNK)
            pltpu.sync_copy(acc_sh.at[cidx_v], bufa_v)
            pltpu.sync_copy(bufa_v, out_hbm.at[c, pl.ds(s * RPT + k * CHUNK, CHUNK)])

    return deg_kernel, agg_kernel


def _dinv_body(p0_ref, p1_ref, o_ref):
    o_ref[...] = lax.rsqrt(p0_ref[...] + p1_ref[...] + 1.0)


def _mm_scale_body(x_ref, w_ref, dinv_ref, o_ref):
    g = jnp.dot(x_ref[...], w_ref[...], preferred_element_type=jnp.float32,
                precision=lax.Precision.HIGHEST)
    o_ref[...] = g * dinv_ref[...]


def _combine_mm_body(p0_ref, p1_ref, hp_ref, dinv_ref, b_ref, w_ref, o_ref):
    agg = (p0_ref[...] + p1_ref[...] + hp_ref[...]) * dinv_ref[...] + b_ref[...]
    h = jnp.maximum(agg, 0.0)
    g = jnp.dot(h, w_ref[...], preferred_element_type=jnp.float32,
                precision=lax.Precision.HIGHEST)
    o_ref[...] = g * dinv_ref[...]


def _final_body(q0_ref, q1_ref, hp_ref, dinv_ref, b_ref, o_ref):
    o_ref[...] = (q0_ref[...] + q1_ref[...] + hp_ref[...]) * dinv_ref[...] + b_ref[...]


def _row_spec():
    return pl.BlockSpec((MM_BLK, D), lambda i: (i, 0))


def _full_spec(shape):
    return pl.BlockSpec(shape, lambda i: tuple(0 for _ in shape))


def kernel(x, edge_index, W1, b1, W2, b2):
    f32 = jnp.float32
    row = edge_index[0].astype(jnp.int32)
    col = edge_index[1].astype(jnp.int32)
    pad = E_PAD - E
    row3 = jnp.concatenate([row, jnp.zeros((pad,), jnp.int32)]).reshape(NW, NCHUNK, CHUNK)
    col3 = jnp.concatenate([col, jnp.full((pad,), N_NODES, jnp.int32)]).reshape(NW, NCHUNK, CHUNK)
    ones128 = jnp.ones((CHUNK, D), f32)
    zeros128 = jnp.zeros((CHUNK, D), f32)

    deg_kernel, agg_kernel = _sc_kernels()

    degp = deg_kernel(col3, ones128, zeros128)
    dinv_full = pl.pallas_call(
        _dinv_body,
        out_shape=jax.ShapeDtypeStruct((N_PAD, D), f32),
    )(degp[0], degp[1])
    dinv = dinv_full[:N_NODES, 0:1]

    grid = (N_NODES // MM_BLK,)
    dinv_spec = pl.BlockSpec((MM_BLK, 1), lambda i: (i, 0))
    b_spec = pl.BlockSpec((1, D), lambda i: (0, 0))

    hp1 = pl.pallas_call(
        _mm_scale_body,
        grid=grid,
        in_specs=[_row_spec(), _full_spec((D, D)), dinv_spec],
        out_specs=_row_spec(),
        out_shape=jax.ShapeDtypeStruct((N_NODES, D), f32),
    )(x, W1, dinv)

    aggp1 = agg_kernel(hp1, row3, col3, zeros128)

    hp2 = pl.pallas_call(
        _combine_mm_body,
        grid=grid,
        in_specs=[_row_spec(), _row_spec(), _row_spec(), dinv_spec, b_spec,
                  _full_spec((D, D))],
        out_specs=_row_spec(),
        out_shape=jax.ShapeDtypeStruct((N_NODES, D), f32),
    )(aggp1[0, :N_NODES], aggp1[1, :N_NODES], hp1, dinv, b1.reshape(1, D), W2)

    aggp2 = agg_kernel(hp2, row3, col3, zeros128)

    out = pl.pallas_call(
        _final_body,
        grid=grid,
        in_specs=[_row_spec(), _row_spec(), _row_spec(), dinv_spec, b_spec],
        out_specs=_row_spec(),
        out_shape=jax.ShapeDtypeStruct((N_NODES, D), f32),
    )(aggp2[0, :N_NODES], aggp2[1, :N_NODES], hp2, dinv, b2.reshape(1, D))
    return out

# --- scband reference (transcript-rebuilt; emitter-appended) ---
"""Pipeline reference for scband-gcn2-3650722202372 (READ-ONLY COPY).

The authoritative reference and input builder live on the scoring server;
editing this copy changes nothing except your own understanding.
"""

import jax, jax.numpy as jnp
import numpy as np

N_NODES = 10000
N_EDGES = 320000
D_IN = 128
D_HID = 128
D_OUT = 128


def setup_inputs(seed: int = 0) -> dict:
    key = jax.random.key(seed)
    k1, k2, k3, k4, k5, k6 = jax.random.split(key, 6)
    x = jax.random.normal(k1, (N_NODES, D_IN), dtype=jnp.float32)
    edge_index = jax.random.randint(k2, (2, N_EDGES), 0, N_NODES, dtype=jnp.int64)
    s1 = 1.0 / np.sqrt(D_IN)
    s2 = 1.0 / np.sqrt(D_HID)
    W1 = jax.random.uniform(k3, (D_IN, D_HID), dtype=jnp.float32, minval=-s1, maxval=s1)
    b1 = jnp.zeros((D_HID,), dtype=jnp.float32)
    W2 = jax.random.uniform(k4, (D_HID, D_OUT), dtype=jnp.float32, minval=-s2, maxval=s2)
    b2 = jnp.zeros((D_OUT,), dtype=jnp.float32)
    return {"x": x, "edge_index": edge_index, "W1": W1, "b1": b1, "W2": W2, "b2": b2}


def _gcn_norm(edge_index, num_nodes):
    # gcn_norm with add_self_loops=True, edge_weight=None (ones), fill_value=1
    row = edge_index[0]
    col = edge_index[1]
    loop = jnp.arange(num_nodes, dtype=row.dtype)
    row = jnp.concatenate([row, loop])
    col = jnp.concatenate([col, loop])
    ew = jnp.ones(row.shape[0], dtype=jnp.float32)
    deg = jnp.zeros((num_nodes,), dtype=jnp.float32).at[col].add(ew)
    deg_inv_sqrt = jnp.where(deg > 0, deg ** -0.5, 0.0)
    norm = deg_inv_sqrt[row] * ew * deg_inv_sqrt[col]
    return row, col, norm


def _gcn_conv(x, row, col, norm, W, b, num_nodes):
    # GCNConv(normalize=False): linear -> weighted sum-aggregation at dst -> +bias
    h = x @ W
    msg = h[row] * norm[:, None]
    out = jnp.zeros((num_nodes, W.shape[1]), dtype=h.dtype).at[col].add(msg)
    return out + b


def reference(x, edge_index, W1, b1, W2, b2):
    num_nodes = x.shape[0]
    row, col, norm = _gcn_norm(edge_index, num_nodes)
    h = jax.nn.relu(_gcn_conv(x, row, col, norm, W1, b1, num_nodes))
    # F.dropout with training=False (eval mode) is identity
    out = _gcn_conv(h, row, col, norm, W2, b2, num_nodes)
    return out

if __name__ == "__main__":
    import jax
    _d = setup_inputs()
    print(jax.jit(kernel)(*tuple(_d.values())))

</pallas_src>

<mosaic_0001>
#map = affine_map<(d0, d1) -> (0, 0, 0)>
#map1 = affine_map<(d0, d1) -> (0, 0)>
module attributes {stable_mosaic.version = 14 : i64} {
  func.func @deg_kernel(%arg0: i32, %arg1: i32, %arg2: memref<32x80x128xi32, #tpu.memory_space<hbm>>, %arg3: memref<128x128xf32, #tpu.memory_space<hbm>>, %arg4: memref<128x128xf32, #tpu.memory_space<hbm>>, %arg5: memref<2x10240x128xf32, #tpu.memory_space<hbm>>, %arg6: memref<80x128xi32, #tpu.memory_space<vmem>>, %arg7: memref<128xi32, #tpu.memory_space<vmem>>, %arg8: memref<128x128xf32, #tpu.memory_space<vmem>>, %arg9: memref<128x128xf32, #tpu.memory_space<vmem>>, %arg10: memref<10240x128xf32, #tpu.memory_space<vmem_shared>>) attributes {dimension_semantics = [#tpu.dimension_semantics<core_parallel>, #tpu.dimension_semantics<subcore_parallel>], iteration_bounds = array<i64: 2, 16>, scalar_prefetch = 0 : i64, scratch_operands = 5 : i64, tpu.core_type = #tpu.core_type<sc_vector_subcore>, window_params = [{transform_indices = #map}, {transform_indices = #map1}, {transform_indices = #map1}, {transform_indices = #map}]} {
    %mul3A = arith.constant 16 : i32
    %mul3A_0 = arith.muli %arg0, %mul3A : i32
    %add3A = arith.addi %mul3A_0, %arg1 : i32
    "tpu.region"() ({
      %run_scoped3A = tpu.sem_alloc : memref<!tpu.dma_semaphore, #tpu.memory_space<semaphore_mem>>
      tpu.enqueue_dma source(%arg3 : memref<128x128xf32, #tpu.memory_space<hbm>>) target(%arg8 : memref<128x128xf32, #tpu.memory_space<vmem>>) target_semaphore(%run_scoped3A : memref<!tpu.dma_semaphore, #tpu.memory_space<semaphore_mem>>)
      tpu.wait_dma2 semaphore(%run_scoped3A : memref<!tpu.dma_semaphore, #tpu.memory_space<semaphore_mem>>) src(%arg3 : memref<128x128xf32, #tpu.memory_space<hbm>>) dst(%arg8 : memref<128x128xf32, #tpu.memory_space<vmem>>)
      tpu.yield
    }) : () -> ()
    "tpu.region"() ({
      %run_scoped3A = tpu.sem_alloc : memref<!tpu.dma_semaphore, #tpu.memory_space<semaphore_mem>>
      tpu.enqueue_dma source(%arg4 : memref<128x128xf32, #tpu.memory_space<hbm>>) target(%arg9 : memref<128x128xf32, #tpu.memory_space<vmem>>) target_semaphore(%run_scoped3A : memref<!tpu.dma_semaphore, #tpu.memory_space<semaphore_mem>>)
      tpu.wait_dma2 semaphore(%run_scoped3A : memref<!tpu.dma_semaphore, #tpu.memory_space<semaphore_mem>>) src(%arg4 : memref<128x128xf32, #tpu.memory_space<hbm>>) dst(%arg9 : memref<128x128xf32, #tpu.memory_space<vmem>>)
      tpu.yield
    }) : () -> ()
    "tpu.region"() ({
      %run_scoped3A = tpu.sem_alloc : memref<!tpu.dma_semaphore, #tpu.memory_space<semaphore_mem>>
      %dma_start3A = arith.constant 0 : i32
      %dma_start3A_785 = arith.constant 0 : i32
      %dma_start3A_786 = tpu.memref_slice %arg2[%add3A, %dma_start3A, %dma_start3A_785] : memref<32x80x128xi32, #tpu.memory_space<hbm>> -> memref<1x80x128xi32, #tpu.memory_space<hbm>>
      %dma_start3A_787 = tpu.memref_squeeze %dma_start3A_786 : memref<1x80x128xi32, #tpu.memory_space<hbm>> -> memref<80x128xi32, #tpu.memory_space<hbm>>
      %dma_start3A_788 = arith.constant 0 : i32
      %dma_start3A_789 = arith.constant 0 : i32
      %dma_start3A_790 = tpu.memref_slice %arg2[%add3A, %dma_start3A_788, %dma_start3A_789] : memref<32x80x128xi32, #tpu.memory_space<hbm>> -> memref<1x80x128xi32, #tpu.memory_space<hbm>>
      %dma_start3A_791 = tpu.memref_squeeze %dma_start3A_790 : memref<1x80x128xi32, #tpu.memory_space<hbm>> -> memref<80x128xi32, #tpu.memory_space<hbm>>
      tpu.enqueue_dma source(%dma_start3A_791 : memref<80x128xi32, #tpu.memory_space<hbm>>) target(%arg6 : memref<80x128xi32, #tpu.memory_space<vmem>>) target_semaphore(%run_scoped3A : memref<!tpu.dma_semaphore, #tpu.memory_space<semaphore_mem>>)
      %dma_wait3A = arith.constant 0 : i32
      %dma_wait3A_792 = arith.constant 0 : i32
      %dma_wait3A_793 = tpu.memref_slice %arg2[%add3A, %dma_wait3A, %dma_wait3A_792] : memref<32x80x128xi32, #tpu.memory_space<hbm>> -> memref<1x80x128xi32, #tpu.memory_space<hbm>>
      %dma_wait3A_794 = tpu.memref_squeeze %dma_wait3A_793 : memref<1x80x128xi32, #tpu.memory_space<hbm>> -> memref<80x128xi32, #tpu.memory_space<hbm>>
      %dma_wait3A_795 = arith.constant 0 : i32
      %dma_wait3A_796 = arith.constant 0 : i32
      %dma_wait3A_797 = tpu.memref_slice %arg2[%add3A, %dma_wait3A_795, %dma_wait3A_796] : memref<32x80x128xi32, #tpu.memory_space<hbm>> -> memref<1x80x128xi32, #tpu.memory_space<hbm>>
      %dma_wait3A_798 = tpu.memref_squeeze %dma_wait3A_797 : memref<1x80x128xi32, #tpu.memory_space<hbm>> -> memref<80x128xi32, #tpu.memory_space<hbm>>
      tpu.wait_dma2 semaphore(%run_scoped3A : memref<!tpu.dma_semaphore, #tpu.memory_space<semaphore_mem>>) src(%dma_wait3A_798 : memref<80x128xi32, #tpu.memory_space<hbm>>) dst(%arg6 : memref<80x128xi32, #tpu.memory_space<vmem>>)
      tpu.yield
    }) : () -> ()
    %mul3A_1 = arith.constant 640 : i32
    %mul3A_2 = arith.muli %arg1, %mul3A_1 : i32
    %add3A_3 = arith.constant 0 : i32
    %add3A_4 = arith.addi %mul3A_2, %add3A_3 : i32
    %iota3A = tpu.iota {dimensions = array<i32: 0>} : vector<16xi32>
    %add3A_5 = arith.constant 0 : i32
    %add3A_6 = arith.addi %add3A_4, %add3A_5 : i32
    %add3A_7 = vector.broadcast %add3A_6 : i32 to vector<16xi32>
    %add3A_8 = arith.addi %iota3A, %add3A_7 : vector<16xi32>
    %swap3A = arith.constant 0 : index
    %swap3A_9 = tpu.vector_load %arg7[%swap3A] {strides = array<i32>} : memref<128xi32, #tpu.memory_space<vmem>>, vector<16xi32>,
    %swap3A_10 = vector.shape_cast %swap3A_9 : vector<16xi32> to vector<16xi32>
    %swap3A_11 = vector.shape_cast %add3A_8 : vector<16xi32> to vector<16xi32>
    tpu.vector_store %arg7[%swap3A], %swap3A_11 {strides = array<i32>} : memref<128xi32, #tpu.memory_space<vmem>>, vector<16xi32>,
    %iota3A_12 = tpu.iota {dimensions = array<i32: 0>} : vector<16xi32>
    %add3A_13 = arith.constant 16 : i32
    %add3A_14 = arith.addi %add3A_4, %add3A_13 : i32
    %add3A_15 = vector.broadcast %add3A_14 : i32 to vector<16xi32>
    %add3A_16 = arith.addi %iota3A_12, %add3A_15 : vector<16xi32>
    %swap3A_17 = arith.constant 16 : index
    %swap3A_18 = tpu.vector_load %arg7[%swap3A_17] {strides = array<i32>} : memref<128xi32, #tpu.memory_space<vmem>>, vector<16xi32>,
    %swap3A_19 = vector.shape_cast %swap3A_18 : vector<16xi32> to vector<16xi32>
    %swap3A_20 = vector.shape_cast %add3A_16 : vector<16xi32> to vector<16xi32>
    tpu.vector_store %arg7[%swap3A_17], %swap3A_20 {strides = array<i32>} : memref<128xi32, #tpu.memory_space<vmem>>, vector<16xi32>,
    %iota3A_21 = tpu.iota {dimensions = array<i32: 0>} : vector<16xi32>
    %add3A_22 = arith.constant 32 : i32
    %add3A_23 = arith.addi %add3A_4, %add3A_22 : i32
    %add3A_24 = vector.broadcast %add3A_23 : i32 to vector<16xi32>
    %add3A_25 = arith.addi %iota3A_21, %add3A_24 : vector<16xi32>
    %swap3A_26 = arith.constant 32 : index
    %swap3A_27 = tpu.vector_load %arg7[%swap3A_26] {strides = array<i32>} : memref<128xi32, #tpu.memory_space<vmem>>, vector<16xi32>,
    %swap3A_28 = vector.shape_cast %swap3A_27 : vector<16xi32> to vector<16xi32>
    %swap3A_29 = vector.shape_cast %add3A_25 : vector<16xi32> to vector<16xi32>
    tpu.vector_store %arg7[%swap3A_26], %swap3A_29 {strides = array<i32>} : memref<128xi32, #tpu.memory_space<vmem>>, vector<16xi32>,
    %iota3A_30 = tpu.iota {dimensions = array<i32: 0>} : vector<16xi32>
    %add3A_31 = arith.constant 48 : i32
    %add3A_32 = arith.addi %add3A_4, %add3A_31 : i32
    %add3A_33 = vector.broadcast %add3A_32 : i32 to vector<16xi32>
    %add3A_34 = arith.addi %iota3A_30, %add3A_33 : vector<16xi32>
    %swap3A_35 = arith.constant 48 : index
    %swap3A_36 = tpu.vector_load %arg7[%swap3A_35] {strides = array<i32>} : memref<128xi32, #tpu.memory_space<vmem>>, vector<16xi32>,
    %swap3A_37 = vector.shape_cast %swap3A_36 : vector<16xi32> to vector<16xi32>
    %swap3A_38 = vector.shape_cast %add3A_34 : vector<16xi32> to vector<16xi32>
    tpu.vector_store %arg7[%swap3A_35], %swap3A_38 {strides = array<i32>} : memref<128xi32, #tpu.memory_space<vmem>>, vector<16xi32>,
    %iota3A_39 = tpu.iota {dimensions = array<i32: 0>} : vector<16xi32>
    %add3A_40 = arith.constant 64 : i32
    %add3A_41 = arith.addi %add3A_4, %add3A_40 : i32
    %add3A_42 = vector.broadcast %add3A_41 : i32 to vector<16xi32>
    %add3A_43 = arith.addi %iota3A_39, %add3A_42 : vector<16xi32>
    %swap3A_44 = arith.constant 64 : index
    %swap3A_45 = tpu.vector_load %arg7[%swap3A_44] {strides = array<i32>} : memref<128xi32, #tpu.memory_space<vmem>>, vector<16xi32>,
    %swap3A_46 = vector.shape_cast %swap3A_45 : vector<16xi32> to vector<16xi32>
    %swap3A_47 = vector.shape_cast %add3A_43 : vector<16xi32> to vector<16xi32>
    tpu.vector_store %arg7[%swap3A_44], %swap3A_47 {strides = array<i32>} : memref<128xi32, #tpu.memory_space<vmem>>, vector<16xi32>,
    %iota3A_48 = tpu.iota {dimensions = array<i32: 0>} : vector<16xi32>
    %add3A_49 = arith.constant 80 : i32
    %add3A_50 = arith.addi %add3A_4, %add3A_49 : i32
    %add3A_51 = vector.broadcast %add3A_50 : i32 to vector<16xi32>
    %add3A_52 = arith.addi %iota3A_48, %add3A_51 : vector<16xi32>
    %swap3A_53 = arith.constant 80 : index
    %swap3A_54 = tpu.vector_load %arg7[%swap3A_53] {strides = array<i32>} : memref<128xi32, #tpu.memory_space<vmem>>, vector<16xi32>,
    %swap3A_55 = vector.shape_cast %swap3A_54 : vector<16xi32> to vector<16xi32>
    %swap3A_56 = vector.shape_cast %add3A_52 : vector<16xi32> to vector<16xi32>
    tpu.vector_store %arg7[%swap3A_53], %swap3A_56 {strides = array<i32>} : memref<128xi32, #tpu.memory_space<vmem>>, vector<16xi32>,
    %iota3A_57 = tpu.iota {dimensions = array<i32: 0>} : vector<16xi32>
    %add3A_58 = arith.constant 96 : i32
    %add3A_59 = arith.addi %add3A_4, %add3A_58 : i32
    %add3A_60 = vector.broadcast %add3A_59 : i32 to vector<16xi32>
    %add3A_61 = arith.addi %iota3A_57, %add3A_60 : vector<16xi32>
    %swap3A_62 = arith.constant 96 : index
    %swap3A_63 = tpu.vector_load %arg7[%swap3A_62] {strides = array<i32>} : memref<128xi32, #tpu.memory_space<vmem>>, vector<16xi32>,
    %swap3A_64 = vector.shape_cast %swap3A_63 : vector<16xi32> to vector<16xi32>
    %swap3A_65 = vector.shape_cast %add3A_61 : vector<16xi32> to vector<16xi32>
    tpu.vector_store %arg7[%swap3A_62], %swap3A_65 {strides = array<i32>} : memref<128xi32, #tpu.memory_space<vmem>>, vector<16xi32>,
    %iota3A_66 = tpu.iota {dimensions = array<i32: 0>} : vector<16xi32>
    %add3A_67 = arith.constant 112 : i32
    %add3A_68 = arith.addi %add3A_4, %add3A_67 : i32
    %add3A_69 = vector.broadcast %add3A_68 : i32 to vector<16xi32>
    %add3A_70 = arith.addi %iota3A_66, %add3A_69 : vector<16xi32>
    %swap3A_71 = arith.constant 112 : index
    %swap3A_72 = tpu.vector_load %arg7[%swap3A_71] {strides = array<i32>} : memref<128xi32, #tpu.memory_space<vmem>>, vector<16xi32>,
    %swap3A_73 = vector.shape_cast %swap3A_72 : vector<16xi32> to vector<16xi32>
    %swap3A_74 = vector.shape_cast %add3A_70 : vector<16xi32> to vector<16xi32>
    tpu.vector_store %arg7[%swap3A_71], %swap3A_74 {strides = array<i32>} : memref<128xi32, #tpu.memory_space<vmem>>, vector<16xi32>,
    "tpu.region"() ({
      %run_scoped3A = tpu.sem_alloc : memref<!tpu.dma_semaphore, #tpu.memory_space<semaphore_mem>>
      %dma_start3A = arith.constant 0 : i32
      %dma_start3A_785 = arith.constant 0 : i32
      %dma_start3A_786 = tpu.memref_slice %arg10[%dma_start3A, %dma_start3A_785] : memref<10240x128xf32, #tpu.memory_space<vmem_shared>> -> memref<10240x128xf32, #tpu.memory_space<vmem_shared>>
      tpu.enqueue_indirect_dma source(%arg9 : memref<128x128xf32, #tpu.memory_space<vmem>>) target(%dma_start3A_786 : memref<10240x128xf32, #tpu.memory_space<vmem_shared>>) offsets(%arg7 : memref<128xi32, #tpu.memory_space<vmem>>) semaphore(%run_scoped3A : memref<!tpu.dma_semaphore, #tpu.memory_space<semaphore_mem>>)
      %dma_wait3A = arith.constant 0 : i32
      %dma_wait3A_787 = arith.constant 0 : i32
      %dma_wait3A_788 = tpu.memref_slice %arg10[%dma_wait3A, %dma_wait3A_787] : memref<10240x128xf32, #tpu.memory_space<vmem_shared>> -> memref<10240x128xf32, #tpu.memory_space<vmem_shared>>
      tpu.wait_indirect_dma semaphore(%run_scoped3A : memref<!tpu.dma_semaphore, #tpu.memory_space<semaphore_mem>>) src(%arg9 : memref<128x128xf32, #tpu.memory_space<vmem>>) dst(%dma_wait3A_788 : memref<10240x128xf32, #tpu.memory_space<vmem_shared>>)
      tpu.yield
    }) : () -> ()
    %mul3A_75 = arith.constant 640 : i32
    %mul3A_76 = arith.muli %arg1, %mul3A_75 : i32
    %add3A_77 = arith.constant 128 : i32
    %add3A_78 = arith.addi %mul3A_76, %add3A_77 : i32
    %iota3A_79 = tpu.iota {dimensions = array<i32: 0>} : vector<16xi32>
    %add3A_80 = arith.constant 0 : i32
    %add3A_81 = arith.addi %add3A_78, %add3A_80 : i32
    %add3A_82 = vector.broadcast %add3A_81 : i32 to vector<16xi32>
    %add3A_83 = arith.addi %iota3A_79, %add3A_82 : vector<16xi32>
    %swap3A_84 = arith.constant 0 : index
    %swap3A_85 = tpu.vector_load %arg7[%swap3A_84] {strides = array<i32>} : memref<128xi32, #tpu.memory_space<vmem>>, vector<16xi32>,
    %swap3A_86 = vector.shape_cast %swap3A_85 : vector<16xi32> to vector<16xi32>
    %swap3A_87 = vector.shape_cast %add3A_83 : vector<16xi32> to vector<16xi32>
    tpu.vector_store %arg7[%swap3A_84], %swap3A_87 {strides = array<i32>} : memref<128xi32, #tpu.memory_space<vmem>>, vector<16xi32>,
    %iota3A_88 = tpu.iota {dimensions = array<i32: 0>} : vector<16xi32>
    %add3A_89 = arith.constant 16 : i32
    %add3A_90 = arith.addi %add3A_78, %add3A_89 : i32
    %add3A_91 = vector.broadcast %add3A_90 : i32 to vector<16xi32>
    %add3A_92 = arith.addi %iota3A_88, %add3A_91 : vector<16xi32>
    %swap3A_93 = arith.constant 16 : index
    %swap3A_94 = tpu.vector_load %arg7[%swap3A_93] {strides = array<i32>} : memref<128xi32, #tpu.memory_space<vmem>>, vector<16xi32>,
    %swap3A_95 = vector.shape_cast %swap3A_94 : vector<16xi32> to vector<16xi32>
    %swap3A_96 = vector.shape_cast %add3A_92 : vector<16xi32> to vector<16xi32>
    tpu.vector_store %arg7[%swap3A_93], %swap3A_96 {strides = array<i32>} : memref<128xi32, #tpu.memory_space<vmem>>, vector<16xi32>,
    %iota3A_97 = tpu.iota {dimensions = array<i32: 0>} : vector<16xi32>
    %add3A_98 = arith.constant 32 : i32
    %add3A_99 = arith.addi %add3A_78, %add3A_98 : i32
    %add3A_100 = vector.broadcast %add3A_99 : i32 to vector<16xi32>
    %add3A_101 = arith.addi %iota3A_97, %add3A_100 : vector<16xi32>
    %swap3A_102 = arith.constant 32 : index
    %swap3A_103 = tpu.vector_load %arg7[%swap3A_102] {strides = array<i32>} : memref<128xi32, #tpu.memory_space<vmem>>, vector<16xi32>,
    %swap3A_104 = vector.shape_cast %swap3A_103 : vector<16xi32> to vector<16xi32>
    %swap3A_105 = vector.shape_cast %add3A_101 : vector<16xi32> to vector<16xi32>
    tpu.vector_store %arg7[%swap3A_102], %swap3A_105 {strides = array<i32>} : memref<128xi32, #tpu.memory_space<vmem>>, vector<16xi32>,
    %iota3A_106 = tpu.iota {dimensions = array<i32: 0>} : vector<16xi32>
    %add3A_107 = arith.constant 48 : i32
    %add3A_108 = arith.addi %add3A_78, %add3A_107 : i32
    %add3A_109 = vector.broadcast %add3A_108 : i32 to vector<16xi32>
    %add3A_110 = arith.addi %iota3A_106, %add3A_109 : vector<16xi32>
    %swap3A_111 = arith.constant 48 : index
    %swap3A_112 = tpu.vector_load %arg7[%swap3A_111] {strides = array<i32>} : memref<128xi32, #tpu.memory_space<vmem>>, vector<16xi32>,
    %swap3A_113 = vector.shape_cast %swap3A_112 : vector<16xi32> to vector<16xi32>
    %swap3A_114 = vector.shape_cast %add3A_110 : vector<16xi32> to vector<16xi32>
    tpu.vector_store %arg7[%swap3A_111], %swap3A_114 {strides = array<i32>} : memref<128xi32, #tpu.memory_space<vmem>>, vector<16xi32>,
    %iota3A_115 = tpu.iota {dimensions = array<i32: 0>} : vector<16xi32>
    %add3A_116 = arith.constant 64 : i32
    %add3A_117 = arith.addi %add3A_78, %add3A_116 : i32
    %add3A_118 = vector.broadcast %add3A_117 : i32 to vector<16xi32>
    %add3A_119 = arith.addi %iota3A_115, %add3A_118 : vector<16xi32>
    %swap3A_120 = arith.constant 64 : index
    %swap3A_121 = tpu.vector_load %arg7[%swap3A_120] {strides = array<i32>} : memref<128xi32, #tpu.memory_space<vmem>>, vector<16xi32>,
    %swap3A_122 = vector.shape_cast %swap3A_121 : vector<16xi32> to vector<16xi32>
    %swap3A_123 = vector.shape_cast %add3A_119 : vector<16xi32> to vector<16xi32>
    tpu.vector_store %arg7[%swap3A_120], %swap3A_123 {strides = array<i32>} : memref<128xi32, #tpu.memory_space<vmem>>, vector<16xi32>,
    %iota3A_124 = tpu.iota {dimensions = array<i32: 0>} : vector<16xi32>
    %add3A_125 = arith.constant 80 : i32
    %add3A_126 = arith.addi %add3A_78, %add3A_125 : i32
    %add3A_127 = vector.broadcast %add3A_126 : i32 to vector<16xi32>
    %add3A_128 = arith.addi %iota3A_124, %add3A_127 : vector<16xi32>
    %swap3A_129 = arith.constant 80 : index
    %swap3A_130 = tpu.vector_load %arg7[%swap3A_129] {strides = array<i32>} : memref<128xi32, #tpu.memory_space<vmem>>, vector<16xi32>,
    %swap3A_131 = vector.shape_cast %swap3A_130 : vector<16xi32> to vector<16xi32>
    %swap3A_132 = vector.shape_cast %add3A_128 : vector<16xi32> to vector<16xi32>
    tpu.vector_store %arg7[%swap3A_129], %swap3A_132 {strides = array<i32>} : memref<128xi32, #tpu.memory_space<vmem>>, vector<16xi32>,
    %iota3A_133 = tpu.iota {dimensions = array<i32: 0>} : vector<16xi32>
    %add3A_134 = arith.constant 96 : i32
    %add3A_135 = arith.addi %add3A_78, %add3A_134 : i32
    %add3A_136 = vector.broadcast %add3A_135 : i32 to vector<16xi32>
    %add3A_137 = arith.addi %iota3A_133, %add3A_136 : vector<16xi32>
    %swap3A_138 = arith.constant 96 : index
    %swap3A_139 = tpu.vector_load %arg7[%swap3A_138] {strides = array<i32>} : memref<128xi32, #tpu.memory_space<vmem>>, vector<16xi32>,
    %swap3A_140 = vector.shape_cast %swap3A_139 : vector<16xi32> to vector<16xi32>
    %swap3A_141 = vector.shape_cast %add3A_137 : vector<16xi32> to vector<16xi32>
    tpu.vector_store %arg7[%swap3A_138], %swap3A_141 {strides = array<i32>} : memref<128xi32, #tpu.memory_space<vmem>>, vector<16xi32>,
    %iota3A_142 = tpu.iota {dimensions = array<i32: 0>} : vector<16xi32>
    %add3A_143 = arith.constant 112 : i32
    %add3A_144 = arith.addi %add3A_78, %add3A_143 : i32
    %add3A_145 = vector.broadcast %add3A_144 : i32 to vector<16xi32>
    %add3A_146 = arith.addi %iota3A_142, %add3A_145 : vector<16xi32>
    %swap3A_147 = arith.constant 112 : index
    %swap3A_148 = tpu.vector_load %arg7[%swap3A_147] {strides = array<i32>} : memref<128xi32, #tpu.memory_space<vmem>>, vector<16xi32>,
    %swap3A_149 = vector.shape_cast %swap3A_148 : vector<16xi32> to vector<16xi32>
    %swap3A_150 = vector.shape_cast %add3A_146 : vector<16xi32> to vector<16xi32>
    tpu.vector_store %arg7[%swap3A_147], %swap3A_150 {strides = array<i32>} : memref<128xi32, #tpu.memory_space<vmem>>, vector<16xi32>,
    "tpu.region"() ({
      %run_scoped3A = tpu.sem_alloc : memref<!tpu.dma_semaphore, #tpu.memory_space<semaphore_mem>>
      %dma_start3A = arith.constant 0 : i32
      %dma_start3A_785 = arith.constant 0 : i32
      %dma_start3A_786 = tpu.memref_slice %arg10[%dma_start3A, %dma_start3A_785] : memref<10240x128xf32, #tpu.memory_space<vmem_shared>> -> memref<10240x128xf32, #tpu.memory_space<vmem_shared>>
      tpu.enqueue_indirect_dma source(%arg9 : memref<128x128xf32, #tpu.memory_space<vmem>>) target(%dma_start3A_786 : memref<10240x128xf32, #tpu.memory_space<vmem_shared>>) offsets(%arg7 : memref<128xi32, #tpu.memory_space<vmem>>) semaphore(%run_scoped3A : memref<!tpu.dma_semaphore, #tpu.memory_space<semaphore_mem>>)
      %dma_wait3A = arith.constant 0 : i32
      %dma_wait3A_787 = arith.constant 0 : i32
      %dma_wait3A_788 = tpu.memref_slice %arg10[%dma_wait3A, %dma_wait3A_787] : memref<10240x128xf32, #tpu.memory_space<vmem_shared>> -> memref<10240x128xf32, #tpu.memory_space<vmem_shared>>
      tpu.wait_indirect_dma semaphore(%run_scoped3A : memref<!tpu.dma_semaphore, #tpu.memory_space<semaphore_mem>>) src(%arg9 : memref<128x128xf32, #tpu.memory_space<vmem>>) dst(%dma_wait3A_788 : memref<10240x128xf32, #tpu.memory_space<vmem_shared>>)
      tpu.yield
    }) : () -> ()
    %mul3A_151 = arith.constant 640 : i32
    %mul3A_152 = arith.muli %arg1, %mul3A_151 : i32
    %add3A_153 = arith.constant 256 : i32
    %add3A_154 = arith.addi %mul3A_152, %add3A_153 : i32
    %iota3A_155 = tpu.iota {dimensions = array<i32: 0>} : vector<16xi32>
    %add3A_156 = arith.constant 0 : i32
    %add3A_157 = arith.addi %add3A_154, %add3A_156 : i32
    %add3A_158 = vector.broadcast %add3A_157 : i32 to vector<16xi32>
    %add3A_159 = arith.addi %iota3A_155, %add3A_158 : vector<16xi32>
    %swap3A_160 = arith.constant 0 : index
    %swap3A_161 = tpu.vector_load %arg7[%swap3A_160] {strides = array<i32>} : memref<128xi32, #tpu.memory_space<vmem>>, vector<16xi32>,
    %swap3A_162 = vector.shape_cast %swap3A_161 : vector<16xi32> to vector<16xi32>
    %swap3A_163 = vector.shape_cast %add3A_159 : vector<16xi32> to vector<16xi32>
    tpu.vector_store %arg7[%swap3A_160], %swap3A_163 {strides = array<i32>} : memref<128xi32, #tpu.memory_space<vmem>>, vector<16xi32>,
    %iota3A_164 = tpu.iota {dimensions = array<i32: 0>} : vector<16xi32>
    %add3A_165 = arith.constant 16 : i32
    %add3A_166 = arith.addi %add3A_154, %add3A_165 : i32
    %add3A_167 = vector.broadcast %add3A_166 : i32 to vector<16xi32>
    %add3A_168 = arith.addi %iota3A_164, %add3A_167 : vector<16xi32>
    %swap3A_169 = arith.constant 16 : index
    %swap3A_170 = tpu.vector_load %arg7[%swap3A_169] {strides = array<i32>} : memref<128xi32, #tpu.memory_space<vmem>>, vector<16xi32>,
    %swap3A_171 = vector.shape_cast %swap3A_170 : vector<16xi32> to vector<16xi32>
    %swap3A_172 = vector.shape_cast %add3A_168 : vector<16xi32> to vector<16xi32>
    tpu.vector_store %arg7[%swap3A_169], %swap3A_172 {strides = array<i32>} : memref<128xi32, #tpu.memory_space<vmem>>, vector<16xi32>,
    %iota3A_173 = tpu.iota {dimensions = array<i32: 0>} : vector<16xi32>
    %add3A_174 = arith.constant 32 : i32
    %add3A_175 = arith.addi %add3A_154, %add3A_174 : i32
    %add3A_176 = vector.broadcast %add3A_175 : i32 to vector<16xi32>
    %add3A_177 = arith.addi %iota3A_173, %add3A_176 : vector<16xi32>
    %swap3A_178 = arith.constant 32 : index
    %swap3A_179 = tpu.vector_load %arg7[%swap3A_178] {strides = array<i32>} : memref<128xi32, #tpu.memory_space<vmem>>, vector<16xi32>,
    %swap3A_180 = vector.shape_cast %swap3A_179 : vector<16xi32> to vector<16xi32>
    %swap3A_181 = vector.shape_cast %add3A_177 : vector<16xi32> to vector<16xi32>
    tpu.vector_store %arg7[%swap3A_178], %swap3A_181 {strides = array<i32>} : memref<128xi32, #tpu.memory_space<vmem>>, vector<16xi32>,
    %iota3A_182 = tpu.iota {dimensions = array<i32: 0>} : vector<16xi32>
    %add3A_183 = arith.constant 48 : i32
    %add3A_184 = arith.addi %add3A_154, %add3A_183 : i32
    %add3A_185 = vector.broadcast %add3A_184 : i32 to vector<16xi32>
    %add3A_186 = arith.addi %iota3A_182, %add3A_185 : vector<16xi32>
    %swap3A_187 = arith.constant 48 : index
    %swap3A_188 = tpu.vector_load %arg7[%swap3A_187] {strides = array<i32>} : memref<128xi32, #tpu.memory_space<vmem>>, vector<16xi32>,
    %swap3A_189 = vector.shape_cast %swap3A_188 : vector<16xi32> to vector<16xi32>
    %swap3A_190 = vector.shape_cast %add3A_186 : vector<16xi32> to vector<16xi32>
    tpu.vector_store %arg7[%swap3A_187], %swap3A_190 {strides = array<i32>} : memref<128xi32, #tpu.memory_space<vmem>>, vector<16xi32>,
    %iota3A_191 = tpu.iota {dimensions = array<i32: 0>} : vector<16xi32>
    %add3A_192 = arith.constant 64 : i32
    %add3A_193 = arith.addi %add3A_154, %add3A_192 : i32
    %add3A_194 = vector.broadcast %add3A_193 : i32 to vector<16xi32>
    %add3A_195 = arith.addi %iota3A_191, %add3A_194 : vector<16xi32>
    %swap3A_196 = arith.constant 64 : index
    %swap3A_197 = tpu.vector_load %arg7[%swap3A_196] {strides = array<i32>} : memref<128xi32, #tpu.memory_space<vmem>>, vector<16xi32>,
    %swap3A_198 = vector.shape_cast %swap3A_197 : vector<16xi32> to vector<16xi32>
    %swap3A_199 = vector.shape_cast %add3A_195 : vector<16xi32> to vector<16xi32>
    tpu.vector_store %arg7[%swap3A_196], %swap3A_199 {strides = array<i32>} : memref<128xi32, #tpu.memory_space<vmem>>, vector<16xi32>,
    %iota3A_200 = tpu.iota {dimensions = array<i32: 0>} : vector<16xi32>
    %add3A_201 = arith.constant 80 : i32
    %add3A_202 = arith.addi %add3A_154, %add3A_201 : i32
    %add3A_203 = vector.broadcast %add3A_202 : i32 to vector<16xi32>
    %add3A_204 = arith.addi %iota3A_200, %add3A_203 : vector<16xi32>
    %swap3A_205 = arith.constant 80 : index
    %swap3A_206 = tpu.vector_load %arg7[%swap3A_205] {strides = array<i32>} : memref<128xi32, #tpu.memory_space<vmem>>, vector<16xi32>,
    %swap3A_207 = vector.shape_cast %swap3A_206 : vector<16xi32> to vector<16xi32>
    %swap3A_208 = vector.shape_cast %add3A_204 : vector<16xi32> to vector<16xi32>
    tpu.vector_store %arg7[%swap3A_205], %swap3A_208 {strides = array<i32>} : memref<128xi32, #tpu.memory_space<vmem>>, vector<16xi32>,
    %iota3A_209 = tpu.iota {dimensions = array<i32: 0>} : vector<16xi32>
    %add3A_210 = arith.constant 96 : i32
    %add3A_211 = arith.addi %add3A_154, %add3A_210 : i32
    %add3A_212 = vector.broadcast %add3A_211 : i32 to vector<16xi32>
    %add3A_213 = arith.addi %iota3A_209, %add3A_212 : vector<16xi32>
    %swap3A_214 = arith.constant 96 : index
    %swap3A_215 = tpu.vector_load %arg7[%swap3A_214] {strides = array<i32>} : memref<128xi32, #tpu.memory_space<vmem>>, vector<16xi32>,
    %swap3A_216 = vector.shape_cast %swap3A_215 : vector<16xi32> to vector<16xi32>
    %swap3A_217 = vector.shape_cast %add3A_213 : vector<16xi32> to vector<16xi32>
    tpu.vector_store %arg7[%swap3A_214], %swap3A_217 {strides = array<i32>} : memref<128xi32, #tpu.memory_space<vmem>>, vector<16xi32>,
    %iota3A_218 = tpu.iota {dimensions = array<i32: 0>} : vector<16xi32>
    %add3A_219 = arith.constant 112 : i32
    %add3A_220 = arith.addi %add3A_154, %add3A_219 : i32
    %add3A_221 = vector.broadcast %add3A_220 : i32 to vector<16xi32>
    %add3A_222 = arith.addi %iota3A_218, %add3A_221 : vector<16xi32>
    %swap3A_223 = arith.constant 112 : index
    %swap3A_224 = tpu.vector_load %arg7[%swap3A_223] {strides = array<i32>} : memref<128xi32, #tpu.memory_space<vmem>>, vector<16xi32>,
    %swap3A_225 = vector.shape_cast %swap3A_224 : vector<16xi32> to vector<16xi32>
    %swap3A_226 = vector.shape_cast %add3A_222 : vector<16xi32> to vector<16xi32>
    tpu.vector_store %arg7[%swap3A_223], %swap3A_226 {strides = array<i32>} : memref<128xi32, #tpu.memory_space<vmem>>, vector<16xi32>,
    "tpu.region"() ({
      %run_scoped3A = tpu.sem_alloc : memref<!tpu.dma_semaphore, #tpu.memory_space<semaphore_mem>>
      %dma_start3A = arith.constant 0 : i32
      %dma_start3A_785 = arith.constant 0 : i32
      %dma_start3A_786 = tpu.memref_slice %arg10[%dma_start3A, %dma_start3A_785] : memref<10240x128xf32, #tpu.memory_space<vmem_shared>> -> memref<10240x128xf32, #tpu.memory_space<vmem_shared>>
      tpu.enqueue_indirect_dma source(%arg9 : memref<128x128xf32, #tpu.memory_space<vmem>>) target(%dma_start3A_786 : memref<10240x128xf32, #tpu.memory_space<vmem_shared>>) offsets(%arg7 : memref<128xi32, #tpu.memory_space<vmem>>) semaphore(%run_scoped3A : memref<!tpu.dma_semaphore, #tpu.memory_space<semaphore_mem>>)
      %dma_wait3A = arith.constant 0 : i32
      %dma_wait3A_787 = arith.constant 0 : i32
      %dma_wait3A_788 = tpu.memref_slice %arg10[%dma_wait3A, %dma_wait3A_787] : memref<10240x128xf32, #tpu.memory_space<vmem_shared>> -> memref<10240x128xf32, #tpu.memory_space<vmem_shared>>
      tpu.wait_indirect_dma semaphore(%run_scoped3A : memref<!tpu.dma_semaphore, #tpu.memory_space<semaphore_mem>>) src(%arg9 : memref<128x128xf32, #tpu.memory_space<vmem>>) dst(%dma_wait3A_788 : memref<10240x128xf32, #tpu.memory_space<vmem_shared>>)
      tpu.yield
    }) : () -> ()
    %mul3A_227 = arith.constant 640 : i32
    %mul3A_228 = arith.muli %arg1, %mul3A_227 : i32
    %add3A_229 = arith.constant 384 : i32
    %add3A_230 = arith.addi %mul3A_228, %add3A_229 : i32
    %iota3A_231 = tpu.iota {dimensions = array<i32: 0>} : vector<16xi32>
    %add3A_232 = arith.constant 0 : i32
    %add3A_233 = arith.addi %add3A_230, %add3A_232 : i32
    %add3A_234 = vector.broadcast %add3A_233 : i32 to vector<16xi32>
    %add3A_235 = arith.addi %iota3A_231, %add3A_234 : vector<16xi32>
    %swap3A_236 = arith.constant 0 : index
    %swap3A_237 = tpu.vector_load %arg7[%swap3A_236] {strides = array<i32>} : memref<128xi32, #tpu.memory_space<vmem>>, vector<16xi32>,
    %swap3A_238 = vector.shape_cast %swap3A_237 : vector<16xi32> to vector<16xi32>
    %swap3A_239 = vector.shape_cast %add3A_235 : vector<16xi32> to vector<16xi32>
    tpu.vector_store %arg7[%swap3A_236], %swap3A_239 {strides = array<i32>} : memref<128xi32, #tpu.memory_space<vmem>>, vector<16xi32>,
    %iota3A_240 = tpu.iota {dimensions = array<i32: 0>} : vector<16xi32>
    %add3A_241 = arith.constant 16 : i32
    %add3A_242 = arith.addi %add3A_230, %add3A_241 : i32
    %add3A_243 = vector.broadcast %add3A_242 : i32 to vector<16xi32>
    %add3A_244 = arith.addi %iota3A_240, %add3A_243 : vector<16xi32>
    %swap3A_245 = arith.constant 16 : index
    %swap3A_246 = tpu.vector_load %arg7[%swap3A_245] {strides = array<i32>} : memref<128xi32, #tpu.memory_space<vmem>>, vector<16xi32>,
    %swap3A_247 = vector.shape_cast %swap3A_246 : vector<16xi32> to vector<16xi32>
    %swap3A_248 = vector.shape_cast %add3A_244 : vector<16xi32> to vector<16xi32>
    tpu.vector_store %arg7[%swap3A_245], %swap3A_248 {strides = array<i32>} : memref<128xi32, #tpu.memory_space<vmem>>, vector<16xi32>,
    %iota3A_249 = tpu.iota {dimensions = array<i32: 0>} : vector<16xi32>
    %add3A_250 = arith.constant 32 : i32
    %add3A_251 = arith.addi %add3A_230, %add3A_250 : i32
    %add3A_252 = vector.broadcast %add3A_251 : i32 to vector<16xi32>
    %add3A_253 = arith.addi %iota3A_249, %add3A_252 : vector<16xi32>
    %swap3A_254 = arith.constant 32 : index
    %swap3A_255 = tpu.vector_load %arg7[%swap3A_254] {strides = array<i32>} : memref<128xi32, #tpu.memory_space<vmem>>, vector<16xi32>,
    %swap3A_256 = vector.shape_cast %swap3A_255 : vector<16xi32> to vector<16xi32>
    %swap3A_257 = vector.shape_cast %add3A_253 : vector<16xi32> to vector<16xi32>
    tpu.vector_store %arg7[%swap3A_254], %swap3A_257 {strides = array<i32>} : memref<128xi32, #tpu.memory_space<vmem>>, vector<16xi32>,
    %iota3A_258 = tpu.iota {dimensions = array<i32: 0>} : vector<16xi32>
    %add3A_259 = arith.constant 48 : i32
    %add3A_260 = arith.addi %add3A_230, %add3A_259 : i32
    %add3A_261 = vector.broadcast %add3A_260 : i32 to vector<16xi32>
    %add3A_262 = arith.addi %iota3A_258, %add3A_261 : vector<16xi32>
    %swap3A_263 = arith.constant 48 : index
    %swap3A_264 = tpu.vector_load %arg7[%swap3A_263] {strides = array<i32>} : memref<128xi32, #tpu.memory_space<vmem>>, vector<16xi32>,
    %swap3A_265 = vector.shape_cast %swap3A_264 : vector<16xi32> to vector<16xi32>
    %swap3A_266 = vector.shape_cast %add3A_262 : vector<16xi32> to vector<16xi32>
    tpu.vector_store %arg7[%swap3A_263], %swap3A_266 {strides = array<i32>} : memref<128xi32, #tpu.memory_space<vmem>>, vector<16xi32>,
    %iota3A_267 = tpu.iota {dimensions = array<i32: 0>} : vector<16xi32>
    %add3A_268 = arith.constant 64 : i32
    %add3A_269 = arith.addi %add3A_230, %add3A_268 : i32
    %add3A_270 = vector.broadcast %add3A_269 : i32 to vector<16xi32>
    %add3A_271 = arith.addi %iota3A_267, %add3A_270 : vector<16xi32>
    %swap3A_272 = arith.constant 64 : index
    %swap3A_273 = tpu.vector_load %arg7[%swap3A_272] {strides = array<i32>} : memref<128xi32, #tpu.memory_space<vmem>>, vector<16xi32>,
    %swap3A_274 = vector.shape_cast %swap3A_273 : vector<16xi32> to vector<16xi32>
    %swap3A_275 = vector.shape_cast %add3A_271 : vector<16xi32> to vector<16xi32>
    tpu.vector_store %arg7[%swap3A_272], %swap3A_275 {strides = array<i32>} : memref<128xi32, #tpu.memory_space<vmem>>, vector<16xi32>,
    %iota3A_276 = tpu.iota {dimensions = array<i32: 0>} : vector<16xi32>
    %add3A_277 = arith.constant 80 : i32
    %add3A_278 = arith.addi %add3A_230, %add3A_277 : i32
    %add3A_279 = vector.broadcast %add3A_278 : i32 to vector<16xi32>
    %add3A_280 = arith.addi %iota3A_276, %add3A_279 : vector<16xi32>
    %swap3A_281 = arith.constant 80 : index
    %swap3A_282 = tpu.vector_load %arg7[%swap3A_281] {strides = array<i32>} : memref<128xi32, #tpu.memory_space<vmem>>, vector<16xi32>,
    %swap3A_283 = vector.shape_cast %swap3A_282 : vector<16xi32> to vector<16xi32>
    %swap3A_284 = vector.shape_cast %add3A_280 : vector<16xi32> to vector<16xi32>
    tpu.vector_store %arg7[%swap3A_281], %swap3A_284 {strides = array<i32>} : memref<128xi32, #tpu.memory_space<vmem>>, vector<16xi32>,
    %iota3A_285 = tpu.iota {dimensions = array<i32: 0>} : vector<16xi32>
    %add3A_286 = arith.constant 96 : i32
    %add3A_287 = arith.addi %add3A_230, %add3A_286 : i32
    %add3A_288 = vector.broadcast %add3A_287 : i32 to vector<16xi32>
    %add3A_289 = arith.addi %iota3A_285, %add3A_288 : vector<16xi32>
    %swap3A_290 = arith.constant 96 : index
    %swap3A_291 = tpu.vector_load %arg7[%swap3A_290] {strides = array<i32>} : memref<128xi32, #tpu.memory_space<vmem>>, vector<16xi32>,
    %swap3A_292 = vector.shape_cast %swap3A_291 : vector<16xi32> to vector<16xi32>
    %swap3A_293 = vector.shape_cast %add3A_289 : vector<16xi32> to vector<16xi32>
    tpu.vector_store %arg7[%swap3A_290], %swap3A_293 {strides = array<i32>} : memref<128xi32, #tpu.memory_space<vmem>>, vector<16xi32>,
    %iota3A_294 = tpu.iota {dimensions = array<i32: 0>} : vector<16xi32>
    %add3A_295 = arith.constant 112 : i32
    %add3A_296 = arith.addi %add3A_230, %add3A_295 : i32
    %add3A_297 = vector.broadcast %add3A_296 : i32 to vector<16xi32>
    %add3A_298 = arith.addi %iota3A_294, %add3A_297 : vector<16xi32>
    %swap3A_299 = arith.constant 112 : index
    %swap3A_300 = tpu.vector_load %arg7[%swap3A_299] {strides = array<i32>} : memref<128xi32, #tpu.memory_space<vmem>>, vector<16xi32>,
    %swap3A_301 = vector.shape_cast %swap3A_300 : vector<16xi32> to vector<16xi32>
    %swap3A_302 = vector.shape_cast %add3A_298 : vector<16xi32> to vector<16xi32>
    tpu.vector_store %arg7[%swap3A_299], %swap3A_302 {strides = array<i32>} : memref<128xi32, #tpu.memory_space<vmem>>, vector<16xi32>,
    "tpu.region"() ({
      %run_scoped3A = tpu.sem_alloc : memref<!tpu.dma_semaphore, #tpu.memory_space<semaphore_mem>>
      %dma_start3A = arith.constant 0 : i32
      %dma_start3A_785 = arith.constant 0 : i32
      %dma_start3A_786 = tpu.memref_slice %arg10[%dma_start3A, %dma_start3A_785] : memref<10240x128xf32, #tpu.memory_space<vmem_shared>> -> memref<10240x128xf32, #tpu.memory_space<vmem_shared>>
      tpu.enqueue_indirect_dma source(%arg9 : memref<128x128xf32, #tpu.memory_space<vmem>>) target(%dma_start3A_786 : memref<10240x128xf32, #tpu.memory_space<vmem_shared>>) offsets(%arg7 : memref<128xi32, #tpu.memory_space<vmem>>) semaphore(%run_scoped3A : memref<!tpu.dma_semaphore, #tpu.memory_space<semaphore_mem>>)
      %dma_wait3A = arith.constant 0 : i32
      %dma_wait3A_787 = arith.constant 0 : i32
      %dma_wait3A_788 = tpu.memref_slice %arg10[%dma_wait3A, %dma_wait3A_787] : memref<10240x128xf32, #tpu.memory_space<vmem_shared>> -> memref<10240x128xf32, #tpu.memory_space<vmem_shared>>
      tpu.wait_indirect_dma semaphore(%run_scoped3A : memref<!tpu.dma_semaphore, #tpu.memory_space<semaphore_mem>>) src(%arg9 : memref<128x128xf32, #tpu.memory_space<vmem>>) dst(%dma_wait3A_788 : memref<10240x128xf32, #tpu.memory_space<vmem_shared>>)
      tpu.yield
    }) : () -> ()
    %mul3A_303 = arith.constant 640 : i32
    %mul3A_304 = arith.muli %arg1, %mul3A_303 : i32
    %add3A_305 = arith.constant 512 : i32
    %add3A_306 = arith.addi %mul3A_304, %add3A_305 : i32
    %iota3A_307 = tpu.iota {dimensions = array<i32: 0>} : vector<16xi32>
    %add3A_308 = arith.constant 0 : i32
    %add3A_309 = arith.addi %add3A_306, %add3A_308 : i32
    %add3A_310 = vector.broadcast %add3A_309 : i32 to vector<16xi32>
    %add3A_311 = arith.addi %iota3A_307, %add3A_310 : vector<16xi32>
    %swap3A_312 = arith.constant 0 : index
    %swap3A_313 = tpu.vector_load %arg7[%swap3A_312] {strides = array<i32>} : memref<128xi32, #tpu.memory_space<vmem>>, vector<16xi32>,
    %swap3A_314 = vector.shape_cast %swap3A_313 : vector<16xi32> to vector<16xi32>
    %swap3A_315 = vector.shape_cast %add3A_311 : vector<16xi32> to vector<16xi32>
    tpu.vector_store %arg7[%swap3A_312], %swap3A_315 {strides = array<i32>} : memref<128xi32, #tpu.memory_space<vmem>>, vector<16xi32>,
    %iota3A_316 = tpu.iota {dimensions = array<i32: 0>} : vector<16xi32>
    %add3A_317 = arith.constant 16 : i32
    %add3A_318 = arith.addi %add3A_306, %add3A_317 : i32
    %add3A_319 = vector.broadcast %add3A_318 : i32 to vector<16xi32>
    %add3A_320 = arith.addi %iota3A_316, %add3A_319 : vector<16xi32>
    %swap3A_321 = arith.constant 16 : index
    %swap3A_322 = tpu.vector_load %arg7[%swap3A_321] {strides = array<i32>} : memref<128xi32, #tpu.memory_space<vmem>>, vector<16xi32>,
    %swap3A_323 = vector.shape_cast %swap3A_322 : vector<16xi32> to vector<16xi32>
    %swap3A_324 = vector.shape_cast %add3A_320 : vector<16xi32> to vector<16xi32>
    tpu.vector_store %arg7[%swap3A_321], %swap3A_324 {strides = array<i32>} : memref<128xi32, #tpu.memory_space<vmem>>, vector<16xi32>,
    %iota3A_325 = tpu.iota {dimensions = array<i32: 0>} : vector<16xi32>
    %add3A_326 = arith.constant 32 : i32
    %add3A_327 = arith.addi %add3A_306, %add3A_326 : i32
    %add3A_328 = vector.broadcast %add3A_327 : i32 to vector<16xi32>
    %add3A_329 = arith.addi %iota3A_325, %add3A_328 : vector<16xi32>
    %swap3A_330 = arith.constant 32 : index
    %swap3A_331 = tpu.vector_load %arg7[%swap3A_330] {strides = array<i32>} : memref<128xi32, #tpu.memory_space<vmem>>, vector<16xi32>,
    %swap3A_332 = vector.shape_cast %swap3A_331 : vector<16xi32> to vector<16xi32>
    %swap3A_333 = vector.shape_cast %add3A_329 : vector<16xi32> to vector<16xi32>
    tpu.vector_store %arg7[%swap3A_330], %swap3A_333 {strides = array<i32>} : memref<128xi32, #tpu.memory_space<vmem>>, vector<16xi32>,
    %iota3A_334 = tpu.iota {dimensions = array<i32: 0>} : vector<16xi32>
    %add3A_335 = arith.constant 48 : i32
    %add3A_336 = arith.addi %add3A_306, %add3A_335 : i32
    %add3A_337 = vector.broadcast %add3A_336 : i32 to vector<16xi32>
    %add3A_338 = arith.addi %iota3A_334, %add3A_337 : vector<16xi32>
    %swap3A_339 = arith.constant 48 : index
    %swap3A_340 = tpu.vector_load %arg7[%swap3A_339] {strides = array<i32>} : memref<128xi32, #tpu.memory_space<vmem>>, vector<16xi32>,
    %swap3A_341 = vector.shape_cast %swap3A_340 : vector<16xi32> to vector<16xi32>
    %swap3A_342 = vector.shape_cast %add3A_338 : vector<16xi32> to vector<16xi32>
    tpu.vector_store %arg7[%swap3A_339], %swap3A_342 {strides = array<i32>} : memref<128xi32, #tpu.memory_space<vmem>>, vector<16xi32>,
    %iota3A_343 = tpu.iota {dimensions = array<i32: 0>} : vector<16xi32>
    %add3A_344 = arith.constant 64 : i32
    %add3A_345 = arith.addi %add3A_306, %add3A_344 : i32
    %add3A_346 = vector.broadcast %add3A_345 : i32 to vector<16xi32>
    %add3A_347 = arith.addi %iota3A_343, %add3A_346 : vector<16xi32>
    %swap3A_348 = arith.constant 64 : index
    %swap3A_349 = tpu.vector_load %arg7[%swap3A_348] {strides = array<i32>} : memref<128xi32, #tpu.memory_space<vmem>>, vector<16xi32>,
    %swap3A_350 = vector.shape_cast %swap3A_349 : vector<16xi32> to vector<16xi32>
    %swap3A_351 = vector.shape_cast %add3A_347 : vector<16xi32> to vector<16xi32>
    tpu.vector_store %arg7[%swap3A_348], %swap3A_351 {strides = array<i32>} : memref<128xi32, #tpu.memory_space<vmem>>, vector<16xi32>,
    %iota3A_352 = tpu.iota {dimensions = array<i32: 0>} : vector<16xi32>
    %add3A_353 = arith.constant 80 : i32
    %add3A_354 = arith.addi %add3A_306, %add3A_353 : i32
    %add3A_355 = vector.broadcast %add3A_354 : i32 to vector<16xi32>
    %add3A_356 = arith.addi %iota3A_352, %add3A_355 : vector<16xi32>
    %swap3A_357 = arith.constant 80 : index
    %swap3A_358 = tpu.vector_load %arg7[%swap3A_357] {strides = array<i32>} : memref<128xi32, #tpu.memory_space<vmem>>, vector<16xi32>,
    %swap3A_359 = vector.shape_cast %swap3A_358 : vector<16xi32> to vector<16xi32>
    %swap3A_360 = vector.shape_cast %add3A_356 : vector<16xi32> to vector<16xi32>
    tpu.vector_store %arg7[%swap3A_357], %swap3A_360 {strides = array<i32>} : memref<128xi32, #tpu.memory_space<vmem>>, vector<16xi32>,
    %iota3A_361 = tpu.iota {dimensions = array<i32: 0>} : vector<16xi32>
    %add3A_362 = arith.constant 96 : i32
    %add3A_363 = arith.addi %add3A_306, %add3A_362 : i32
    %add3A_364 = vector.broadcast %add3A_363 : i32 to vector<16xi32>
    %add3A_365 = arith.addi %iota3A_361, %add3A_364 : vector<16xi32>
    %swap3A_366 = arith.constant 96 : index
    %swap3A_367 = tpu.vector_load %arg7[%swap3A_366] {strides = array<i32>} : memref<128xi32, #tpu.memory_space<vmem>>, vector<16xi32>,
    %swap3A_368 = vector.shape_cast %swap3A_367 : vector<16xi32> to vector<16xi32>
    %swap3A_369 = vector.shape_cast %add3A_365 : vector<16xi32> to vector<16xi32>
    tpu.vector_store %arg7[%swap3A_366], %swap3A_369 {strides = array<i32>} : memref<128xi32, #tpu.memory_space<vmem>>, vector<16xi32>,
    %iota3A_370 = tpu.iota {dimensions = array<i32: 0>} : vector<16xi32>
    %add3A_371 = arith.constant 112 : i32
    %add3A_372 = arith.addi %add3A_306, %add3A_371 : i32
    %add3A_373 = vector.broadcast %add3A_372 : i32 to vector<16xi32>
    %add3A_374 = arith.addi %iota3A_370, %add3A_373 : vector<16xi32>
    %swap3A_375 = arith.constant 112 : index
    %swap3A_376 = tpu.vector_load %arg7[%swap3A_375] {strides = array<i32>} : memref<128xi32, #tpu.memory_space<vmem>>, vector<16xi32>,
    %swap3A_377 = vector.shape_cast %swap3A_376 : vector<16xi32> to vector<16xi32>
    %swap3A_378 = vector.shape_cast %add3A_374 : vector<16xi32> to vector<16xi32>
    tpu.vector_store %arg7[%swap3A_375], %swap3A_378 {strides = array<i32>} : memref<128xi32, #tpu.memory_space<vmem>>, vector<16xi32>,
    "tpu.region"() ({
      %run_scoped3A = tpu.sem_alloc : memref<!tpu.dma_semaphore, #tpu.memory_space<semaphore_mem>>
      %dma_start3A = arith.constant 0 : i32
      %dma_start3A_785 = arith.constant 0 : i32
      %dma_start3A_786 = tpu.memref_slice %arg10[%dma_start3A, %dma_start3A_785] : memref<10240x128xf32, #tpu.memory_space<vmem_shared>> -> memref<10240x128xf32, #tpu.memory_space<vmem_shared>>
      tpu.enqueue_indirect_dma source(%arg9 : memref<128x128xf32, #tpu.memory_space<vmem>>) target(%dma_start3A_786 : memref<10240x128xf32, #tpu.memory_space<vmem_shared>>) offsets(%arg7 : memref<128xi32, #tpu.memory_space<vmem>>) semaphore(%run_scoped3A : memref<!tpu.dma_semaphore, #tpu.memory_space<semaphore_mem>>)
      %dma_wait3A = arith.constant 0 : i32
      %dma_wait3A_787 = arith.constant 0 : i32
      %dma_wait3A_788 = tpu.memref_slice %arg10[%dma_wait3A, %dma_wait3A_787] : memref<10240x128xf32, #tpu.memory_space<vmem_shared>> -> memref<10240x128xf32, #tpu.memory_space<vmem_shared>>
      tpu.wait_indirect_dma semaphore(%run_scoped3A : memref<!tpu.dma_semaphore, #tpu.memory_space<semaphore_mem>>) src(%arg9 : memref<128x128xf32, #tpu.memory_space<vmem>>) dst(%dma_wait3A_788 : memref<10240x128xf32, #tpu.memory_space<vmem_shared>>)
      tpu.yield
    }) : () -> ()
    %barrier3A = arith.constant 0 : index
    tpu.barrier barrier_id(%barrier3A)
    %scan3A = arith.constant 0 : i32
    %scan3A_379 = arith.constant 0 : i32
    %scan3A_380 = arith.constant 80 : i32
    %scan3A_381 = arith.addi %scan3A_379, %scan3A_380 : i32
    %scan3A_382 = arith.constant 1 : i32
    scf.for %scan3A_785 = %scan3A_379 to %scan3A_381 step %scan3A_382  : i32 {
      %get3A = arith.index_cast %scan3A_785 : i32 to index
      %get3A_786 = arith.constant 0 : index
      %get3A_787 = tpu.vector_load %arg6[%get3A, %get3A_786] {strides = array<i32>} : memref<80x128xi32, #tpu.memory_space<vmem>>, vector<1x16xi32>,
      %get3A_788 = vector.shape_cast %get3A_787 : vector<1x16xi32> to vector<16xi32>
      %swap3A_789 = arith.constant 0 : index
      %swap3A_790 = tpu.vector_load %arg7[%swap3A_789] {strides = array<i32>} : memref<128xi32, #tpu.memory_space<vmem>>, vector<16xi32>,
      %swap3A_791 = vector.shape_cast %swap3A_790 : vector<16xi32> to vector<16xi32>
      %swap3A_792 = vector.shape_cast %get3A_788 : vector<16xi32> to vector<16xi32>
      tpu.vector_store %arg7[%swap3A_789], %swap3A_792 {strides = array<i32>} : memref<128xi32, #tpu.memory_space<vmem>>, vector<16xi32>,
      %get3A_793 = arith.index_cast %scan3A_785 : i32 to index
      %get3A_794 = arith.constant 16 : index
      %get3A_795 = tpu.vector_load %arg6[%get3A_793, %get3A_794] {strides = array<i32>} : memref<80x128xi32, #tpu.memory_space<vmem>>, vector<1x16xi32>,
      %get3A_796 = vector.shape_cast %get3A_795 : vector<1x16xi32> to vector<16xi32>
      %swap3A_797 = arith.constant 16 : index
      %swap3A_798 = tpu.vector_load %arg7[%swap3A_797] {strides = array<i32>} : memref<128xi32, #tpu.memory_space<vmem>>, vector<16xi32>,
      %swap3A_799 = vector.shape_cast %swap3A_798 : vector<16xi32> to vector<16xi32>
      %swap3A_800 = vector.shape_cast %get3A_796 : vector<16xi32> to vector<16xi32>
      tpu.vector_store %arg7[%swap3A_797], %swap3A_800 {strides = array<i32>} : memref<128xi32, #tpu.memory_space<vmem>>, vector<16xi32>,
      %get3A_801 = arith.index_cast %scan3A_785 : i32 to index
      %get3A_802 = arith.constant 32 : index
      %get3A_803 = tpu.vector_load %arg6[%get3A_801, %get3A_802] {strides = array<i32>} : memref<80x128xi32, #tpu.memory_space<vmem>>, vector<1x16xi32>,
      %get3A_804 = vector.shape_cast %get3A_803 : vector<1x16xi32> to vector<16xi32>
      %swap3A_805 = arith.constant 32 : index
      %swap3A_806 = tpu.vector_load %arg7[%swap3A_805] {strides = array<i32>} : memref<128xi32, #tpu.memory_space<vmem>>, vector<16xi32>,
      %swap3A_807 = vector.shape_cast %swap3A_806 : vector<16xi32> to vector<16xi32>
      %swap3A_808 = vector.shape_cast %get3A_804 : vector<16xi32> to vector<16xi32>
      tpu.vector_store %arg7[%swap3A_805], %swap3A_808 {strides = array<i32>} : memref<128xi32, #tpu.memory_space<vmem>>, vector<16xi32>,
      %get3A_809 = arith.index_cast %scan3A_785 : i32 to index
      %get3A_810 = arith.constant 48 : index
      %get3A_811 = tpu.vector_load %arg6[%get3A_809, %get3A_810] {strides = array<i32>} : memref<80x128xi32, #tpu.memory_space<vmem>>, vector<1x16xi32>,
      %get3A_812 = vector.shape_cast %get3A_811 : vector<1x16xi32> to vector<16xi32>
      %swap3A_813 = arith.constant 48 : index
      %swap3A_814 = tpu.vector_load %arg7[%swap3A_813] {strides = array<i32>} : memref<128xi32, #tpu.memory_space<vmem>>, vector<16xi32>,
      %swap3A_815 = vector.shape_cast %swap3A_814 : vector<16xi32> to vector<16xi32>
      %swap3A_816 = vector.shape_cast %get3A_812 : vector<16xi32> to vector<16xi32>
      tpu.vector_store %arg7[%swap3A_813], %swap3A_816 {strides = array<i32>} : memref<128xi32, #tpu.memory_space<vmem>>, vector<16xi32>,
      %get3A_817 = arith.index_cast %scan3A_785 : i32 to index
      %get3A_818 = arith.constant 64 : index
      %get3A_819 = tpu.vector_load %arg6[%get3A_817, %get3A_818] {strides = array<i32>} : memref<80x128xi32, #tpu.memory_space<vmem>>, vector<1x16xi32>,
      %get3A_820 = vector.shape_cast %get3A_819 : vector<1x16xi32> to vector<16xi32>
      %swap3A_821 = arith.constant 64 : index
      %swap3A_822 = tpu.vector_load %arg7[%swap3A_821] {strides = array<i32>} : memref<128xi32, #tpu.memory_space<vmem>>, vector<16xi32>,
      %swap3A_823 = vector.shape_cast %swap3A_822 : vector<16xi32> to vector<16xi32>
      %swap3A_824 = vector.shape_cast %get3A_820 : vector<16xi32> to vector<16xi32>
      tpu.vector_store %arg7[%swap3A_821], %swap3A_824 {strides = array<i32>} : memref<128xi32, #tpu.memory_space<vmem>>, vector<16xi32>,
      %get3A_825 = arith.index_cast %scan3A_785 : i32 to index
      %get3A_826 = arith.constant 80 : index
      %get3A_827 = tpu.vector_load %arg6[%get3A_825, %get3A_826] {strides = array<i32>} : memref<80x128xi32, #tpu.memory_space<vmem>>, vector<1x16xi32>,
      %get3A_828 = vector.shape_cast %get3A_827 : vector<1x16xi32> to vector<16xi32>
      %swap3A_829 = arith.constant 80 : index
      %swap3A_830 = tpu.vector_load %arg7[%swap3A_829] {strides = array<i32>} : memref<128xi32, #tpu.memory_space<vmem>>, vector<16xi32>,
      %swap3A_831 = vector.shape_cast %swap3A_830 : vector<16xi32> to vector<16xi32>
      %swap3A_832 = vector.shape_cast %get3A_828 : vector<16xi32> to vector<16xi32>
      tpu.vector_store %arg7[%swap3A_829], %swap3A_832 {strides = array<i32>} : memref<128xi32, #tpu.memory_space<vmem>>, vector<16xi32>,
      %get3A_833 = arith.index_cast %scan3A_785 : i32 to index
      %get3A_834 = arith.constant 96 : index
      %get3A_835 = tpu.vector_load %arg6[%get3A_833, %get3A_834] {strides = array<i32>} : memref<80x128xi32, #tpu.memory_space<vmem>>, vector<1x16xi32>,
      %get3A_836 = vector.shape_cast %get3A_835 : vector<1x16xi32> to vector<16xi32>
      %swap3A_837 = arith.constant 96 : index
      %swap3A_838 = tpu.vector_load %arg7[%swap3A_837] {strides = array<i32>} : memref<128xi32, #tpu.memory_space<vmem>>, vector<16xi32>,
      %swap3A_839 = vector.shape_cast %swap3A_838 : vector<16xi32> to vector<16xi32>
      %swap3A_840 = vector.shape_cast %get3A_836 : vector<16xi32> to vector<16xi32>
      tpu.vector_store %arg7[%swap3A_837], %swap3A_840 {strides = array<i32>} : memref<128xi32, #tpu.memory_space<vmem>>, vector<16xi32>,
      %get3A_841 = arith.index_cast %scan3A_785 : i32 to index
      %get3A_842 = arith.constant 112 : index
      %get3A_843 = tpu.vector_load %arg6[%get3A_841, %get3A_842] {strides = array<i32>} : memref<80x128xi32, #tpu.memory_space<vmem>>, vector<1x16xi32>,
      %get3A_844 = vector.shape_cast %get3A_843 : vector<1x16xi32> to vector<16xi32>
      %swap3A_845 = arith.constant 112 : index
      %swap3A_846 = tpu.vector_load %arg7[%swap3A_845] {strides = array<i32>} : memref<128xi32, #tpu.memory_space<vmem>>, vector<16xi32>,
      %swap3A_847 = vector.shape_cast %swap3A_846 : vector<16xi32> to vector<16xi32>
      %swap3A_848 = vector.shape_cast %get3A_844 : vector<16xi32> to vector<16xi32>
      tpu.vector_store %arg7[%swap3A_845], %swap3A_848 {strides = array<i32>} : memref<128xi32, #tpu.memory_space<vmem>>, vector<16xi32>,
      "tpu.region"() ({
        %run_scoped3A = tpu.sem_alloc : memref<!tpu.dma_semaphore, #tpu.memory_space<semaphore_mem>>
        %dma_start3A = arith.constant 0 : i32
        %dma_start3A_849 = arith.constant 0 : i32
        %dma_start3A_850 = tpu.memref_slice %arg10[%dma_start3A, %dma_start3A_849] : memref<10240x128xf32, #tpu.memory_space<vmem_shared>> -> memref<10240x128xf32, #tpu.memory_space<vmem_shared>>
        tpu.enqueue_indirect_dma source(%arg8 : memref<128x128xf32, #tpu.memory_space<vmem>>) target(%dma_start3A_850 : memref<10240x128xf32, #tpu.memory_space<vmem_shared>>) offsets(%arg7 : memref<128xi32, #tpu.memory_space<vmem>>) semaphore(%run_scoped3A : memref<!tpu.dma_semaphore, #tpu.memory_space<semaphore_mem>>) {add = true}
        %dma_wait3A = arith.constant 0 : i32
        %dma_wait3A_851 = arith.constant 0 : i32
        %dma_wait3A_852 = tpu.memref_slice %arg10[%dma_wait3A, %dma_wait3A_851] : memref<10240x128xf32, #tpu.memory_space<vmem_shared>> -> memref<10240x128xf32, #tpu.memory_space<vmem_shared>>
        tpu.wait_indirect_dma semaphore(%run_scoped3A : memref<!tpu.dma_semaphore, #tpu.memory_space<semaphore_mem>>) src(%arg8 : memref<128x128xf32, #tpu.memory_space<vmem>>) dst(%dma_wait3A_852 : memref<10240x128xf32, #tpu.memory_space<vmem_shared>>)
        tpu.yield
      }) : () -> ()
    }
    %scan3A_383 = arith.constant 80 : i32
    %barrier3A_384 = arith.constant 0 : index
    tpu.barrier barrier_id(%barrier3A_384)
    %mul3A_385 = arith.constant 640 : i32
    %mul3A_386 = arith.muli %arg1, %mul3A_385 : i32
    %add3A_387 = arith.constant 0 : i32
    %add3A_388 = arith.addi %mul3A_386, %add3A_387 : i32
    %iota3A_389 = tpu.iota {dimensions = array<i32: 0>} : vector<16xi32>
    %add3A_390 = arith.constant 0 : i32
    %add3A_391 = arith.addi %add3A_388, %add3A_390 : i32
    %add3A_392 = vector.broadcast %add3A_391 : i32 to vector<16xi32>
    %add3A_393 = arith.addi %iota3A_389, %add3A_392 : vector<16xi32>
    %swap3A_394 = arith.constant 0 : index
    %swap3A_395 = tpu.vector_load %arg7[%swap3A_394] {strides = array<i32>} : memref<128xi32, #tpu.memory_space<vmem>>, vector<16xi32>,
    %swap3A_396 = vector.shape_cast %swap3A_395 : vector<16xi32> to vector<16xi32>
    %swap3A_397 = vector.shape_cast %add3A_393 : vector<16xi32> to vector<16xi32>
    tpu.vector_store %arg7[%swap3A_394], %swap3A_397 {strides = array<i32>} : memref<128xi32, #tpu.memory_space<vmem>>, vector<16xi32>,
    %iota3A_398 = tpu.iota {dimensions = array<i32: 0>} : vector<16xi32>
    %add3A_399 = arith.constant 16 : i32
    %add3A_400 = arith.addi %add3A_388, %add3A_399 : i32
    %add3A_401 = vector.broadcast %add3A_400 : i32 to vector<16xi32>
    %add3A_402 = arith.addi %iota3A_398, %add3A_401 : vector<16xi32>
    %swap3A_403 = arith.constant 16 : index
    %swap3A_404 = tpu.vector_load %arg7[%swap3A_403] {strides = array<i32>} : memref<128xi32, #tpu.memory_space<vmem>>, vector<16xi32>,
    %swap3A_405 = vector.shape_cast %swap3A_404 : vector<16xi32> to vector<16xi32>
    %swap3A_406 = vector.shape_cast %add3A_402 : vector<16xi32> to vector<16xi32>
    tpu.vector_store %arg7[%swap3A_403], %swap3A_406 {strides = array<i32>} : memref<128xi32, #tpu.memory_space<vmem>>, vector<16xi32>,
    %iota3A_407 = tpu.iota {dimensions = array<i32: 0>} : vector<16xi32>
    %add3A_408 = arith.constant 32 : i32
    %add3A_409 = arith.addi %add3A_388, %add3A_408 : i32
    %add3A_410 = vector.broadcast %add3A_409 : i32 to vector<16xi32>
    %add3A_411 = arith.addi %iota3A_407, %add3A_410 : vector<16xi32>
    %swap3A_412 = arith.constant 32 : index
    %swap3A_413 = tpu.vector_load %arg7[%swap3A_412] {strides = array<i32>} : memref<128xi32, #tpu.memory_space<vmem>>, vector<16xi32>,
    %swap3A_414 = vector.shape_cast %swap3A_413 : vector<16xi32> to vector<16xi32>
    %swap3A_415 = vector.shape_cast %add3A_411 : vector<16xi32> to vector<16xi32>
    tpu.vector_store %arg7[%swap3A_412], %swap3A_415 {strides = array<i32>} : memref<128xi32, #tpu.memory_space<vmem>>, vector<16xi32>,
    %iota3A_416 = tpu.iota {dimensions = array<i32: 0>} : vector<16xi32>
    %add3A_417 = arith.constant 48 : i32
    %add3A_418 = arith.addi %add3A_388, %add3A_417 : i32
    %add3A_419 = vector.broadcast %add3A_418 : i32 to vector<16xi32>
    %add3A_420 = arith.addi %iota3A_416, %add3A_419 : vector<16xi32>
    %swap3A_421 = arith.constant 48 : index
    %swap3A_422 = tpu.vector_load %arg7[%swap3A_421] {strides = array<i32>} : memref<128xi32, #tpu.memory_space<vmem>>, vector<16xi32>,
    %swap3A_423 = vector.shape_cast %swap3A_422 : vector<16xi32> to vector<16xi32>
    %swap3A_424 = vector.shape_cast %add3A_420 : vector<16xi32> to vector<16xi32>
    tpu.vector_store %arg7[%swap3A_421], %swap3A_424 {strides = array<i32>} : memref<128xi32, #tpu.memory_space<vmem>>, vector<16xi32>,
    %iota3A_425 = tpu.iota {dimensions = array<i32: 0>} : vector<16xi32>
    %add3A_426 = arith.constant 64 : i32
    %add3A_427 = arith.addi %add3A_388, %add3A_426 : i32
    %add3A_428 = vector.broadcast %add3A_427 : i32 to vector<16xi32>
    %add3A_429 = arith.addi %iota3A_425, %add3A_428 : vector<16xi32>
    %swap3A_430 = arith.constant 64 : index
    %swap3A_431 = tpu.vector_load %arg7[%swap3A_430] {strides = array<i32>} : memref<128xi32, #tpu.memory_space<vmem>>, vector<16xi32>,
    %swap3A_432 = vector.shape_cast %swap3A_431 : vector<16xi32> to vector<16xi32>
    %swap3A_433 = vector.shape_cast %add3A_429 : vector<16xi32> to vector<16xi32>
    tpu.vector_store %arg7[%swap3A_430], %swap3A_433 {strides = array<i32>} : memref<128xi32, #tpu.memory_space<vmem>>, vector<16xi32>,
    %iota3A_434 = tpu.iota {dimensions = array<i32: 0>} : vector<16xi32>
    %add3A_435 = arith.constant 80 : i32
    %add3A_436 = arith.addi %add3A_388, %add3A_435 : i32
    %add3A_437 = vector.broadcast %add3A_436 : i32 to vector<16xi32>
    %add3A_438 = arith.addi %iota3A_434, %add3A_437 : vector<16xi32>
    %swap3A_439 = arith.constant 80 : index
    %swap3A_440 = tpu.vector_load %arg7[%swap3A_439] {strides = array<i32>} : memref<128xi32, #tpu.memory_space<vmem>>, vector<16xi32>,
    %swap3A_441 = vector.shape_cast %swap3A_440 : vector<16xi32> to vector<16xi32>
    %swap3A_442 = vector.shape_cast %add3A_438 : vector<16xi32> to vector<16xi32>
    tpu.vector_store %arg7[%swap3A_439], %swap3A_442 {strides = array<i32>} : memref<128xi32, #tpu.memory_space<vmem>>, vector<16xi32>,
    %iota3A_443 = tpu.iota {dimensions = array<i32: 0>} : vector<16xi32>
    %add3A_444 = arith.constant 96 : i32
    %add3A_445 = arith.addi %add3A_388, %add3A_444 : i32
    %add3A_446 = vector.broadcast %add3A_445 : i32 to vector<16xi32>
    %add3A_447 = arith.addi %iota3A_443, %add3A_446 : vector<16xi32>
    %swap3A_448 = arith.constant 96 : index
    %swap3A_449 = tpu.vector_load %arg7[%swap3A_448] {strides = array<i32>} : memref<128xi32, #tpu.memory_space<vmem>>, vector<16xi32>,
    %swap3A_450 = vector.shape_cast %swap3A_449 : vector<16xi32> to vector<16xi32>
    %swap3A_451 = vector.shape_cast %add3A_447 : vector<16xi32> to vector<16xi32>
    tpu.vector_store %arg7[%swap3A_448], %swap3A_451 {strides = array<i32>} : memref<128xi32, #tpu.memory_space<vmem>>, vector<16xi32>,
    %iota3A_452 = tpu.iota {dimensions = array<i32: 0>} : vector<16xi32>
    %add3A_453 = arith.constant 112 : i32
    %add3A_454 = arith.addi %add3A_388, %add3A_453 : i32
    %add3A_455 = vector.broadcast %add3A_454 : i32 to vector<16xi32>
    %add3A_456 = arith.addi %iota3A_452, %add3A_455 : vector<16xi32>
    %swap3A_457 = arith.constant 112 : index
    %swap3A_458 = tpu.vector_load %arg7[%swap3A_457] {strides = array<i32>} : memref<128xi32, #tpu.memory_space<vmem>>, vector<16xi32>,
    %swap3A_459 = vector.shape_cast %swap3A_458 : vector<16xi32> to vector<16xi32>
    %swap3A_460 = vector.shape_cast %add3A_456 : vector<16xi32> to vector<16xi32>
    tpu.vector_store %arg7[%swap3A_457], %swap3A_460 {strides = array<i32>} : memref<128xi32, #tpu.memory_space<vmem>>, vector<16xi32>,
    "tpu.region"() ({
      %run_scoped3A = tpu.sem_alloc : memref<!tpu.dma_semaphore, #tpu.memory_space<semaphore_mem>>
      %dma_start3A = arith.constant 0 : i32
      %dma_start3A_785 = arith.constant 0 : i32
      %dma_start3A_786 = tpu.memref_slice %arg10[%dma_start3A, %dma_start3A_785] : memref<10240x128xf32, #tpu.memory_space<vmem_shared>> -> memref<10240x128xf32, #tpu.memory_space<vmem_shared>>
      tpu.enqueue_indirect_dma source(%dma_start3A_786 : memref<10240x128xf32, #tpu.memory_space<vmem_shared>>) target(%arg9 : memref<128x128xf32, #tpu.memory_space<vmem>>) offsets(%arg7 : memref<128xi32, #tpu.memory_space<vmem>>) semaphore(%run_scoped3A : memref<!tpu.dma_semaphore, #tpu.memory_space<semaphore_mem>>)
      %dma_wait3A = arith.constant 0 : i32
      %dma_wait3A_787 = arith.constant 0 : i32
      %dma_wait3A_788 = tpu.memref_slice %arg10[%dma_wait3A, %dma_wait3A_787] : memref<10240x128xf32, #tpu.memory_space<vmem_shared>> -> memref<10240x128xf32, #tpu.memory_space<vmem_shared>>
      tpu.wait_indirect_dma semaphore(%run_scoped3A : memref<!tpu.dma_semaphore, #tpu.memory_space<semaphore_mem>>) src(%dma_wait3A_788 : memref<10240x128xf32, #tpu.memory_space<vmem_shared>>) dst(%arg9 : memref<128x128xf32, #tpu.memory_space<vmem>>)
      tpu.yield
    }) : () -> ()
    %mul3A_461 = arith.constant 640 : i32
    %mul3A_462 = arith.muli %arg1, %mul3A_461 : i32
    %add3A_463 = arith.constant 0 : i32
    %add3A_464 = arith.addi %mul3A_462, %add3A_463 : i32
    "tpu.region"() ({
      %run_scoped3A = tpu.sem_alloc : memref<!tpu.dma_semaphore, #tpu.memory_space<semaphore_mem>>
      %dma_start3A = arith.constant 0 : i32
      %dma_start3A_785 = tpu.memref_slice %arg5[%arg0, %add3A_464, %dma_start3A] : memref<2x10240x128xf32, #tpu.memory_space<hbm>> -> memref<1x128x128xf32, #tpu.memory_space<hbm>>
      %dma_start3A_786 = tpu.memref_squeeze %dma_start3A_785 : memref<1x128x128xf32, #tpu.memory_space<hbm>> -> memref<128x128xf32, #tpu.memory_space<hbm>>
      %dma_start3A_787 = arith.constant 0 : i32
      %dma_start3A_788 = tpu.memref_slice %arg5[%arg0, %add3A_464, %dma_start3A_787] : memref<2x10240x128xf32, #tpu.memory_space<hbm>> -> memref<1x128x128xf32, #tpu.memory_space<hbm>>
      %dma_start3A_789 = tpu.memref_squeeze %dma_start3A_788 : memref<1x128x128xf32, #tpu.memory_space<hbm>> -> memref<128x128xf32, #tpu.memory_space<hbm>>
      tpu.enqueue_dma source(%arg9 : memref<128x128xf32, #tpu.memory_space<vmem>>) target(%dma_start3A_789 : memref<128x128xf32, #tpu.memory_space<hbm>>) target_semaphore(%run_scoped3A : memref<!tpu.dma_semaphore, #tpu.memory_space<semaphore_mem>>)
      %dma_wait3A = arith.constant 0 : i32
      %dma_wait3A_790 = tpu.memref_slice %arg5[%arg0, %add3A_464, %dma_wait3A] : memref<2x10240x128xf32, #tpu.memory_space<hbm>> -> memref<1x128x128xf32, #tpu.memory_space<hbm>>
      %dma_wait3A_791 = tpu.memref_squeeze %dma_wait3A_790 : memref<1x128x128xf32, #tpu.memory_space<hbm>> -> memref<128x128xf32, #tpu.memory_space<hbm>>
      %dma_wait3A_792 = arith.constant 0 : i32
      %dma_wait3A_793 = tpu.memref_slice %arg5[%arg0, %add3A_464, %dma_wait3A_792] : memref<2x10240x128xf32, #tpu.memory_space<hbm>> -> memref<1x128x128xf32, #tpu.memory_space<hbm>>
      %dma_wait3A_794 = tpu.memref_squeeze %dma_wait3A_793 : memref<1x128x128xf32, #tpu.memory_space<hbm>> -> memref<128x128xf32, #tpu.memory_space<hbm>>
      tpu.wait_dma2 semaphore(%run_scoped3A : memref<!tpu.dma_semaphore, #tpu.memory_space<semaphore_mem>>) src(%arg9 : memref<128x128xf32, #tpu.memory_space<vmem>>) dst(%dma_wait3A_794 : memref<128x128xf32, #tpu.memory_space<hbm>>)
      tpu.yield
    }) : () -> ()
    %mul3A_465 = arith.constant 640 : i32
    %mul3A_466 = arith.muli %arg1, %mul3A_465 : i32
    %add3A_467 = arith.constant 128 : i32
    %add3A_468 = arith.addi %mul3A_466, %add3A_467 : i32
    %iota3A_469 = tpu.iota {dimensions = array<i32: 0>} : vector<16xi32>
    %add3A_470 = arith.constant 0 : i32
    %add3A_471 = arith.addi %add3A_468, %add3A_470 : i32
    %add3A_472 = vector.broadcast %add3A_471 : i32 to vector<16xi32>
    %add3A_473 = arith.addi %iota3A_469, %add3A_472 : vector<16xi32>
    %swap3A_474 = arith.constant 0 : index
    %swap3A_475 = tpu.vector_load %arg7[%swap3A_474] {strides = array<i32>} : memref<128xi32, #tpu.memory_space<vmem>>, vector<16xi32>,
    %swap3A_476 = vector.shape_cast %swap3A_475 : vector<16xi32> to vector<16xi32>
    %swap3A_477 = vector.shape_cast %add3A_473 : vector<16xi32> to vector<16xi32>
    tpu.vector_store %arg7[%swap3A_474], %swap3A_477 {strides = array<i32>} : memref<128xi32, #tpu.memory_space<vmem>>, vector<16xi32>,
    %iota3A_478 = tpu.iota {dimensions = array<i32: 0>} : vector<16xi32>
    %add3A_479 = arith.constant 16 : i32
    %add3A_480 = arith.addi %add3A_468, %add3A_479 : i32
    %add3A_481 = vector.broadcast %add3A_480 : i32 to vector<16xi32>
    %add3A_482 = arith.addi %iota3A_478, %add3A_481 : vector<16xi32>
    %swap3A_483 = arith.constant 16 : index
    %swap3A_484 = tpu.vector_load %arg7[%swap3A_483] {strides = array<i32>} : memref<128xi32, #tpu.memory_space<vmem>>, vector<16xi32>,
    %swap3A_485 = vector.shape_cast %swap3A_484 : vector<16xi32> to vector<16xi32>
    %swap3A_486 = vector.shape_cast %add3A_482 : vector<16xi32> to vector<16xi32>
    tpu.vector_store %arg7[%swap3A_483], %swap3A_486 {strides = array<i32>} : memref<128xi32, #tpu.memory_space<vmem>>, vector<16xi32>,
    %iota3A_487 = tpu.iota {dimensions = array<i32: 0>} : vector<16xi32>
    %add3A_488 = arith.constant 32 : i32
    %add3A_489 = arith.addi %add3A_468, %add3A_488 : i32
    %add3A_490 = vector.broadcast %add3A_489 : i32 to vector<16xi32>
    %add3A_491 = arith.addi %iota3A_487, %add3A_490 : vector<16xi32>
    %swap3A_492 = arith.constant 32 : index
    %swap3A_493 = tpu.vector_load %arg7[%swap3A_492] {strides = array<i32>} : memref<128xi32, #tpu.memory_space<vmem>>, vector<16xi32>,
    %swap3A_494 = vector.shape_cast %swap3A_493 : vector<16xi32> to vector<16xi32>
    %swap3A_495 = vector.shape_cast %add3A_491 : vector<16xi32> to vector<16xi32>
    tpu.vector_store %arg7[%swap3A_492], %swap3A_495 {strides = array<i32>} : memref<128xi32, #tpu.memory_space<vmem>>, vector<16xi32>,
    %iota3A_496 = tpu.iota {dimensions = array<i32: 0>} : vector<16xi32>
    %add3A_497 = arith.constant 48 : i32
    %add3A_498 = arith.addi %add3A_468, %add3A_497 : i32
    %add3A_499 = vector.broadcast %add3A_498 : i32 to vector<16xi32>
    %add3A_500 = arith.addi %iota3A_496, %add3A_499 : vector<16xi32>
    %swap3A_501 = arith.constant 48 : index
    %swap3A_502 = tpu.vector_load %arg7[%swap3A_501] {strides = array<i32>} : memref<128xi32, #tpu.memory_space<vmem>>, vector<16xi32>,
    %swap3A_503 = vector.shape_cast %swap3A_502 : vector<16xi32> to vector<16xi32>
    %swap3A_504 = vector.shape_cast %add3A_500 : vector<16xi32> to vector<16xi32>
    tpu.vector_store %arg7[%swap3A_501], %swap3A_504 {strides = array<i32>} : memref<128xi32, #tpu.memory_space<vmem>>, vector<16xi32>,
    %iota3A_505 = tpu.iota {dimensions = array<i32: 0>} : vector<16xi32>
    %add3A_506 = arith.constant 64 : i32
    %add3A_507 = arith.addi %add3A_468, %add3A_506 : i32
    %add3A_508 = vector.broadcast %add3A_507 : i32 to vector<16xi32>
    %add3A_509 = arith.addi %iota3A_505, %add3A_508 : vector<16xi32>
    %swap3A_510 = arith.constant 64 : index
    %swap3A_511 = tpu.vector_load %arg7[%swap3A_510] {strides = array<i32>} : memref<128xi32, #tpu.memory_space<vmem>>, vector<16xi32>,
    %swap3A_512 = vector.shape_cast %swap3A_511 : vector<16xi32> to vector<16xi32>
    %swap3A_513 = vector.shape_cast %add3A_509 : vector<16xi32> to vector<16xi32>
    tpu.vector_store %arg7[%swap3A_510], %swap3A_513 {strides = array<i32>} : memref<128xi32, #tpu.memory_space<vmem>>, vector<16xi32>,
    %iota3A_514 = tpu.iota {dimensions = array<i32: 0>} : vector<16xi32>
    %add3A_515 = arith.constant 80 : i32
    %add3A_516 = arith.addi %add3A_468, %add3A_515 : i32
    %add3A_517 = vector.broadcast %add3A_516 : i32 to vector<16xi32>
    %add3A_518 = arith.addi %iota3A_514, %add3A_517 : vector<16xi32>
    %swap3A_519 = arith.constant 80 : index
    %swap3A_520 = tpu.vector_load %arg7[%swap3A_519] {strides = array<i32>} : memref<128xi32, #tpu.memory_space<vmem>>, vector<16xi32>,
    %swap3A_521 = vector.shape_cast %swap3A_520 : vector<16xi32> to vector<16xi32>
    %swap3A_522 = vector.shape_cast %add3A_518 : vector<16xi32> to vector<16xi32>
    tpu.vector_store %arg7[%swap3A_519], %swap3A_522 {strides = array<i32>} : memref<128xi32, #tpu.memory_space<vmem>>, vector<16xi32>,
    %iota3A_523 = tpu.iota {dimensions = array<i32: 0>} : vector<16xi32>
    %add3A_524 = arith.constant 96 : i32
    %add3A_525 = arith.addi %add3A_468, %add3A_524 : i32
    %add3A_526 = vector.broadcast %add3A_525 : i32 to vector<16xi32>
    %add3A_527 = arith.addi %iota3A_523, %add3A_526 : vector<16xi32>
    %swap3A_528 = arith.constant 96 : index
    %swap3A_529 = tpu.vector_load %arg7[%swap3A_528] {strides = array<i32>} : memref<128xi32, #tpu.memory_space<vmem>>, vector<16xi32>,
    %swap3A_530 = vector.shape_cast %swap3A_529 : vector<16xi32> to vector<16xi32>
    %swap3A_531 = vector.shape_cast %add3A_527 : vector<16xi32> to vector<16xi32>
    tpu.vector_store %arg7[%swap3A_528], %swap3A_531 {strides = array<i32>} : memref<128xi32, #tpu.memory_space<vmem>>, vector<16xi32>,
    %iota3A_532 = tpu.iota {dimensions = array<i32: 0>} : vector<16xi32>
    %add3A_533 = arith.constant 112 : i32
    %add3A_534 = arith.addi %add3A_468, %add3A_533 : i32
    %add3A_535 = vector.broadcast %add3A_534 : i32 to vector<16xi32>
    %add3A_536 = arith.addi %iota3A_532, %add3A_535 : vector<16xi32>
    %swap3A_537 = arith.constant 112 : index
    %swap3A_538 = tpu.vector_load %arg7[%swap3A_537] {strides = array<i32>} : memref<128xi32, #tpu.memory_space<vmem>>, vector<16xi32>,
    %swap3A_539 = vector.shape_cast %swap3A_538 : vector<16xi32> to vector<16xi32>
    %swap3A_540 = vector.shape_cast %add3A_536 : vector<16xi32> to vector<16xi32>
    tpu.vector_store %arg7[%swap3A_537], %swap3A_540 {strides = array<i32>} : memref<128xi32, #tpu.memory_space<vmem>>, vector<16xi32>,
    "tpu.region"() ({
      %run_scoped3A = tpu.sem_alloc : memref<!tpu.dma_semaphore, #tpu.memory_space<semaphore_mem>>
      %dma_start3A = arith.constant 0 : i32
      %dma_start3A_785 = arith.constant 0 : i32
      %dma_start3A_786 = tpu.memref_slice %arg10[%dma_start3A, %dma_start3A_785] : memref<10240x128xf32, #tpu.memory_space<vmem_shared>> -> memref<10240x128xf32, #tpu.memory_space<vmem_shared>>
      tpu.enqueue_indirect_dma source(%dma_start3A_786 : memref<10240x128xf32, #tpu.memory_space<vmem_shared>>) target(%arg9 : memref<128x128xf32, #tpu.memory_space<vmem>>) offsets(%arg7 : memref<128xi32, #tpu.memory_space<vmem>>) semaphore(%run_scoped3A : memref<!tpu.dma_semaphore, #tpu.memory_space<semaphore_mem>>)
      %dma_wait3A = arith.constant 0 : i32
      %dma_wait3A_787 = arith.constant 0 : i32
      %dma_wait3A_788 = tpu.memref_slice %arg10[%dma_wait3A, %dma_wait3A_787] : memref<10240x128xf32, #tpu.memory_space<vmem_shared>> -> memref<10240x128xf32, #tpu.memory_space<vmem_shared>>
      tpu.wait_indirect_dma semaphore(%run_scoped3A : memref<!tpu.dma_semaphore, #tpu.memory_space<semaphore_mem>>) src(%dma_wait3A_788 : memref<10240x128xf32, #tpu.memory_space<vmem_shared>>) dst(%arg9 : memref<128x128xf32, #tpu.memory_space<vmem>>)
      tpu.yield
    }) : () -> ()
    %mul3A_541 = arith.constant 640 : i32
    %mul3A_542 = arith.muli %arg1, %mul3A_541 : i32
    %add3A_543 = arith.constant 128 : i32
    %add3A_544 = arith.addi %mul3A_542, %add3A_543 : i32
    "tpu.region"() ({
      %run_scoped3A = tpu.sem_alloc : memref<!tpu.dma_semaphore, #tpu.memory_space<semaphore_mem>>
      %dma_start3A = arith.constant 0 : i32
      %dma_start3A_785 = tpu.memref_slice %arg5[%arg0, %add3A_544, %dma_start3A] : memref<2x10240x128xf32, #tpu.memory_space<hbm>> -> memref<1x128x128xf32, #tpu.memory_space<hbm>>
      %dma_start3A_786 = tpu.memref_squeeze %dma_start3A_785 : memref<1x128x128xf32, #tpu.memory_space<hbm>> -> memref<128x128xf32, #tpu.memory_space<hbm>>
      %dma_start3A_787 = arith.constant 0 : i32
      %dma_start3A_788 = tpu.memref_slice %arg5[%arg0, %add3A_544, %dma_start3A_787] : memref<2x10240x128xf32, #tpu.memory_space<hbm>> -> memref<1x128x128xf32, #tpu.memory_space<hbm>>
      %dma_start3A_789 = tpu.memref_squeeze %dma_start3A_788 : memref<1x128x128xf32, #tpu.memory_space<hbm>> -> memref<128x128xf32, #tpu.memory_space<hbm>>
      tpu.enqueue_dma source(%arg9 : memref<128x128xf32, #tpu.memory_space<vmem>>) target(%dma_start3A_789 : memref<128x128xf32, #tpu.memory_space<hbm>>) target_semaphore(%run_scoped3A : memref<!tpu.dma_semaphore, #tpu.memory_space<semaphore_mem>>)
      %dma_wait3A = arith.constant 0 : i32
      %dma_wait3A_790 = tpu.memref_slice %arg5[%arg0, %add3A_544, %dma_wait3A] : memref<2x10240x128xf32, #tpu.memory_space<hbm>> -> memref<1x128x128xf32, #tpu.memory_space<hbm>>
      %dma_wait3A_791 = tpu.memref_squeeze %dma_wait3A_790 : memref<1x128x128xf32, #tpu.memory_space<hbm>> -> memref<128x128xf32, #tpu.memory_space<hbm>>
      %dma_wait3A_792 = arith.constant 0 : i32
      %dma_wait3A_793 = tpu.memref_slice %arg5[%arg0, %add3A_544, %dma_wait3A_792] : memref<2x10240x128xf32, #tpu.memory_space<hbm>> -> memref<1x128x128xf32, #tpu.memory_space<hbm>>
      %dma_wait3A_794 = tpu.memref_squeeze %dma_wait3A_793 : memref<1x128x128xf32, #tpu.memory_space<hbm>> -> memref<128x128xf32, #tpu.memory_space<hbm>>
      tpu.wait_dma2 semaphore(%run_scoped3A : memref<!tpu.dma_semaphore, #tpu.memory_space<semaphore_mem>>) src(%arg9 : memref<128x128xf32, #tpu.memory_space<vmem>>) dst(%dma_wait3A_794 : memref<128x128xf32, #tpu.memory_space<hbm>>)
      tpu.yield
    }) : () -> ()
    %mul3A_545 = arith.constant 640 : i32
    %mul3A_546 = arith.muli %arg1, %mul3A_545 : i32
    %add3A_547 = arith.constant 256 : i32
    %add3A_548 = arith.addi %mul3A_546, %add3A_547 : i32
    %iota3A_549 = tpu.iota {dimensions = array<i32: 0>} : vector<16xi32>
    %add3A_550 = arith.constant 0 : i32
    %add3A_551 = arith.addi %add3A_548, %add3A_550 : i32
    %add3A_552 = vector.broadcast %add3A_551 : i32 to vector<16xi32>
    %add3A_553 = arith.addi %iota3A_549, %add3A_552 : vector<16xi32>
    %swap3A_554 = arith.constant 0 : index
    %swap3A_555 = tpu.vector_load %arg7[%swap3A_554] {strides = array<i32>} : memref<128xi32, #tpu.memory_space<vmem>>, vector<16xi32>,
    %swap3A_556 = vector.shape_cast %swap3A_555 : vector<16xi32> to vector<16xi32>
    %swap3A_557 = vector.shape_cast %add3A_553 : vector<16xi32> to vector<16xi32>
    tpu.vector_store %arg7[%swap3A_554], %swap3A_557 {strides = array<i32>} : memref<128xi32, #tpu.memory_space<vmem>>, vector<16xi32>,
    %iota3A_558 = tpu.iota {dimensions = array<i32: 0>} : vector<16xi32>
    %add3A_559 = arith.constant 16 : i32
    %add3A_560 = arith.addi %add3A_548, %add3A_559 : i32
    %add3A_561 = vector.broadcast %add3A_560 : i32 to vector<16xi32>
    %add3A_562 = arith.addi %iota3A_558, %add3A_561 : vector<16xi32>
    %swap3A_563 = arith.constant 16 : index
    %swap3A_564 = tpu.vector_load %arg7[%swap3A_563] {strides = array<i32>} : memref<128xi32, #tpu.memory_space<vmem>>, vector<16xi32>,
    %swap3A_565 = vector.shape_cast %swap3A_564 : vector<16xi32> to vector<16xi32>
    %swap3A_566 = vector.shape_cast %add3A_562 : vector<16xi32> to vector<16xi32>
    tpu.vector_store %arg7[%swap3A_563], %swap3A_566 {strides = array<i32>} : memref<128xi32, #tpu.memory_space<vmem>>, vector<16xi32>,
    %iota3A_567 = tpu.iota {dimensions = array<i32: 0>} : vector<16xi32>
    %add3A_568 = arith.constant 32 : i32
    %add3A_569 = arith.addi %add3A_548, %add3A_568 : i32
    %add3A_570 = vector.broadcast %add3A_569 : i32 to vector<16xi32>
    %add3A_571 = arith.addi %iota3A_567, %add3A_570 : vector<16xi32>
    %swap3A_572 = arith.constant 32 : index
    %swap3A_573 = tpu.vector_load %arg7[%swap3A_572] {strides = array<i32>} : memref<128xi32, #tpu.memory_space<vmem>>, vector<16xi32>,
    %swap3A_574 = vector.shape_cast %swap3A_573 : vector<16xi32> to vector<16xi32>
    %swap3A_575 = vector.shape_cast %add3A_571 : vector<16xi32> to vector<16xi32>
    tpu.vector_store %arg7[%swap3A_572], %swap3A_575 {strides = array<i32>} : memref<128xi32, #tpu.memory_space<vmem>>, vector<16xi32>,
    %iota3A_576 = tpu.iota {dimensions = array<i32: 0>} : vector<16xi32>
    %add3A_577 = arith.constant 48 : i32
    %add3A_578 = arith.addi %add3A_548, %add3A_577 : i32
    %add3A_579 = vector.broadcast %add3A_578 : i32 to vector<16xi32>
    %add3A_580 = arith.addi %iota3A_576, %add3A_579 : vector<16xi32>
    %swap3A_581 = arith.constant 48 : index
    %swap3A_582 = tpu.vector_load %arg7[%swap3A_581] {strides = array<i32>} : memref<128xi32, #tpu.memory_space<vmem>>, vector<16xi32>,
    %swap3A_583 = vector.shape_cast %swap3A_582 : vector<16xi32> to vector<16xi32>
    %swap3A_584 = vector.shape_cast %add3A_580 : vector<16xi32> to vector<16xi32>
    tpu.vector_store %arg7[%swap3A_581], %swap3A_584 {strides = array<i32>} : memref<128xi32, #tpu.memory_space<vmem>>, vector<16xi32>,
    %iota3A_585 = tpu.iota {dimensions = array<i32: 0>} : vector<16xi32>
    %add3A_586 = arith.constant 64 : i32
    %add3A_587 = arith.addi %add3A_548, %add3A_586 : i32
    %add3A_588 = vector.broadcast %add3A_587 : i32 to vector<16xi32>
    %add3A_589 = arith.addi %iota3A_585, %add3A_588 : vector<16xi32>
    %swap3A_590 = arith.constant 64 : index
    %swap3A_591 = tpu.vector_load %arg7[%swap3A_590] {strides = array<i32>} : memref<128xi32, #tpu.memory_space<vmem>>, vector<16xi32>,
    %swap3A_592 = vector.shape_cast %swap3A_591 : vector<16xi32> to vector<16xi32>
    %swap3A_593 = vector.shape_cast %add3A_589 : vector<16xi32> to vector<16xi32>
    tpu.vector_store %arg7[%swap3A_590], %swap3A_593 {strides = array<i32>} : memref<128xi32, #tpu.memory_space<vmem>>, vector<16xi32>,
    %iota3A_594 = tpu.iota {dimensions = array<i32: 0>} : vector<16xi32>
    %add3A_595 = arith.constant 80 : i32
    %add3A_596 = arith.addi %add3A_548, %add3A_595 : i32
    %add3A_597 = vector.broadcast %add3A_596 : i32 to vector<16xi32>
    %add3A_598 = arith.addi %iota3A_594, %add3A_597 : vector<16xi32>
    %swap3A_599 = arith.constant 80 : index
    %swap3A_600 = tpu.vector_load %arg7[%swap3A_599] {strides = array<i32>} : memref<128xi32, #tpu.memory_space<vmem>>, vector<16xi32>,
    %swap3A_601 = vector.shape_cast %swap3A_600 : vector<16xi32> to vector<16xi32>
    %swap3A_602 = vector.shape_cast %add3A_598 : vector<16xi32> to vector<16xi32>
    tpu.vector_store %arg7[%swap3A_599], %swap3A_602 {strides = array<i32>} : memref<128xi32, #tpu.memory_space<vmem>>, vector<16xi32>,
    %iota3A_603 = tpu.iota {dimensions = array<i32: 0>} : vector<16xi32>
    %add3A_604 = arith.constant 96 : i32
    %add3A_605 = arith.addi %add3A_548, %add3A_604 : i32
    %add3A_606 = vector.broadcast %add3A_605 : i32 to vector<16xi32>
    %add3A_607 = arith.addi %iota3A_603, %add3A_606 : vector<16xi32>
    %swap3A_608 = arith.constant 96 : index
    %swap3A_609 = tpu.vector_load %arg7[%swap3A_608] {strides = array<i32>} : memref<128xi32, #tpu.memory_space<vmem>>, vector<16xi32>,
    %swap3A_610 = vector.shape_cast %swap3A_609 : vector<16xi32> to vector<16xi32>
    %swap3A_611 = vector.shape_cast %add3A_607 : vector<16xi32> to vector<16xi32>
    tpu.vector_store %arg7[%swap3A_608], %swap3A_611 {strides = array<i32>} : memref<128xi32, #tpu.memory_space<vmem>>, vector<16xi32>,
    %iota3A_612 = tpu.iota {dimensions = array<i32: 0>} : vector<16xi32>
    %add3A_613 = arith.constant 112 : i32
    %add3A_614 = arith.addi %add3A_548, %add3A_613 : i32
    %add3A_615 = vector.broadcast %add3A_614 : i32 to vector<16xi32>
    %add3A_616 = arith.addi %iota3A_612, %add3A_615 : vector<16xi32>
    %swap3A_617 = arith.constant 112 : index
    %swap3A_618 = tpu.vector_load %arg7[%swap3A_617] {strides = array<i32>} : memref<128xi32, #tpu.memory_space<vmem>>, vector<16xi32>,
    %swap3A_619 = vector.shape_cast %swap3A_618 : vector<16xi32> to vector<16xi32>
    %swap3A_620 = vector.shape_cast %add3A_616 : vector<16xi32> to vector<16xi32>
    tpu.vector_store %arg7[%swap3A_617], %swap3A_620 {strides = array<i32>} : memref<128xi32, #tpu.memory_space<vmem>>, vector<16xi32>,
    "tpu.region"() ({
      %run_scoped3A = tpu.sem_alloc : memref<!tpu.dma_semaphore, #tpu.memory_space<semaphore_mem>>
      %dma_start3A = arith.constant 0 : i32
      %dma_start3A_785 = arith.constant 0 : i32
      %dma_start3A_786 = tpu.memref_slice %arg10[%dma_start3A, %dma_start3A_785] : memref<10240x128xf32, #tpu.memory_space<vmem_shared>> -> memref<10240x128xf32, #tpu.memory_space<vmem_shared>>
      tpu.enqueue_indirect_dma source(%dma_start3A_786 : memref<10240x128xf32, #tpu.memory_space<vmem_shared>>) target(%arg9 : memref<128x128xf32, #tpu.memory_space<vmem>>) offsets(%arg7 : memref<128xi32, #tpu.memory_space<vmem>>) semaphore(%run_scoped3A : memref<!tpu.dma_semaphore, #tpu.memory_space<semaphore_mem>>)
      %dma_wait3A = arith.constant 0 : i32
      %dma_wait3A_787 = arith.constant 0 : i32
      %dma_wait3A_788 = tpu.memref_slice %arg10[%dma_wait3A, %dma_wait3A_787] : memref<10240x128xf32, #tpu.memory_space<vmem_shared>> -> memref<10240x128xf32, #tpu.memory_space<vmem_shared>>
      tpu.wait_indirect_dma semaphore(%run_scoped3A : memref<!tpu.dma_semaphore, #tpu.memory_space<semaphore_mem>>) src(%dma_wait3A_788 : memref<10240x128xf32, #tpu.memory_space<vmem_shared>>) dst(%arg9 : memref<128x128xf32, #tpu.memory_space<vmem>>)
      tpu.yield
    }) : () -> ()
    %mul3A_621 = arith.constant 640 : i32
    %mul3A_622 = arith.muli %arg1, %mul3A_621 : i32
    %add3A_623 = arith.constant 256 : i32
    %add3A_624 = arith.addi %mul3A_622, %add3A_623 : i32
    "tpu.region"() ({
      %run_scoped3A = tpu.sem_alloc : memref<!tpu.dma_semaphore, #tpu.memory_space<semaphore_mem>>
      %dma_start3A = arith.constant 0 : i32
      %dma_start3A_785 = tpu.memref_slice %arg5[%arg0, %add3A_624, %dma_start3A] : memref<2x10240x128xf32, #tpu.memory_space<hbm>> -> memref<1x128x128xf32, #tpu.memory_space<hbm>>
      %dma_start3A_786 = tpu.memref_squeeze %dma_start3A_785 : memref<1x128x128xf32, #tpu.memory_space<hbm>> -> memref<128x128xf32, #tpu.memory_space<hbm>>
      %dma_start3A_787 = arith.constant 0 : i32
      %dma_start3A_788 = tpu.memref_slice %arg5[%arg0, %add3A_624, %dma_start3A_787] : memref<2x10240x128xf32, #tpu.memory_space<hbm>> -> memref<1x128x128xf32, #tpu.memory_space<hbm>>
      %dma_start3A_789 = tpu.memref_squeeze %dma_start3A_788 : memref<1x128x128xf32, #tpu.memory_space<hbm>> -> memref<128x128xf32, #tpu.memory_space<hbm>>
      tpu.enqueue_dma source(%arg9 : memref<128x128xf32, #tpu.memory_space<vmem>>) target(%dma_start3A_789 : memref<128x128xf32, #tpu.memory_space<hbm>>) target_semaphore(%run_scoped3A : memref<!tpu.dma_semaphore, #tpu.memory_space<semaphore_mem>>)
      %dma_wait3A = arith.constant 0 : i32
      %dma_wait3A_790 = tpu.memref_slice %arg5[%arg0, %add3A_624, %dma_wait3A] : memref<2x10240x128xf32, #tpu.memory_space<hbm>> -> memref<1x128x128xf32, #tpu.memory_space<hbm>>
      %dma_wait3A_791 = tpu.memref_squeeze %dma_wait3A_790 : memref<1x128x128xf32, #tpu.memory_space<hbm>> -> memref<128x128xf32, #tpu.memory_space<hbm>>
      %dma_wait3A_792 = arith.constant 0 : i32
      %dma_wait3A_793 = tpu.memref_slice %arg5[%arg0, %add3A_624, %dma_wait3A_792] : memref<2x10240x128xf32, #tpu.memory_space<hbm>> -> memref<1x128x128xf32, #tpu.memory_space<hbm>>
      %dma_wait3A_794 = tpu.memref_squeeze %dma_wait3A_793 : memref<1x128x128xf32, #tpu.memory_space<hbm>> -> memref<128x128xf32, #tpu.memory_space<hbm>>
      tpu.wait_dma2 semaphore(%run_scoped3A : memref<!tpu.dma_semaphore, #tpu.memory_space<semaphore_mem>>) src(%arg9 : memref<128x128xf32, #tpu.memory_space<vmem>>) dst(%dma_wait3A_794 : memref<128x128xf32, #tpu.memory_space<hbm>>)
      tpu.yield
    }) : () -> ()
    %mul3A_625 = arith.constant 640 : i32
    %mul3A_626 = arith.muli %arg1, %mul3A_625 : i32
    %add3A_627 = arith.constant 384 : i32
    %add3A_628 = arith.addi %mul3A_626, %add3A_627 : i32
    %iota3A_629 = tpu.iota {dimensions = array<i32: 0>} : vector<16xi32>
    %add3A_630 = arith.constant 0 : i32
    %add3A_631 = arith.addi %add3A_628, %add3A_630 : i32
    %add3A_632 = vector.broadcast %add3A_631 : i32 to vector<16xi32>
    %add3A_633 = arith.addi %iota3A_629, %add3A_632 : vector<16xi32>
    %swap3A_634 = arith.constant 0 : index
    %swap3A_635 = tpu.vector_load %arg7[%swap3A_634] {strides = array<i32>} : memref<128xi32, #tpu.memory_space<vmem>>, vector<16xi32>,
    %swap3A_636 = vector.shape_cast %swap3A_635 : vector<16xi32> to vector<16xi32>
    %swap3A_637 = vector.shape_cast %add3A_633 : vector<16xi32> to vector<16xi32>
    tpu.vector_store %arg7[%swap3A_634], %swap3A_637 {strides = array<i32>} : memref<128xi32, #tpu.memory_space<vmem>>, vector<16xi32>,
    %iota3A_638 = tpu.iota {dimensions = array<i32: 0>} : vector<16xi32>
    %add3A_639 = arith.constant 16 : i32
    %add3A_640 = arith.addi %add3A_628, %add3A_639 : i32
    %add3A_641 = vector.broadcast %add3A_640 : i32 to vector<16xi32>
    %add3A_642 = arith.addi %iota3A_638, %add3A_641 : vector<16xi32>
    %swap3A_643 = arith.constant 16 : index
    %swap3A_644 = tpu.vector_load %arg7[%swap3A_643] {strides = array<i32>} : memref<128xi32, #tpu.memory_space<vmem>>, vector<16xi32>,
    %swap3A_645 = vector.shape_cast %swap3A_644 : vector<16xi32> to vector<16xi32>
    %swap3A_646 = vector.shape_cast %add3A_642 : vector<16xi32> to vector<16xi32>
    tpu.vector_store %arg7[%swap3A_643], %swap3A_646 {strides = array<i32>} : memref<128xi32, #tpu.memory_space<vmem>>, vector<16xi32>,
    %iota3A_647 = tpu.iota {dimensions = array<i32: 0>} : vector<16xi32>
    %add3A_648 = arith.constant 32 : i32
    %add3A_649 = arith.addi %add3A_628, %add3A_648 : i32
    %add3A_650 = vector.broadcast %add3A_649 : i32 to vector<16xi32>
    %add3A_651 = arith.addi %iota3A_647, %add3A_650 : vector<16xi32>
    %swap3A_652 = arith.constant 32 : index
    %swap3A_653 = tpu.vector_load %arg7[%swap3A_652] {strides = array<i32>} : memref<128xi32, #tpu.memory_space<vmem>>, vector<16xi32>,
    %swap3A_654 = vector.shape_cast %swap3A_653 : vector<16xi32> to vector<16xi32>
    %swap3A_655 = vector.shape_cast %add3A_651 : vector<16xi32> to vector<16xi32>
    tpu.vector_store %arg7[%swap3A_652], %swap3A_655 {strides = array<i32>} : memref<128xi32, #tpu.memory_space<vmem>>, vector<16xi32>,
    %iota3A_656 = tpu.iota {dimensions = array<i32: 0>} : vector<16xi32>
    %add3A_657 = arith.constant 48 : i32
    %add3A_658 = arith.addi %add3A_628, %add3A_657 : i32
    %add3A_659 = vector.broadcast %add3A_658 : i32 to vector<16xi32>
    %add3A_660 = arith.addi %iota3A_656, %add3A_659 : vector<16xi32>
    %swap3A_661 = arith.constant 48 : index
    %swap3A_662 = tpu.vector_load %arg7[%swap3A_661] {strides = array<i32>} : memref<128xi32, #tpu.memory_space<vmem>>, vector<16xi32>,
    %swap3A_663 = vector.shape_cast %swap3A_662 : vector<16xi32> to vector<16xi32>
    %swap3A_664 = vector.shape_cast %add3A_660 : vector<16xi32> to vector<16xi32>
    tpu.vector_store %arg7[%swap3A_661], %swap3A_664 {strides = array<i32>} : memref<128xi32, #tpu.memory_space<vmem>>, vector<16xi32>,
    %iota3A_665 = tpu.iota {dimensions = array<i32: 0>} : vector<16xi32>
    %add3A_666 = arith.constant 64 : i32
    %add3A_667 = arith.addi %add3A_628, %add3A_666 : i32
    %add3A_668 = vector.broadcast %add3A_667 : i32 to vector<16xi32>
    %add3A_669 = arith.addi %iota3A_665, %add3A_668 : vector<16xi32>
    %swap3A_670 = arith.constant 64 : index
    %swap3A_671 = tpu.vector_load %arg7[%swap3A_670] {strides = array<i32>} : memref<128xi32, #tpu.memory_space<vmem>>, vector<16xi32>,
    %swap3A_672 = vector.shape_cast %swap3A_671 : vector<16xi32> to vector<16xi32>
    %swap3A_673 = vector.shape_cast %add3A_669 : vector<16xi32> to vector<16xi32>
    tpu.vector_store %arg7[%swap3A_670], %swap3A_673 {strides = array<i32>} : memref<128xi32, #tpu.memory_space<vmem>>, vector<16xi32>,
    %iota3A_674 = tpu.iota {dimensions = array<i32: 0>} : vector<16xi32>
    %add3A_675 = arith.constant 80 : i32
    %add3A_676 = arith.addi %add3A_628, %add3A_675 : i32
    %add3A_677 = vector.broadcast %add3A_676 : i32 to vector<16xi32>
    %add3A_678 = arith.addi %iota3A_674, %add3A_677 : vector<16xi32>
    %swap3A_679 = arith.constant 80 : index
    %swap3A_680 = tpu.vector_load %arg7[%swap3A_679] {strides = array<i32>} : memref<128xi32, #tpu.memory_space<vmem>>, vector<16xi32>,
    %swap3A_681 = vector.shape_cast %swap3A_680 : vector<16xi32> to vector<16xi32>
    %swap3A_682 = vector.shape_cast %add3A_678 : vector<16xi32> to vector<16xi32>
    tpu.vector_store %arg7[%swap3A_679], %swap3A_682 {strides = array<i32>} : memref<128xi32, #tpu.memory_space<vmem>>, vector<16xi32>,
    %iota3A_683 = tpu.iota {dimensions = array<i32: 0>} : vector<16xi32>
    %add3A_684 = arith.constant 96 : i32
    %add3A_685 = arith.addi %add3A_628, %add3A_684 : i32
    %add3A_686 = vector.broadcast %add3A_685 : i32 to vector<16xi32>
    %add3A_687 = arith.addi %iota3A_683, %add3A_686 : vector<16xi32>
    %swap3A_688 = arith.constant 96 : index
    %swap3A_689 = tpu.vector_load %arg7[%swap3A_688] {strides = array<i32>} : memref<128xi32, #tpu.memory_space<vmem>>, vector<16xi32>,
    %swap3A_690 = vector.shape_cast %swap3A_689 : vector<16xi32> to vector<16xi32>
    %swap3A_691 = vector.shape_cast %add3A_687 : vector<16xi32> to vector<16xi32>
    tpu.vector_store %arg7[%swap3A_688], %swap3A_691 {strides = array<i32>} : memref<128xi32, #tpu.memory_space<vmem>>, vector<16xi32>,
    %iota3A_692 = tpu.iota {dimensions = array<i32: 0>} : vector<16xi32>
    %add3A_693 = arith.constant 112 : i32
    %add3A_694 = arith.addi %add3A_628, %add3A_693 : i32
    %add3A_695 = vector.broadcast %add3A_694 : i32 to vector<16xi32>
    %add3A_696 = arith.addi %iota3A_692, %add3A_695 : vector<16xi32>
    %swap3A_697 = arith.constant 112 : index
    %swap3A_698 = tpu.vector_load %arg7[%swap3A_697] {strides = array<i32>} : memref<128xi32, #tpu.memory_space<vmem>>, vector<16xi32>,
    %swap3A_699 = vector.shape_cast %swap3A_698 : vector<16xi32> to vector<16xi32>
    %swap3A_700 = vector.shape_cast %add3A_696 : vector<16xi32> to vector<16xi32>
    tpu.vector_store %arg7[%swap3A_697], %swap3A_700 {strides = array<i32>} : memref<128xi32, #tpu.memory_space<vmem>>, vector<16xi32>,
    "tpu.region"() ({
      %run_scoped3A = tpu.sem_alloc : memref<!tpu.dma_semaphore, #tpu.memory_space<semaphore_mem>>
      %dma_start3A = arith.constant 0 : i32
      %dma_start3A_785 = arith.constant 0 : i32
      %dma_start3A_786 = tpu.memref_slice %arg10[%dma_start3A, %dma_start3A_785] : memref<10240x128xf32, #tpu.memory_space<vmem_shared>> -> memref<10240x128xf32, #tpu.memory_space<vmem_shared>>
      tpu.enqueue_indirect_dma source(%dma_start3A_786 : memref<10240x128xf32, #tpu.memory_space<vmem_shared>>) target(%arg9 : memref<128x128xf32, #tpu.memory_space<vmem>>) offsets(%arg7 : memref<128xi32, #tpu.memory_space<vmem>>) semaphore(%run_scoped3A : memref<!tpu.dma_semaphore, #tpu.memory_space<semaphore_mem>>)
      %dma_wait3A = arith.constant 0 : i32
      %dma_wait3A_787 = arith.constant 0 : i32
      %dma_wait3A_788 = tpu.memref_slice %arg10[%dma_wait3A, %dma_wait3A_787] : memref<10240x128xf32, #tpu.memory_space<vmem_shared>> -> memref<10240x128xf32, #tpu.memory_space<vmem_shared>>
      tpu.wait_indirect_dma semaphore(%run_scoped3A : memref<!tpu.dma_semaphore, #tpu.memory_space<semaphore_mem>>) src(%dma_wait3A_788 : memref<10240x128xf32, #tpu.memory_space<vmem_shared>>) dst(%arg9 : memref<128x128xf32, #tpu.memory_space<vmem>>)
      tpu.yield
    }) : () -> ()
    %mul3A_701 = arith.constant 640 : i32
    %mul3A_702 = arith.muli %arg1, %mul3A_701 : i32
    %add3A_703 = arith.constant 384 : i32
    %add3A_704 = arith.addi %mul3A_702, %add3A_703 : i32
    "tpu.region"() ({
      %run_scoped3A = tpu.sem_alloc : memref<!tpu.dma_semaphore, #tpu.memory_space<semaphore_mem>>
      %dma_start3A = arith.constant 0 : i32
      %dma_start3A_785 = tpu.memref_slice %arg5[%arg0, %add3A_704, %dma_start3A] : memref<2x10240x128xf32, #tpu.memory_space<hbm>> -> memref<1x128x128xf32, #tpu.memory_space<hbm>>
      %dma_start3A_786 = tpu.memref_squeeze %dma_start3A_785 : memref<1x128x128xf32, #tpu.memory_space<hbm>> -> memref<128x128xf32, #tpu.memory_space<hbm>>
      %dma_start3A_787 = arith.constant 0 : i32
      %dma_start3A_788 = tpu.memref_slice %arg5[%arg0, %add3A_704, %dma_start3A_787] : memref<2x10240x128xf32, #tpu.memory_space<hbm>> -> memref<1x128x128xf32, #tpu.memory_space<hbm>>
      %dma_start3A_789 = tpu.memref_squeeze %dma_start3A_788 : memref<1x128x128xf32, #tpu.memory_space<hbm>> -> memref<128x128xf32, #tpu.memory_space<hbm>>
      tpu.enqueue_dma source(%arg9 : memref<128x128xf32, #tpu.memory_space<vmem>>) target(%dma_start3A_789 : memref<128x128xf32, #tpu.memory_space<hbm>>) target_semaphore(%run_scoped3A : memref<!tpu.dma_semaphore, #tpu.memory_space<semaphore_mem>>)
      %dma_wait3A = arith.constant 0 : i32
      %dma_wait3A_790 = tpu.memref_slice %arg5[%arg0, %add3A_704, %dma_wait3A] : memref<2x10240x128xf32, #tpu.memory_space<hbm>> -> memref<1x128x128xf32, #tpu.memory_space<hbm>>
      %dma_wait3A_791 = tpu.memref_squeeze %dma_wait3A_790 : memref<1x128x128xf32, #tpu.memory_space<hbm>> -> memref<128x128xf32, #tpu.memory_space<hbm>>
      %dma_wait3A_792 = arith.constant 0 : i32
      %dma_wait3A_793 = tpu.memref_slice %arg5[%arg0, %add3A_704, %dma_wait3A_792] : memref<2x10240x128xf32, #tpu.memory_space<hbm>> -> memref<1x128x128xf32, #tpu.memory_space<hbm>>
      %dma_wait3A_794 = tpu.memref_squeeze %dma_wait3A_793 : memref<1x128x128xf32, #tpu.memory_space<hbm>> -> memref<128x128xf32, #tpu.memory_space<hbm>>
      tpu.wait_dma2 semaphore(%run_scoped3A : memref<!tpu.dma_semaphore, #tpu.memory_space<semaphore_mem>>) src(%arg9 : memref<128x128xf32, #tpu.memory_space<vmem>>) dst(%dma_wait3A_794 : memref<128x128xf32, #tpu.memory_space<hbm>>)
      tpu.yield
    }) : () -> ()
    %mul3A_705 = arith.constant 640 : i32
    %mul3A_706 = arith.muli %arg1, %mul3A_705 : i32
    %add3A_707 = arith.constant 512 : i32
    %add3A_708 = arith.addi %mul3A_706, %add3A_707 : i32
    %iota3A_709 = tpu.iota {dimensions = array<i32: 0>} : vector<16xi32>
    %add3A_710 = arith.constant 0 : i32
    %add3A_711 = arith.addi %add3A_708, %add3A_710 : i32
    %add3A_712 = vector.broadcast %add3A_711 : i32 to vector<16xi32>
    %add3A_713 = arith.addi %iota3A_709, %add3A_712 : vector<16xi32>
    %swap3A_714 = arith.constant 0 : index
    %swap3A_715 = tpu.vector_load %arg7[%swap3A_714] {strides = array<i32>} : memref<128xi32, #tpu.memory_space<vmem>>, vector<16xi32>,
    %swap3A_716 = vector.shape_cast %swap3A_715 : vector<16xi32> to vector<16xi32>
    %swap3A_717 = vector.shape_cast %add3A_713 : vector<16xi32> to vector<16xi32>
    tpu.vector_store %arg7[%swap3A_714], %swap3A_717 {strides = array<i32>} : memref<128xi32, #tpu.memory_space<vmem>>, vector<16xi32>,
    %iota3A_718 = tpu.iota {dimensions = array<i32: 0>} : vector<16xi32>
    %add3A_719 = arith.constant 16 : i32
    %add3A_720 = arith.addi %add3A_708, %add3A_719 : i32
    %add3A_721 = vector.broadcast %add3A_720 : i32 to vector<16xi32>
    %add3A_722 = arith.addi %iota3A_718, %add3A_721 : vector<16xi32>
    %swap3A_723 = arith.constant 16 : index
    %swap3A_724 = tpu.vector_load %arg7[%swap3A_723] {strides = array<i32>} : memref<128xi32, #tpu.memory_space<vmem>>, vector<16xi32>,
    %swap3A_725 = vector.shape_cast %swap3A_724 : vector<16xi32> to vector<16xi32>
    %swap3A_726 = vector.shape_cast %add3A_722 : vector<16xi32> to vector<16xi32>
    tpu.vector_store %arg7[%swap3A_723], %swap3A_726 {strides = array<i32>} : memref<128xi32, #tpu.memory_space<vmem>>, vector<16xi32>,
    %iota3A_727 = tpu.iota {dimensions = array<i32: 0>} : vector<16xi32>
    %add3A_728 = arith.constant 32 : i32
    %add3A_729 = arith.addi %add3A_708, %add3A_728 : i32
    %add3A_730 = vector.broadcast %add3A_729 : i32 to vector<16xi32>
    %add3A_731 = arith.addi %iota3A_727, %add3A_730 : vector<16xi32>
    %swap3A_732 = arith.constant 32 : index
    %swap3A_733 = tpu.vector_load %arg7[%swap3A_732] {strides = array<i32>} : memref<128xi32, #tpu.memory_space<vmem>>, vector<16xi32>,
    %swap3A_734 = vector.shape_cast %swap3A_733 : vector<16xi32> to vector<16xi32>
    %swap3A_735 = vector.shape_cast %add3A_731 : vector<16xi32> to vector<16xi32>
    tpu.vector_store %arg7[%swap3A_732], %swap3A_735 {strides = array<i32>} : memref<128xi32, #tpu.memory_space<vmem>>, vector<16xi32>,
    %iota3A_736 = tpu.iota {dimensions = array<i32: 0>} : vector<16xi32>
    %add3A_737 = arith.constant 48 : i32
    %add3A_738 = arith.addi %add3A_708, %add3A_737 : i32
    %add3A_739 = vector.broadcast %add3A_738 : i32 to vector<16xi32>
    %add3A_740 = arith.addi %iota3A_736, %add3A_739 : vector<16xi32>
    %swap3A_741 = arith.constant 48 : index
    %swap3A_742 = tpu.vector_load %arg7[%swap3A_741] {strides = array<i32>} : memref<128xi32, #tpu.memory_space<vmem>>, vector<16xi32>,
    %swap3A_743 = vector.shape_cast %swap3A_742 : vector<16xi32> to vector<16xi32>
    %swap3A_744 = vector.shape_cast %add3A_740 : vector<16xi32> to vector<16xi32>
    tpu.vector_store %arg7[%swap3A_741], %swap3A_744 {strides = array<i32>} : memref<128xi32, #tpu.memory_space<vmem>>, vector<16xi32>,
    %iota3A_745 = tpu.iota {dimensions = array<i32: 0>} : vector<16xi32>
    %add3A_746 = arith.constant 64 : i32
    %add3A_747 = arith.addi %add3A_708, %add3A_746 : i32
    %add3A_748 = vector.broadcast %add3A_747 : i32 to vector<16xi32>
    %add3A_749 = arith.addi %iota3A_745, %add3A_748 : vector<16xi32>
    %swap3A_750 = arith.constant 64 : index
    %swap3A_751 = tpu.vector_load %arg7[%swap3A_750] {strides = array<i32>} : memref<128xi32, #tpu.memory_space<vmem>>, vector<16xi32>,
    %swap3A_752 = vector.shape_cast %swap3A_751 : vector<16xi32> to vector<16xi32>
    %swap3A_753 = vector.shape_cast %add3A_749 : vector<16xi32> to vector<16xi32>
    tpu.vector_store %arg7[%swap3A_750], %swap3A_753 {strides = array<i32>} : memref<128xi32, #tpu.memory_space<vmem>>, vector<16xi32>,
    %iota3A_754 = tpu.iota {dimensions = array<i32: 0>} : vector<16xi32>
    %add3A_755 = arith.constant 80 : i32
    %add3A_756 = arith.addi %add3A_708, %add3A_755 : i32
    %add3A_757 = vector.broadcast %add3A_756 : i32 to vector<16xi32>
    %add3A_758 = arith.addi %iota3A_754, %add3A_757 : vector<16xi32>
    %swap3A_759 = arith.constant 80 : index
    %swap3A_760 = tpu.vector_load %arg7[%swap3A_759] {strides = array<i32>} : memref<128xi32, #tpu.memory_space<vmem>>, vector<16xi32>,
    %swap3A_761 = vector.shape_cast %swap3A_760 : vector<16xi32> to vector<16xi32>
    %swap3A_762 = vector.shape_cast %add3A_758 : vector<16xi32> to vector<16xi32>
    tpu.vector_store %arg7[%swap3A_759], %swap3A_762 {strides = array<i32>} : memref<128xi32, #tpu.memory_space<vmem>>, vector<16xi32>,
    %iota3A_763 = tpu.iota {dimensions = array<i32: 0>} : vector<16xi32>
    %add3A_764 = arith.constant 96 : i32
    %add3A_765 = arith.addi %add3A_708, %add3A_764 : i32
    %add3A_766 = vector.broadcast %add3A_765 : i32 to vector<16xi32>
    %add3A_767 = arith.addi %iota3A_763, %add3A_766 : vector<16xi32>
    %swap3A_768 = arith.constant 96 : index
    %swap3A_769 = tpu.vector_load %arg7[%swap3A_768] {strides = array<i32>} : memref<128xi32, #tpu.memory_space<vmem>>, vector<16xi32>,
    %swap3A_770 = vector.shape_cast %swap3A_769 : vector<16xi32> to vector<16xi32>
    %swap3A_771 = vector.shape_cast %add3A_767 : vector<16xi32> to vector<16xi32>
    tpu.vector_store %arg7[%swap3A_768], %swap3A_771 {strides = array<i32>} : memref<128xi32, #tpu.memory_space<vmem>>, vector<16xi32>,
    %iota3A_772 = tpu.iota {dimensions = array<i32: 0>} : vector<16xi32>
    %add3A_773 = arith.constant 112 : i32
    %add3A_774 = arith.addi %add3A_708, %add3A_773 : i32
    %add3A_775 = vector.broadcast %add3A_774 : i32 to vector<16xi32>
    %add3A_776 = arith.addi %iota3A_772, %add3A_775 : vector<16xi32>
    %swap3A_777 = arith.constant 112 : index
    %swap3A_778 = tpu.vector_load %arg7[%swap3A_777] {strides = array<i32>} : memref<128xi32, #tpu.memory_space<vmem>>, vector<16xi32>,
    %swap3A_779 = vector.shape_cast %swap3A_778 : vector<16xi32> to vector<16xi32>
    %swap3A_780 = vector.shape_cast %add3A_776 : vector<16xi32> to vector<16xi32>
    tpu.vector_store %arg7[%swap3A_777], %swap3A_780 {strides = array<i32>} : memref<128xi32, #tpu.memory_space<vmem>>, vector<16xi32>,
    "tpu.region"() ({
      %run_scoped3A = tpu.sem_alloc : memref<!tpu.dma_semaphore, #tpu.memory_space<semaphore_mem>>
      %dma_start3A = arith.constant 0 : i32
      %dma_start3A_785 = arith.constant 0 : i32
      %dma_start3A_786 = tpu.memref_slice %arg10[%dma_start3A, %dma_start3A_785] : memref<10240x128xf32, #tpu.memory_space<vmem_shared>> -> memref<10240x128xf32, #tpu.memory_space<vmem_shared>>
      tpu.enqueue_indirect_dma source(%dma_start3A_786 : memref<10240x128xf32, #tpu.memory_space<vmem_shared>>) target(%arg9 : memref<128x128xf32, #tpu.memory_space<vmem>>) offsets(%arg7 : memref<128xi32, #tpu.memory_space<vmem>>) semaphore(%run_scoped3A : memref<!tpu.dma_semaphore, #tpu.memory_space<semaphore_mem>>)
      %dma_wait3A = arith.constant 0 : i32
      %dma_wait3A_787 = arith.constant 0 : i32
      %dma_wait3A_788 = tpu.memref_slice %arg10[%dma_wait3A, %dma_wait3A_787] : memref<10240x128xf32, #tpu.memory_space<vmem_shared>> -> memref<10240x128xf32, #tpu.memory_space<vmem_shared>>
      tpu.wait_indirect_dma semaphore(%run_scoped3A : memref<!tpu.dma_semaphore, #tpu.memory_space<semaphore_mem>>) src(%dma_wait3A_788 : memref<10240x128xf32, #tpu.memory_space<vmem_shared>>) dst(%arg9 : memref<128x128xf32, #tpu.memory_space<vmem>>)
      tpu.yield
    }) : () -> ()
    %mul3A_781 = arith.constant 640 : i32
    %mul3A_782 = arith.muli %arg1, %mul3A_781 : i32
    %add3A_783 = arith.constant 512 : i32
    %add3A_784 = arith.addi %mul3A_782, %add3A_783 : i32
    "tpu.region"() ({
      %run_scoped3A = tpu.sem_alloc : memref<!tpu.dma_semaphore, #tpu.memory_space<semaphore_mem>>
      %dma_start3A = arith.constant 0 : i32
      %dma_start3A_785 = tpu.memref_slice %arg5[%arg0, %add3A_784, %dma_start3A] : memref<2x10240x128xf32, #tpu.memory_space<hbm>> -> memref<1x128x128xf32, #tpu.memory_space<hbm>>
      %dma_start3A_786 = tpu.memref_squeeze %dma_start3A_785 : memref<1x128x128xf32, #tpu.memory_space<hbm>> -> memref<128x128xf32, #tpu.memory_space<hbm>>
      %dma_start3A_787 = arith.constant 0 : i32
      %dma_start3A_788 = tpu.memref_slice %arg5[%arg0, %add3A_784, %dma_start3A_787] : memref<2x10240x128xf32, #tpu.memory_space<hbm>> -> memref<1x128x128xf32, #tpu.memory_space<hbm>>
      %dma_start3A_789 = tpu.memref_squeeze %dma_start3A_788 : memref<1x128x128xf32, #tpu.memory_space<hbm>> -> memref<128x128xf32, #tpu.memory_space<hbm>>
      tpu.enqueue_dma source(%arg9 : memref<128x128xf32, #tpu.memory_space<vmem>>) target(%dma_start3A_789 : memref<128x128xf32, #tpu.memory_space<hbm>>) target_semaphore(%run_scoped3A : memref<!tpu.dma_semaphore, #tpu.memory_space<semaphore_mem>>)
      %dma_wait3A = arith.constant 0 : i32
      %dma_wait3A_790 = tpu.memref_slice %arg5[%arg0, %add3A_784, %dma_wait3A] : memref<2x10240x128xf32, #tpu.memory_space<hbm>> -> memref<1x128x128xf32, #tpu.memory_space<hbm>>
      %dma_wait3A_791 = tpu.memref_squeeze %dma_wait3A_790 : memref<1x128x128xf32, #tpu.memory_space<hbm>> -> memref<128x128xf32, #tpu.memory_space<hbm>>
      %dma_wait3A_792 = arith.constant 0 : i32
      %dma_wait3A_793 = tpu.memref_slice %arg5[%arg0, %add3A_784, %dma_wait3A_792] : memref<2x10240x128xf32, #tpu.memory_space<hbm>> -> memref<1x128x128xf32, #tpu.memory_space<hbm>>
      %dma_wait3A_794 = tpu.memref_squeeze %dma_wait3A_793 : memref<1x128x128xf32, #tpu.memory_space<hbm>> -> memref<128x128xf32, #tpu.memory_space<hbm>>
      tpu.wait_dma2 semaphore(%run_scoped3A : memref<!tpu.dma_semaphore, #tpu.memory_space<semaphore_mem>>) src(%arg9 : memref<128x128xf32, #tpu.memory_space<vmem>>) dst(%dma_wait3A_794 : memref<128x128xf32, #tpu.memory_space<hbm>>)
      tpu.yield
    }) : () -> ()
    return
  }
}

#map = affine_map<(d0, d1) -> (0, 0)>
#map1 = affine_map<(d0, d1) -> (0, 0, 0)>
module attributes {stable_mosaic.version = 14 : i64} {
  func.func @agg_kernel(%arg0: i32, %arg1: i32, %arg2: memref<10000x128xf32, #tpu.memory_space<hbm>>, %arg3: memref<32x80x128xi32, #tpu.memory_space<hbm>>, %arg4: memref<32x80x128xi32, #tpu.memory_space<hbm>>, %arg5: memref<128x128xf32, #tpu.memory_space<hbm>>, %arg6: memref<2x10240x128xf32, #tpu.memory_space<hbm>>, %arg7: memref<128xi32, #tpu.memory_space<vmem>>, %arg8: memref<128xi32, #tpu.memory_space<vmem>>, %arg9: memref<128xi32, #tpu.memory_space<vmem>>, %arg10: memref<128x128xf32, #tpu.memory_space<vmem>>, %arg11: memref<128x128xf32, #tpu.memory_space<vmem>>, %arg12: memref<10240x128xf32, #tpu.memory_space<vmem_shared>>, %arg13: memref<!tpu.dma_semaphore, #tpu.memory_space<semaphore_mem>>, %arg14: memref<!tpu.dma_semaphore, #tpu.memory_space<semaphore_mem>>) attributes {dimension_semantics = [#tpu.dimension_semantics<core_parallel>, #tpu.dimension_semantics<subcore_parallel>], iteration_bounds = array<i64: 2, 16>, scalar_prefetch = 0 : i64, scratch_operands = 8 : i64, tpu.core_type = #tpu.core_type<sc_vector_subcore>, window_params = [{transform_indices = #map}, {transform_indices = #map1}, {transform_indices = #map1}, {transform_indices = #map}, {transform_indices = #map1}]} {
    %mul3A = arith.constant 16 : i32
    %mul3A_0 = arith.muli %arg0, %mul3A : i32
    %add3A = arith.addi %mul3A_0, %arg1 : i32
    "tpu.region"() ({
      %run_scoped3A_787 = tpu.sem_alloc : memref<!tpu.dma_semaphore, #tpu.memory_space<semaphore_mem>>
      tpu.enqueue_dma source(%arg5 : memref<128x128xf32, #tpu.memory_space<hbm>>) target(%arg10 : memref<128x128xf32, #tpu.memory_space<vmem>>) target_semaphore(%run_scoped3A_787 : memref<!tpu.dma_semaphore, #tpu.memory_space<semaphore_mem>>)
      tpu.wait_dma2 semaphore(%run_scoped3A_787 : memref<!tpu.dma_semaphore, #tpu.memory_space<semaphore_mem>>) src(%arg5 : memref<128x128xf32, #tpu.memory_space<hbm>>) dst(%arg10 : memref<128x128xf32, #tpu.memory_space<vmem>>)
      tpu.yield
    }) : () -> ()
    %mul3A_1 = arith.constant 640 : i32
    %mul3A_2 = arith.muli %arg1, %mul3A_1 : i32
    %add3A_3 = arith.constant 0 : i32
    %add3A_4 = arith.addi %mul3A_2, %add3A_3 : i32
    %iota3A = tpu.iota {dimensions = array<i32: 0>} : vector<16xi32>
    %add3A_5 = arith.constant 0 : i32
    %add3A_6 = arith.addi %add3A_4, %add3A_5 : i32
    %add3A_7 = vector.broadcast %add3A_6 : i32 to vector<16xi32>
    %add3A_8 = arith.addi %iota3A, %add3A_7 : vector<16xi32>
    %swap3A = arith.constant 0 : index
    %swap3A_9 = tpu.vector_load %arg9[%swap3A] {strides = array<i32>} : memref<128xi32, #tpu.memory_space<vmem>>, vector<16xi32>,
    %swap3A_10 = vector.shape_cast %swap3A_9 : vector<16xi32> to vector<16xi32>
    %swap3A_11 = vector.shape_cast %add3A_8 : vector<16xi32> to vector<16xi32>
    tpu.vector_store %arg9[%swap3A], %swap3A_11 {strides = array<i32>} : memref<128xi32, #tpu.memory_space<vmem>>, vector<16xi32>,
    %iota3A_12 = tpu.iota {dimensions = array<i32: 0>} : vector<16xi32>
    %add3A_13 = arith.constant 16 : i32
    %add3A_14 = arith.addi %add3A_4, %add3A_13 : i32
    %add3A_15 = vector.broadcast %add3A_14 : i32 to vector<16xi32>
    %add3A_16 = arith.addi %iota3A_12, %add3A_15 : vector<16xi32>
    %swap3A_17 = arith.constant 16 : index
    %swap3A_18 = tpu.vector_load %arg9[%swap3A_17] {strides = array<i32>} : memref<128xi32, #tpu.memory_space<vmem>>, vector<16xi32>,
    %swap3A_19 = vector.shape_cast %swap3A_18 : vector<16xi32> to vector<16xi32>
    %swap3A_20 = vector.shape_cast %add3A_16 : vector<16xi32> to vector<16xi32>
    tpu.vector_store %arg9[%swap3A_17], %swap3A_20 {strides = array<i32>} : memref<128xi32, #tpu.memory_space<vmem>>, vector<16xi32>,
    %iota3A_21 = tpu.iota {dimensions = array<i32: 0>} : vector<16xi32>
    %add3A_22 = arith.constant 32 : i32
    %add3A_23 = arith.addi %add3A_4, %add3A_22 : i32
    %add3A_24 = vector.broadcast %add3A_23 : i32 to vector<16xi32>
    %add3A_25 = arith.addi %iota3A_21, %add3A_24 : vector<16xi32>
    %swap3A_26 = arith.constant 32 : index
    %swap3A_27 = tpu.vector_load %arg9[%swap3A_26] {strides = array<i32>} : memref<128xi32, #tpu.memory_space<vmem>>, vector<16xi32>,
    %swap3A_28 = vector.shape_cast %swap3A_27 : vector<16xi32> to vector<16xi32>
    %swap3A_29 = vector.shape_cast %add3A_25 : vector<16xi32> to vector<16xi32>
    tpu.vector_store %arg9[%swap3A_26], %swap3A_29 {strides = array<i32>} : memref<128xi32, #tpu.memory_space<vmem>>, vector<16xi32>,
    %iota3A_30 = tpu.iota {dimensions = array<i32: 0>} : vector<16xi32>
    %add3A_31 = arith.constant 48 : i32
    %add3A_32 = arith.addi %add3A_4, %add3A_31 : i32
    %add3A_33 = vector.broadcast %add3A_32 : i32 to vector<16xi32>
    %add3A_34 = arith.addi %iota3A_30, %add3A_33 : vector<16xi32>
    %swap3A_35 = arith.constant 48 : index
    %swap3A_36 = tpu.vector_load %arg9[%swap3A_35] {strides = array<i32>} : memref<128xi32, #tpu.memory_space<vmem>>, vector<16xi32>,
    %swap3A_37 = vector.shape_cast %swap3A_36 : vector<16xi32> to vector<16xi32>
    %swap3A_38 = vector.shape_cast %add3A_34 : vector<16xi32> to vector<16xi32>
    tpu.vector_store %arg9[%swap3A_35], %swap3A_38 {strides = array<i32>} : memref<128xi32, #tpu.memory_space<vmem>>, vector<16xi32>,
    %iota3A_39 = tpu.iota {dimensions = array<i32: 0>} : vector<16xi32>
    %add3A_40 = arith.constant 64 : i32
    %add3A_41 = arith.addi %add3A_4, %add3A_40 : i32
    %add3A_42 = vector.broadcast %add3A_41 : i32 to vector<16xi32>
    %add3A_43 = arith.addi %iota3A_39, %add3A_42 : vector<16xi32>
    %swap3A_44 = arith.constant 64 : index
    %swap3A_45 = tpu.vector_load %arg9[%swap3A_44] {strides = array<i32>} : memref<128xi32, #tpu.memory_space<vmem>>, vector<16xi32>,
    %swap3A_46 = vector.shape_cast %swap3A_45 : vector<16xi32> to vector<16xi32>
    %swap3A_47 = vector.shape_cast %add3A_43 : vector<16xi32> to vector<16xi32>
    tpu.vector_store %arg9[%swap3A_44], %swap3A_47 {strides = array<i32>} : memref<128xi32, #tpu.memory_space<vmem>>, vector<16xi32>,
    %iota3A_48 = tpu.iota {dimensions = array<i32: 0>} : vector<16xi32>
    %add3A_49 = arith.constant 80 : i32
    %add3A_50 = arith.addi %add3A_4, %add3A_49 : i32
    %add3A_51 = vector.broadcast %add3A_50 : i32 to vector<16xi32>
    %add3A_52 = arith.addi %iota3A_48, %add3A_51 : vector<16xi32>
    %swap3A_53 = arith.constant 80 : index
    %swap3A_54 = tpu.vector_load %arg9[%swap3A_53] {strides = array<i32>} : memref<128xi32, #tpu.memory_space<vmem>>, vector<16xi32>,
    %swap3A_55 = vector.shape_cast %swap3A_54 : vector<16xi32> to vector<16xi32>
    %swap3A_56 = vector.shape_cast %add3A_52 : vector<16xi32> to vector<16xi32>
    tpu.vector_store %arg9[%swap3A_53], %swap3A_56 {strides = array<i32>} : memref<128xi32, #tpu.memory_space<vmem>>, vector<16xi32>,
    %iota3A_57 = tpu.iota {dimensions = array<i32: 0>} : vector<16xi32>
    %add3A_58 = arith.constant 96 : i32
    %add3A_59 = arith.addi %add3A_4, %add3A_58 : i32
    %add3A_60 = vector.broadcast %add3A_59 : i32 to vector<16xi32>
    %add3A_61 = arith.addi %iota3A_57, %add3A_60 : vector<16xi32>
    %swap3A_62 = arith.constant 96 : index
    %swap3A_63 = tpu.vector_load %arg9[%swap3A_62] {strides = array<i32>} : memref<128xi32, #tpu.memory_space<vmem>>, vector<16xi32>,
    %swap3A_64 = vector.shape_cast %swap3A_63 : vector<16xi32> to vector<16xi32>
    %swap3A_65 = vector.shape_cast %add3A_61 : vector<16xi32> to vector<16xi32>
    tpu.vector_store %arg9[%swap3A_62], %swap3A_65 {strides = array<i32>} : memref<128xi32, #tpu.memory_space<vmem>>, vector<16xi32>,
    %iota3A_66 = tpu.iota {dimensions = array<i32: 0>} : vector<16xi32>
    %add3A_67 = arith.constant 112 : i32
    %add3A_68 = arith.addi %add3A_4, %add3A_67 : i32
    %add3A_69 = vector.broadcast %add3A_68 : i32 to vector<16xi32>
    %add3A_70 = arith.addi %iota3A_66, %add3A_69 : vector<16xi32>
    %swap3A_71 = arith.constant 112 : index
    %swap3A_72 = tpu.vector_load %arg9[%swap3A_71] {strides = array<i32>} : memref<128xi32, #tpu.memory_space<vmem>>, vector<16xi32>,
    %swap3A_73 = vector.shape_cast %swap3A_72 : vector<16xi32> to vector<16xi32>
    %swap3A_74 = vector.shape_cast %add3A_70 : vector<16xi32> to vector<16xi32>
    tpu.vector_store %arg9[%swap3A_71], %swap3A_74 {strides = array<i32>} : memref<128xi32, #tpu.memory_space<vmem>>, vector<16xi32>,
    "tpu.region"() ({
      %run_scoped3A_787 = tpu.sem_alloc : memref<!tpu.dma_semaphore, #tpu.memory_space<semaphore_mem>>
      %dma_start3A_788 = arith.constant 0 : i32
      %dma_start3A_789 = arith.constant 0 : i32
      %dma_start3A_790 = tpu.memref_slice %arg12[%dma_start3A_788, %dma_start3A_789] : memref<10240x128xf32, #tpu.memory_space<vmem_shared>> -> memref<10240x128xf32, #tpu.memory_space<vmem_shared>>
      tpu.enqueue_indirect_dma source(%arg10 : memref<128x128xf32, #tpu.memory_space<vmem>>) target(%dma_start3A_790 : memref<10240x128xf32, #tpu.memory_space<vmem_shared>>) offsets(%arg9 : memref<128xi32, #tpu.memory_space<vmem>>) semaphore(%run_scoped3A_787 : memref<!tpu.dma_semaphore, #tpu.memory_space<semaphore_mem>>)
      %dma_wait3A = arith.constant 0 : i32
      %dma_wait3A_791 = arith.constant 0 : i32
      %dma_wait3A_792 = tpu.memref_slice %arg12[%dma_wait3A, %dma_wait3A_791] : memref<10240x128xf32, #tpu.memory_space<vmem_shared>> -> memref<10240x128xf32, #tpu.memory_space<vmem_shared>>
      tpu.wait_indirect_dma semaphore(%run_scoped3A_787 : memref<!tpu.dma_semaphore, #tpu.memory_space<semaphore_mem>>) src(%arg10 : memref<128x128xf32, #tpu.memory_space<vmem>>) dst(%dma_wait3A_792 : memref<10240x128xf32, #tpu.memory_space<vmem_shared>>)
      tpu.yield
    }) : () -> ()
    %mul3A_75 = arith.constant 640 : i32
    %mul3A_76 = arith.muli %arg1, %mul3A_75 : i32
    %add3A_77 = arith.constant 128 : i32
    %add3A_78 = arith.addi %mul3A_76, %add3A_77 : i32
    %iota3A_79 = tpu.iota {dimensions = array<i32: 0>} : vector<16xi32>
    %add3A_80 = arith.constant 0 : i32
    %add3A_81 = arith.addi %add3A_78, %add3A_80 : i32
    %add3A_82 = vector.broadcast %add3A_81 : i32 to vector<16xi32>
    %add3A_83 = arith.addi %iota3A_79, %add3A_82 : vector<16xi32>
    %swap3A_84 = arith.constant 0 : index
    %swap3A_85 = tpu.vector_load %arg9[%swap3A_84] {strides = array<i32>} : memref<128xi32, #tpu.memory_space<vmem>>, vector<16xi32>,
    %swap3A_86 = vector.shape_cast %swap3A_85 : vector<16xi32> to vector<16xi32>
    %swap3A_87 = vector.shape_cast %add3A_83 : vector<16xi32> to vector<16xi32>
    tpu.vector_store %arg9[%swap3A_84], %swap3A_87 {strides = array<i32>} : memref<128xi32, #tpu.memory_space<vmem>>, vector<16xi32>,
    %iota3A_88 = tpu.iota {dimensions = array<i32: 0>} : vector<16xi32>
    %add3A_89 = arith.constant 16 : i32
    %add3A_90 = arith.addi %add3A_78, %add3A_89 : i32
    %add3A_91 = vector.broadcast %add3A_90 : i32 to vector<16xi32>
    %add3A_92 = arith.addi %iota3A_88, %add3A_91 : vector<16xi32>
    %swap3A_93 = arith.constant 16 : index
    %swap3A_94 = tpu.vector_load %arg9[%swap3A_93] {strides = array<i32>} : memref<128xi32, #tpu.memory_space<vmem>>, vector<16xi32>,
    %swap3A_95 = vector.shape_cast %swap3A_94 : vector<16xi32> to vector<16xi32>
    %swap3A_96 = vector.shape_cast %add3A_92 : vector<16xi32> to vector<16xi32>
    tpu.vector_store %arg9[%swap3A_93], %swap3A_96 {strides = array<i32>} : memref<128xi32, #tpu.memory_space<vmem>>, vector<16xi32>,
    %iota3A_97 = tpu.iota {dimensions = array<i32: 0>} : vector<16xi32>
    %add3A_98 = arith.constant 32 : i32
    %add3A_99 = arith.addi %add3A_78, %add3A_98 : i32
    %add3A_100 = vector.broadcast %add3A_99 : i32 to vector<16xi32>
    %add3A_101 = arith.addi %iota3A_97, %add3A_100 : vector<16xi32>
    %swap3A_102 = arith.constant 32 : index
    %swap3A_103 = tpu.vector_load %arg9[%swap3A_102] {strides = array<i32>} : memref<128xi32, #tpu.memory_space<vmem>>, vector<16xi32>,
    %swap3A_104 = vector.shape_cast %swap3A_103 : vector<16xi32> to vector<16xi32>
    %swap3A_105 = vector.shape_cast %add3A_101 : vector<16xi32> to vector<16xi32>
    tpu.vector_store %arg9[%swap3A_102], %swap3A_105 {strides = array<i32>} : memref<128xi32, #tpu.memory_space<vmem>>, vector<16xi32>,
    %iota3A_106 = tpu.iota {dimensions = array<i32: 0>} : vector<16xi32>
    %add3A_107 = arith.constant 48 : i32
    %add3A_108 = arith.addi %add3A_78, %add3A_107 : i32
    %add3A_109 = vector.broadcast %add3A_108 : i32 to vector<16xi32>
    %add3A_110 = arith.addi %iota3A_106, %add3A_109 : vector<16xi32>
    %swap3A_111 = arith.constant 48 : index
    %swap3A_112 = tpu.vector_load %arg9[%swap3A_111] {strides = array<i32>} : memref<128xi32, #tpu.memory_space<vmem>>, vector<16xi32>,
    %swap3A_113 = vector.shape_cast %swap3A_112 : vector<16xi32> to vector<16xi32>
    %swap3A_114 = vector.shape_cast %add3A_110 : vector<16xi32> to vector<16xi32>
    tpu.vector_store %arg9[%swap3A_111], %swap3A_114 {strides = array<i32>} : memref<128xi32, #tpu.memory_space<vmem>>, vector<16xi32>,
    %iota3A_115 = tpu.iota {dimensions = array<i32: 0>} : vector<16xi32>
    %add3A_116 = arith.constant 64 : i32
    %add3A_117 = arith.addi %add3A_78, %add3A_116 : i32
    %add3A_118 = vector.broadcast %add3A_117 : i32 to vector<16xi32>
    %add3A_119 = arith.addi %iota3A_115, %add3A_118 : vector<16xi32>
    %swap3A_120 = arith.constant 64 : index
    %swap3A_121 = tpu.vector_load %arg9[%swap3A_120] {strides = array<i32>} : memref<128xi32, #tpu.memory_space<vmem>>, vector<16xi32>,
    %swap3A_122 = vector.shape_cast %swap3A_121 : vector<16xi32> to vector<16xi32>
    %swap3A_123 = vector.shape_cast %add3A_119 : vector<16xi32> to vector<16xi32>
    tpu.vector_store %arg9[%swap3A_120], %swap3A_123 {strides = array<i32>} : memref<128xi32, #tpu.memory_space<vmem>>, vector<16xi32>,
    %iota3A_124 = tpu.iota {dimensions = array<i32: 0>} : vector<16xi32>
    %add3A_125 = arith.constant 80 : i32
    %add3A_126 = arith.addi %add3A_78, %add3A_125 : i32
    %add3A_127 = vector.broadcast %add3A_126 : i32 to vector<16xi32>
    %add3A_128 = arith.addi %iota3A_124, %add3A_127 : vector<16xi32>
    %swap3A_129 = arith.constant 80 : index
    %swap3A_130 = tpu.vector_load %arg9[%swap3A_129] {strides = array<i32>} : memref<128xi32, #tpu.memory_space<vmem>>, vector<16xi32>,
    %swap3A_131 = vector.shape_cast %swap3A_130 : vector<16xi32> to vector<16xi32>
    %swap3A_132 = vector.shape_cast %add3A_128 : vector<16xi32> to vector<16xi32>
    tpu.vector_store %arg9[%swap3A_129], %swap3A_132 {strides = array<i32>} : memref<128xi32, #tpu.memory_space<vmem>>, vector<16xi32>,
    %iota3A_133 = tpu.iota {dimensions = array<i32: 0>} : vector<16xi32>
    %add3A_134 = arith.constant 96 : i32
    %add3A_135 = arith.addi %add3A_78, %add3A_134 : i32
    %add3A_136 = vector.broadcast %add3A_135 : i32 to vector<16xi32>
    %add3A_137 = arith.addi %iota3A_133, %add3A_136 : vector<16xi32>
    %swap3A_138 = arith.constant 96 : index
    %swap3A_139 = tpu.vector_load %arg9[%swap3A_138] {strides = array<i32>} : memref<128xi32, #tpu.memory_space<vmem>>, vector<16xi32>,
    %swap3A_140 = vector.shape_cast %swap3A_139 : vector<16xi32> to vector<16xi32>
    %swap3A_141 = vector.shape_cast %add3A_137 : vector<16xi32> to vector<16xi32>
    tpu.vector_store %arg9[%swap3A_138], %swap3A_141 {strides = array<i32>} : memref<128xi32, #tpu.memory_space<vmem>>, vector<16xi32>,
    %iota3A_142 = tpu.iota {dimensions = array<i32: 0>} : vector<16xi32>
    %add3A_143 = arith.constant 112 : i32
    %add3A_144 = arith.addi %add3A_78, %add3A_143 : i32
    %add3A_145 = vector.broadcast %add3A_144 : i32 to vector<16xi32>
    %add3A_146 = arith.addi %iota3A_142, %add3A_145 : vector<16xi32>
    %swap3A_147 = arith.constant 112 : index
    %swap3A_148 = tpu.vector_load %arg9[%swap3A_147] {strides = array<i32>} : memref<128xi32, #tpu.memory_space<vmem>>, vector<16xi32>,
    %swap3A_149 = vector.shape_cast %swap3A_148 : vector<16xi32> to vector<16xi32>
    %swap3A_150 = vector.shape_cast %add3A_146 : vector<16xi32> to vector<16xi32>
    tpu.vector_store %arg9[%swap3A_147], %swap3A_150 {strides = array<i32>} : memref<128xi32, #tpu.memory_space<vmem>>, vector<16xi32>,
    "tpu.region"() ({
      %run_scoped3A_787 = tpu.sem_alloc : memref<!tpu.dma_semaphore, #tpu.memory_space<semaphore_mem>>
      %dma_start3A_788 = arith.constant 0 : i32
      %dma_start3A_789 = arith.constant 0 : i32
      %dma_start3A_790 = tpu.memref_slice %arg12[%dma_start3A_788, %dma_start3A_789] : memref<10240x128xf32, #tpu.memory_space<vmem_shared>> -> memref<10240x128xf32, #tpu.memory_space<vmem_shared>>
      tpu.enqueue_indirect_dma source(%arg10 : memref<128x128xf32, #tpu.memory_space<vmem>>) target(%dma_start3A_790 : memref<10240x128xf32, #tpu.memory_space<vmem_shared>>) offsets(%arg9 : memref<128xi32, #tpu.memory_space<vmem>>) semaphore(%run_scoped3A_787 : memref<!tpu.dma_semaphore, #tpu.memory_space<semaphore_mem>>)
      %dma_wait3A = arith.constant 0 : i32
      %dma_wait3A_791 = arith.constant 0 : i32
      %dma_wait3A_792 = tpu.memref_slice %arg12[%dma_wait3A, %dma_wait3A_791] : memref<10240x128xf32, #tpu.memory_space<vmem_shared>> -> memref<10240x128xf32, #tpu.memory_space<vmem_shared>>
      tpu.wait_indirect_dma semaphore(%run_scoped3A_787 : memref<!tpu.dma_semaphore, #tpu.memory_space<semaphore_mem>>) src(%arg10 : memref<128x128xf32, #tpu.memory_space<vmem>>) dst(%dma_wait3A_792 : memref<10240x128xf32, #tpu.memory_space<vmem_shared>>)
      tpu.yield
    }) : () -> ()
    %mul3A_151 = arith.constant 640 : i32
    %mul3A_152 = arith.muli %arg1, %mul3A_151 : i32
    %add3A_153 = arith.constant 256 : i32
    %add3A_154 = arith.addi %mul3A_152, %add3A_153 : i32
    %iota3A_155 = tpu.iota {dimensions = array<i32: 0>} : vector<16xi32>
    %add3A_156 = arith.constant 0 : i32
    %add3A_157 = arith.addi %add3A_154, %add3A_156 : i32
    %add3A_158 = vector.broadcast %add3A_157 : i32 to vector<16xi32>
    %add3A_159 = arith.addi %iota3A_155, %add3A_158 : vector<16xi32>
    %swap3A_160 = arith.constant 0 : index
    %swap3A_161 = tpu.vector_load %arg9[%swap3A_160] {strides = array<i32>} : memref<128xi32, #tpu.memory_space<vmem>>, vector<16xi32>,
    %swap3A_162 = vector.shape_cast %swap3A_161 : vector<16xi32> to vector<16xi32>
    %swap3A_163 = vector.shape_cast %add3A_159 : vector<16xi32> to vector<16xi32>
    tpu.vector_store %arg9[%swap3A_160], %swap3A_163 {strides = array<i32>} : memref<128xi32, #tpu.memory_space<vmem>>, vector<16xi32>,
    %iota3A_164 = tpu.iota {dimensions = array<i32: 0>} : vector<16xi32>
    %add3A_165 = arith.constant 16 : i32
    %add3A_166 = arith.addi %add3A_154, %add3A_165 : i32
    %add3A_167 = vector.broadcast %add3A_166 : i32 to vector<16xi32>
    %add3A_168 = arith.addi %iota3A_164, %add3A_167 : vector<16xi32>
    %swap3A_169 = arith.constant 16 : index
    %swap3A_170 = tpu.vector_load %arg9[%swap3A_169] {strides = array<i32>} : memref<128xi32, #tpu.memory_space<vmem>>, vector<16xi32>,
    %swap3A_171 = vector.shape_cast %swap3A_170 : vector<16xi32> to vector<16xi32>
    %swap3A_172 = vector.shape_cast %add3A_168 : vector<16xi32> to vector<16xi32>
    tpu.vector_store %arg9[%swap3A_169], %swap3A_172 {strides = array<i32>} : memref<128xi32, #tpu.memory_space<vmem>>, vector<16xi32>,
    %iota3A_173 = tpu.iota {dimensions = array<i32: 0>} : vector<16xi32>
    %add3A_174 = arith.constant 32 : i32
    %add3A_175 = arith.addi %add3A_154, %add3A_174 : i32
    %add3A_176 = vector.broadcast %add3A_175 : i32 to vector<16xi32>
    %add3A_177 = arith.addi %iota3A_173, %add3A_176 : vector<16xi32>
    %swap3A_178 = arith.constant 32 : index
    %swap3A_179 = tpu.vector_load %arg9[%swap3A_178] {strides = array<i32>} : memref<128xi32, #tpu.memory_space<vmem>>, vector<16xi32>,
    %swap3A_180 = vector.shape_cast %swap3A_179 : vector<16xi32> to vector<16xi32>
    %swap3A_181 = vector.shape_cast %add3A_177 : vector<16xi32> to vector<16xi32>
    tpu.vector_store %arg9[%swap3A_178], %swap3A_181 {strides = array<i32>} : memref<128xi32, #tpu.memory_space<vmem>>, vector<16xi32>,
    %iota3A_182 = tpu.iota {dimensions = array<i32: 0>} : vector<16xi32>
    %add3A_183 = arith.constant 48 : i32
    %add3A_184 = arith.addi %add3A_154, %add3A_183 : i32
    %add3A_185 = vector.broadcast %add3A_184 : i32 to vector<16xi32>
    %add3A_186 = arith.addi %iota3A_182, %add3A_185 : vector<16xi32>
    %swap3A_187 = arith.constant 48 : index
    %swap3A_188 = tpu.vector_load %arg9[%swap3A_187] {strides = array<i32>} : memref<128xi32, #tpu.memory_space<vmem>>, vector<16xi32>,
    %swap3A_189 = vector.shape_cast %swap3A_188 : vector<16xi32> to vector<16xi32>
    %swap3A_190 = vector.shape_cast %add3A_186 : vector<16xi32> to vector<16xi32>
    tpu.vector_store %arg9[%swap3A_187], %swap3A_190 {strides = array<i32>} : memref<128xi32, #tpu.memory_space<vmem>>, vector<16xi32>,
    %iota3A_191 = tpu.iota {dimensions = array<i32: 0>} : vector<16xi32>
    %add3A_192 = arith.constant 64 : i32
    %add3A_193 = arith.addi %add3A_154, %add3A_192 : i32
    %add3A_194 = vector.broadcast %add3A_193 : i32 to vector<16xi32>
    %add3A_195 = arith.addi %iota3A_191, %add3A_194 : vector<16xi32>
    %swap3A_196 = arith.constant 64 : index
    %swap3A_197 = tpu.vector_load %arg9[%swap3A_196] {strides = array<i32>} : memref<128xi32, #tpu.memory_space<vmem>>, vector<16xi32>,
    %swap3A_198 = vector.shape_cast %swap3A_197 : vector<16xi32> to vector<16xi32>
    %swap3A_199 = vector.shape_cast %add3A_195 : vector<16xi32> to vector<16xi32>
    tpu.vector_store %arg9[%swap3A_196], %swap3A_199 {strides = array<i32>} : memref<128xi32, #tpu.memory_space<vmem>>, vector<16xi32>,
    %iota3A_200 = tpu.iota {dimensions = array<i32: 0>} : vector<16xi32>
    %add3A_201 = arith.constant 80 : i32
    %add3A_202 = arith.addi %add3A_154, %add3A_201 : i32
    %add3A_203 = vector.broadcast %add3A_202 : i32 to vector<16xi32>
    %add3A_204 = arith.addi %iota3A_200, %add3A_203 : vector<16xi32>
    %swap3A_205 = arith.constant 80 : index
    %swap3A_206 = tpu.vector_load %arg9[%swap3A_205] {strides = array<i32>} : memref<128xi32, #tpu.memory_space<vmem>>, vector<16xi32>,
    %swap3A_207 = vector.shape_cast %swap3A_206 : vector<16xi32> to vector<16xi32>
    %swap3A_208 = vector.shape_cast %add3A_204 : vector<16xi32> to vector<16xi32>
    tpu.vector_store %arg9[%swap3A_205], %swap3A_208 {strides = array<i32>} : memref<128xi32, #tpu.memory_space<vmem>>, vector<16xi32>,
    %iota3A_209 = tpu.iota {dimensions = array<i32: 0>} : vector<16xi32>
    %add3A_210 = arith.constant 96 : i32
    %add3A_211 = arith.addi %add3A_154, %add3A_210 : i32
    %add3A_212 = vector.broadcast %add3A_211 : i32 to vector<16xi32>
    %add3A_213 = arith.addi %iota3A_209, %add3A_212 : vector<16xi32>
    %swap3A_214 = arith.constant 96 : index
    %swap3A_215 = tpu.vector_load %arg9[%swap3A_214] {strides = array<i32>} : memref<128xi32, #tpu.memory_space<vmem>>, vector<16xi32>,
    %swap3A_216 = vector.shape_cast %swap3A_215 : vector<16xi32> to vector<16xi32>
    %swap3A_217 = vector.shape_cast %add3A_213 : vector<16xi32> to vector<16xi32>
    tpu.vector_store %arg9[%swap3A_214], %swap3A_217 {strides = array<i32>} : memref<128xi32, #tpu.memory_space<vmem>>, vector<16xi32>,
    %iota3A_218 = tpu.iota {dimensions = array<i32: 0>} : vector<16xi32>
    %add3A_219 = arith.constant 112 : i32
    %add3A_220 = arith.addi %add3A_154, %add3A_219 : i32
    %add3A_221 = vector.broadcast %add3A_220 : i32 to vector<16xi32>
    %add3A_222 = arith.addi %iota3A_218, %add3A_221 : vector<16xi32>
    %swap3A_223 = arith.constant 112 : index
    %swap3A_224 = tpu.vector_load %arg9[%swap3A_223] {strides = array<i32>} : memref<128xi32, #tpu.memory_space<vmem>>, vector<16xi32>,
    %swap3A_225 = vector.shape_cast %swap3A_224 : vector<16xi32> to vector<16xi32>
    %swap3A_226 = vector.shape_cast %add3A_222 : vector<16xi32> to vector<16xi32>
    tpu.vector_store %arg9[%swap3A_223], %swap3A_226 {strides = array<i32>} : memref<128xi32, #tpu.memory_space<vmem>>, vector<16xi32>,
    "tpu.region"() ({
      %run_scoped3A_787 = tpu.sem_alloc : memref<!tpu.dma_semaphore, #tpu.memory_space<semaphore_mem>>
      %dma_start3A_788 = arith.constant 0 : i32
      %dma_start3A_789 = arith.constant 0 : i32
      %dma_start3A_790 = tpu.memref_slice %arg12[%dma_start3A_788, %dma_start3A_789] : memref<10240x128xf32, #tpu.memory_space<vmem_shared>> -> memref<10240x128xf32, #tpu.memory_space<vmem_shared>>
      tpu.enqueue_indirect_dma source(%arg10 : memref<128x128xf32, #tpu.memory_space<vmem>>) target(%dma_start3A_790 : memref<10240x128xf32, #tpu.memory_space<vmem_shared>>) offsets(%arg9 : memref<128xi32, #tpu.memory_space<vmem>>) semaphore(%run_scoped3A_787 : memref<!tpu.dma_semaphore, #tpu.memory_space<semaphore_mem>>)
      %dma_wait3A = arith.constant 0 : i32
      %dma_wait3A_791 = arith.constant 0 : i32
      %dma_wait3A_792 = tpu.memref_slice %arg12[%dma_wait3A, %dma_wait3A_791] : memref<10240x128xf32, #tpu.memory_space<vmem_shared>> -> memref<10240x128xf32, #tpu.memory_space<vmem_shared>>
      tpu.wait_indirect_dma semaphore(%run_scoped3A_787 : memref<!tpu.dma_semaphore, #tpu.memory_space<semaphore_mem>>) src(%arg10 : memref<128x128xf32, #tpu.memory_space<vmem>>) dst(%dma_wait3A_792 : memref<10240x128xf32, #tpu.memory_space<vmem_shared>>)
      tpu.yield
    }) : () -> ()
    %mul3A_227 = arith.constant 640 : i32
    %mul3A_228 = arith.muli %arg1, %mul3A_227 : i32
    %add3A_229 = arith.constant 384 : i32
    %add3A_230 = arith.addi %mul3A_228, %add3A_229 : i32
    %iota3A_231 = tpu.iota {dimensions = array<i32: 0>} : vector<16xi32>
    %add3A_232 = arith.constant 0 : i32
    %add3A_233 = arith.addi %add3A_230, %add3A_232 : i32
    %add3A_234 = vector.broadcast %add3A_233 : i32 to vector<16xi32>
    %add3A_235 = arith.addi %iota3A_231, %add3A_234 : vector<16xi32>
    %swap3A_236 = arith.constant 0 : index
    %swap3A_237 = tpu.vector_load %arg9[%swap3A_236] {strides = array<i32>} : memref<128xi32, #tpu.memory_space<vmem>>, vector<16xi32>,
    %swap3A_238 = vector.shape_cast %swap3A_237 : vector<16xi32> to vector<16xi32>
    %swap3A_239 = vector.shape_cast %add3A_235 : vector<16xi32> to vector<16xi32>
    tpu.vector_store %arg9[%swap3A_236], %swap3A_239 {strides = array<i32>} : memref<128xi32, #tpu.memory_space<vmem>>, vector<16xi32>,
    %iota3A_240 = tpu.iota {dimensions = array<i32: 0>} : vector<16xi32>
    %add3A_241 = arith.constant 16 : i32
    %add3A_242 = arith.addi %add3A_230, %add3A_241 : i32
    %add3A_243 = vector.broadcast %add3A_242 : i32 to vector<16xi32>
    %add3A_244 = arith.addi %iota3A_240, %add3A_243 : vector<16xi32>
    %swap3A_245 = arith.constant 16 : index
    %swap3A_246 = tpu.vector_load %arg9[%swap3A_245] {strides = array<i32>} : memref<128xi32, #tpu.memory_space<vmem>>, vector<16xi32>,
    %swap3A_247 = vector.shape_cast %swap3A_246 : vector<16xi32> to vector<16xi32>
    %swap3A_248 = vector.shape_cast %add3A_244 : vector<16xi32> to vector<16xi32>
    tpu.vector_store %arg9[%swap3A_245], %swap3A_248 {strides = array<i32>} : memref<128xi32, #tpu.memory_space<vmem>>, vector<16xi32>,
    %iota3A_249 = tpu.iota {dimensions = array<i32: 0>} : vector<16xi32>
    %add3A_250 = arith.constant 32 : i32
    %add3A_251 = arith.addi %add3A_230, %add3A_250 : i32
    %add3A_252 = vector.broadcast %add3A_251 : i32 to vector<16xi32>
    %add3A_253 = arith.addi %iota3A_249, %add3A_252 : vector<16xi32>
    %swap3A_254 = arith.constant 32 : index
    %swap3A_255 = tpu.vector_load %arg9[%swap3A_254] {strides = array<i32>} : memref<128xi32, #tpu.memory_space<vmem>>, vector<16xi32>,
    %swap3A_256 = vector.shape_cast %swap3A_255 : vector<16xi32> to vector<16xi32>
    %swap3A_257 = vector.shape_cast %add3A_253 : vector<16xi32> to vector<16xi32>
    tpu.vector_store %arg9[%swap3A_254], %swap3A_257 {strides = array<i32>} : memref<128xi32, #tpu.memory_space<vmem>>, vector<16xi32>,
    %iota3A_258 = tpu.iota {dimensions = array<i32: 0>} : vector<16xi32>
    %add3A_259 = arith.constant 48 : i32
    %add3A_260 = arith.addi %add3A_230, %add3A_259 : i32
    %add3A_261 = vector.broadcast %add3A_260 : i32 to vector<16xi32>
    %add3A_262 = arith.addi %iota3A_258, %add3A_261 : vector<16xi32>
    %swap3A_263 = arith.constant 48 : index
    %swap3A_264 = tpu.vector_load %arg9[%swap3A_263] {strides = array<i32>} : memref<128xi32, #tpu.memory_space<vmem>>, vector<16xi32>,
    %swap3A_265 = vector.shape_cast %swap3A_264 : vector<16xi32> to vector<16xi32>
    %swap3A_266 = vector.shape_cast %add3A_262 : vector<16xi32> to vector<16xi32>
    tpu.vector_store %arg9[%swap3A_263], %swap3A_266 {strides = array<i32>} : memref<128xi32, #tpu.memory_space<vmem>>, vector<16xi32>,
    %iota3A_267 = tpu.iota {dimensions = array<i32: 0>} : vector<16xi32>
    %add3A_268 = arith.constant 64 : i32
    %add3A_269 = arith.addi %add3A_230, %add3A_268 : i32
    %add3A_270 = vector.broadcast %add3A_269 : i32 to vector<16xi32>
    %add3A_271 = arith.addi %iota3A_267, %add3A_270 : vector<16xi32>
    %swap3A_272 = arith.constant 64 : index
    %swap3A_273 = tpu.vector_load %arg9[%swap3A_272] {strides = array<i32>} : memref<128xi32, #tpu.memory_space<vmem>>, vector<16xi32>,
    %swap3A_274 = vector.shape_cast %swap3A_273 : vector<16xi32> to vector<16xi32>
    %swap3A_275 = vector.shape_cast %add3A_271 : vector<16xi32> to vector<16xi32>
    tpu.vector_store %arg9[%swap3A_272], %swap3A_275 {strides = array<i32>} : memref<128xi32, #tpu.memory_space<vmem>>, vector<16xi32>,
    %iota3A_276 = tpu.iota {dimensions = array<i32: 0>} : vector<16xi32>
    %add3A_277 = arith.constant 80 : i32
    %add3A_278 = arith.addi %add3A_230, %add3A_277 : i32
    %add3A_279 = vector.broadcast %add3A_278 : i32 to vector<16xi32>
    %add3A_280 = arith.addi %iota3A_276, %add3A_279 : vector<16xi32>
    %swap3A_281 = arith.constant 80 : index
    %swap3A_282 = tpu.vector_load %arg9[%swap3A_281] {strides = array<i32>} : memref<128xi32, #tpu.memory_space<vmem>>, vector<16xi32>,
    %swap3A_283 = vector.shape_cast %swap3A_282 : vector<16xi32> to vector<16xi32>
    %swap3A_284 = vector.shape_cast %add3A_280 : vector<16xi32> to vector<16xi32>
    tpu.vector_store %arg9[%swap3A_281], %swap3A_284 {strides = array<i32>} : memref<128xi32, #tpu.memory_space<vmem>>, vector<16xi32>,
    %iota3A_285 = tpu.iota {dimensions = array<i32: 0>} : vector<16xi32>
    %add3A_286 = arith.constant 96 : i32
    %add3A_287 = arith.addi %add3A_230, %add3A_286 : i32
    %add3A_288 = vector.broadcast %add3A_287 : i32 to vector<16xi32>
    %add3A_289 = arith.addi %iota3A_285, %add3A_288 : vector<16xi32>
    %swap3A_290 = arith.constant 96 : index
    %swap3A_291 = tpu.vector_load %arg9[%swap3A_290] {strides = array<i32>} : memref<128xi32, #tpu.memory_space<vmem>>, vector<16xi32>,
    %swap3A_292 = vector.shape_cast %swap3A_291 : vector<16xi32> to vector<16xi32>
    %swap3A_293 = vector.shape_cast %add3A_289 : vector<16xi32> to vector<16xi32>
    tpu.vector_store %arg9[%swap3A_290], %swap3A_293 {strides = array<i32>} : memref<128xi32, #tpu.memory_space<vmem>>, vector<16xi32>,
    %iota3A_294 = tpu.iota {dimensions = array<i32: 0>} : vector<16xi32>
    %add3A_295 = arith.constant 112 : i32
    %add3A_296 = arith.addi %add3A_230, %add3A_295 : i32
    %add3A_297 = vector.broadcast %add3A_296 : i32 to vector<16xi32>
    %add3A_298 = arith.addi %iota3A_294, %add3A_297 : vector<16xi32>
    %swap3A_299 = arith.constant 112 : index
    %swap3A_300 = tpu.vector_load %arg9[%swap3A_299] {strides = array<i32>} : memref<128xi32, #tpu.memory_space<vmem>>, vector<16xi32>,
    %swap3A_301 = vector.shape_cast %swap3A_300 : vector<16xi32> to vector<16xi32>
    %swap3A_302 = vector.shape_cast %add3A_298 : vector<16xi32> to vector<16xi32>
    tpu.vector_store %arg9[%swap3A_299], %swap3A_302 {strides = array<i32>} : memref<128xi32, #tpu.memory_space<vmem>>, vector<16xi32>,
    "tpu.region"() ({
      %run_scoped3A_787 = tpu.sem_alloc : memref<!tpu.dma_semaphore, #tpu.memory_space<semaphore_mem>>
      %dma_start3A_788 = arith.constant 0 : i32
      %dma_start3A_789 = arith.constant 0 : i32
      %dma_start3A_790 = tpu.memref_slice %arg12[%dma_start3A_788, %dma_start3A_789] : memref<10240x128xf32, #tpu.memory_space<vmem_shared>> -> memref<10240x128xf32, #tpu.memory_space<vmem_shared>>
      tpu.enqueue_indirect_dma source(%arg10 : memref<128x128xf32, #tpu.memory_space<vmem>>) target(%dma_start3A_790 : memref<10240x128xf32, #tpu.memory_space<vmem_shared>>) offsets(%arg9 : memref<128xi32, #tpu.memory_space<vmem>>) semaphore(%run_scoped3A_787 : memref<!tpu.dma_semaphore, #tpu.memory_space<semaphore_mem>>)
      %dma_wait3A = arith.constant 0 : i32
      %dma_wait3A_791 = arith.constant 0 : i32
      %dma_wait3A_792 = tpu.memref_slice %arg12[%dma_wait3A, %dma_wait3A_791] : memref<10240x128xf32, #tpu.memory_space<vmem_shared>> -> memref<10240x128xf32, #tpu.memory_space<vmem_shared>>
      tpu.wait_indirect_dma semaphore(%run_scoped3A_787 : memref<!tpu.dma_semaphore, #tpu.memory_space<semaphore_mem>>) src(%arg10 : memref<128x128xf32, #tpu.memory_space<vmem>>) dst(%dma_wait3A_792 : memref<10240x128xf32, #tpu.memory_space<vmem_shared>>)
      tpu.yield
    }) : () -> ()
    %mul3A_303 = arith.constant 640 : i32
    %mul3A_304 = arith.muli %arg1, %mul3A_303 : i32
    %add3A_305 = arith.constant 512 : i32
    %add3A_306 = arith.addi %mul3A_304, %add3A_305 : i32
    %iota3A_307 = tpu.iota {dimensions = array<i32: 0>} : vector<16xi32>
    %add3A_308 = arith.constant 0 : i32
    %add3A_309 = arith.addi %add3A_306, %add3A_308 : i32
    %add3A_310 = vector.broadcast %add3A_309 : i32 to vector<16xi32>
    %add3A_311 = arith.addi %iota3A_307, %add3A_310 : vector<16xi32>
    %swap3A_312 = arith.constant 0 : index
    %swap3A_313 = tpu.vector_load %arg9[%swap3A_312] {strides = array<i32>} : memref<128xi32, #tpu.memory_space<vmem>>, vector<16xi32>,
    %swap3A_314 = vector.shape_cast %swap3A_313 : vector<16xi32> to vector<16xi32>
    %swap3A_315 = vector.shape_cast %add3A_311 : vector<16xi32> to vector<16xi32>
    tpu.vector_store %arg9[%swap3A_312], %swap3A_315 {strides = array<i32>} : memref<128xi32, #tpu.memory_space<vmem>>, vector<16xi32>,
    %iota3A_316 = tpu.iota {dimensions = array<i32: 0>} : vector<16xi32>
    %add3A_317 = arith.constant 16 : i32
    %add3A_318 = arith.addi %add3A_306, %add3A_317 : i32
    %add3A_319 = vector.broadcast %add3A_318 : i32 to vector<16xi32>
    %add3A_320 = arith.addi %iota3A_316, %add3A_319 : vector<16xi32>
    %swap3A_321 = arith.constant 16 : index
    %swap3A_322 = tpu.vector_load %arg9[%swap3A_321] {strides = array<i32>} : memref<128xi32, #tpu.memory_space<vmem>>, vector<16xi32>,
    %swap3A_323 = vector.shape_cast %swap3A_322 : vector<16xi32> to vector<16xi32>
    %swap3A_324 = vector.shape_cast %add3A_320 : vector<16xi32> to vector<16xi32>
    tpu.vector_store %arg9[%swap3A_321], %swap3A_324 {strides = array<i32>} : memref<128xi32, #tpu.memory_space<vmem>>, vector<16xi32>,
    %iota3A_325 = tpu.iota {dimensions = array<i32: 0>} : vector<16xi32>
    %add3A_326 = arith.constant 32 : i32
    %add3A_327 = arith.addi %add3A_306, %add3A_326 : i32
    %add3A_328 = vector.broadcast %add3A_327 : i32 to vector<16xi32>
    %add3A_329 = arith.addi %iota3A_325, %add3A_328 : vector<16xi32>
    %swap3A_330 = arith.constant 32 : index
    %swap3A_331 = tpu.vector_load %arg9[%swap3A_330] {strides = array<i32>} : memref<128xi32, #tpu.memory_space<vmem>>, vector<16xi32>,
    %swap3A_332 = vector.shape_cast %swap3A_331 : vector<16xi32> to vector<16xi32>
    %swap3A_333 = vector.shape_cast %add3A_329 : vector<16xi32> to vector<16xi32>
    tpu.vector_store %arg9[%swap3A_330], %swap3A_333 {strides = array<i32>} : memref<128xi32, #tpu.memory_space<vmem>>, vector<16xi32>,
    %iota3A_334 = tpu.iota {dimensions = array<i32: 0>} : vector<16xi32>
    %add3A_335 = arith.constant 48 : i32
    %add3A_336 = arith.addi %add3A_306, %add3A_335 : i32
    %add3A_337 = vector.broadcast %add3A_336 : i32 to vector<16xi32>
    %add3A_338 = arith.addi %iota3A_334, %add3A_337 : vector<16xi32>
    %swap3A_339 = arith.constant 48 : index
    %swap3A_340 = tpu.vector_load %arg9[%swap3A_339] {strides = array<i32>} : memref<128xi32, #tpu.memory_space<vmem>>, vector<16xi32>,
    %swap3A_341 = vector.shape_cast %swap3A_340 : vector<16xi32> to vector<16xi32>
    %swap3A_342 = vector.shape_cast %add3A_338 : vector<16xi32> to vector<16xi32>
    tpu.vector_store %arg9[%swap3A_339], %swap3A_342 {strides = array<i32>} : memref<128xi32, #tpu.memory_space<vmem>>, vector<16xi32>,
    %iota3A_343 = tpu.iota {dimensions = array<i32: 0>} : vector<16xi32>
    %add3A_344 = arith.constant 64 : i32
    %add3A_345 = arith.addi %add3A_306, %add3A_344 : i32
    %add3A_346 = vector.broadcast %add3A_345 : i32 to vector<16xi32>
    %add3A_347 = arith.addi %iota3A_343, %add3A_346 : vector<16xi32>
    %swap3A_348 = arith.constant 64 : index
    %swap3A_349 = tpu.vector_load %arg9[%swap3A_348] {strides = array<i32>} : memref<128xi32, #tpu.memory_space<vmem>>, vector<16xi32>,
    %swap3A_350 = vector.shape_cast %swap3A_349 : vector<16xi32> to vector<16xi32>
    %swap3A_351 = vector.shape_cast %add3A_347 : vector<16xi32> to vector<16xi32>
    tpu.vector_store %arg9[%swap3A_348], %swap3A_351 {strides = array<i32>} : memref<128xi32, #tpu.memory_space<vmem>>, vector<16xi32>,
    %iota3A_352 = tpu.iota {dimensions = array<i32: 0>} : vector<16xi32>
    %add3A_353 = arith.constant 80 : i32
    %add3A_354 = arith.addi %add3A_306, %add3A_353 : i32
    %add3A_355 = vector.broadcast %add3A_354 : i32 to vector<16xi32>
    %add3A_356 = arith.addi %iota3A_352, %add3A_355 : vector<16xi32>
    %swap3A_357 = arith.constant 80 : index
    %swap3A_358 = tpu.vector_load %arg9[%swap3A_357] {strides = array<i32>} : memref<128xi32, #tpu.memory_space<vmem>>, vector<16xi32>,
    %swap3A_359 = vector.shape_cast %swap3A_358 : vector<16xi32> to vector<16xi32>
    %swap3A_360 = vector.shape_cast %add3A_356 : vector<16xi32> to vector<16xi32>
    tpu.vector_store %arg9[%swap3A_357], %swap3A_360 {strides = array<i32>} : memref<128xi32, #tpu.memory_space<vmem>>, vector<16xi32>,
    %iota3A_361 = tpu.iota {dimensions = array<i32: 0>} : vector<16xi32>
    %add3A_362 = arith.constant 96 : i32
    %add3A_363 = arith.addi %add3A_306, %add3A_362 : i32
    %add3A_364 = vector.broadcast %add3A_363 : i32 to vector<16xi32>
    %add3A_365 = arith.addi %iota3A_361, %add3A_364 : vector<16xi32>
    %swap3A_366 = arith.constant 96 : index
    %swap3A_367 = tpu.vector_load %arg9[%swap3A_366] {strides = array<i32>} : memref<128xi32, #tpu.memory_space<vmem>>, vector<16xi32>,
    %swap3A_368 = vector.shape_cast %swap3A_367 : vector<16xi32> to vector<16xi32>
    %swap3A_369 = vector.shape_cast %add3A_365 : vector<16xi32> to vector<16xi32>
    tpu.vector_store %arg9[%swap3A_366], %swap3A_369 {strides = array<i32>} : memref<128xi32, #tpu.memory_space<vmem>>, vector<16xi32>,
    %iota3A_370 = tpu.iota {dimensions = array<i32: 0>} : vector<16xi32>
    %add3A_371 = arith.constant 112 : i32
    %add3A_372 = arith.addi %add3A_306, %add3A_371 : i32
    %add3A_373 = vector.broadcast %add3A_372 : i32 to vector<16xi32>
    %add3A_374 = arith.addi %iota3A_370, %add3A_373 : vector<16xi32>
    %swap3A_375 = arith.constant 112 : index
    %swap3A_376 = tpu.vector_load %arg9[%swap3A_375] {strides = array<i32>} : memref<128xi32, #tpu.memory_space<vmem>>, vector<16xi32>,
    %swap3A_377 = vector.shape_cast %swap3A_376 : vector<16xi32> to vector<16xi32>
    %swap3A_378 = vector.shape_cast %add3A_374 : vector<16xi32> to vector<16xi32>
    tpu.vector_store %arg9[%swap3A_375], %swap3A_378 {strides = array<i32>} : memref<128xi32, #tpu.memory_space<vmem>>, vector<16xi32>,
    "tpu.region"() ({
      %run_scoped3A_787 = tpu.sem_alloc : memref<!tpu.dma_semaphore, #tpu.memory_space<semaphore_mem>>
      %dma_start3A_788 = arith.constant 0 : i32
      %dma_start3A_789 = arith.constant 0 : i32
      %dma_start3A_790 = tpu.memref_slice %arg12[%dma_start3A_788, %dma_start3A_789] : memref<10240x128xf32, #tpu.memory_space<vmem_shared>> -> memref<10240x128xf32, #tpu.memory_space<vmem_shared>>
      tpu.enqueue_indirect_dma source(%arg10 : memref<128x128xf32, #tpu.memory_space<vmem>>) target(%dma_start3A_790 : memref<10240x128xf32, #tpu.memory_space<vmem_shared>>) offsets(%arg9 : memref<128xi32, #tpu.memory_space<vmem>>) semaphore(%run_scoped3A_787 : memref<!tpu.dma_semaphore, #tpu.memory_space<semaphore_mem>>)
      %dma_wait3A = arith.constant 0 : i32
      %dma_wait3A_791 = arith.constant 0 : i32
      %dma_wait3A_792 = tpu.memref_slice %arg12[%dma_wait3A, %dma_wait3A_791] : memref<10240x128xf32, #tpu.memory_space<vmem_shared>> -> memref<10240x128xf32, #tpu.memory_space<vmem_shared>>
      tpu.wait_indirect_dma semaphore(%run_scoped3A_787 : memref<!tpu.dma_semaphore, #tpu.memory_space<semaphore_mem>>) src(%arg10 : memref<128x128xf32, #tpu.memory_space<vmem>>) dst(%dma_wait3A_792 : memref<10240x128xf32, #tpu.memory_space<vmem_shared>>)
      tpu.yield
    }) : () -> ()
    %barrier3A = arith.constant 0 : index
    tpu.barrier barrier_id(%barrier3A)
    %run_scoped3A = arith.constant 0 : i32
    "tpu.region"() ({
      %run_scoped3A_787 = tpu.sem_alloc : memref<!tpu.dma_semaphore, #tpu.memory_space<semaphore_mem>>
      %dma_start3A_788 = arith.constant 0 : i32
      %dma_start3A_789 = tpu.memref_slice %arg3[%add3A, %run_scoped3A, %dma_start3A_788] : memref<32x80x128xi32, #tpu.memory_space<hbm>> -> memref<1x1x128xi32, #tpu.memory_space<hbm>>
      %dma_start3A_790 = tpu.memref_squeeze %dma_start3A_789 : memref<1x1x128xi32, #tpu.memory_space<hbm>> -> memref<128xi32, #tpu.memory_space<hbm>>
      %dma_start3A_791 = arith.constant 0 : i32
      %dma_start3A_792 = tpu.memref_slice %arg3[%add3A, %run_scoped3A, %dma_start3A_791] : memref<32x80x128xi32, #tpu.memory_space<hbm>> -> memref<1x1x128xi32, #tpu.memory_space<hbm>>
      %dma_start3A_793 = tpu.memref_squeeze %dma_start3A_792 : memref<1x1x128xi32, #tpu.memory_space<hbm>> -> memref<128xi32, #tpu.memory_space<hbm>>
      tpu.enqueue_dma source(%dma_start3A_793 : memref<128xi32, #tpu.memory_space<hbm>>) target(%arg7 : memref<128xi32, #tpu.memory_space<vmem>>) target_semaphore(%run_scoped3A_787 : memref<!tpu.dma_semaphore, #tpu.memory_space<semaphore_mem>>)
      %dma_wait3A = arith.constant 0 : i32
      %dma_wait3A_794 = tpu.memref_slice %arg3[%add3A, %run_scoped3A, %dma_wait3A] : memref<32x80x128xi32, #tpu.memory_space<hbm>> -> memref<1x1x128xi32, #tpu.memory_space<hbm>>
      %dma_wait3A_795 = tpu.memref_squeeze %dma_wait3A_794 : memref<1x1x128xi32, #tpu.memory_space<hbm>> -> memref<128xi32, #tpu.memory_space<hbm>>
      %dma_wait3A_796 = arith.constant 0 : i32
      %dma_wait3A_797 = tpu.memref_slice %arg3[%add3A, %run_scoped3A, %dma_wait3A_796] : memref<32x80x128xi32, #tpu.memory_space<hbm>> -> memref<1x1x128xi32, #tpu.memory_space<hbm>>
      %dma_wait3A_798 = tpu.memref_squeeze %dma_wait3A_797 : memref<1x1x128xi32, #tpu.memory_space<hbm>> -> memref<128xi32, #tpu.memory_space<hbm>>
      tpu.wait_dma2 semaphore(%run_scoped3A_787 : memref<!tpu.dma_semaphore, #tpu.memory_space<semaphore_mem>>) src(%dma_wait3A_798 : memref<128xi32, #tpu.memory_space<hbm>>) dst(%arg7 : memref<128xi32, #tpu.memory_space<vmem>>)
      tpu.yield
    }) : () -> ()
    %dma_start3A = arith.constant 0 : i32
    %dma_start3A_379 = arith.constant 0 : i32
    %dma_start3A_380 = tpu.memref_slice %arg2[%dma_start3A, %dma_start3A_379] : memref<10000x128xf32, #tpu.memory_space<hbm>> -> memref<10000x128xf32, #tpu.memory_space<hbm>>
    tpu.enqueue_indirect_dma source(%dma_start3A_380 : memref<10000x128xf32, #tpu.memory_space<hbm>>) target(%arg10 : memref<128x128xf32, #tpu.memory_space<vmem>>) offsets(%arg7 : memref<128xi32, #tpu.memory_space<vmem>>) semaphore(%arg13 : memref<!tpu.dma_semaphore, #tpu.memory_space<semaphore_mem>>)
    %scan3A = arith.constant 0 : i32
    %scan3A_381 = arith.constant 0 : i32
    %scan3A_382 = arith.constant 40 : i32
    %scan3A_383 = arith.addi %scan3A_381, %scan3A_382 : i32
    %scan3A_384 = arith.constant 1 : i32
    scf.for %scan3A_787 = %scan3A_381 to %scan3A_383 step %scan3A_384  : i32 {
      %mul3A_788 = arith.constant 2 : i32
      %mul3A_789 = arith.muli %mul3A_788, %scan3A_787 : i32
      %add3A_790 = arith.constant 1 : i32
      %add3A_791 = arith.addi %mul3A_789, %add3A_790 : i32
      "tpu.region"() ({
        %run_scoped3A_808 = tpu.sem_alloc : memref<!tpu.dma_semaphore, #tpu.memory_space<semaphore_mem>>
        %dma_start3A_809 = arith.constant 0 : i32
        %dma_start3A_810 = tpu.memref_slice %arg3[%add3A, %add3A_791, %dma_start3A_809] : memref<32x80x128xi32, #tpu.memory_space<hbm>> -> memref<1x1x128xi32, #tpu.memory_space<hbm>>
        %dma_start3A_811 = tpu.memref_squeeze %dma_start3A_810 : memref<1x1x128xi32, #tpu.memory_space<hbm>> -> memref<128xi32, #tpu.memory_space<hbm>>
        %dma_start3A_812 = arith.constant 0 : i32
        %dma_start3A_813 = tpu.memref_slice %arg3[%add3A, %add3A_791, %dma_start3A_812] : memref<32x80x128xi32, #tpu.memory_space<hbm>> -> memref<1x1x128xi32, #tpu.memory_space<hbm>>
        %dma_start3A_814 = tpu.memref_squeeze %dma_start3A_813 : memref<1x1x128xi32, #tpu.memory_space<hbm>> -> memref<128xi32, #tpu.memory_space<hbm>>
        tpu.enqueue_dma source(%dma_start3A_814 : memref<128xi32, #tpu.memory_space<hbm>>) target(%arg8 : memref<128xi32, #tpu.memory_space<vmem>>) target_semaphore(%run_scoped3A_808 : memref<!tpu.dma_semaphore, #tpu.memory_space<semaphore_mem>>)
        %dma_wait3A_815 = arith.constant 0 : i32
        %dma_wait3A_816 = tpu.memref_slice %arg3[%add3A, %add3A_791, %dma_wait3A_815] : memref<32x80x128xi32, #tpu.memory_space<hbm>> -> memref<1x1x128xi32, #tpu.memory_space<hbm>>
        %dma_wait3A_817 = tpu.memref_squeeze %dma_wait3A_816 : memref<1x1x128xi32, #tpu.memory_space<hbm>> -> memref<128xi32, #tpu.memory_space<hbm>>
        %dma_wait3A_818 = arith.constant 0 : i32
        %dma_wait3A_819 = tpu.memref_slice %arg3[%add3A, %add3A_791, %dma_wait3A_818] : memref<32x80x128xi32, #tpu.memory_space<hbm>> -> memref<1x1x128xi32, #tpu.memory_space<hbm>>
        %dma_wait3A_820 = tpu.memref_squeeze %dma_wait3A_819 : memref<1x1x128xi32, #tpu.memory_space<hbm>> -> memref<128xi32, #tpu.memory_space<hbm>>
        tpu.wait_dma2 semaphore(%run_scoped3A_808 : memref<!tpu.dma_semaphore, #tpu.memory_space<semaphore_mem>>) src(%dma_wait3A_820 : memref<128xi32, #tpu.memory_space<hbm>>) dst(%arg8 : memref<128xi32, #tpu.memory_space<vmem>>)
        tpu.yield
      }) : () -> ()
      %dma_start3A_792 = arith.constant 0 : i32
      %dma_start3A_793 = arith.constant 0 : i32
      %dma_start3A_794 = tpu.memref_slice %arg2[%dma_start3A_792, %dma_start3A_793] : memref<10000x128xf32, #tpu.memory_space<hbm>> -> memref<10000x128xf32, #tpu.memory_space<hbm>>
      tpu.enqueue_indirect_dma source(%dma_start3A_794 : memref<10000x128xf32, #tpu.memory_space<hbm>>) target(%arg11 : memref<128x128xf32, #tpu.memory_space<vmem>>) offsets(%arg8 : memref<128xi32, #tpu.memory_space<vmem>>) semaphore(%arg14 : memref<!tpu.dma_semaphore, #tpu.memory_space<semaphore_mem>>)
      %dma_wait3A = arith.constant 0 : i32
      %dma_wait3A_795 = arith.constant 0 : i32
      %dma_wait3A_796 = tpu.memref_slice %arg2[%dma_wait3A, %dma_wait3A_795] : memref<10000x128xf32, #tpu.memory_space<hbm>> -> memref<10000x128xf32, #tpu.memory_space<hbm>>
      tpu.wait_indirect_dma semaphore(%arg13 : memref<!tpu.dma_semaphore, #tpu.memory_space<semaphore_mem>>) src(%dma_wait3A_796 : memref<10000x128xf32, #tpu.memory_space<hbm>>) dst(%arg10 : memref<128x128xf32, #tpu.memory_space<vmem>>)
      %mul3A_797 = arith.constant 2 : i32
      %mul3A_798 = arith.muli %mul3A_797, %scan3A_787 : i32
      "tpu.region"() ({
        %run_scoped3A_808 = tpu.sem_alloc : memref<!tpu.dma_semaphore, #tpu.memory_space<semaphore_mem>>
        %dma_start3A_809 = arith.constant 0 : i32
        %dma_start3A_810 = tpu.memref_slice %arg4[%add3A, %mul3A_798, %dma_start3A_809] : memref<32x80x128xi32, #tpu.memory_space<hbm>> -> memref<1x1x128xi32, #tpu.memory_space<hbm>>
        %dma_start3A_811 = tpu.memref_squeeze %dma_start3A_810 : memref<1x1x128xi32, #tpu.memory_space<hbm>> -> memref<128xi32, #tpu.memory_space<hbm>>
        %dma_start3A_812 = arith.constant 0 : i32
        %dma_start3A_813 = tpu.memref_slice %arg4[%add3A, %mul3A_798, %dma_start3A_812] : memref<32x80x128xi32, #tpu.memory_space<hbm>> -> memref<1x1x128xi32, #tpu.memory_space<hbm>>
        %dma_start3A_814 = tpu.memref_squeeze %dma_start3A_813 : memref<1x1x128xi32, #tpu.memory_space<hbm>> -> memref<128xi32, #tpu.memory_space<hbm>>
        tpu.enqueue_dma source(%dma_start3A_814 : memref<128xi32, #tpu.memory_space<hbm>>) target(%arg9 : memref<128xi32, #tpu.memory_space<vmem>>) target_semaphore(%run_scoped3A_808 : memref<!tpu.dma_semaphore, #tpu.memory_space<semaphore_mem>>)
        %dma_wait3A_815 = arith.constant 0 : i32
        %dma_wait3A_816 = tpu.memref_slice %arg4[%add3A, %mul3A_798, %dma_wait3A_815] : memref<32x80x128xi32, #tpu.memory_space<hbm>> -> memref<1x1x128xi32, #tpu.memory_space<hbm>>
        %dma_wait3A_817 = tpu.memref_squeeze %dma_wait3A_816 : memref<1x1x128xi32, #tpu.memory_space<hbm>> -> memref<128xi32, #tpu.memory_space<hbm>>
        %dma_wait3A_818 = arith.constant 0 : i32
        %dma_wait3A_819 = tpu.memref_slice %arg4[%add3A, %mul3A_798, %dma_wait3A_818] : memref<32x80x128xi32, #tpu.memory_space<hbm>> -> memref<1x1x128xi32, #tpu.memory_space<hbm>>
        %dma_wait3A_820 = tpu.memref_squeeze %dma_wait3A_819 : memref<1x1x128xi32, #tpu.memory_space<hbm>> -> memref<128xi32, #tpu.memory_space<hbm>>
        tpu.wait_dma2 semaphore(%run_scoped3A_808 : memref<!tpu.dma_semaphore, #tpu.memory_space<semaphore_mem>>) src(%dma_wait3A_820 : memref<128xi32, #tpu.memory_space<hbm>>) dst(%arg9 : memref<128xi32, #tpu.memory_space<vmem>>)
        tpu.yield
      }) : () -> ()
      "tpu.region"() ({
        %run_scoped3A_808 = tpu.sem_alloc : memref<!tpu.dma_semaphore, #tpu.memory_space<semaphore_mem>>
        %dma_start3A_809 = arith.constant 0 : i32
        %dma_start3A_810 = arith.constant 0 : i32
        %dma_start3A_811 = tpu.memref_slice %arg12[%dma_start3A_809, %dma_start3A_810] : memref<10240x128xf32, #tpu.memory_space<vmem_shared>> -> memref<10240x128xf32, #tpu.memory_space<vmem_shared>>
        tpu.enqueue_indirect_dma source(%arg10 : memref<128x128xf32, #tpu.memory_space<vmem>>) target(%dma_start3A_811 : memref<10240x128xf32, #tpu.memory_space<vmem_shared>>) offsets(%arg9 : memref<128xi32, #tpu.memory_space<vmem>>) semaphore(%run_scoped3A_808 : memref<!tpu.dma_semaphore, #tpu.memory_space<semaphore_mem>>) {add = true}
        %dma_wait3A_812 = arith.constant 0 : i32
        %dma_wait3A_813 = arith.constant 0 : i32
        %dma_wait3A_814 = tpu.memref_slice %arg12[%dma_wait3A_812, %dma_wait3A_813] : memref<10240x128xf32, #tpu.memory_space<vmem_shared>> -> memref<10240x128xf32, #tpu.memory_space<vmem_shared>>
        tpu.wait_indirect_dma semaphore(%run_scoped3A_808 : memref<!tpu.dma_semaphore, #tpu.memory_space<semaphore_mem>>) src(%arg10 : memref<128x128xf32, #tpu.memory_space<vmem>>) dst(%dma_wait3A_814 : memref<10240x128xf32, #tpu.memory_space<vmem_shared>>)
        tpu.yield
      }) : () -> ()
      %lt3A = arith.constant 39 : i32
      %lt3A_799 = arith.cmpi slt, %scan3A_787, %lt3A : i32
      %convert_element_type3A = arith.extui %lt3A_799 : i1 to i32
      %cond3A = arith.constant 0 : i32
      %cond3A_800 = arith.cmpi ne, %convert_element_type3A, %cond3A : i32
      scf.if %cond3A_800 {
        %mul3A_808 = arith.constant 2 : i32
        %mul3A_809 = arith.muli %mul3A_808, %scan3A_787 : i32
        %add3A_810 = arith.constant 2 : i32
        %add3A_811 = arith.addi %mul3A_809, %add3A_810 : i32
        "tpu.region"() ({
          %run_scoped3A_815 = tpu.sem_alloc : memref<!tpu.dma_semaphore, #tpu.memory_space<semaphore_mem>>
          %dma_start3A_816 = arith.constant 0 : i32
          %dma_start3A_817 = tpu.memref_slice %arg3[%add3A, %add3A_811, %dma_start3A_816] : memref<32x80x128xi32, #tpu.memory_space<hbm>> -> memref<1x1x128xi32, #tpu.memory_space<hbm>>
          %dma_start3A_818 = tpu.memref_squeeze %dma_start3A_817 : memref<1x1x128xi32, #tpu.memory_space<hbm>> -> memref<128xi32, #tpu.memory_space<hbm>>
          %dma_start3A_819 = arith.constant 0 : i32
          %dma_start3A_820 = tpu.memref_slice %arg3[%add3A, %add3A_811, %dma_start3A_819] : memref<32x80x128xi32, #tpu.memory_space<hbm>> -> memref<1x1x128xi32, #tpu.memory_space<hbm>>
          %dma_start3A_821 = tpu.memref_squeeze %dma_start3A_820 : memref<1x1x128xi32, #tpu.memory_space<hbm>> -> memref<128xi32, #tpu.memory_space<hbm>>
          tpu.enqueue_dma source(%dma_start3A_821 : memref<128xi32, #tpu.memory_space<hbm>>) target(%arg7 : memref<128xi32, #tpu.memory_space<vmem>>) target_semaphore(%run_scoped3A_815 : memref<!tpu.dma_semaphore, #tpu.memory_space<semaphore_mem>>)
          %dma_wait3A_822 = arith.constant 0 : i32
          %dma_wait3A_823 = tpu.memref_slice %arg3[%add3A, %add3A_811, %dma_wait3A_822] : memref<32x80x128xi32, #tpu.memory_space<hbm>> -> memref<1x1x128xi32, #tpu.memory_space<hbm>>
          %dma_wait3A_824 = tpu.memref_squeeze %dma_wait3A_823 : memref<1x1x128xi32, #tpu.memory_space<hbm>> -> memref<128xi32, #tpu.memory_space<hbm>>
          %dma_wait3A_825 = arith.constant 0 : i32
          %dma_wait3A_826 = tpu.memref_slice %arg3[%add3A, %add3A_811, %dma_wait3A_825] : memref<32x80x128xi32, #tpu.memory_space<hbm>> -> memref<1x1x128xi32, #tpu.memory_space<hbm>>
          %dma_wait3A_827 = tpu.memref_squeeze %dma_wait3A_826 : memref<1x1x128xi32, #tpu.memory_space<hbm>> -> memref<128xi32, #tpu.memory_space<hbm>>
          tpu.wait_dma2 semaphore(%run_scoped3A_815 : memref<!tpu.dma_semaphore, #tpu.memory_space<semaphore_mem>>) src(%dma_wait3A_827 : memref<128xi32, #tpu.memory_space<hbm>>) dst(%arg7 : memref<128xi32, #tpu.memory_space<vmem>>)
          tpu.yield
        }) : () -> ()
        %dma_start3A_812 = arith.constant 0 : i32
        %dma_start3A_813 = arith.constant 0 : i32
        %dma_start3A_814 = tpu.memref_slice %arg2[%dma_start3A_812, %dma_start3A_813] : memref<10000x128xf32, #tpu.memory_space<hbm>> -> memref<10000x128xf32, #tpu.memory_space<hbm>>
        tpu.enqueue_indirect_dma source(%dma_start3A_814 : memref<10000x128xf32, #tpu.memory_space<hbm>>) target(%arg10 : memref<128x128xf32, #tpu.memory_space<vmem>>) offsets(%arg7 : memref<128xi32, #tpu.memory_space<vmem>>) semaphore(%arg13 : memref<!tpu.dma_semaphore, #tpu.memory_space<semaphore_mem>>)
      } else {
      }
      %dma_wait3A_801 = arith.constant 0 : i32
      %dma_wait3A_802 = arith.constant 0 : i32
      %dma_wait3A_803 = tpu.memref_slice %arg2[%dma_wait3A_801, %dma_wait3A_802] : memref<10000x128xf32, #tpu.memory_space<hbm>> -> memref<10000x128xf32, #tpu.memory_space<hbm>>
      tpu.wait_indirect_dma semaphore(%arg14 : memref<!tpu.dma_semaphore, #tpu.memory_space<semaphore_mem>>) src(%dma_wait3A_803 : memref<10000x128xf32, #tpu.memory_space<hbm>>) dst(%arg11 : memref<128x128xf32, #tpu.memory_space<vmem>>)
      %mul3A_804 = arith.constant 2 : i32
      %mul3A_805 = arith.muli %mul3A_804, %scan3A_787 : i32
      %add3A_806 = arith.constant 1 : i32
      %add3A_807 = arith.addi %mul3A_805, %add3A_806 : i32
      "tpu.region"() ({
        %run_scoped3A_808 = tpu.sem_alloc : memref<!tpu.dma_semaphore, #tpu.memory_space<semaphore_mem>>
        %dma_start3A_809 = arith.constant 0 : i32
        %dma_start3A_810 = tpu.memref_slice %arg4[%add3A, %add3A_807, %dma_start3A_809] : memref<32x80x128xi32, #tpu.memory_space<hbm>> -> memref<1x1x128xi32, #tpu.memory_space<hbm>>
        %dma_start3A_811 = tpu.memref_squeeze %dma_start3A_810 : memref<1x1x128xi32, #tpu.memory_space<hbm>> -> memref<128xi32, #tpu.memory_space<hbm>>
        %dma_start3A_812 = arith.constant 0 : i32
        %dma_start3A_813 = tpu.memref_slice %arg4[%add3A, %add3A_807, %dma_start3A_812] : memref<32x80x128xi32, #tpu.memory_space<hbm>> -> memref<1x1x128xi32, #tpu.memory_space<hbm>>
        %dma_start3A_814 = tpu.memref_squeeze %dma_start3A_813 : memref<1x1x128xi32, #tpu.memory_space<hbm>> -> memref<128xi32, #tpu.memory_space<hbm>>
        tpu.enqueue_dma source(%dma_start3A_814 : memref<128xi32, #tpu.memory_space<hbm>>) target(%arg9 : memref<128xi32, #tpu.memory_space<vmem>>) target_semaphore(%run_scoped3A_808 : memref<!tpu.dma_semaphore, #tpu.memory_space<semaphore_mem>>)
        %dma_wait3A_815 = arith.constant 0 : i32
        %dma_wait3A_816 = tpu.memref_slice %arg4[%add3A, %add3A_807, %dma_wait3A_815] : memref<32x80x128xi32, #tpu.memory_space<hbm>> -> memref<1x1x128xi32, #tpu.memory_space<hbm>>
        %dma_wait3A_817 = tpu.memref_squeeze %dma_wait3A_816 : memref<1x1x128xi32, #tpu.memory_space<hbm>> -> memref<128xi32, #tpu.memory_space<hbm>>
        %dma_wait3A_818 = arith.constant 0 : i32
        %dma_wait3A_819 = tpu.memref_slice %arg4[%add3A, %add3A_807, %dma_wait3A_818] : memref<32x80x128xi32, #tpu.memory_space<hbm>> -> memref<1x1x128xi32, #tpu.memory_space<hbm>>
        %dma_wait3A_820 = tpu.memref_squeeze %dma_wait3A_819 : memref<1x1x128xi32, #tpu.memory_space<hbm>> -> memref<128xi32, #tpu.memory_space<hbm>>
        tpu.wait_dma2 semaphore(%run_scoped3A_808 : memref<!tpu.dma_semaphore, #tpu.memory_space<semaphore_mem>>) src(%dma_wait3A_820 : memref<128xi32, #tpu.memory_space<hbm>>) dst(%arg9 : memref<128xi32, #tpu.memory_space<vmem>>)
        tpu.yield
      }) : () -> ()
      "tpu.region"() ({
        %run_scoped3A_808 = tpu.sem_alloc : memref<!tpu.dma_semaphore, #tpu.memory_space<semaphore_mem>>
        %dma_start3A_809 = arith.constant 0 : i32
        %dma_start3A_810 = arith.constant 0 : i32
        %dma_start3A_811 = tpu.memref_slice %arg12[%dma_start3A_809, %dma_start3A_810] : memref<10240x128xf32, #tpu.memory_space<vmem_shared>> -> memref<10240x128xf32, #tpu.memory_space<vmem_shared>>
        tpu.enqueue_indirect_dma source(%arg11 : memref<128x128xf32, #tpu.memory_space<vmem>>) target(%dma_start3A_811 : memref<10240x128xf32, #tpu.memory_space<vmem_shared>>) offsets(%arg9 : memref<128xi32, #tpu.memory_space<vmem>>) semaphore(%run_scoped3A_808 : memref<!tpu.dma_semaphore, #tpu.memory_space<semaphore_mem>>) {add = true}
        %dma_wait3A_812 = arith.constant 0 : i32
        %dma_wait3A_813 = arith.constant 0 : i32
        %dma_wait3A_814 = tpu.memref_slice %arg12[%dma_wait3A_812, %dma_wait3A_813] : memref<10240x128xf32, #tpu.memory_space<vmem_shared>> -> memref<10240x128xf32, #tpu.memory_space<vmem_shared>>
        tpu.wait_indirect_dma semaphore(%run_scoped3A_808 : memref<!tpu.dma_semaphore, #tpu.memory_space<semaphore_mem>>) src(%arg11 : memref<128x128xf32, #tpu.memory_space<vmem>>) dst(%dma_wait3A_814 : memref<10240x128xf32, #tpu.memory_space<vmem_shared>>)
        tpu.yield
      }) : () -> ()
    }
    %scan3A_385 = arith.constant 40 : i32
    %barrier3A_386 = arith.constant 0 : index
    tpu.barrier barrier_id(%barrier3A_386)
    %mul3A_387 = arith.constant 640 : i32
    %mul3A_388 = arith.muli %arg1, %mul3A_387 : i32
    %add3A_389 = arith.constant 0 : i32
    %add3A_390 = arith.addi %mul3A_388, %add3A_389 : i32
    %iota3A_391 = tpu.iota {dimensions = array<i32: 0>} : vector<16xi32>
    %add3A_392 = arith.constant 0 : i32
    %add3A_393 = arith.addi %add3A_390, %add3A_392 : i32
    %add3A_394 = vector.broadcast %add3A_393 : i32 to vector<16xi32>
    %add3A_395 = arith.addi %iota3A_391, %add3A_394 : vector<16xi32>
    %swap3A_396 = arith.constant 0 : index
    %swap3A_397 = tpu.vector_load %arg9[%swap3A_396] {strides = array<i32>} : memref<128xi32, #tpu.memory_space<vmem>>, vector<16xi32>,
    %swap3A_398 = vector.shape_cast %swap3A_397 : vector<16xi32> to vector<16xi32>
    %swap3A_399 = vector.shape_cast %add3A_395 : vector<16xi32> to vector<16xi32>
    tpu.vector_store %arg9[%swap3A_396], %swap3A_399 {strides = array<i32>} : memref<128xi32, #tpu.memory_space<vmem>>, vector<16xi32>,
    %iota3A_400 = tpu.iota {dimensions = array<i32: 0>} : vector<16xi32>
    %add3A_401 = arith.constant 16 : i32
    %add3A_402 = arith.addi %add3A_390, %add3A_401 : i32
    %add3A_403 = vector.broadcast %add3A_402 : i32 to vector<16xi32>
    %add3A_404 = arith.addi %iota3A_400, %add3A_403 : vector<16xi32>
    %swap3A_405 = arith.constant 16 : index
    %swap3A_406 = tpu.vector_load %arg9[%swap3A_405] {strides = array<i32>} : memref<128xi32, #tpu.memory_space<vmem>>, vector<16xi32>,
    %swap3A_407 = vector.shape_cast %swap3A_406 : vector<16xi32> to vector<16xi32>
    %swap3A_408 = vector.shape_cast %add3A_404 : vector<16xi32> to vector<16xi32>
    tpu.vector_store %arg9[%swap3A_405], %swap3A_408 {strides = array<i32>} : memref<128xi32, #tpu.memory_space<vmem>>, vector<16xi32>,
    %iota3A_409 = tpu.iota {dimensions = array<i32: 0>} : vector<16xi32>
    %add3A_410 = arith.constant 32 : i32
    %add3A_411 = arith.addi %add3A_390, %add3A_410 : i32
    %add3A_412 = vector.broadcast %add3A_411 : i32 to vector<16xi32>
    %add3A_413 = arith.addi %iota3A_409, %add3A_412 : vector<16xi32>
    %swap3A_414 = arith.constant 32 : index
    %swap3A_415 = tpu.vector_load %arg9[%swap3A_414] {strides = array<i32>} : memref<128xi32, #tpu.memory_space<vmem>>, vector<16xi32>,
    %swap3A_416 = vector.shape_cast %swap3A_415 : vector<16xi32> to vector<16xi32>
    %swap3A_417 = vector.shape_cast %add3A_413 : vector<16xi32> to vector<16xi32>
    tpu.vector_store %arg9[%swap3A_414], %swap3A_417 {strides = array<i32>} : memref<128xi32, #tpu.memory_space<vmem>>, vector<16xi32>,
    %iota3A_418 = tpu.iota {dimensions = array<i32: 0>} : vector<16xi32>
    %add3A_419 = arith.constant 48 : i32
    %add3A_420 = arith.addi %add3A_390, %add3A_419 : i32
    %add3A_421 = vector.broadcast %add3A_420 : i32 to vector<16xi32>
    %add3A_422 = arith.addi %iota3A_418, %add3A_421 : vector<16xi32>
    %swap3A_423 = arith.constant 48 : index
    %swap3A_424 = tpu.vector_load %arg9[%swap3A_423] {strides = array<i32>} : memref<128xi32, #tpu.memory_space<vmem>>, vector<16xi32>,
    %swap3A_425 = vector.shape_cast %swap3A_424 : vector<16xi32> to vector<16xi32>
    %swap3A_426 = vector.shape_cast %add3A_422 : vector<16xi32> to vector<16xi32>
    tpu.vector_store %arg9[%swap3A_423], %swap3A_426 {strides = array<i32>} : memref<128xi32, #tpu.memory_space<vmem>>, vector<16xi32>,
    %iota3A_427 = tpu.iota {dimensions = array<i32: 0>} : vector<16xi32>
    %add3A_428 = arith.constant 64 : i32
    %add3A_429 = arith.addi %add3A_390, %add3A_428 : i32
    %add3A_430 = vector.broadcast %add3A_429 : i32 to vector<16xi32>
    %add3A_431 = arith.addi %iota3A_427, %add3A_430 : vector<16xi32>
    %swap3A_432 = arith.constant 64 : index
    %swap3A_433 = tpu.vector_load %arg9[%swap3A_432] {strides = array<i32>} : memref<128xi32, #tpu.memory_space<vmem>>, vector<16xi32>,
    %swap3A_434 = vector.shape_cast %swap3A_433 : vector<16xi32> to vector<16xi32>
    %swap3A_435 = vector.shape_cast %add3A_431 : vector<16xi32> to vector<16xi32>
    tpu.vector_store %arg9[%swap3A_432], %swap3A_435 {strides = array<i32>} : memref<128xi32, #tpu.memory_space<vmem>>, vector<16xi32>,
    %iota3A_436 = tpu.iota {dimensions = array<i32: 0>} : vector<16xi32>
    %add3A_437 = arith.constant 80 : i32
    %add3A_438 = arith.addi %add3A_390, %add3A_437 : i32
    %add3A_439 = vector.broadcast %add3A_438 : i32 to vector<16xi32>
    %add3A_440 = arith.addi %iota3A_436, %add3A_439 : vector<16xi32>
    %swap3A_441 = arith.constant 80 : index
    %swap3A_442 = tpu.vector_load %arg9[%swap3A_441] {strides = array<i32>} : memref<128xi32, #tpu.memory_space<vmem>>, vector<16xi32>,
    %swap3A_443 = vector.shape_cast %swap3A_442 : vector<16xi32> to vector<16xi32>
    %swap3A_444 = vector.shape_cast %add3A_440 : vector<16xi32> to vector<16xi32>
    tpu.vector_store %arg9[%swap3A_441], %swap3A_444 {strides = array<i32>} : memref<128xi32, #tpu.memory_space<vmem>>, vector<16xi32>,
    %iota3A_445 = tpu.iota {dimensions = array<i32: 0>} : vector<16xi32>
    %add3A_446 = arith.constant 96 : i32
    %add3A_447 = arith.addi %add3A_390, %add3A_446 : i32
    %add3A_448 = vector.broadcast %add3A_447 : i32 to vector<16xi32>
    %add3A_449 = arith.addi %iota3A_445, %add3A_448 : vector<16xi32>
    %swap3A_450 = arith.constant 96 : index
    %swap3A_451 = tpu.vector_load %arg9[%swap3A_450] {strides = array<i32>} : memref<128xi32, #tpu.memory_space<vmem>>, vector<16xi32>,
    %swap3A_452 = vector.shape_cast %swap3A_451 : vector<16xi32> to vector<16xi32>
    %swap3A_453 = vector.shape_cast %add3A_449 : vector<16xi32> to vector<16xi32>
    tpu.vector_store %arg9[%swap3A_450], %swap3A_453 {strides = array<i32>} : memref<128xi32, #tpu.memory_space<vmem>>, vector<16xi32>,
    %iota3A_454 = tpu.iota {dimensions = array<i32: 0>} : vector<16xi32>
    %add3A_455 = arith.constant 112 : i32
    %add3A_456 = arith.addi %add3A_390, %add3A_455 : i32
    %add3A_457 = vector.broadcast %add3A_456 : i32 to vector<16xi32>
    %add3A_458 = arith.addi %iota3A_454, %add3A_457 : vector<16xi32>
    %swap3A_459 = arith.constant 112 : index
    %swap3A_460 = tpu.vector_load %arg9[%swap3A_459] {strides = array<i32>} : memref<128xi32, #tpu.memory_space<vmem>>, vector<16xi32>,
    %swap3A_461 = vector.shape_cast %swap3A_460 : vector<16xi32> to vector<16xi32>
    %swap3A_462 = vector.shape_cast %add3A_458 : vector<16xi32> to vector<16xi32>
    tpu.vector_store %arg9[%swap3A_459], %swap3A_462 {strides = array<i32>} : memref<128xi32, #tpu.memory_space<vmem>>, vector<16xi32>,
    "tpu.region"() ({
      %run_scoped3A_787 = tpu.sem_alloc : memref<!tpu.dma_semaphore, #tpu.memory_space<semaphore_mem>>
      %dma_start3A_788 = arith.constant 0 : i32
      %dma_start3A_789 = arith.constant 0 : i32
      %dma_start3A_790 = tpu.memref_slice %arg12[%dma_start3A_788, %dma_start3A_789] : memref<10240x128xf32, #tpu.memory_space<vmem_shared>> -> memref<10240x128xf32, #tpu.memory_space<vmem_shared>>
      tpu.enqueue_indirect_dma source(%dma_start3A_790 : memref<10240x128xf32, #tpu.memory_space<vmem_shared>>) target(%arg10 : memref<128x128xf32, #tpu.memory_space<vmem>>) offsets(%arg9 : memref<128xi32, #tpu.memory_space<vmem>>) semaphore(%run_scoped3A_787 : memref<!tpu.dma_semaphore, #tpu.memory_space<semaphore_mem>>)
      %dma_wait3A = arith.constant 0 : i32
      %dma_wait3A_791 = arith.constant 0 : i32
      %dma_wait3A_792 = tpu.memref_slice %arg12[%dma_wait3A, %dma_wait3A_791] : memref<10240x128xf32, #tpu.memory_space<vmem_shared>> -> memref<10240x128xf32, #tpu.memory_space<vmem_shared>>
      tpu.wait_indirect_dma semaphore(%run_scoped3A_787 : memref<!tpu.dma_semaphore, #tpu.memory_space<semaphore_mem>>) src(%dma_wait3A_792 : memref<10240x128xf32, #tpu.memory_space<vmem_shared>>) dst(%arg10 : memref<128x128xf32, #tpu.memory_space<vmem>>)
      tpu.yield
    }) : () -> ()
    %mul3A_463 = arith.constant 640 : i32
    %mul3A_464 = arith.muli %arg1, %mul3A_463 : i32
    %add3A_465 = arith.constant 0 : i32
    %add3A_466 = arith.addi %mul3A_464, %add3A_465 : i32
    "tpu.region"() ({
      %run_scoped3A_787 = tpu.sem_alloc : memref<!tpu.dma_semaphore, #tpu.memory_space<semaphore_mem>>
      %dma_start3A_788 = arith.constant 0 : i32
      %dma_start3A_789 = tpu.memref_slice %arg6[%arg0, %add3A_466, %dma_start3A_788] : memref<2x10240x128xf32, #tpu.memory_space<hbm>> -> memref<1x128x128xf32, #tpu.memory_space<hbm>>
      %dma_start3A_790 = tpu.memref_squeeze %dma_start3A_789 : memref<1x128x128xf32, #tpu.memory_space<hbm>> -> memref<128x128xf32, #tpu.memory_space<hbm>>
      %dma_start3A_791 = arith.constant 0 : i32
      %dma_start3A_792 = tpu.memref_slice %arg6[%arg0, %add3A_466, %dma_start3A_791] : memref<2x10240x128xf32, #tpu.memory_space<hbm>> -> memref<1x128x128xf32, #tpu.memory_space<hbm>>
      %dma_start3A_793 = tpu.memref_squeeze %dma_start3A_792 : memref<1x128x128xf32, #tpu.memory_space<hbm>> -> memref<128x128xf32, #tpu.memory_space<hbm>>
      tpu.enqueue_dma source(%arg10 : memref<128x128xf32, #tpu.memory_space<vmem>>) target(%dma_start3A_793 : memref<128x128xf32, #tpu.memory_space<hbm>>) target_semaphore(%run_scoped3A_787 : memref<!tpu.dma_semaphore, #tpu.memory_space<semaphore_mem>>)
      %dma_wait3A = arith.constant 0 : i32
      %dma_wait3A_794 = tpu.memref_slice %arg6[%arg0, %add3A_466, %dma_wait3A] : memref<2x10240x128xf32, #tpu.memory_space<hbm>> -> memref<1x128x128xf32, #tpu.memory_space<hbm>>
      %dma_wait3A_795 = tpu.memref_squeeze %dma_wait3A_794 : memref<1x128x128xf32, #tpu.memory_space<hbm>> -> memref<128x128xf32, #tpu.memory_space<hbm>>
      %dma_wait3A_796 = arith.constant 0 : i32
      %dma_wait3A_797 = tpu.memref_slice %arg6[%arg0, %add3A_466, %dma_wait3A_796] : memref<2x10240x128xf32, #tpu.memory_space<hbm>> -> memref<1x128x128xf32, #tpu.memory_space<hbm>>
      %dma_wait3A_798 = tpu.memref_squeeze %dma_wait3A_797 : memref<1x128x128xf32, #tpu.memory_space<hbm>> -> memref<128x128xf32, #tpu.memory_space<hbm>>
      tpu.wait_dma2 semaphore(%run_scoped3A_787 : memref<!tpu.dma_semaphore, #tpu.memory_space<semaphore_mem>>) src(%arg10 : memref<128x128xf32, #tpu.memory_space<vmem>>) dst(%dma_wait3A_798 : memref<128x128xf32, #tpu.memory_space<hbm>>)
      tpu.yield
    }) : () -> ()
    %mul3A_467 = arith.constant 640 : i32
    %mul3A_468 = arith.muli %arg1, %mul3A_467 : i32
    %add3A_469 = arith.constant 128 : i32
    %add3A_470 = arith.addi %mul3A_468, %add3A_469 : i32
    %iota3A_471 = tpu.iota {dimensions = array<i32: 0>} : vector<16xi32>
    %add3A_472 = arith.constant 0 : i32
    %add3A_473 = arith.addi %add3A_470, %add3A_472 : i32
    %add3A_474 = vector.broadcast %add3A_473 : i32 to vector<16xi32>
    %add3A_475 = arith.addi %iota3A_471, %add3A_474 : vector<16xi32>
    %swap3A_476 = arith.constant 0 : index
    %swap3A_477 = tpu.vector_load %arg9[%swap3A_476] {strides = array<i32>} : memref<128xi32, #tpu.memory_space<vmem>>, vector<16xi32>,
    %swap3A_478 = vector.shape_cast %swap3A_477 : vector<16xi32> to vector<16xi32>
    %swap3A_479 = vector.shape_cast %add3A_475 : vector<16xi32> to vector<16xi32>
    tpu.vector_store %arg9[%swap3A_476], %swap3A_479 {strides = array<i32>} : memref<128xi32, #tpu.memory_space<vmem>>, vector<16xi32>,
    %iota3A_480 = tpu.iota {dimensions = array<i32: 0>} : vector<16xi32>
    %add3A_481 = arith.constant 16 : i32
    %add3A_482 = arith.addi %add3A_470, %add3A_481 : i32
    %add3A_483 = vector.broadcast %add3A_482 : i32 to vector<16xi32>
    %add3A_484 = arith.addi %iota3A_480, %add3A_483 : vector<16xi32>
    %swap3A_485 = arith.constant 16 : index
    %swap3A_486 = tpu.vector_load %arg9[%swap3A_485] {strides = array<i32>} : memref<128xi32, #tpu.memory_space<vmem>>, vector<16xi32>,
    %swap3A_487 = vector.shape_cast %swap3A_486 : vector<16xi32> to vector<16xi32>
    %swap3A_488 = vector.shape_cast %add3A_484 : vector<16xi32> to vector<16xi32>
    tpu.vector_store %arg9[%swap3A_485], %swap3A_488 {strides = array<i32>} : memref<128xi32, #tpu.memory_space<vmem>>, vector<16xi32>,
    %iota3A_489 = tpu.iota {dimensions = array<i32: 0>} : vector<16xi32>
    %add3A_490 = arith.constant 32 : i32
    %add3A_491 = arith.addi %add3A_470, %add3A_490 : i32
    %add3A_492 = vector.broadcast %add3A_491 : i32 to vector<16xi32>
    %add3A_493 = arith.addi %iota3A_489, %add3A_492 : vector<16xi32>
    %swap3A_494 = arith.constant 32 : index
    %swap3A_495 = tpu.vector_load %arg9[%swap3A_494] {strides = array<i32>} : memref<128xi32, #tpu.memory_space<vmem>>, vector<16xi32>,
    %swap3A_496 = vector.shape_cast %swap3A_495 : vector<16xi32> to vector<16xi32>
    %swap3A_497 = vector.shape_cast %add3A_493 : vector<16xi32> to vector<16xi32>
    tpu.vector_store %arg9[%swap3A_494], %swap3A_497 {strides = array<i32>} : memref<128xi32, #tpu.memory_space<vmem>>, vector<16xi32>,
    %iota3A_498 = tpu.iota {dimensions = array<i32: 0>} : vector<16xi32>
    %add3A_499 = arith.constant 48 : i32
    %add3A_500 = arith.addi %add3A_470, %add3A_499 : i32
    %add3A_501 = vector.broadcast %add3A_500 : i32 to vector<16xi32>
    %add3A_502 = arith.addi %iota3A_498, %add3A_501 : vector<16xi32>
    %swap3A_503 = arith.constant 48 : index
    %swap3A_504 = tpu.vector_load %arg9[%swap3A_503] {strides = array<i32>} : memref<128xi32, #tpu.memory_space<vmem>>, vector<16xi32>,
    %swap3A_505 = vector.shape_cast %swap3A_504 : vector<16xi32> to vector<16xi32>
    %swap3A_506 = vector.shape_cast %add3A_502 : vector<16xi32> to vector<16xi32>
    tpu.vector_store %arg9[%swap3A_503], %swap3A_506 {strides = array<i32>} : memref<128xi32, #tpu.memory_space<vmem>>, vector<16xi32>,
    %iota3A_507 = tpu.iota {dimensions = array<i32: 0>} : vector<16xi32>
    %add3A_508 = arith.constant 64 : i32
    %add3A_509 = arith.addi %add3A_470, %add3A_508 : i32
    %add3A_510 = vector.broadcast %add3A_509 : i32 to vector<16xi32>
    %add3A_511 = arith.addi %iota3A_507, %add3A_510 : vector<16xi32>
    %swap3A_512 = arith.constant 64 : index
    %swap3A_513 = tpu.vector_load %arg9[%swap3A_512] {strides = array<i32>} : memref<128xi32, #tpu.memory_space<vmem>>, vector<16xi32>,
    %swap3A_514 = vector.shape_cast %swap3A_513 : vector<16xi32> to vector<16xi32>
    %swap3A_515 = vector.shape_cast %add3A_511 : vector<16xi32> to vector<16xi32>
    tpu.vector_store %arg9[%swap3A_512], %swap3A_515 {strides = array<i32>} : memref<128xi32, #tpu.memory_space<vmem>>, vector<16xi32>,
    %iota3A_516 = tpu.iota {dimensions = array<i32: 0>} : vector<16xi32>
    %add3A_517 = arith.constant 80 : i32
    %add3A_518 = arith.addi %add3A_470, %add3A_517 : i32
    %add3A_519 = vector.broadcast %add3A_518 : i32 to vector<16xi32>
    %add3A_520 = arith.addi %iota3A_516, %add3A_519 : vector<16xi32>
    %swap3A_521 = arith.constant 80 : index
    %swap3A_522 = tpu.vector_load %arg9[%swap3A_521] {strides = array<i32>} : memref<128xi32, #tpu.memory_space<vmem>>, vector<16xi32>,
    %swap3A_523 = vector.shape_cast %swap3A_522 : vector<16xi32> to vector<16xi32>
    %swap3A_524 = vector.shape_cast %add3A_520 : vector<16xi32> to vector<16xi32>
    tpu.vector_store %arg9[%swap3A_521], %swap3A_524 {strides = array<i32>} : memref<128xi32, #tpu.memory_space<vmem>>, vector<16xi32>,
    %iota3A_525 = tpu.iota {dimensions = array<i32: 0>} : vector<16xi32>
    %add3A_526 = arith.constant 96 : i32
    %add3A_527 = arith.addi %add3A_470, %add3A_526 : i32
    %add3A_528 = vector.broadcast %add3A_527 : i32 to vector<16xi32>
    %add3A_529 = arith.addi %iota3A_525, %add3A_528 : vector<16xi32>
    %swap3A_530 = arith.constant 96 : index
    %swap3A_531 = tpu.vector_load %arg9[%swap3A_530] {strides = array<i32>} : memref<128xi32, #tpu.memory_space<vmem>>, vector<16xi32>,
    %swap3A_532 = vector.shape_cast %swap3A_531 : vector<16xi32> to vector<16xi32>
    %swap3A_533 = vector.shape_cast %add3A_529 : vector<16xi32> to vector<16xi32>
    tpu.vector_store %arg9[%swap3A_530], %swap3A_533 {strides = array<i32>} : memref<128xi32, #tpu.memory_space<vmem>>, vector<16xi32>,
    %iota3A_534 = tpu.iota {dimensions = array<i32: 0>} : vector<16xi32>
    %add3A_535 = arith.constant 112 : i32
    %add3A_536 = arith.addi %add3A_470, %add3A_535 : i32
    %add3A_537 = vector.broadcast %add3A_536 : i32 to vector<16xi32>
    %add3A_538 = arith.addi %iota3A_534, %add3A_537 : vector<16xi32>
    %swap3A_539 = arith.constant 112 : index
    %swap3A_540 = tpu.vector_load %arg9[%swap3A_539] {strides = array<i32>} : memref<128xi32, #tpu.memory_space<vmem>>, vector<16xi32>,
    %swap3A_541 = vector.shape_cast %swap3A_540 : vector<16xi32> to vector<16xi32>
    %swap3A_542 = vector.shape_cast %add3A_538 : vector<16xi32> to vector<16xi32>
    tpu.vector_store %arg9[%swap3A_539], %swap3A_542 {strides = array<i32>} : memref<128xi32, #tpu.memory_space<vmem>>, vector<16xi32>,
    "tpu.region"() ({
      %run_scoped3A_787 = tpu.sem_alloc : memref<!tpu.dma_semaphore, #tpu.memory_space<semaphore_mem>>
      %dma_start3A_788 = arith.constant 0 : i32
      %dma_start3A_789 = arith.constant 0 : i32
      %dma_start3A_790 = tpu.memref_slice %arg12[%dma_start3A_788, %dma_start3A_789] : memref<10240x128xf32, #tpu.memory_space<vmem_shared>> -> memref<10240x128xf32, #tpu.memory_space<vmem_shared>>
      tpu.enqueue_indirect_dma source(%dma_start3A_790 : memref<10240x128xf32, #tpu.memory_space<vmem_shared>>) target(%arg10 : memref<128x128xf32, #tpu.memory_space<vmem>>) offsets(%arg9 : memref<128xi32, #tpu.memory_space<vmem>>) semaphore(%run_scoped3A_787 : memref<!tpu.dma_semaphore, #tpu.memory_space<semaphore_mem>>)
      %dma_wait3A = arith.constant 0 : i32
      %dma_wait3A_791 = arith.constant 0 : i32
      %dma_wait3A_792 = tpu.memref_slice %arg12[%dma_wait3A, %dma_wait3A_791] : memref<10240x128xf32, #tpu.memory_space<vmem_shared>> -> memref<10240x128xf32, #tpu.memory_space<vmem_shared>>
      tpu.wait_indirect_dma semaphore(%run_scoped3A_787 : memref<!tpu.dma_semaphore, #tpu.memory_space<semaphore_mem>>) src(%dma_wait3A_792 : memref<10240x128xf32, #tpu.memory_space<vmem_shared>>) dst(%arg10 : memref<128x128xf32, #tpu.memory_space<vmem>>)
      tpu.yield
    }) : () -> ()
    %mul3A_543 = arith.constant 640 : i32
    %mul3A_544 = arith.muli %arg1, %mul3A_543 : i32
    %add3A_545 = arith.constant 128 : i32
    %add3A_546 = arith.addi %mul3A_544, %add3A_545 : i32
    "tpu.region"() ({
      %run_scoped3A_787 = tpu.sem_alloc : memref<!tpu.dma_semaphore, #tpu.memory_space<semaphore_mem>>
      %dma_start3A_788 = arith.constant 0 : i32
      %dma_start3A_789 = tpu.memref_slice %arg6[%arg0, %add3A_546, %dma_start3A_788] : memref<2x10240x128xf32, #tpu.memory_space<hbm>> -> memref<1x128x128xf32, #tpu.memory_space<hbm>>
      %dma_start3A_790 = tpu.memref_squeeze %dma_start3A_789 : memref<1x128x128xf32, #tpu.memory_space<hbm>> -> memref<128x128xf32, #tpu.memory_space<hbm>>
      %dma_start3A_791 = arith.constant 0 : i32
      %dma_start3A_792 = tpu.memref_slice %arg6[%arg0, %add3A_546, %dma_start3A_791] : memref<2x10240x128xf32, #tpu.memory_space<hbm>> -> memref<1x128x128xf32, #tpu.memory_space<hbm>>
      %dma_start3A_793 = tpu.memref_squeeze %dma_start3A_792 : memref<1x128x128xf32, #tpu.memory_space<hbm>> -> memref<128x128xf32, #tpu.memory_space<hbm>>
      tpu.enqueue_dma source(%arg10 : memref<128x128xf32, #tpu.memory_space<vmem>>) target(%dma_start3A_793 : memref<128x128xf32, #tpu.memory_space<hbm>>) target_semaphore(%run_scoped3A_787 : memref<!tpu.dma_semaphore, #tpu.memory_space<semaphore_mem>>)
      %dma_wait3A = arith.constant 0 : i32
      %dma_wait3A_794 = tpu.memref_slice %arg6[%arg0, %add3A_546, %dma_wait3A] : memref<2x10240x128xf32, #tpu.memory_space<hbm>> -> memref<1x128x128xf32, #tpu.memory_space<hbm>>
      %dma_wait3A_795 = tpu.memref_squeeze %dma_wait3A_794 : memref<1x128x128xf32, #tpu.memory_space<hbm>> -> memref<128x128xf32, #tpu.memory_space<hbm>>
      %dma_wait3A_796 = arith.constant 0 : i32
      %dma_wait3A_797 = tpu.memref_slice %arg6[%arg0, %add3A_546, %dma_wait3A_796] : memref<2x10240x128xf32, #tpu.memory_space<hbm>> -> memref<1x128x128xf32, #tpu.memory_space<hbm>>
      %dma_wait3A_798 = tpu.memref_squeeze %dma_wait3A_797 : memref<1x128x128xf32, #tpu.memory_space<hbm>> -> memref<128x128xf32, #tpu.memory_space<hbm>>
      tpu.wait_dma2 semaphore(%run_scoped3A_787 : memref<!tpu.dma_semaphore, #tpu.memory_space<semaphore_mem>>) src(%arg10 : memref<128x128xf32, #tpu.memory_space<vmem>>) dst(%dma_wait3A_798 : memref<128x128xf32, #tpu.memory_space<hbm>>)
      tpu.yield
    }) : () -> ()
    %mul3A_547 = arith.constant 640 : i32
    %mul3A_548 = arith.muli %arg1, %mul3A_547 : i32
    %add3A_549 = arith.constant 256 : i32
    %add3A_550 = arith.addi %mul3A_548, %add3A_549 : i32
    %iota3A_551 = tpu.iota {dimensions = array<i32: 0>} : vector<16xi32>
    %add3A_552 = arith.constant 0 : i32
    %add3A_553 = arith.addi %add3A_550, %add3A_552 : i32
    %add3A_554 = vector.broadcast %add3A_553 : i32 to vector<16xi32>
    %add3A_555 = arith.addi %iota3A_551, %add3A_554 : vector<16xi32>
    %swap3A_556 = arith.constant 0 : index
    %swap3A_557 = tpu.vector_load %arg9[%swap3A_556] {strides = array<i32>} : memref<128xi32, #tpu.memory_space<vmem>>, vector<16xi32>,
    %swap3A_558 = vector.shape_cast %swap3A_557 : vector<16xi32> to vector<16xi32>
    %swap3A_559 = vector.shape_cast %add3A_555 : vector<16xi32> to vector<16xi32>
    tpu.vector_store %arg9[%swap3A_556], %swap3A_559 {strides = array<i32>} : memref<128xi32, #tpu.memory_space<vmem>>, vector<16xi32>,
    %iota3A_560 = tpu.iota {dimensions = array<i32: 0>} : vector<16xi32>
    %add3A_561 = arith.constant 16 : i32
    %add3A_562 = arith.addi %add3A_550, %add3A_561 : i32
    %add3A_563 = vector.broadcast %add3A_562 : i32 to vector<16xi32>
    %add3A_564 = arith.addi %iota3A_560, %add3A_563 : vector<16xi32>
    %swap3A_565 = arith.constant 16 : index
    %swap3A_566 = tpu.vector_load %arg9[%swap3A_565] {strides = array<i32>} : memref<128xi32, #tpu.memory_space<vmem>>, vector<16xi32>,
    %swap3A_567 = vector.shape_cast %swap3A_566 : vector<16xi32> to vector<16xi32>
    %swap3A_568 = vector.shape_cast %add3A_564 : vector<16xi32> to vector<16xi32>
    tpu.vector_store %arg9[%swap3A_565], %swap3A_568 {strides = array<i32>} : memref<128xi32, #tpu.memory_space<vmem>>, vector<16xi32>,
    %iota3A_569 = tpu.iota {dimensions = array<i32: 0>} : vector<16xi32>
    %add3A_570 = arith.constant 32 : i32
    %add3A_571 = arith.addi %add3A_550, %add3A_570 : i32
    %add3A_572 = vector.broadcast %add3A_571 : i32 to vector<16xi32>
    %add3A_573 = arith.addi %iota3A_569, %add3A_572 : vector<16xi32>
    %swap3A_574 = arith.constant 32 : index
    %swap3A_575 = tpu.vector_load %arg9[%swap3A_574] {strides = array<i32>} : memref<128xi32, #tpu.memory_space<vmem>>, vector<16xi32>,
    %swap3A_576 = vector.shape_cast %swap3A_575 : vector<16xi32> to vector<16xi32>
    %swap3A_577 = vector.shape_cast %add3A_573 : vector<16xi32> to vector<16xi32>
    tpu.vector_store %arg9[%swap3A_574], %swap3A_577 {strides = array<i32>} : memref<128xi32, #tpu.memory_space<vmem>>, vector<16xi32>,
    %iota3A_578 = tpu.iota {dimensions = array<i32: 0>} : vector<16xi32>
    %add3A_579 = arith.constant 48 : i32
    %add3A_580 = arith.addi %add3A_550, %add3A_579 : i32
    %add3A_581 = vector.broadcast %add3A_580 : i32 to vector<16xi32>
    %add3A_582 = arith.addi %iota3A_578, %add3A_581 : vector<16xi32>
    %swap3A_583 = arith.constant 48 : index
    %swap3A_584 = tpu.vector_load %arg9[%swap3A_583] {strides = array<i32>} : memref<128xi32, #tpu.memory_space<vmem>>, vector<16xi32>,
    %swap3A_585 = vector.shape_cast %swap3A_584 : vector<16xi32> to vector<16xi32>
    %swap3A_586 = vector.shape_cast %add3A_582 : vector<16xi32> to vector<16xi32>
    tpu.vector_store %arg9[%swap3A_583], %swap3A_586 {strides = array<i32>} : memref<128xi32, #tpu.memory_space<vmem>>, vector<16xi32>,
    %iota3A_587 = tpu.iota {dimensions = array<i32: 0>} : vector<16xi32>
    %add3A_588 = arith.constant 64 : i32
    %add3A_589 = arith.addi %add3A_550, %add3A_588 : i32
    %add3A_590 = vector.broadcast %add3A_589 : i32 to vector<16xi32>
    %add3A_591 = arith.addi %iota3A_587, %add3A_590 : vector<16xi32>
    %swap3A_592 = arith.constant 64 : index
    %swap3A_593 = tpu.vector_load %arg9[%swap3A_592] {strides = array<i32>} : memref<128xi32, #tpu.memory_space<vmem>>, vector<16xi32>,
    %swap3A_594 = vector.shape_cast %swap3A_593 : vector<16xi32> to vector<16xi32>
    %swap3A_595 = vector.shape_cast %add3A_591 : vector<16xi32> to vector<16xi32>
    tpu.vector_store %arg9[%swap3A_592], %swap3A_595 {strides = array<i32>} : memref<128xi32, #tpu.memory_space<vmem>>, vector<16xi32>,
    %iota3A_596 = tpu.iota {dimensions = array<i32: 0>} : vector<16xi32>
    %add3A_597 = arith.constant 80 : i32
    %add3A_598 = arith.addi %add3A_550, %add3A_597 : i32
    %add3A_599 = vector.broadcast %add3A_598 : i32 to vector<16xi32>
    %add3A_600 = arith.addi %iota3A_596, %add3A_599 : vector<16xi32>
    %swap3A_601 = arith.constant 80 : index
    %swap3A_602 = tpu.vector_load %arg9[%swap3A_601] {strides = array<i32>} : memref<128xi32, #tpu.memory_space<vmem>>, vector<16xi32>,
    %swap3A_603 = vector.shape_cast %swap3A_602 : vector<16xi32> to vector<16xi32>
    %swap3A_604 = vector.shape_cast %add3A_600 : vector<16xi32> to vector<16xi32>
    tpu.vector_store %arg9[%swap3A_601], %swap3A_604 {strides = array<i32>} : memref<128xi32, #tpu.memory_space<vmem>>, vector<16xi32>,
    %iota3A_605 = tpu.iota {dimensions = array<i32: 0>} : vector<16xi32>
    %add3A_606 = arith.constant 96 : i32
    %add3A_607 = arith.addi %add3A_550, %add3A_606 : i32
    %add3A_608 = vector.broadcast %add3A_607 : i32 to vector<16xi32>
    %add3A_609 = arith.addi %iota3A_605, %add3A_608 : vector<16xi32>
    %swap3A_610 = arith.constant 96 : index
    %swap3A_611 = tpu.vector_load %arg9[%swap3A_610] {strides = array<i32>} : memref<128xi32, #tpu.memory_space<vmem>>, vector<16xi32>,
    %swap3A_612 = vector.shape_cast %swap3A_611 : vector<16xi32> to vector<16xi32>
    %swap3A_613 = vector.shape_cast %add3A_609 : vector<16xi32> to vector<16xi32>
    tpu.vector_store %arg9[%swap3A_610], %swap3A_613 {strides = array<i32>} : memref<128xi32, #tpu.memory_space<vmem>>, vector<16xi32>,
    %iota3A_614 = tpu.iota {dimensions = array<i32: 0>} : vector<16xi32>
    %add3A_615 = arith.constant 112 : i32
    %add3A_616 = arith.addi %add3A_550, %add3A_615 : i32
    %add3A_617 = vector.broadcast %add3A_616 : i32 to vector<16xi32>
    %add3A_618 = arith.addi %iota3A_614, %add3A_617 : vector<16xi32>
    %swap3A_619 = arith.constant 112 : index
    %swap3A_620 = tpu.vector_load %arg9[%swap3A_619] {strides = array<i32>} : memref<128xi32, #tpu.memory_space<vmem>>, vector<16xi32>,
    %swap3A_621 = vector.shape_cast %swap3A_620 : vector<16xi32> to vector<16xi32>
    %swap3A_622 = vector.shape_cast %add3A_618 : vector<16xi32> to vector<16xi32>
    tpu.vector_store %arg9[%swap3A_619], %swap3A_622 {strides = array<i32>} : memref<128xi32, #tpu.memory_space<vmem>>, vector<16xi32>,
    "tpu.region"() ({
      %run_scoped3A_787 = tpu.sem_alloc : memref<!tpu.dma_semaphore, #tpu.memory_space<semaphore_mem>>
      %dma_start3A_788 = arith.constant 0 : i32
      %dma_start3A_789 = arith.constant 0 : i32
      %dma_start3A_790 = tpu.memref_slice %arg12[%dma_start3A_788, %dma_start3A_789] : memref<10240x128xf32, #tpu.memory_space<vmem_shared>> -> memref<10240x128xf32, #tpu.memory_space<vmem_shared>>
      tpu.enqueue_indirect_dma source(%dma_start3A_790 : memref<10240x128xf32, #tpu.memory_space<vmem_shared>>) target(%arg10 : memref<128x128xf32, #tpu.memory_space<vmem>>) offsets(%arg9 : memref<128xi32, #tpu.memory_space<vmem>>) semaphore(%run_scoped3A_787 : memref<!tpu.dma_semaphore, #tpu.memory_space<semaphore_mem>>)
      %dma_wait3A = arith.constant 0 : i32
      %dma_wait3A_791 = arith.constant 0 : i32
      %dma_wait3A_792 = tpu.memref_slice %arg12[%dma_wait3A, %dma_wait3A_791] : memref<10240x128xf32, #tpu.memory_space<vmem_shared>> -> memref<10240x128xf32, #tpu.memory_space<vmem_shared>>
      tpu.wait_indirect_dma semaphore(%run_scoped3A_787 : memref<!tpu.dma_semaphore, #tpu.memory_space<semaphore_mem>>) src(%dma_wait3A_792 : memref<10240x128xf32, #tpu.memory_space<vmem_shared>>) dst(%arg10 : memref<128x128xf32, #tpu.memory_space<vmem>>)
      tpu.yield
    }) : () -> ()
    %mul3A_623 = arith.constant 640 : i32
    %mul3A_624 = arith.muli %arg1, %mul3A_623 : i32
    %add3A_625 = arith.constant 256 : i32
    %add3A_626 = arith.addi %mul3A_624, %add3A_625 : i32
    "tpu.region"() ({
      %run_scoped3A_787 = tpu.sem_alloc : memref<!tpu.dma_semaphore, #tpu.memory_space<semaphore_mem>>
      %dma_start3A_788 = arith.constant 0 : i32
      %dma_start3A_789 = tpu.memref_slice %arg6[%arg0, %add3A_626, %dma_start3A_788] : memref<2x10240x128xf32, #tpu.memory_space<hbm>> -> memref<1x128x128xf32, #tpu.memory_space<hbm>>
      %dma_start3A_790 = tpu.memref_squeeze %dma_start3A_789 : memref<1x128x128xf32, #tpu.memory_space<hbm>> -> memref<128x128xf32, #tpu.memory_space<hbm>>
      %dma_start3A_791 = arith.constant 0 : i32
      %dma_start3A_792 = tpu.memref_slice %arg6[%arg0, %add3A_626, %dma_start3A_791] : memref<2x10240x128xf32, #tpu.memory_space<hbm>> -> memref<1x128x128xf32, #tpu.memory_space<hbm>>
      %dma_start3A_793 = tpu.memref_squeeze %dma_start3A_792 : memref<1x128x128xf32, #tpu.memory_space<hbm>> -> memref<128x128xf32, #tpu.memory_space<hbm>>
      tpu.enqueue_dma source(%arg10 : memref<128x128xf32, #tpu.memory_space<vmem>>) target(%dma_start3A_793 : memref<128x128xf32, #tpu.memory_space<hbm>>) target_semaphore(%run_scoped3A_787 : memref<!tpu.dma_semaphore, #tpu.memory_space<semaphore_mem>>)
      %dma_wait3A = arith.constant 0 : i32
      %dma_wait3A_794 = tpu.memref_slice %arg6[%arg0, %add3A_626, %dma_wait3A] : memref<2x10240x128xf32, #tpu.memory_space<hbm>> -> memref<1x128x128xf32, #tpu.memory_space<hbm>>
      %dma_wait3A_795 = tpu.memref_squeeze %dma_wait3A_794 : memref<1x128x128xf32, #tpu.memory_space<hbm>> -> memref<128x128xf32, #tpu.memory_space<hbm>>
      %dma_wait3A_796 = arith.constant 0 : i32
      %dma_wait3A_797 = tpu.memref_slice %arg6[%arg0, %add3A_626, %dma_wait3A_796] : memref<2x10240x128xf32, #tpu.memory_space<hbm>> -> memref<1x128x128xf32, #tpu.memory_space<hbm>>
      %dma_wait3A_798 = tpu.memref_squeeze %dma_wait3A_797 : memref<1x128x128xf32, #tpu.memory_space<hbm>> -> memref<128x128xf32, #tpu.memory_space<hbm>>
      tpu.wait_dma2 semaphore(%run_scoped3A_787 : memref<!tpu.dma_semaphore, #tpu.memory_space<semaphore_mem>>) src(%arg10 : memref<128x128xf32, #tpu.memory_space<vmem>>) dst(%dma_wait3A_798 : memref<128x128xf32, #tpu.memory_space<hbm>>)
      tpu.yield
    }) : () -> ()
    %mul3A_627 = arith.constant 640 : i32
    %mul3A_628 = arith.muli %arg1, %mul3A_627 : i32
    %add3A_629 = arith.constant 384 : i32
    %add3A_630 = arith.addi %mul3A_628, %add3A_629 : i32
    %iota3A_631 = tpu.iota {dimensions = array<i32: 0>} : vector<16xi32>
    %add3A_632 = arith.constant 0 : i32
    %add3A_633 = arith.addi %add3A_630, %add3A_632 : i32
    %add3A_634 = vector.broadcast %add3A_633 : i32 to vector<16xi32>
    %add3A_635 = arith.addi %iota3A_631, %add3A_634 : vector<16xi32>
    %swap3A_636 = arith.constant 0 : index
    %swap3A_637 = tpu.vector_load %arg9[%swap3A_636] {strides = array<i32>} : memref<128xi32, #tpu.memory_space<vmem>>, vector<16xi32>,
    %swap3A_638 = vector.shape_cast %swap3A_637 : vector<16xi32> to vector<16xi32>
    %swap3A_639 = vector.shape_cast %add3A_635 : vector<16xi32> to vector<16xi32>
    tpu.vector_store %arg9[%swap3A_636], %swap3A_639 {strides = array<i32>} : memref<128xi32, #tpu.memory_space<vmem>>, vector<16xi32>,
    %iota3A_640 = tpu.iota {dimensions = array<i32: 0>} : vector<16xi32>
    %add3A_641 = arith.constant 16 : i32
    %add3A_642 = arith.addi %add3A_630, %add3A_641 : i32
    %add3A_643 = vector.broadcast %add3A_642 : i32 to vector<16xi32>
    %add3A_644 = arith.addi %iota3A_640, %add3A_643 : vector<16xi32>
    %swap3A_645 = arith.constant 16 : index
    %swap3A_646 = tpu.vector_load %arg9[%swap3A_645] {strides = array<i32>} : memref<128xi32, #tpu.memory_space<vmem>>, vector<16xi32>,
    %swap3A_647 = vector.shape_cast %swap3A_646 : vector<16xi32> to vector<16xi32>
    %swap3A_648 = vector.shape_cast %add3A_644 : vector<16xi32> to vector<16xi32>
    tpu.vector_store %arg9[%swap3A_645], %swap3A_648 {strides = array<i32>} : memref<128xi32, #tpu.memory_space<vmem>>, vector<16xi32>,
    %iota3A_649 = tpu.iota {dimensions = array<i32: 0>} : vector<16xi32>
    %add3A_650 = arith.constant 32 : i32
    %add3A_651 = arith.addi %add3A_630, %add3A_650 : i32
    %add3A_652 = vector.broadcast %add3A_651 : i32 to vector<16xi32>
    %add3A_653 = arith.addi %iota3A_649, %add3A_652 : vector<16xi32>
    %swap3A_654 = arith.constant 32 : index
    %swap3A_655 = tpu.vector_load %arg9[%swap3A_654] {strides = array<i32>} : memref<128xi32, #tpu.memory_space<vmem>>, vector<16xi32>,
    %swap3A_656 = vector.shape_cast %swap3A_655 : vector<16xi32> to vector<16xi32>
    %swap3A_657 = vector.shape_cast %add3A_653 : vector<16xi32> to vector<16xi32>
    tpu.vector_store %arg9[%swap3A_654], %swap3A_657 {strides = array<i32>} : memref<128xi32, #tpu.memory_space<vmem>>, vector<16xi32>,
    %iota3A_658 = tpu.iota {dimensions = array<i32: 0>} : vector<16xi32>
    %add3A_659 = arith.constant 48 : i32
    %add3A_660 = arith.addi %add3A_630, %add3A_659 : i32
    %add3A_661 = vector.broadcast %add3A_660 : i32 to vector<16xi32>
    %add3A_662 = arith.addi %iota3A_658, %add3A_661 : vector<16xi32>
    %swap3A_663 = arith.constant 48 : index
    %swap3A_664 = tpu.vector_load %arg9[%swap3A_663] {strides = array<i32>} : memref<128xi32, #tpu.memory_space<vmem>>, vector<16xi32>,
    %swap3A_665 = vector.shape_cast %swap3A_664 : vector<16xi32> to vector<16xi32>
    %swap3A_666 = vector.shape_cast %add3A_662 : vector<16xi32> to vector<16xi32>
    tpu.vector_store %arg9[%swap3A_663], %swap3A_666 {strides = array<i32>} : memref<128xi32, #tpu.memory_space<vmem>>, vector<16xi32>,
    %iota3A_667 = tpu.iota {dimensions = array<i32: 0>} : vector<16xi32>
    %add3A_668 = arith.constant 64 : i32
    %add3A_669 = arith.addi %add3A_630, %add3A_668 : i32
    %add3A_670 = vector.broadcast %add3A_669 : i32 to vector<16xi32>
    %add3A_671 = arith.addi %iota3A_667, %add3A_670 : vector<16xi32>
    %swap3A_672 = arith.constant 64 : index
    %swap3A_673 = tpu.vector_load %arg9[%swap3A_672] {strides = array<i32>} : memref<128xi32, #tpu.memory_space<vmem>>, vector<16xi32>,
    %swap3A_674 = vector.shape_cast %swap3A_673 : vector<16xi32> to vector<16xi32>
    %swap3A_675 = vector.shape_cast %add3A_671 : vector<16xi32> to vector<16xi32>
    tpu.vector_store %arg9[%swap3A_672], %swap3A_675 {strides = array<i32>} : memref<128xi32, #tpu.memory_space<vmem>>, vector<16xi32>,
    %iota3A_676 = tpu.iota {dimensions = array<i32: 0>} : vector<16xi32>
    %add3A_677 = arith.constant 80 : i32
    %add3A_678 = arith.addi %add3A_630, %add3A_677 : i32
    %add3A_679 = vector.broadcast %add3A_678 : i32 to vector<16xi32>
    %add3A_680 = arith.addi %iota3A_676, %add3A_679 : vector<16xi32>
    %swap3A_681 = arith.constant 80 : index
    %swap3A_682 = tpu.vector_load %arg9[%swap3A_681] {strides = array<i32>} : memref<128xi32, #tpu.memory_space<vmem>>, vector<16xi32>,
    %swap3A_683 = vector.shape_cast %swap3A_682 : vector<16xi32> to vector<16xi32>
    %swap3A_684 = vector.shape_cast %add3A_680 : vector<16xi32> to vector<16xi32>
    tpu.vector_store %arg9[%swap3A_681], %swap3A_684 {strides = array<i32>} : memref<128xi32, #tpu.memory_space<vmem>>, vector<16xi32>,
    %iota3A_685 = tpu.iota {dimensions = array<i32: 0>} : vector<16xi32>
    %add3A_686 = arith.constant 96 : i32
    %add3A_687 = arith.addi %add3A_630, %add3A_686 : i32
    %add3A_688 = vector.broadcast %add3A_687 : i32 to vector<16xi32>
    %add3A_689 = arith.addi %iota3A_685, %add3A_688 : vector<16xi32>
    %swap3A_690 = arith.constant 96 : index
    %swap3A_691 = tpu.vector_load %arg9[%swap3A_690] {strides = array<i32>} : memref<128xi32, #tpu.memory_space<vmem>>, vector<16xi32>,
    %swap3A_692 = vector.shape_cast %swap3A_691 : vector<16xi32> to vector<16xi32>
    %swap3A_693 = vector.shape_cast %add3A_689 : vector<16xi32> to vector<16xi32>
    tpu.vector_store %arg9[%swap3A_690], %swap3A_693 {strides = array<i32>} : memref<128xi32, #tpu.memory_space<vmem>>, vector<16xi32>,
    %iota3A_694 = tpu.iota {dimensions = array<i32: 0>} : vector<16xi32>
    %add3A_695 = arith.constant 112 : i32
    %add3A_696 = arith.addi %add3A_630, %add3A_695 : i32
    %add3A_697 = vector.broadcast %add3A_696 : i32 to vector<16xi32>
    %add3A_698 = arith.addi %iota3A_694, %add3A_697 : vector<16xi32>
    %swap3A_699 = arith.constant 112 : index
    %swap3A_700 = tpu.vector_load %arg9[%swap3A_699] {strides = array<i32>} : memref<128xi32, #tpu.memory_space<vmem>>, vector<16xi32>,
    %swap3A_701 = vector.shape_cast %swap3A_700 : vector<16xi32> to vector<16xi32>
    %swap3A_702 = vector.shape_cast %add3A_698 : vector<16xi32> to vector<16xi32>
    tpu.vector_store %arg9[%swap3A_699], %swap3A_702 {strides = array<i32>} : memref<128xi32, #tpu.memory_space<vmem>>, vector<16xi32>,
    "tpu.region"() ({
      %run_scoped3A_787 = tpu.sem_alloc : memref<!tpu.dma_semaphore, #tpu.memory_space<semaphore_mem>>
      %dma_start3A_788 = arith.constant 0 : i32
      %dma_start3A_789 = arith.constant 0 : i32
      %dma_start3A_790 = tpu.memref_slice %arg12[%dma_start3A_788, %dma_start3A_789] : memref<10240x128xf32, #tpu.memory_space<vmem_shared>> -> memref<10240x128xf32, #tpu.memory_space<vmem_shared>>
      tpu.enqueue_indirect_dma source(%dma_start3A_790 : memref<10240x128xf32, #tpu.memory_space<vmem_shared>>) target(%arg10 : memref<128x128xf32, #tpu.memory_space<vmem>>) offsets(%arg9 : memref<128xi32, #tpu.memory_space<vmem>>) semaphore(%run_scoped3A_787 : memref<!tpu.dma_semaphore, #tpu.memory_space<semaphore_mem>>)
      %dma_wait3A = arith.constant 0 : i32
      %dma_wait3A_791 = arith.constant 0 : i32
      %dma_wait3A_792 = tpu.memref_slice %arg12[%dma_wait3A, %dma_wait3A_791] : memref<10240x128xf32, #tpu.memory_space<vmem_shared>> -> memref<10240x128xf32, #tpu.memory_space<vmem_shared>>
      tpu.wait_indirect_dma semaphore(%run_scoped3A_787 : memref<!tpu.dma_semaphore, #tpu.memory_space<semaphore_mem>>) src(%dma_wait3A_792 : memref<10240x128xf32, #tpu.memory_space<vmem_shared>>) dst(%arg10 : memref<128x128xf32, #tpu.memory_space<vmem>>)
      tpu.yield
    }) : () -> ()
    %mul3A_703 = arith.constant 640 : i32
    %mul3A_704 = arith.muli %arg1, %mul3A_703 : i32
    %add3A_705 = arith.constant 384 : i32
    %add3A_706 = arith.addi %mul3A_704, %add3A_705 : i32
    "tpu.region"() ({
      %run_scoped3A_787 = tpu.sem_alloc : memref<!tpu.dma_semaphore, #tpu.memory_space<semaphore_mem>>
      %dma_start3A_788 = arith.constant 0 : i32
      %dma_start3A_789 = tpu.memref_slice %arg6[%arg0, %add3A_706, %dma_start3A_788] : memref<2x10240x128xf32, #tpu.memory_space<hbm>> -> memref<1x128x128xf32, #tpu.memory_space<hbm>>
      %dma_start3A_790 = tpu.memref_squeeze %dma_start3A_789 : memref<1x128x128xf32, #tpu.memory_space<hbm>> -> memref<128x128xf32, #tpu.memory_space<hbm>>
      %dma_start3A_791 = arith.constant 0 : i32
      %dma_start3A_792 = tpu.memref_slice %arg6[%arg0, %add3A_706, %dma_start3A_791] : memref<2x10240x128xf32, #tpu.memory_space<hbm>> -> memref<1x128x128xf32, #tpu.memory_space<hbm>>
      %dma_start3A_793 = tpu.memref_squeeze %dma_start3A_792 : memref<1x128x128xf32, #tpu.memory_space<hbm>> -> memref<128x128xf32, #tpu.memory_space<hbm>>
      tpu.enqueue_dma source(%arg10 : memref<128x128xf32, #tpu.memory_space<vmem>>) target(%dma_start3A_793 : memref<128x128xf32, #tpu.memory_space<hbm>>) target_semaphore(%run_scoped3A_787 : memref<!tpu.dma_semaphore, #tpu.memory_space<semaphore_mem>>)
      %dma_wait3A = arith.constant 0 : i32
      %dma_wait3A_794 = tpu.memref_slice %arg6[%arg0, %add3A_706, %dma_wait3A] : memref<2x10240x128xf32, #tpu.memory_space<hbm>> -> memref<1x128x128xf32, #tpu.memory_space<hbm>>
      %dma_wait3A_795 = tpu.memref_squeeze %dma_wait3A_794 : memref<1x128x128xf32, #tpu.memory_space<hbm>> -> memref<128x128xf32, #tpu.memory_space<hbm>>
      %dma_wait3A_796 = arith.constant 0 : i32
      %dma_wait3A_797 = tpu.memref_slice %arg6[%arg0, %add3A_706, %dma_wait3A_796] : memref<2x10240x128xf32, #tpu.memory_space<hbm>> -> memref<1x128x128xf32, #tpu.memory_space<hbm>>
      %dma_wait3A_798 = tpu.memref_squeeze %dma_wait3A_797 : memref<1x128x128xf32, #tpu.memory_space<hbm>> -> memref<128x128xf32, #tpu.memory_space<hbm>>
      tpu.wait_dma2 semaphore(%run_scoped3A_787 : memref<!tpu.dma_semaphore, #tpu.memory_space<semaphore_mem>>) src(%arg10 : memref<128x128xf32, #tpu.memory_space<vmem>>) dst(%dma_wait3A_798 : memref<128x128xf32, #tpu.memory_space<hbm>>)
      tpu.yield
    }) : () -> ()
    %mul3A_707 = arith.constant 640 : i32
    %mul3A_708 = arith.muli %arg1, %mul3A_707 : i32
    %add3A_709 = arith.constant 512 : i32
    %add3A_710 = arith.addi %mul3A_708, %add3A_709 : i32
    %iota3A_711 = tpu.iota {dimensions = array<i32: 0>} : vector<16xi32>
    %add3A_712 = arith.constant 0 : i32
    %add3A_713 = arith.addi %add3A_710, %add3A_712 : i32
    %add3A_714 = vector.broadcast %add3A_713 : i32 to vector<16xi32>
    %add3A_715 = arith.addi %iota3A_711, %add3A_714 : vector<16xi32>
    %swap3A_716 = arith.constant 0 : index
    %swap3A_717 = tpu.vector_load %arg9[%swap3A_716] {strides = array<i32>} : memref<128xi32, #tpu.memory_space<vmem>>, vector<16xi32>,
    %swap3A_718 = vector.shape_cast %swap3A_717 : vector<16xi32> to vector<16xi32>
    %swap3A_719 = vector.shape_cast %add3A_715 : vector<16xi32> to vector<16xi32>
    tpu.vector_store %arg9[%swap3A_716], %swap3A_719 {strides = array<i32>} : memref<128xi32, #tpu.memory_space<vmem>>, vector<16xi32>,
    %iota3A_720 = tpu.iota {dimensions = array<i32: 0>} : vector<16xi32>
    %add3A_721 = arith.constant 16 : i32
    %add3A_722 = arith.addi %add3A_710, %add3A_721 : i32
    %add3A_723 = vector.broadcast %add3A_722 : i32 to vector<16xi32>
    %add3A_724 = arith.addi %iota3A_720, %add3A_723 : vector<16xi32>
    %swap3A_725 = arith.constant 16 : index
    %swap3A_726 = tpu.vector_load %arg9[%swap3A_725] {strides = array<i32>} : memref<128xi32, #tpu.memory_space<vmem>>, vector<16xi32>,
    %swap3A_727 = vector.shape_cast %swap3A_726 : vector<16xi32> to vector<16xi32>
    %swap3A_728 = vector.shape_cast %add3A_724 : vector<16xi32> to vector<16xi32>
    tpu.vector_store %arg9[%swap3A_725], %swap3A_728 {strides = array<i32>} : memref<128xi32, #tpu.memory_space<vmem>>, vector<16xi32>,
    %iota3A_729 = tpu.iota {dimensions = array<i32: 0>} : vector<16xi32>
    %add3A_730 = arith.constant 32 : i32
    %add3A_731 = arith.addi %add3A_710, %add3A_730 : i32
    %add3A_732 = vector.broadcast %add3A_731 : i32 to vector<16xi32>
    %add3A_733 = arith.addi %iota3A_729, %add3A_732 : vector<16xi32>
    %swap3A_734 = arith.constant 32 : index
    %swap3A_735 = tpu.vector_load %arg9[%swap3A_734] {strides = array<i32>} : memref<128xi32, #tpu.memory_space<vmem>>, vector<16xi32>,
    %swap3A_736 = vector.shape_cast %swap3A_735 : vector<16xi32> to vector<16xi32>
    %swap3A_737 = vector.shape_cast %add3A_733 : vector<16xi32> to vector<16xi32>
    tpu.vector_store %arg9[%swap3A_734], %swap3A_737 {strides = array<i32>} : memref<128xi32, #tpu.memory_space<vmem>>, vector<16xi32>,
    %iota3A_738 = tpu.iota {dimensions = array<i32: 0>} : vector<16xi32>
    %add3A_739 = arith.constant 48 : i32
    %add3A_740 = arith.addi %add3A_710, %add3A_739 : i32
    %add3A_741 = vector.broadcast %add3A_740 : i32 to vector<16xi32>
    %add3A_742 = arith.addi %iota3A_738, %add3A_741 : vector<16xi32>
    %swap3A_743 = arith.constant 48 : index
    %swap3A_744 = tpu.vector_load %arg9[%swap3A_743] {strides = array<i32>} : memref<128xi32, #tpu.memory_space<vmem>>, vector<16xi32>,
    %swap3A_745 = vector.shape_cast %swap3A_744 : vector<16xi32> to vector<16xi32>
    %swap3A_746 = vector.shape_cast %add3A_742 : vector<16xi32> to vector<16xi32>
    tpu.vector_store %arg9[%swap3A_743], %swap3A_746 {strides = array<i32>} : memref<128xi32, #tpu.memory_space<vmem>>, vector<16xi32>,
    %iota3A_747 = tpu.iota {dimensions = array<i32: 0>} : vector<16xi32>
    %add3A_748 = arith.constant 64 : i32
    %add3A_749 = arith.addi %add3A_710, %add3A_748 : i32
    %add3A_750 = vector.broadcast %add3A_749 : i32 to vector<16xi32>
    %add3A_751 = arith.addi %iota3A_747, %add3A_750 : vector<16xi32>
    %swap3A_752 = arith.constant 64 : index
    %swap3A_753 = tpu.vector_load %arg9[%swap3A_752] {strides = array<i32>} : memref<128xi32, #tpu.memory_space<vmem>>, vector<16xi32>,
    %swap3A_754 = vector.shape_cast %swap3A_753 : vector<16xi32> to vector<16xi32>
    %swap3A_755 = vector.shape_cast %add3A_751 : vector<16xi32> to vector<16xi32>
    tpu.vector_store %arg9[%swap3A_752], %swap3A_755 {strides = array<i32>} : memref<128xi32, #tpu.memory_space<vmem>>, vector<16xi32>,
    %iota3A_756 = tpu.iota {dimensions = array<i32: 0>} : vector<16xi32>
    %add3A_757 = arith.constant 80 : i32
    %add3A_758 = arith.addi %add3A_710, %add3A_757 : i32
    %add3A_759 = vector.broadcast %add3A_758 : i32 to vector<16xi32>
    %add3A_760 = arith.addi %iota3A_756, %add3A_759 : vector<16xi32>
    %swap3A_761 = arith.constant 80 : index
    %swap3A_762 = tpu.vector_load %arg9[%swap3A_761] {strides = array<i32>} : memref<128xi32, #tpu.memory_space<vmem>>, vector<16xi32>,
    %swap3A_763 = vector.shape_cast %swap3A_762 : vector<16xi32> to vector<16xi32>
    %swap3A_764 = vector.shape_cast %add3A_760 : vector<16xi32> to vector<16xi32>
    tpu.vector_store %arg9[%swap3A_761], %swap3A_764 {strides = array<i32>} : memref<128xi32, #tpu.memory_space<vmem>>, vector<16xi32>,
    %iota3A_765 = tpu.iota {dimensions = array<i32: 0>} : vector<16xi32>
    %add3A_766 = arith.constant 96 : i32
    %add3A_767 = arith.addi %add3A_710, %add3A_766 : i32
    %add3A_768 = vector.broadcast %add3A_767 : i32 to vector<16xi32>
    %add3A_769 = arith.addi %iota3A_765, %add3A_768 : vector<16xi32>
    %swap3A_770 = arith.constant 96 : index
    %swap3A_771 = tpu.vector_load %arg9[%swap3A_770] {strides = array<i32>} : memref<128xi32, #tpu.memory_space<vmem>>, vector<16xi32>,
    %swap3A_772 = vector.shape_cast %swap3A_771 : vector<16xi32> to vector<16xi32>
    %swap3A_773 = vector.shape_cast %add3A_769 : vector<16xi32> to vector<16xi32>
    tpu.vector_store %arg9[%swap3A_770], %swap3A_773 {strides = array<i32>} : memref<128xi32, #tpu.memory_space<vmem>>, vector<16xi32>,
    %iota3A_774 = tpu.iota {dimensions = array<i32: 0>} : vector<16xi32>
    %add3A_775 = arith.constant 112 : i32
    %add3A_776 = arith.addi %add3A_710, %add3A_775 : i32
    %add3A_777 = vector.broadcast %add3A_776 : i32 to vector<16xi32>
    %add3A_778 = arith.addi %iota3A_774, %add3A_777 : vector<16xi32>
    %swap3A_779 = arith.constant 112 : index
    %swap3A_780 = tpu.vector_load %arg9[%swap3A_779] {strides = array<i32>} : memref<128xi32, #tpu.memory_space<vmem>>, vector<16xi32>,
    %swap3A_781 = vector.shape_cast %swap3A_780 : vector<16xi32> to vector<16xi32>
    %swap3A_782 = vector.shape_cast %add3A_778 : vector<16xi32> to vector<16xi32>
    tpu.vector_store %arg9[%swap3A_779], %swap3A_782 {strides = array<i32>} : memref<128xi32, #tpu.memory_space<vmem>>, vector<16xi32>,
    "tpu.region"() ({
      %run_scoped3A_787 = tpu.sem_alloc : memref<!tpu.dma_semaphore, #tpu.memory_space<semaphore_mem>>
      %dma_start3A_788 = arith.constant 0 : i32
      %dma_start3A_789 = arith.constant 0 : i32
      %dma_start3A_790 = tpu.memref_slice %arg12[%dma_start3A_788, %dma_start3A_789] : memref<10240x128xf32, #tpu.memory_space<vmem_shared>> -> memref<10240x128xf32, #tpu.memory_space<vmem_shared>>
      tpu.enqueue_indirect_dma source(%dma_start3A_790 : memref<10240x128xf32, #tpu.memory_space<vmem_shared>>) target(%arg10 : memref<128x128xf32, #tpu.memory_space<vmem>>) offsets(%arg9 : memref<128xi32, #tpu.memory_space<vmem>>) semaphore(%run_scoped3A_787 : memref<!tpu.dma_semaphore, #tpu.memory_space<semaphore_mem>>)
      %dma_wait3A = arith.constant 0 : i32
      %dma_wait3A_791 = arith.constant 0 : i32
      %dma_wait3A_792 = tpu.memref_slice %arg12[%dma_wait3A, %dma_wait3A_791] : memref<10240x128xf32, #tpu.memory_space<vmem_shared>> -> memref<10240x128xf32, #tpu.memory_space<vmem_shared>>
      tpu.wait_indirect_dma semaphore(%run_scoped3A_787 : memref<!tpu.dma_semaphore, #tpu.memory_space<semaphore_mem>>) src(%dma_wait3A_792 : memref<10240x128xf32, #tpu.memory_space<vmem_shared>>) dst(%arg10 : memref<128x128xf32, #tpu.memory_space<vmem>>)
      tpu.yield
    }) : () -> ()
    %mul3A_783 = arith.constant 640 : i32
    %mul3A_784 = arith.muli %arg1, %mul3A_783 : i32
    %add3A_785 = arith.constant 512 : i32
    %add3A_786 = arith.addi %mul3A_784, %add3A_785 : i32
    "tpu.region"() ({
      %run_scoped3A_787 = tpu.sem_alloc : memref<!tpu.dma_semaphore, #tpu.memory_space<semaphore_mem>>
      %dma_start3A_788 = arith.constant 0 : i32
      %dma_start3A_789 = tpu.memref_slice %arg6[%arg0, %add3A_786, %dma_start3A_788] : memref<2x10240x128xf32, #tpu.memory_space<hbm>> -> memref<1x128x128xf32, #tpu.memory_space<hbm>>
      %dma_start3A_790 = tpu.memref_squeeze %dma_start3A_789 : memref<1x128x128xf32, #tpu.memory_space<hbm>> -> memref<128x128xf32, #tpu.memory_space<hbm>>
      %dma_start3A_791 = arith.constant 0 : i32
      %dma_start3A_792 = tpu.memref_slice %arg6[%arg0, %add3A_786, %dma_start3A_791] : memref<2x10240x128xf32, #tpu.memory_space<hbm>> -> memref<1x128x128xf32, #tpu.memory_space<hbm>>
      %dma_start3A_793 = tpu.memref_squeeze %dma_start3A_792 : memref<1x128x128xf32, #tpu.memory_space<hbm>> -> memref<128x128xf32, #tpu.memory_space<hbm>>
      tpu.enqueue_dma source(%arg10 : memref<128x128xf32, #tpu.memory_space<vmem>>) target(%dma_start3A_793 : memref<128x128xf32, #tpu.memory_space<hbm>>) target_semaphore(%run_scoped3A_787 : memref<!tpu.dma_semaphore, #tpu.memory_space<semaphore_mem>>)
      %dma_wait3A = arith.constant 0 : i32
      %dma_wait3A_794 = tpu.memref_slice %arg6[%arg0, %add3A_786, %dma_wait3A] : memref<2x10240x128xf32, #tpu.memory_space<hbm>> -> memref<1x128x128xf32, #tpu.memory_space<hbm>>
      %dma_wait3A_795 = tpu.memref_squeeze %dma_wait3A_794 : memref<1x128x128xf32, #tpu.memory_space<hbm>> -> memref<128x128xf32, #tpu.memory_space<hbm>>
      %dma_wait3A_796 = arith.constant 0 : i32
      %dma_wait3A_797 = tpu.memref_slice %arg6[%arg0, %add3A_786, %dma_wait3A_796] : memref<2x10240x128xf32, #tpu.memory_space<hbm>> -> memref<1x128x128xf32, #tpu.memory_space<hbm>>
      %dma_wait3A_798 = tpu.memref_squeeze %dma_wait3A_797 : memref<1x128x128xf32, #tpu.memory_space<hbm>> -> memref<128x128xf32, #tpu.memory_space<hbm>>
      tpu.wait_dma2 semaphore(%run_scoped3A_787 : memref<!tpu.dma_semaphore, #tpu.memory_space<semaphore_mem>>) src(%arg10 : memref<128x128xf32, #tpu.memory_space<vmem>>) dst(%dma_wait3A_798 : memref<128x128xf32, #tpu.memory_space<hbm>>)
      tpu.yield
    }) : () -> ()
    return
  }
}

#map = affine_map<(d0, d1) -> (0, 0)>
#map1 = affine_map<(d0, d1) -> (0, 0, 0)>
module attributes {stable_mosaic.version = 14 : i64} {
  func.func @agg_kernel(%arg0: i32, %arg1: i32, %arg2: memref<10000x128xf32, #tpu.memory_space<hbm>>, %arg3: memref<32x80x128xi32, #tpu.memory_space<hbm>>, %arg4: memref<32x80x128xi32, #tpu.memory_space<hbm>>, %arg5: memref<128x128xf32, #tpu.memory_space<hbm>>, %arg6: memref<2x10240x128xf32, #tpu.memory_space<hbm>>, %arg7: memref<128xi32, #tpu.memory_space<vmem>>, %arg8: memref<128xi32, #tpu.memory_space<vmem>>, %arg9: memref<128xi32, #tpu.memory_space<vmem>>, %arg10: memref<128x128xf32, #tpu.memory_space<vmem>>, %arg11: memref<128x128xf32, #tpu.memory_space<vmem>>, %arg12: memref<10240x128xf32, #tpu.memory_space<vmem_shared>>, %arg13: memref<!tpu.dma_semaphore, #tpu.memory_space<semaphore_mem>>, %arg14: memref<!tpu.dma_semaphore, #tpu.memory_space<semaphore_mem>>) attributes {dimension_semantics = [#tpu.dimension_semantics<core_parallel>, #tpu.dimension_semantics<subcore_parallel>], iteration_bounds = array<i64: 2, 16>, scalar_prefetch = 0 : i64, scratch_operands = 8 : i64, tpu.core_type = #tpu.core_type<sc_vector_subcore>, window_params = [{transform_indices = #map}, {transform_indices = #map1}, {transform_indices = #map1}, {transform_indices = #map}, {transform_indices = #map1}]} {
    %mul3A = arith.constant 16 : i32
    %mul3A_0 = arith.muli %arg0, %mul3A : i32
    %add3A = arith.addi %mul3A_0, %arg1 : i32
    "tpu.region"() ({
      %run_scoped3A_787 = tpu.sem_alloc : memref<!tpu.dma_semaphore, #tpu.memory_space<semaphore_mem>>
      tpu.enqueue_dma source(%arg5 : memref<128x128xf32, #tpu.memory_space<hbm>>) target(%arg10 : memref<128x128xf32, #tpu.memory_space<vmem>>) target_semaphore(%run_scoped3A_787 : memref<!tpu.dma_semaphore, #tpu.memory_space<semaphore_mem>>)
      tpu.wait_dma2 semaphore(%run_scoped3A_787 : memref<!tpu.dma_semaphore, #tpu.memory_space<semaphore_mem>>) src(%arg5 : memref<128x128xf32, #tpu.memory_space<hbm>>) dst(%arg10 : memref<128x128xf32, #tpu.memory_space<vmem>>)
      tpu.yield
    }) : () -> ()
    %mul3A_1 = arith.constant 640 : i32
    %mul3A_2 = arith.muli %arg1, %mul3A_1 : i32
    %add3A_3 = arith.constant 0 : i32
    %add3A_4 = arith.addi %mul3A_2, %add3A_3 : i32
    %iota3A = tpu.iota {dimensions = array<i32: 0>} : vector<16xi32>
    %add3A_5 = arith.constant 0 : i32
    %add3A_6 = arith.addi %add3A_4, %add3A_5 : i32
    %add3A_7 = vector.broadcast %add3A_6 : i32 to vector<16xi32>
    %add3A_8 = arith.addi %iota3A, %add3A_7 : vector<16xi32>
    %swap3A = arith.constant 0 : index
    %swap3A_9 = tpu.vector_load %arg9[%swap3A] {strides = array<i32>} : memref<128xi32, #tpu.memory_space<vmem>>, vector<16xi32>,
    %swap3A_10 = vector.shape_cast %swap3A_9 : vector<16xi32> to vector<16xi32>
    %swap3A_11 = vector.shape_cast %add3A_8 : vector<16xi32> to vector<16xi32>
    tpu.vector_store %arg9[%swap3A], %swap3A_11 {strides = array<i32>} : memref<128xi32, #tpu.memory_space<vmem>>, vector<16xi32>,
    %iota3A_12 = tpu.iota {dimensions = array<i32: 0>} : vector<16xi32>
    %add3A_13 = arith.constant 16 : i32
    %add3A_14 = arith.addi %add3A_4, %add3A_13 : i32
    %add3A_15 = vector.broadcast %add3A_14 : i32 to vector<16xi32>
    %add3A_16 = arith.addi %iota3A_12, %add3A_15 : vector<16xi32>
    %swap3A_17 = arith.constant 16 : index
    %swap3A_18 = tpu.vector_load %arg9[%swap3A_17] {strides = array<i32>} : memref<128xi32, #tpu.memory_space<vmem>>, vector<16xi32>,
    %swap3A_19 = vector.shape_cast %swap3A_18 : vector<16xi32> to vector<16xi32>
    %swap3A_20 = vector.shape_cast %add3A_16 : vector<16xi32> to vector<16xi32>
    tpu.vector_store %arg9[%swap3A_17], %swap3A_20 {strides = array<i32>} : memref<128xi32, #tpu.memory_space<vmem>>, vector<16xi32>,
    %iota3A_21 = tpu.iota {dimensions = array<i32: 0>} : vector<16xi32>
    %add3A_22 = arith.constant 32 : i32
    %add3A_23 = arith.addi %add3A_4, %add3A_22 : i32
    %add3A_24 = vector.broadcast %add3A_23 : i32 to vector<16xi32>
    %add3A_25 = arith.addi %iota3A_21, %add3A_24 : vector<16xi32>
    %swap3A_26 = arith.constant 32 : index
    %swap3A_27 = tpu.vector_load %arg9[%swap3A_26] {strides = array<i32>} : memref<128xi32, #tpu.memory_space<vmem>>, vector<16xi32>,
    %swap3A_28 = vector.shape_cast %swap3A_27 : vector<16xi32> to vector<16xi32>
    %swap3A_29 = vector.shape_cast %add3A_25 : vector<16xi32> to vector<16xi32>
    tpu.vector_store %arg9[%swap3A_26], %swap3A_29 {strides = array<i32>} : memref<128xi32, #tpu.memory_space<vmem>>, vector<16xi32>,
    %iota3A_30 = tpu.iota {dimensions = array<i32: 0>} : vector<16xi32>
    %add3A_31 = arith.constant 48 : i32
    %add3A_32 = arith.addi %add3A_4, %add3A_31 : i32
    %add3A_33 = vector.broadcast %add3A_32 : i32 to vector<16xi32>
    %add3A_34 = arith.addi %iota3A_30, %add3A_33 : vector<16xi32>
    %swap3A_35 = arith.constant 48 : index
    %swap3A_36 = tpu.vector_load %arg9[%swap3A_35] {strides = array<i32>} : memref<128xi32, #tpu.memory_space<vmem>>, vector<16xi32>,
    %swap3A_37 = vector.shape_cast %swap3A_36 : vector<16xi32> to vector<16xi32>
    %swap3A_38 = vector.shape_cast %add3A_34 : vector<16xi32> to vector<16xi32>
    tpu.vector_store %arg9[%swap3A_35], %swap3A_38 {strides = array<i32>} : memref<128xi32, #tpu.memory_space<vmem>>, vector<16xi32>,
    %iota3A_39 = tpu.iota {dimensions = array<i32: 0>} : vector<16xi32>
    %add3A_40 = arith.constant 64 : i32
    %add3A_41 = arith.addi %add3A_4, %add3A_40 : i32
    %add3A_42 = vector.broadcast %add3A_41 : i32 to vector<16xi32>
    %add3A_43 = arith.addi %iota3A_39, %add3A_42 : vector<16xi32>
    %swap3A_44 = arith.constant 64 : index
    %swap3A_45 = tpu.vector_load %arg9[%swap3A_44] {strides = array<i32>} : memref<128xi32, #tpu.memory_space<vmem>>, vector<16xi32>,
    %swap3A_46 = vector.shape_cast %swap3A_45 : vector<16xi32> to vector<16xi32>
    %swap3A_47 = vector.shape_cast %add3A_43 : vector<16xi32> to vector<16xi32>
    tpu.vector_store %arg9[%swap3A_44], %swap3A_47 {strides = array<i32>} : memref<128xi32, #tpu.memory_space<vmem>>, vector<16xi32>,
    %iota3A_48 = tpu.iota {dimensions = array<i32: 0>} : vector<16xi32>
    %add3A_49 = arith.constant 80 : i32
    %add3A_50 = arith.addi %add3A_4, %add3A_49 : i32
    %add3A_51 = vector.broadcast %add3A_50 : i32 to vector<16xi32>
    %add3A_52 = arith.addi %iota3A_48, %add3A_51 : vector<16xi32>
    %swap3A_53 = arith.constant 80 : index
    %swap3A_54 = tpu.vector_load %arg9[%swap3A_53] {strides = array<i32>} : memref<128xi32, #tpu.memory_space<vmem>>, vector<16xi32>,
    %swap3A_55 = vector.shape_cast %swap3A_54 : vector<16xi32> to vector<16xi32>
    %swap3A_56 = vector.shape_cast %add3A_52 : vector<16xi32> to vector<16xi32>
    tpu.vector_store %arg9[%swap3A_53], %swap3A_56 {strides = array<i32>} : memref<128xi32, #tpu.memory_space<vmem>>, vector<16xi32>,
    %iota3A_57 = tpu.iota {dimensions = array<i32: 0>} : vector<16xi32>
    %add3A_58 = arith.constant 96 : i32
    %add3A_59 = arith.addi %add3A_4, %add3A_58 : i32
    %add3A_60 = vector.broadcast %add3A_59 : i32 to vector<16xi32>
    %add3A_61 = arith.addi %iota3A_57, %add3A_60 : vector<16xi32>
    %swap3A_62 = arith.constant 96 : index
    %swap3A_63 = tpu.vector_load %arg9[%swap3A_62] {strides = array<i32>} : memref<128xi32, #tpu.memory_space<vmem>>, vector<16xi32>,
    %swap3A_64 = vector.shape_cast %swap3A_63 : vector<16xi32> to vector<16xi32>
    %swap3A_65 = vector.shape_cast %add3A_61 : vector<16xi32> to vector<16xi32>
    tpu.vector_store %arg9[%swap3A_62], %swap3A_65 {strides = array<i32>} : memref<128xi32, #tpu.memory_space<vmem>>, vector<16xi32>,
    %iota3A_66 = tpu.iota {dimensions = array<i32: 0>} : vector<16xi32>
    %add3A_67 = arith.constant 112 : i32
    %add3A_68 = arith.addi %add3A_4, %add3A_67 : i32
    %add3A_69 = vector.broadcast %add3A_68 : i32 to vector<16xi32>
    %add3A_70 = arith.addi %iota3A_66, %add3A_69 : vector<16xi32>
    %swap3A_71 = arith.constant 112 : index
    %swap3A_72 = tpu.vector_load %arg9[%swap3A_71] {strides = array<i32>} : memref<128xi32, #tpu.memory_space<vmem>>, vector<16xi32>,
    %swap3A_73 = vector.shape_cast %swap3A_72 : vector<16xi32> to vector<16xi32>
    %swap3A_74 = vector.shape_cast %add3A_70 : vector<16xi32> to vector<16xi32>
    tpu.vector_store %arg9[%swap3A_71], %swap3A_74 {strides = array<i32>} : memref<128xi32, #tpu.memory_space<vmem>>, vector<16xi32>,
    "tpu.region"() ({
      %run_scoped3A_787 = tpu.sem_alloc : memref<!tpu.dma_semaphore, #tpu.memory_space<semaphore_mem>>
      %dma_start3A_788 = arith.constant 0 : i32
      %dma_start3A_789 = arith.constant 0 : i32
      %dma_start3A_790 = tpu.memref_slice %arg12[%dma_start3A_788, %dma_start3A_789] : memref<10240x128xf32, #tpu.memory_space<vmem_shared>> -> memref<10240x128xf32, #tpu.memory_space<vmem_shared>>
      tpu.enqueue_indirect_dma source(%arg10 : memref<128x128xf32, #tpu.memory_space<vmem>>) target(%dma_start3A_790 : memref<10240x128xf32, #tpu.memory_space<vmem_shared>>) offsets(%arg9 : memref<128xi32, #tpu.memory_space<vmem>>) semaphore(%run_scoped3A_787 : memref<!tpu.dma_semaphore, #tpu.memory_space<semaphore_mem>>)
      %dma_wait3A = arith.constant 0 : i32
      %dma_wait3A_791 = arith.constant 0 : i32
      %dma_wait3A_792 = tpu.memref_slice %arg12[%dma_wait3A, %dma_wait3A_791] : memref<10240x128xf32, #tpu.memory_space<vmem_shared>> -> memref<10240x128xf32, #tpu.memory_space<vmem_shared>>
      tpu.wait_indirect_dma semaphore(%run_scoped3A_787 : memref<!tpu.dma_semaphore, #tpu.memory_space<semaphore_mem>>) src(%arg10 : memref<128x128xf32, #tpu.memory_space<vmem>>) dst(%dma_wait3A_792 : memref<10240x128xf32, #tpu.memory_space<vmem_shared>>)
      tpu.yield
    }) : () -> ()
    %mul3A_75 = arith.constant 640 : i32
    %mul3A_76 = arith.muli %arg1, %mul3A_75 : i32
    %add3A_77 = arith.constant 128 : i32
    %add3A_78 = arith.addi %mul3A_76, %add3A_77 : i32
    %iota3A_79 = tpu.iota {dimensions = array<i32: 0>} : vector<16xi32>
    %add3A_80 = arith.constant 0 : i32
    %add3A_81 = arith.addi %add3A_78, %add3A_80 : i32
    %add3A_82 = vector.broadcast %add3A_81 : i32 to vector<16xi32>
    %add3A_83 = arith.addi %iota3A_79, %add3A_82 : vector<16xi32>
    %swap3A_84 = arith.constant 0 : index
    %swap3A_85 = tpu.vector_load %arg9[%swap3A_84] {strides = array<i32>} : memref<128xi32, #tpu.memory_space<vmem>>, vector<16xi32>,
    %swap3A_86 = vector.shape_cast %swap3A_85 : vector<16xi32> to vector<16xi32>
    %swap3A_87 = vector.shape_cast %add3A_83 : vector<16xi32> to vector<16xi32>
    tpu.vector_store %arg9[%swap3A_84], %swap3A_87 {strides = array<i32>} : memref<128xi32, #tpu.memory_space<vmem>>, vector<16xi32>,
    %iota3A_88 = tpu.iota {dimensions = array<i32: 0>} : vector<16xi32>
    %add3A_89 = arith.constant 16 : i32
    %add3A_90 = arith.addi %add3A_78, %add3A_89 : i32
    %add3A_91 = vector.broadcast %add3A_90 : i32 to vector<16xi32>
    %add3A_92 = arith.addi %iota3A_88, %add3A_91 : vector<16xi32>
    %swap3A_93 = arith.constant 16 : index
    %swap3A_94 = tpu.vector_load %arg9[%swap3A_93] {strides = array<i32>} : memref<128xi32, #tpu.memory_space<vmem>>, vector<16xi32>,
    %swap3A_95 = vector.shape_cast %swap3A_94 : vector<16xi32> to vector<16xi32>
    %swap3A_96 = vector.shape_cast %add3A_92 : vector<16xi32> to vector<16xi32>
    tpu.vector_store %arg9[%swap3A_93], %swap3A_96 {strides = array<i32>} : memref<128xi32, #tpu.memory_space<vmem>>, vector<16xi32>,
    %iota3A_97 = tpu.iota {dimensions = array<i32: 0>} : vector<16xi32>
    %add3A_98 = arith.constant 32 : i32
    %add3A_99 = arith.addi %add3A_78, %add3A_98 : i32
    %add3A_100 = vector.broadcast %add3A_99 : i32 to vector<16xi32>
    %add3A_101 = arith.addi %iota3A_97, %add3A_100 : vector<16xi32>
    %swap3A_102 = arith.constant 32 : index
    %swap3A_103 = tpu.vector_load %arg9[%swap3A_102] {strides = array<i32>} : memref<128xi32, #tpu.memory_space<vmem>>, vector<16xi32>,
    %swap3A_104 = vector.shape_cast %swap3A_103 : vector<16xi32> to vector<16xi32>
    %swap3A_105 = vector.shape_cast %add3A_101 : vector<16xi32> to vector<16xi32>
    tpu.vector_store %arg9[%swap3A_102], %swap3A_105 {strides = array<i32>} : memref<128xi32, #tpu.memory_space<vmem>>, vector<16xi32>,
    %iota3A_106 = tpu.iota {dimensions = array<i32: 0>} : vector<16xi32>
    %add3A_107 = arith.constant 48 : i32
    %add3A_108 = arith.addi %add3A_78, %add3A_107 : i32
    %add3A_109 = vector.broadcast %add3A_108 : i32 to vector<16xi32>
    %add3A_110 = arith.addi %iota3A_106, %add3A_109 : vector<16xi32>
    %swap3A_111 = arith.constant 48 : index
    %swap3A_112 = tpu.vector_load %arg9[%swap3A_111] {strides = array<i32>} : memref<128xi32, #tpu.memory_space<vmem>>, vector<16xi32>,
    %swap3A_113 = vector.shape_cast %swap3A_112 : vector<16xi32> to vector<16xi32>
    %swap3A_114 = vector.shape_cast %add3A_110 : vector<16xi32> to vector<16xi32>
    tpu.vector_store %arg9[%swap3A_111], %swap3A_114 {strides = array<i32>} : memref<128xi32, #tpu.memory_space<vmem>>, vector<16xi32>,
    %iota3A_115 = tpu.iota {dimensions = array<i32: 0>} : vector<16xi32>
    %add3A_116 = arith.constant 64 : i32
    %add3A_117 = arith.addi %add3A_78, %add3A_116 : i32
    %add3A_118 = vector.broadcast %add3A_117 : i32 to vector<16xi32>
    %add3A_119 = arith.addi %iota3A_115, %add3A_118 : vector<16xi32>
    %swap3A_120 = arith.constant 64 : index
    %swap3A_121 = tpu.vector_load %arg9[%swap3A_120] {strides = array<i32>} : memref<128xi32, #tpu.memory_space<vmem>>, vector<16xi32>,
    %swap3A_122 = vector.shape_cast %swap3A_121 : vector<16xi32> to vector<16xi32>
    %swap3A_123 = vector.shape_cast %add3A_119 : vector<16xi32> to vector<16xi32>
    tpu.vector_store %arg9[%swap3A_120], %swap3A_123 {strides = array<i32>} : memref<128xi32, #tpu.memory_space<vmem>>, vector<16xi32>,
    %iota3A_124 = tpu.iota {dimensions = array<i32: 0>} : vector<16xi32>
    %add3A_125 = arith.constant 80 : i32
    %add3A_126 = arith.addi %add3A_78, %add3A_125 : i32
    %add3A_127 = vector.broadcast %add3A_126 : i32 to vector<16xi32>
    %add3A_128 = arith.addi %iota3A_124, %add3A_127 : vector<16xi32>
    %swap3A_129 = arith.constant 80 : index
    %swap3A_130 = tpu.vector_load %arg9[%swap3A_129] {strides = array<i32>} : memref<128xi32, #tpu.memory_space<vmem>>, vector<16xi32>,
    %swap3A_131 = vector.shape_cast %swap3A_130 : vector<16xi32> to vector<16xi32>
    %swap3A_132 = vector.shape_cast %add3A_128 : vector<16xi32> to vector<16xi32>
    tpu.vector_store %arg9[%swap3A_129], %swap3A_132 {strides = array<i32>} : memref<128xi32, #tpu.memory_space<vmem>>, vector<16xi32>,
    %iota3A_133 = tpu.iota {dimensions = array<i32: 0>} : vector<16xi32>
    %add3A_134 = arith.constant 96 : i32
    %add3A_135 = arith.addi %add3A_78, %add3A_134 : i32
    %add3A_136 = vector.broadcast %add3A_135 : i32 to vector<16xi32>
    %add3A_137 = arith.addi %iota3A_133, %add3A_136 : vector<16xi32>
    %swap3A_138 = arith.constant 96 : index
    %swap3A_139 = tpu.vector_load %arg9[%swap3A_138] {strides = array<i32>} : memref<128xi32, #tpu.memory_space<vmem>>, vector<16xi32>,
    %swap3A_140 = vector.shape_cast %swap3A_139 : vector<16xi32> to vector<16xi32>
    %swap3A_141 = vector.shape_cast %add3A_137 : vector<16xi32> to vector<16xi32>
    tpu.vector_store %arg9[%swap3A_138], %swap3A_141 {strides = array<i32>} : memref<128xi32, #tpu.memory_space<vmem>>, vector<16xi32>,
    %iota3A_142 = tpu.iota {dimensions = array<i32: 0>} : vector<16xi32>
    %add3A_143 = arith.constant 112 : i32
    %add3A_144 = arith.addi %add3A_78, %add3A_143 : i32
    %add3A_145 = vector.broadcast %add3A_144 : i32 to vector<16xi32>
    %add3A_146 = arith.addi %iota3A_142, %add3A_145 : vector<16xi32>
    %swap3A_147 = arith.constant 112 : index
    %swap3A_148 = tpu.vector_load %arg9[%swap3A_147] {strides = array<i32>} : memref<128xi32, #tpu.memory_space<vmem>>, vector<16xi32>,
    %swap3A_149 = vector.shape_cast %swap3A_148 : vector<16xi32> to vector<16xi32>
    %swap3A_150 = vector.shape_cast %add3A_146 : vector<16xi32> to vector<16xi32>
    tpu.vector_store %arg9[%swap3A_147], %swap3A_150 {strides = array<i32>} : memref<128xi32, #tpu.memory_space<vmem>>, vector<16xi32>,
    "tpu.region"() ({
      %run_scoped3A_787 = tpu.sem_alloc : memref<!tpu.dma_semaphore, #tpu.memory_space<semaphore_mem>>
      %dma_start3A_788 = arith.constant 0 : i32
      %dma_start3A_789 = arith.constant 0 : i32
      %dma_start3A_790 = tpu.memref_slice %arg12[%dma_start3A_788, %dma_start3A_789] : memref<10240x128xf32, #tpu.memory_space<vmem_shared>> -> memref<10240x128xf32, #tpu.memory_space<vmem_shared>>
      tpu.enqueue_indirect_dma source(%arg10 : memref<128x128xf32, #tpu.memory_space<vmem>>) target(%dma_start3A_790 : memref<10240x128xf32, #tpu.memory_space<vmem_shared>>) offsets(%arg9 : memref<128xi32, #tpu.memory_space<vmem>>) semaphore(%run_scoped3A_787 : memref<!tpu.dma_semaphore, #tpu.memory_space<semaphore_mem>>)
      %dma_wait3A = arith.constant 0 : i32
      %dma_wait3A_791 = arith.constant 0 : i32
      %dma_wait3A_792 = tpu.memref_slice %arg12[%dma_wait3A, %dma_wait3A_791] : memref<10240x128xf32, #tpu.memory_space<vmem_shared>> -> memref<10240x128xf32, #tpu.memory_space<vmem_shared>>
      tpu.wait_indirect_dma semaphore(%run_scoped3A_787 : memref<!tpu.dma_semaphore, #tpu.memory_space<semaphore_mem>>) src(%arg10 : memref<128x128xf32, #tpu.memory_space<vmem>>) dst(%dma_wait3A_792 : memref<10240x128xf32, #tpu.memory_space<vmem_shared>>)
      tpu.yield
    }) : () -> ()
    %mul3A_151 = arith.constant 640 : i32
    %mul3A_152 = arith.muli %arg1, %mul3A_151 : i32
    %add3A_153 = arith.constant 256 : i32
    %add3A_154 = arith.addi %mul3A_152, %add3A_153 : i32
    %iota3A_155 = tpu.iota {dimensions = array<i32: 0>} : vector<16xi32>
    %add3A_156 = arith.constant 0 : i32
    %add3A_157 = arith.addi %add3A_154, %add3A_156 : i32
    %add3A_158 = vector.broadcast %add3A_157 : i32 to vector<16xi32>
    %add3A_159 = arith.addi %iota3A_155, %add3A_158 : vector<16xi32>
    %swap3A_160 = arith.constant 0 : index
    %swap3A_161 = tpu.vector_load %arg9[%swap3A_160] {strides = array<i32>} : memref<128xi32, #tpu.memory_space<vmem>>, vector<16xi32>,
    %swap3A_162 = vector.shape_cast %swap3A_161 : vector<16xi32> to vector<16xi32>
    %swap3A_163 = vector.shape_cast %add3A_159 : vector<16xi32> to vector<16xi32>
    tpu.vector_store %arg9[%swap3A_160], %swap3A_163 {strides = array<i32>} : memref<128xi32, #tpu.memory_space<vmem>>, vector<16xi32>,
    %iota3A_164 = tpu.iota {dimensions = array<i32: 0>} : vector<16xi32>
    %add3A_165 = arith.constant 16 : i32
    %add3A_166 = arith.addi %add3A_154, %add3A_165 : i32
    %add3A_167 = vector.broadcast %add3A_166 : i32 to vector<16xi32>
    %add3A_168 = arith.addi %iota3A_164, %add3A_167 : vector<16xi32>
    %swap3A_169 = arith.constant 16 : index
    %swap3A_170 = tpu.vector_load %arg9[%swap3A_169] {strides = array<i32>} : memref<128xi32, #tpu.memory_space<vmem>>, vector<16xi32>,
    %swap3A_171 = vector.shape_cast %swap3A_170 : vector<16xi32> to vector<16xi32>
    %swap3A_172 = vector.shape_cast %add3A_168 : vector<16xi32> to vector<16xi32>
    tpu.vector_store %arg9[%swap3A_169], %swap3A_172 {strides = array<i32>} : memref<128xi32, #tpu.memory_space<vmem>>, vector<16xi32>,
    %iota3A_173 = tpu.iota {dimensions = array<i32: 0>} : vector<16xi32>
    %add3A_174 = arith.constant 32 : i32
    %add3A_175 = arith.addi %add3A_154, %add3A_174 : i32
    %add3A_176 = vector.broadcast %add3A_175 : i32 to vector<16xi32>
    %add3A_177 = arith.addi %iota3A_173, %add3A_176 : vector<16xi32>
    %swap3A_178 = arith.constant 32 : index
    %swap3A_179 = tpu.vector_load %arg9[%swap3A_178] {strides = array<i32>} : memref<128xi32, #tpu.memory_space<vmem>>, vector<16xi32>,
    %swap3A_180 = vector.shape_cast %swap3A_179 : vector<16xi32> to vector<16xi32>
    %swap3A_181 = vector.shape_cast %add3A_177 : vector<16xi32> to vector<16xi32>
    tpu.vector_store %arg9[%swap3A_178], %swap3A_181 {strides = array<i32>} : memref<128xi32, #tpu.memory_space<vmem>>, vector<16xi32>,
    %iota3A_182 = tpu.iota {dimensions = array<i32: 0>} : vector<16xi32>
    %add3A_183 = arith.constant 48 : i32
    %add3A_184 = arith.addi %add3A_154, %add3A_183 : i32
    %add3A_185 = vector.broadcast %add3A_184 : i32 to vector<16xi32>
    %add3A_186 = arith.addi %iota3A_182, %add3A_185 : vector<16xi32>
    %swap3A_187 = arith.constant 48 : index
    %swap3A_188 = tpu.vector_load %arg9[%swap3A_187] {strides = array<i32>} : memref<128xi32, #tpu.memory_space<vmem>>, vector<16xi32>,
    %swap3A_189 = vector.shape_cast %swap3A_188 : vector<16xi32> to vector<16xi32>
    %swap3A_190 = vector.shape_cast %add3A_186 : vector<16xi32> to vector<16xi32>
    tpu.vector_store %arg9[%swap3A_187], %swap3A_190 {strides = array<i32>} : memref<128xi32, #tpu.memory_space<vmem>>, vector<16xi32>,
    %iota3A_191 = tpu.iota {dimensions = array<i32: 0>} : vector<16xi32>
    %add3A_192 = arith.constant 64 : i32
    %add3A_193 = arith.addi %add3A_154, %add3A_192 : i32
    %add3A_194 = vector.broadcast %add3A_193 : i32 to vector<16xi32>
    %add3A_195 = arith.addi %iota3A_191, %add3A_194 : vector<16xi32>
    %swap3A_196 = arith.constant 64 : index
    %swap3A_197 = tpu.vector_load %arg9[%swap3A_196] {strides = array<i32>} : memref<128xi32, #tpu.memory_space<vmem>>, vector<16xi32>,
    %swap3A_198 = vector.shape_cast %swap3A_197 : vector<16xi32> to vector<16xi32>
    %swap3A_199 = vector.shape_cast %add3A_195 : vector<16xi32> to vector<16xi32>
    tpu.vector_store %arg9[%swap3A_196], %swap3A_199 {strides = array<i32>} : memref<128xi32, #tpu.memory_space<vmem>>, vector<16xi32>,
    %iota3A_200 = tpu.iota {dimensions = array<i32: 0>} : vector<16xi32>
    %add3A_201 = arith.constant 80 : i32
    %add3A_202 = arith.addi %add3A_154, %add3A_201 : i32
    %add3A_203 = vector.broadcast %add3A_202 : i32 to vector<16xi32>
    %add3A_204 = arith.addi %iota3A_200, %add3A_203 : vector<16xi32>
    %swap3A_205 = arith.constant 80 : index
    %swap3A_206 = tpu.vector_load %arg9[%swap3A_205] {strides = array<i32>} : memref<128xi32, #tpu.memory_space<vmem>>, vector<16xi32>,
    %swap3A_207 = vector.shape_cast %swap3A_206 : vector<16xi32> to vector<16xi32>
    %swap3A_208 = vector.shape_cast %add3A_204 : vector<16xi32> to vector<16xi32>
    tpu.vector_store %arg9[%swap3A_205], %swap3A_208 {strides = array<i32>} : memref<128xi32, #tpu.memory_space<vmem>>, vector<16xi32>,
    %iota3A_209 = tpu.iota {dimensions = array<i32: 0>} : vector<16xi32>
    %add3A_210 = arith.constant 96 : i32
    %add3A_211 = arith.addi %add3A_154, %add3A_210 : i32
    %add3A_212 = vector.broadcast %add3A_211 : i32 to vector<16xi32>
    %add3A_213 = arith.addi %iota3A_209, %add3A_212 : vector<16xi32>
    %swap3A_214 = arith.constant 96 : index
    %swap3A_215 = tpu.vector_load %arg9[%swap3A_214] {strides = array<i32>} : memref<128xi32, #tpu.memory_space<vmem>>, vector<16xi32>,
    %swap3A_216 = vector.shape_cast %swap3A_215 : vector<16xi32> to vector<16xi32>
    %swap3A_217 = vector.shape_cast %add3A_213 : vector<16xi32> to vector<16xi32>
    tpu.vector_store %arg9[%swap3A_214], %swap3A_217 {strides = array<i32>} : memref<128xi32, #tpu.memory_space<vmem>>, vector<16xi32>,
    %iota3A_218 = tpu.iota {dimensions = array<i32: 0>} : vector<16xi32>
    %add3A_219 = arith.constant 112 : i32
    %add3A_220 = arith.addi %add3A_154, %add3A_219 : i32
    %add3A_221 = vector.broadcast %add3A_220 : i32 to vector<16xi32>
    %add3A_222 = arith.addi %iota3A_218, %add3A_221 : vector<16xi32>
    %swap3A_223 = arith.constant 112 : index
    %swap3A_224 = tpu.vector_load %arg9[%swap3A_223] {strides = array<i32>} : memref<128xi32, #tpu.memory_space<vmem>>, vector<16xi32>,
    %swap3A_225 = vector.shape_cast %swap3A_224 : vector<16xi32> to vector<16xi32>
    %swap3A_226 = vector.shape_cast %add3A_222 : vector<16xi32> to vector<16xi32>
    tpu.vector_store %arg9[%swap3A_223], %swap3A_226 {strides = array<i32>} : memref<128xi32, #tpu.memory_space<vmem>>, vector<16xi32>,
    "tpu.region"() ({
      %run_scoped3A_787 = tpu.sem_alloc : memref<!tpu.dma_semaphore, #tpu.memory_space<semaphore_mem>>
      %dma_start3A_788 = arith.constant 0 : i32
      %dma_start3A_789 = arith.constant 0 : i32
      %dma_start3A_790 = tpu.memref_slice %arg12[%dma_start3A_788, %dma_start3A_789] : memref<10240x128xf32, #tpu.memory_space<vmem_shared>> -> memref<10240x128xf32, #tpu.memory_space<vmem_shared>>
      tpu.enqueue_indirect_dma source(%arg10 : memref<128x128xf32, #tpu.memory_space<vmem>>) target(%dma_start3A_790 : memref<10240x128xf32, #tpu.memory_space<vmem_shared>>) offsets(%arg9 : memref<128xi32, #tpu.memory_space<vmem>>) semaphore(%run_scoped3A_787 : memref<!tpu.dma_semaphore, #tpu.memory_space<semaphore_mem>>)
      %dma_wait3A = arith.constant 0 : i32
      %dma_wait3A_791 = arith.constant 0 : i32
      %dma_wait3A_792 = tpu.memref_slice %arg12[%dma_wait3A, %dma_wait3A_791] : memref<10240x128xf32, #tpu.memory_space<vmem_shared>> -> memref<10240x128xf32, #tpu.memory_space<vmem_shared>>
      tpu.wait_indirect_dma semaphore(%run_scoped3A_787 : memref<!tpu.dma_semaphore, #tpu.memory_space<semaphore_mem>>) src(%arg10 : memref<128x128xf32, #tpu.memory_space<vmem>>) dst(%dma_wait3A_792 : memref<10240x128xf32, #tpu.memory_space<vmem_shared>>)
      tpu.yield
    }) : () -> ()
    %mul3A_227 = arith.constant 640 : i32
    %mul3A_228 = arith.muli %arg1, %mul3A_227 : i32
    %add3A_229 = arith.constant 384 : i32
    %add3A_230 = arith.addi %mul3A_228, %add3A_229 : i32
    %iota3A_231 = tpu.iota {dimensions = array<i32: 0>} : vector<16xi32>
    %add3A_232 = arith.constant 0 : i32
    %add3A_233 = arith.addi %add3A_230, %add3A_232 : i32
    %add3A_234 = vector.broadcast %add3A_233 : i32 to vector<16xi32>
    %add3A_235 = arith.addi %iota3A_231, %add3A_234 : vector<16xi32>
    %swap3A_236 = arith.constant 0 : index
    %swap3A_237 = tpu.vector_load %arg9[%swap3A_236] {strides = array<i32>} : memref<128xi32, #tpu.memory_space<vmem>>, vector<16xi32>,
    %swap3A_238 = vector.shape_cast %swap3A_237 : vector<16xi32> to vector<16xi32>
    %swap3A_239 = vector.shape_cast %add3A_235 : vector<16xi32> to vector<16xi32>
    tpu.vector_store %arg9[%swap3A_236], %swap3A_239 {strides = array<i32>} : memref<128xi32, #tpu.memory_space<vmem>>, vector<16xi32>,
    %iota3A_240 = tpu.iota {dimensions = array<i32: 0>} : vector<16xi32>
    %add3A_241 = arith.constant 16 : i32
    %add3A_242 = arith.addi %add3A_230, %add3A_241 : i32
    %add3A_243 = vector.broadcast %add3A_242 : i32 to vector<16xi32>
    %add3A_244 = arith.addi %iota3A_240, %add3A_243 : vector<16xi32>
    %swap3A_245 = arith.constant 16 : index
    %swap3A_246 = tpu.vector_load %arg9[%swap3A_245] {strides = array<i32>} : memref<128xi32, #tpu.memory_space<vmem>>, vector<16xi32>,
    %swap3A_247 = vector.shape_cast %swap3A_246 : vector<16xi32> to vector<16xi32>
    %swap3A_248 = vector.shape_cast %add3A_244 : vector<16xi32> to vector<16xi32>
    tpu.vector_store %arg9[%swap3A_245], %swap3A_248 {strides = array<i32>} : memref<128xi32, #tpu.memory_space<vmem>>, vector<16xi32>,
    %iota3A_249 = tpu.iota {dimensions = array<i32: 0>} : vector<16xi32>
    %add3A_250 = arith.constant 32 : i32
    %add3A_251 = arith.addi %add3A_230, %add3A_250 : i32
    %add3A_252 = vector.broadcast %add3A_251 : i32 to vector<16xi32>
    %add3A_253 = arith.addi %iota3A_249, %add3A_252 : vector<16xi32>
    %swap3A_254 = arith.constant 32 : index
    %swap3A_255 = tpu.vector_load %arg9[%swap3A_254] {strides = array<i32>} : memref<128xi32, #tpu.memory_space<vmem>>, vector<16xi32>,
    %swap3A_256 = vector.shape_cast %swap3A_255 : vector<16xi32> to vector<16xi32>
    %swap3A_257 = vector.shape_cast %add3A_253 : vector<16xi32> to vector<16xi32>
    tpu.vector_store %arg9[%swap3A_254], %swap3A_257 {strides = array<i32>} : memref<128xi32, #tpu.memory_space<vmem>>, vector<16xi32>,
    %iota3A_258 = tpu.iota {dimensions = array<i32: 0>} : vector<16xi32>
    %add3A_259 = arith.constant 48 : i32
    %add3A_260 = arith.addi %add3A_230, %add3A_259 : i32
    %add3A_261 = vector.broadcast %add3A_260 : i32 to vector<16xi32>
    %add3A_262 = arith.addi %iota3A_258, %add3A_261 : vector<16xi32>
    %swap3A_263 = arith.constant 48 : index
    %swap3A_264 = tpu.vector_load %arg9[%swap3A_263] {strides = array<i32>} : memref<128xi32, #tpu.memory_space<vmem>>, vector<16xi32>,
    %swap3A_265 = vector.shape_cast %swap3A_264 : vector<16xi32> to vector<16xi32>
    %swap3A_266 = vector.shape_cast %add3A_262 : vector<16xi32> to vector<16xi32>
    tpu.vector_store %arg9[%swap3A_263], %swap3A_266 {strides = array<i32>} : memref<128xi32, #tpu.memory_space<vmem>>, vector<16xi32>,
    %iota3A_267 = tpu.iota {dimensions = array<i32: 0>} : vector<16xi32>
    %add3A_268 = arith.constant 64 : i32
    %add3A_269 = arith.addi %add3A_230, %add3A_268 : i32
    %add3A_270 = vector.broadcast %add3A_269 : i32 to vector<16xi32>
    %add3A_271 = arith.addi %iota3A_267, %add3A_270 : vector<16xi32>
    %swap3A_272 = arith.constant 64 : index
    %swap3A_273 = tpu.vector_load %arg9[%swap3A_272] {strides = array<i32>} : memref<128xi32, #tpu.memory_space<vmem>>, vector<16xi32>,
    %swap3A_274 = vector.shape_cast %swap3A_273 : vector<16xi32> to vector<16xi32>
    %swap3A_275 = vector.shape_cast %add3A_271 : vector<16xi32> to vector<16xi32>
    tpu.vector_store %arg9[%swap3A_272], %swap3A_275 {strides = array<i32>} : memref<128xi32, #tpu.memory_space<vmem>>, vector<16xi32>,
    %iota3A_276 = tpu.iota {dimensions = array<i32: 0>} : vector<16xi32>
    %add3A_277 = arith.constant 80 : i32
    %add3A_278 = arith.addi %add3A_230, %add3A_277 : i32
    %add3A_279 = vector.broadcast %add3A_278 : i32 to vector<16xi32>
    %add3A_280 = arith.addi %iota3A_276, %add3A_279 : vector<16xi32>
    %swap3A_281 = arith.constant 80 : index
    %swap3A_282 = tpu.vector_load %arg9[%swap3A_281] {strides = array<i32>} : memref<128xi32, #tpu.memory_space<vmem>>, vector<16xi32>,
    %swap3A_283 = vector.shape_cast %swap3A_282 : vector<16xi32> to vector<16xi32>
    %swap3A_284 = vector.shape_cast %add3A_280 : vector<16xi32> to vector<16xi32>
    tpu.vector_store %arg9[%swap3A_281], %swap3A_284 {strides = array<i32>} : memref<128xi32, #tpu.memory_space<vmem>>, vector<16xi32>,
    %iota3A_285 = tpu.iota {dimensions = array<i32: 0>} : vector<16xi32>
    %add3A_286 = arith.constant 96 : i32
    %add3A_287 = arith.addi %add3A_230, %add3A_286 : i32
    %add3A_288 = vector.broadcast %add3A_287 : i32 to vector<16xi32>
    %add3A_289 = arith.addi %iota3A_285, %add3A_288 : vector<16xi32>
    %swap3A_290 = arith.constant 96 : index
    %swap3A_291 = tpu.vector_load %arg9[%swap3A_290] {strides = array<i32>} : memref<128xi32, #tpu.memory_space<vmem>>, vector<16xi32>,
    %swap3A_292 = vector.shape_cast %swap3A_291 : vector<16xi32> to vector<16xi32>
    %swap3A_293 = vector.shape_cast %add3A_289 : vector<16xi32> to vector<16xi32>
    tpu.vector_store %arg9[%swap3A_290], %swap3A_293 {strides = array<i32>} : memref<128xi32, #tpu.memory_space<vmem>>, vector<16xi32>,
    %iota3A_294 = tpu.iota {dimensions = array<i32: 0>} : vector<16xi32>
    %add3A_295 = arith.constant 112 : i32
    %add3A_296 = arith.addi %add3A_230, %add3A_295 : i32
    %add3A_297 = vector.broadcast %add3A_296 : i32 to vector<16xi32>
    %add3A_298 = arith.addi %iota3A_294, %add3A_297 : vector<16xi32>
    %swap3A_299 = arith.constant 112 : index
    %swap3A_300 = tpu.vector_load %arg9[%swap3A_299] {strides = array<i32>} : memref<128xi32, #tpu.memory_space<vmem>>, vector<16xi32>,
    %swap3A_301 = vector.shape_cast %swap3A_300 : vector<16xi32> to vector<16xi32>
    %swap3A_302 = vector.shape_cast %add3A_298 : vector<16xi32> to vector<16xi32>
    tpu.vector_store %arg9[%swap3A_299], %swap3A_302 {strides = array<i32>} : memref<128xi32, #tpu.memory_space<vmem>>, vector<16xi32>,
    "tpu.region"() ({
      %run_scoped3A_787 = tpu.sem_alloc : memref<!tpu.dma_semaphore, #tpu.memory_space<semaphore_mem>>
      %dma_start3A_788 = arith.constant 0 : i32
      %dma_start3A_789 = arith.constant 0 : i32
      %dma_start3A_790 = tpu.memref_slice %arg12[%dma_start3A_788, %dma_start3A_789] : memref<10240x128xf32, #tpu.memory_space<vmem_shared>> -> memref<10240x128xf32, #tpu.memory_space<vmem_shared>>
      tpu.enqueue_indirect_dma source(%arg10 : memref<128x128xf32, #tpu.memory_space<vmem>>) target(%dma_start3A_790 : memref<10240x128xf32, #tpu.memory_space<vmem_shared>>) offsets(%arg9 : memref<128xi32, #tpu.memory_space<vmem>>) semaphore(%run_scoped3A_787 : memref<!tpu.dma_semaphore, #tpu.memory_space<semaphore_mem>>)
      %dma_wait3A = arith.constant 0 : i32
      %dma_wait3A_791 = arith.constant 0 : i32
      %dma_wait3A_792 = tpu.memref_slice %arg12[%dma_wait3A, %dma_wait3A_791] : memref<10240x128xf32, #tpu.memory_space<vmem_shared>> -> memref<10240x128xf32, #tpu.memory_space<vmem_shared>>
      tpu.wait_indirect_dma semaphore(%run_scoped3A_787 : memref<!tpu.dma_semaphore, #tpu.memory_space<semaphore_mem>>) src(%arg10 : memref<128x128xf32, #tpu.memory_space<vmem>>) dst(%dma_wait3A_792 : memref<10240x128xf32, #tpu.memory_space<vmem_shared>>)
      tpu.yield
    }) : () -> ()
    %mul3A_303 = arith.constant 640 : i32
    %mul3A_304 = arith.muli %arg1, %mul3A_303 : i32
    %add3A_305 = arith.constant 512 : i32
    %add3A_306 = arith.addi %mul3A_304, %add3A_305 : i32
    %iota3A_307 = tpu.iota {dimensions = array<i32: 0>} : vector<16xi32>
    %add3A_308 = arith.constant 0 : i32
    %add3A_309 = arith.addi %add3A_306, %add3A_308 : i32
    %add3A_310 = vector.broadcast %add3A_309 : i32 to vector<16xi32>
    %add3A_311 = arith.addi %iota3A_307, %add3A_310 : vector<16xi32>
    %swap3A_312 = arith.constant 0 : index
    %swap3A_313 = tpu.vector_load %arg9[%swap3A_312] {strides = array<i32>} : memref<128xi32, #tpu.memory_space<vmem>>, vector<16xi32>,
    %swap3A_314 = vector.shape_cast %swap3A_313 : vector<16xi32> to vector<16xi32>
    %swap3A_315 = vector.shape_cast %add3A_311 : vector<16xi32> to vector<16xi32>
    tpu.vector_store %arg9[%swap3A_312], %swap3A_315 {strides = array<i32>} : memref<128xi32, #tpu.memory_space<vmem>>, vector<16xi32>,
    %iota3A_316 = tpu.iota {dimensions = array<i32: 0>} : vector<16xi32>
    %add3A_317 = arith.constant 16 : i32
    %add3A_318 = arith.addi %add3A_306, %add3A_317 : i32
    %add3A_319 = vector.broadcast %add3A_318 : i32 to vector<16xi32>
    %add3A_320 = arith.addi %iota3A_316, %add3A_319 : vector<16xi32>
    %swap3A_321 = arith.constant 16 : index
    %swap3A_322 = tpu.vector_load %arg9[%swap3A_321] {strides = array<i32>} : memref<128xi32, #tpu.memory_space<vmem>>, vector<16xi32>,
    %swap3A_323 = vector.shape_cast %swap3A_322 : vector<16xi32> to vector<16xi32>
    %swap3A_324 = vector.shape_cast %add3A_320 : vector<16xi32> to vector<16xi32>
    tpu.vector_store %arg9[%swap3A_321], %swap3A_324 {strides = array<i32>} : memref<128xi32, #tpu.memory_space<vmem>>, vector<16xi32>,
    %iota3A_325 = tpu.iota {dimensions = array<i32: 0>} : vector<16xi32>
    %add3A_326 = arith.constant 32 : i32
    %add3A_327 = arith.addi %add3A_306, %add3A_326 : i32
    %add3A_328 = vector.broadcast %add3A_327 : i32 to vector<16xi32>
    %add3A_329 = arith.addi %iota3A_325, %add3A_328 : vector<16xi32>
    %swap3A_330 = arith.constant 32 : index
    %swap3A_331 = tpu.vector_load %arg9[%swap3A_330] {strides = array<i32>} : memref<128xi32, #tpu.memory_space<vmem>>, vector<16xi32>,
    %swap3A_332 = vector.shape_cast %swap3A_331 : vector<16xi32> to vector<16xi32>
    %swap3A_333 = vector.shape_cast %add3A_329 : vector<16xi32> to vector<16xi32>
    tpu.vector_store %arg9[%swap3A_330], %swap3A_333 {strides = array<i32>} : memref<128xi32, #tpu.memory_space<vmem>>, vector<16xi32>,
    %iota3A_334 = tpu.iota {dimensions = array<i32: 0>} : vector<16xi32>
    %add3A_335 = arith.constant 48 : i32
    %add3A_336 = arith.addi %add3A_306, %add3A_335 : i32
    %add3A_337 = vector.broadcast %add3A_336 : i32 to vector<16xi32>
    %add3A_338 = arith.addi %iota3A_334, %add3A_337 : vector<16xi32>
    %swap3A_339 = arith.constant 48 : index
    %swap3A_340 = tpu.vector_load %arg9[%swap3A_339] {strides = array<i32>} : memref<128xi32, #tpu.memory_space<vmem>>, vector<16xi32>,
    %swap3A_341 = vector.shape_cast %swap3A_340 : vector<16xi32> to vector<16xi32>
    %swap3A_342 = vector.shape_cast %add3A_338 : vector<16xi32> to vector<16xi32>
    tpu.vector_store %arg9[%swap3A_339], %swap3A_342 {strides = array<i32>} : memref<128xi32, #tpu.memory_space<vmem>>, vector<16xi32>,
    %iota3A_343 = tpu.iota {dimensions = array<i32: 0>} : vector<16xi32>
    %add3A_344 = arith.constant 64 : i32
    %add3A_345 = arith.addi %add3A_306, %add3A_344 : i32
    %add3A_346 = vector.broadcast %add3A_345 : i32 to vector<16xi32>
    %add3A_347 = arith.addi %iota3A_343, %add3A_346 : vector<16xi32>
    %swap3A_348 = arith.constant 64 : index
    %swap3A_349 = tpu.vector_load %arg9[%swap3A_348] {strides = array<i32>} : memref<128xi32, #tpu.memory_space<vmem>>, vector<16xi32>,
    %swap3A_350 = vector.shape_cast %swap3A_349 : vector<16xi32> to vector<16xi32>
    %swap3A_351 = vector.shape_cast %add3A_347 : vector<16xi32> to vector<16xi32>
    tpu.vector_store %arg9[%swap3A_348], %swap3A_351 {strides = array<i32>} : memref<128xi32, #tpu.memory_space<vmem>>, vector<16xi32>,
    %iota3A_352 = tpu.iota {dimensions = array<i32: 0>} : vector<16xi32>
    %add3A_353 = arith.constant 80 : i32
    %add3A_354 = arith.addi %add3A_306, %add3A_353 : i32
    %add3A_355 = vector.broadcast %add3A_354 : i32 to vector<16xi32>
    %add3A_356 = arith.addi %iota3A_352, %add3A_355 : vector<16xi32>
    %swap3A_357 = arith.constant 80 : index
    %swap3A_358 = tpu.vector_load %arg9[%swap3A_357] {strides = array<i32>} : memref<128xi32, #tpu.memory_space<vmem>>, vector<16xi32>,
    %swap3A_359 = vector.shape_cast %swap3A_358 : vector<16xi32> to vector<16xi32>
    %swap3A_360 = vector.shape_cast %add3A_356 : vector<16xi32> to vector<16xi32>
    tpu.vector_store %arg9[%swap3A_357], %swap3A_360 {strides = array<i32>} : memref<128xi32, #tpu.memory_space<vmem>>, vector<16xi32>,
    %iota3A_361 = tpu.iota {dimensions = array<i32: 0>} : vector<16xi32>
    %add3A_362 = arith.constant 96 : i32
    %add3A_363 = arith.addi %add3A_306, %add3A_362 : i32
    %add3A_364 = vector.broadcast %add3A_363 : i32 to vector<16xi32>
    %add3A_365 = arith.addi %iota3A_361, %add3A_364 : vector<16xi32>
    %swap3A_366 = arith.constant 96 : index
    %swap3A_367 = tpu.vector_load %arg9[%swap3A_366] {strides = array<i32>} : memref<128xi32, #tpu.memory_space<vmem>>, vector<16xi32>,
    %swap3A_368 = vector.shape_cast %swap3A_367 : vector<16xi32> to vector<16xi32>
    %swap3A_369 = vector.shape_cast %add3A_365 : vector<16xi32> to vector<16xi32>
    tpu.vector_store %arg9[%swap3A_366], %swap3A_369 {strides = array<i32>} : memref<128xi32, #tpu.memory_space<vmem>>, vector<16xi32>,
    %iota3A_370 = tpu.iota {dimensions = array<i32: 0>} : vector<16xi32>
    %add3A_371 = arith.constant 112 : i32
    %add3A_372 = arith.addi %add3A_306, %add3A_371 : i32
    %add3A_373 = vector.broadcast %add3A_372 : i32 to vector<16xi32>
    %add3A_374 = arith.addi %iota3A_370, %add3A_373 : vector<16xi32>
    %swap3A_375 = arith.constant 112 : index
    %swap3A_376 = tpu.vector_load %arg9[%swap3A_375] {strides = array<i32>} : memref<128xi32, #tpu.memory_space<vmem>>, vector<16xi32>,
    %swap3A_377 = vector.shape_cast %swap3A_376 : vector<16xi32> to vector<16xi32>
    %swap3A_378 = vector.shape_cast %add3A_374 : vector<16xi32> to vector<16xi32>
    tpu.vector_store %arg9[%swap3A_375], %swap3A_378 {strides = array<i32>} : memref<128xi32, #tpu.memory_space<vmem>>, vector<16xi32>,
    "tpu.region"() ({
      %run_scoped3A_787 = tpu.sem_alloc : memref<!tpu.dma_semaphore, #tpu.memory_space<semaphore_mem>>
      %dma_start3A_788 = arith.constant 0 : i32
      %dma_start3A_789 = arith.constant 0 : i32
      %dma_start3A_790 = tpu.memref_slice %arg12[%dma_start3A_788, %dma_start3A_789] : memref<10240x128xf32, #tpu.memory_space<vmem_shared>> -> memref<10240x128xf32, #tpu.memory_space<vmem_shared>>
      tpu.enqueue_indirect_dma source(%arg10 : memref<128x128xf32, #tpu.memory_space<vmem>>) target(%dma_start3A_790 : memref<10240x128xf32, #tpu.memory_space<vmem_shared>>) offsets(%arg9 : memref<128xi32, #tpu.memory_space<vmem>>) semaphore(%run_scoped3A_787 : memref<!tpu.dma_semaphore, #tpu.memory_space<semaphore_mem>>)
      %dma_wait3A = arith.constant 0 : i32
      %dma_wait3A_791 = arith.constant 0 : i32
      %dma_wait3A_792 = tpu.memref_slice %arg12[%dma_wait3A, %dma_wait3A_791] : memref<10240x128xf32, #tpu.memory_space<vmem_shared>> -> memref<10240x128xf32, #tpu.memory_space<vmem_shared>>
      tpu.wait_indirect_dma semaphore(%run_scoped3A_787 : memref<!tpu.dma_semaphore, #tpu.memory_space<semaphore_mem>>) src(%arg10 : memref<128x128xf32, #tpu.memory_space<vmem>>) dst(%dma_wait3A_792 : memref<10240x128xf32, #tpu.memory_space<vmem_shared>>)
      tpu.yield
    }) : () -> ()
    %barrier3A = arith.constant 0 : index
    tpu.barrier barrier_id(%barrier3A)
    %run_scoped3A = arith.constant 0 : i32
    "tpu.region"() ({
      %run_scoped3A_787 = tpu.sem_alloc : memref<!tpu.dma_semaphore, #tpu.memory_space<semaphore_mem>>
      %dma_start3A_788 = arith.constant 0 : i32
      %dma_start3A_789 = tpu.memref_slice %arg3[%add3A, %run_scoped3A, %dma_start3A_788] : memref<32x80x128xi32, #tpu.memory_space<hbm>> -> memref<1x1x128xi32, #tpu.memory_space<hbm>>
      %dma_start3A_790 = tpu.memref_squeeze %dma_start3A_789 : memref<1x1x128xi32, #tpu.memory_space<hbm>> -> memref<128xi32, #tpu.memory_space<hbm>>
      %dma_start3A_791 = arith.constant 0 : i32
      %dma_start3A_792 = tpu.memref_slice %arg3[%add3A, %run_scoped3A, %dma_start3A_791] : memref<32x80x128xi32, #tpu.memory_space<hbm>> -> memref<1x1x128xi32, #tpu.memory_space<hbm>>
      %dma_start3A_793 = tpu.memref_squeeze %dma_start3A_792 : memref<1x1x128xi32, #tpu.memory_space<hbm>> -> memref<128xi32, #tpu.memory_space<hbm>>
      tpu.enqueue_dma source(%dma_start3A_793 : memref<128xi32, #tpu.memory_space<hbm>>) target(%arg7 : memref<128xi32, #tpu.memory_space<vmem>>) target_semaphore(%run_scoped3A_787 : memref<!tpu.dma_semaphore, #tpu.memory_space<semaphore_mem>>)
      %dma_wait3A = arith.constant 0 : i32
      %dma_wait3A_794 = tpu.memref_slice %arg3[%add3A, %run_scoped3A, %dma_wait3A] : memref<32x80x128xi32, #tpu.memory_space<hbm>> -> memref<1x1x128xi32, #tpu.memory_space<hbm>>
      %dma_wait3A_795 = tpu.memref_squeeze %dma_wait3A_794 : memref<1x1x128xi32, #tpu.memory_space<hbm>> -> memref<128xi32, #tpu.memory_space<hbm>>
      %dma_wait3A_796 = arith.constant 0 : i32
      %dma_wait3A_797 = tpu.memref_slice %arg3[%add3A, %run_scoped3A, %dma_wait3A_796] : memref<32x80x128xi32, #tpu.memory_space<hbm>> -> memref<1x1x128xi32, #tpu.memory_space<hbm>>
      %dma_wait3A_798 = tpu.memref_squeeze %dma_wait3A_797 : memref<1x1x128xi32, #tpu.memory_space<hbm>> -> memref<128xi32, #tpu.memory_space<hbm>>
      tpu.wait_dma2 semaphore(%run_scoped3A_787 : memref<!tpu.dma_semaphore, #tpu.memory_space<semaphore_mem>>) src(%dma_wait3A_798 : memref<128xi32, #tpu.memory_space<hbm>>) dst(%arg7 : memref<128xi32, #tpu.memory_space<vmem>>)
      tpu.yield
    }) : () -> ()
    %dma_start3A = arith.constant 0 : i32
    %dma_start3A_379 = arith.constant 0 : i32
    %dma_start3A_380 = tpu.memref_slice %arg2[%dma_start3A, %dma_start3A_379] : memref<10000x128xf32, #tpu.memory_space<hbm>> -> memref<10000x128xf32, #tpu.memory_space<hbm>>
    tpu.enqueue_indirect_dma source(%dma_start3A_380 : memref<10000x128xf32, #tpu.memory_space<hbm>>) target(%arg10 : memref<128x128xf32, #tpu.memory_space<vmem>>) offsets(%arg7 : memref<128xi32, #tpu.memory_space<vmem>>) semaphore(%arg13 : memref<!tpu.dma_semaphore, #tpu.memory_space<semaphore_mem>>)
    %scan3A = arith.constant 0 : i32
    %scan3A_381 = arith.constant 0 : i32
    %scan3A_382 = arith.constant 40 : i32
    %scan3A_383 = arith.addi %scan3A_381, %scan3A_382 : i32
    %scan3A_384 = arith.constant 1 : i32
    scf.for %scan3A_787 = %scan3A_381 to %scan3A_383 step %scan3A_384  : i32 {
      %mul3A_788 = arith.constant 2 : i32
      %mul3A_789 = arith.muli %mul3A_788, %scan3A_787 : i32
      %add3A_790 = arith.constant 1 : i32
      %add3A_791 = arith.addi %mul3A_789, %add3A_790 : i32
      "tpu.region"() ({
        %run_scoped3A_808 = tpu.sem_alloc : memref<!tpu.dma_semaphore, #tpu.memory_space<semaphore_mem>>
        %dma_start3A_809 = arith.constant 0 : i32
        %dma_start3A_810 = tpu.memref_slice %arg3[%add3A, %add3A_791, %dma_start3A_809] : memref<32x80x128xi32, #tpu.memory_space<hbm>> -> memref<1x1x128xi32, #tpu.memory_space<hbm>>
        %dma_start3A_811 = tpu.memref_squeeze %dma_start3A_810 : memref<1x1x128xi32, #tpu.memory_space<hbm>> -> memref<128xi32, #tpu.memory_space<hbm>>
        %dma_start3A_812 = arith.constant 0 : i32
        %dma_start3A_813 = tpu.memref_slice %arg3[%add3A, %add3A_791, %dma_start3A_812] : memref<32x80x128xi32, #tpu.memory_space<hbm>> -> memref<1x1x128xi32, #tpu.memory_space<hbm>>
        %dma_start3A_814 = tpu.memref_squeeze %dma_start3A_813 : memref<1x1x128xi32, #tpu.memory_space<hbm>> -> memref<128xi32, #tpu.memory_space<hbm>>
        tpu.enqueue_dma source(%dma_start3A_814 : memref<128xi32, #tpu.memory_space<hbm>>) target(%arg8 : memref<128xi32, #tpu.memory_space<vmem>>) target_semaphore(%run_scoped3A_808 : memref<!tpu.dma_semaphore, #tpu.memory_space<semaphore_mem>>)
        %dma_wait3A_815 = arith.constant 0 : i32
        %dma_wait3A_816 = tpu.memref_slice %arg3[%add3A, %add3A_791, %dma_wait3A_815] : memref<32x80x128xi32, #tpu.memory_space<hbm>> -> memref<1x1x128xi32, #tpu.memory_space<hbm>>
        %dma_wait3A_817 = tpu.memref_squeeze %dma_wait3A_816 : memref<1x1x128xi32, #tpu.memory_space<hbm>> -> memref<128xi32, #tpu.memory_space<hbm>>
        %dma_wait3A_818 = arith.constant 0 : i32
        %dma_wait3A_819 = tpu.memref_slice %arg3[%add3A, %add3A_791, %dma_wait3A_818] : memref<32x80x128xi32, #tpu.memory_space<hbm>> -> memref<1x1x128xi32, #tpu.memory_space<hbm>>
        %dma_wait3A_820 = tpu.memref_squeeze %dma_wait3A_819 : memref<1x1x128xi32, #tpu.memory_space<hbm>> -> memref<128xi32, #tpu.memory_space<hbm>>
        tpu.wait_dma2 semaphore(%run_scoped3A_808 : memref<!tpu.dma_semaphore, #tpu.memory_space<semaphore_mem>>) src(%dma_wait3A_820 : memref<128xi32, #tpu.memory_space<hbm>>) dst(%arg8 : memref<128xi32, #tpu.memory_space<vmem>>)
        tpu.yield
      }) : () -> ()
      %dma_start3A_792 = arith.constant 0 : i32
      %dma_start3A_793 = arith.constant 0 : i32
      %dma_start3A_794 = tpu.memref_slice %arg2[%dma_start3A_792, %dma_start3A_793] : memref<10000x128xf32, #tpu.memory_space<hbm>> -> memref<10000x128xf32, #tpu.memory_space<hbm>>
      tpu.enqueue_indirect_dma source(%dma_start3A_794 : memref<10000x128xf32, #tpu.memory_space<hbm>>) target(%arg11 : memref<128x128xf32, #tpu.memory_space<vmem>>) offsets(%arg8 : memref<128xi32, #tpu.memory_space<vmem>>) semaphore(%arg14 : memref<!tpu.dma_semaphore, #tpu.memory_space<semaphore_mem>>)
      %dma_wait3A = arith.constant 0 : i32
      %dma_wait3A_795 = arith.constant 0 : i32
      %dma_wait3A_796 = tpu.memref_slice %arg2[%dma_wait3A, %dma_wait3A_795] : memref<10000x128xf32, #tpu.memory_space<hbm>> -> memref<10000x128xf32, #tpu.memory_space<hbm>>
      tpu.wait_indirect_dma semaphore(%arg13 : memref<!tpu.dma_semaphore, #tpu.memory_space<semaphore_mem>>) src(%dma_wait3A_796 : memref<10000x128xf32, #tpu.memory_space<hbm>>) dst(%arg10 : memref<128x128xf32, #tpu.memory_space<vmem>>)
      %mul3A_797 = arith.constant 2 : i32
      %mul3A_798 = arith.muli %mul3A_797, %scan3A_787 : i32
      "tpu.region"() ({
        %run_scoped3A_808 = tpu.sem_alloc : memref<!tpu.dma_semaphore, #tpu.memory_space<semaphore_mem>>
        %dma_start3A_809 = arith.constant 0 : i32
        %dma_start3A_810 = tpu.memref_slice %arg4[%add3A, %mul3A_798, %dma_start3A_809] : memref<32x80x128xi32, #tpu.memory_space<hbm>> -> memref<1x1x128xi32, #tpu.memory_space<hbm>>
        %dma_start3A_811 = tpu.memref_squeeze %dma_start3A_810 : memref<1x1x128xi32, #tpu.memory_space<hbm>> -> memref<128xi32, #tpu.memory_space<hbm>>
        %dma_start3A_812 = arith.constant 0 : i32
        %dma_start3A_813 = tpu.memref_slice %arg4[%add3A, %mul3A_798, %dma_start3A_812] : memref<32x80x128xi32, #tpu.memory_space<hbm>> -> memref<1x1x128xi32, #tpu.memory_space<hbm>>
        %dma_start3A_814 = tpu.memref_squeeze %dma_start3A_813 : memref<1x1x128xi32, #tpu.memory_space<hbm>> -> memref<128xi32, #tpu.memory_space<hbm>>
        tpu.enqueue_dma source(%dma_start3A_814 : memref<128xi32, #tpu.memory_space<hbm>>) target(%arg9 : memref<128xi32, #tpu.memory_space<vmem>>) target_semaphore(%run_scoped3A_808 : memref<!tpu.dma_semaphore, #tpu.memory_space<semaphore_mem>>)
        %dma_wait3A_815 = arith.constant 0 : i32
        %dma_wait3A_816 = tpu.memref_slice %arg4[%add3A, %mul3A_798, %dma_wait3A_815] : memref<32x80x128xi32, #tpu.memory_space<hbm>> -> memref<1x1x128xi32, #tpu.memory_space<hbm>>
        %dma_wait3A_817 = tpu.memref_squeeze %dma_wait3A_816 : memref<1x1x128xi32, #tpu.memory_space<hbm>> -> memref<128xi32, #tpu.memory_space<hbm>>
        %dma_wait3A_818 = arith.constant 0 : i32
        %dma_wait3A_819 = tpu.memref_slice %arg4[%add3A, %mul3A_798, %dma_wait3A_818] : memref<32x80x128xi32, #tpu.memory_space<hbm>> -> memref<1x1x128xi32, #tpu.memory_space<hbm>>
        %dma_wait3A_820 = tpu.memref_squeeze %dma_wait3A_819 : memref<1x1x128xi32, #tpu.memory_space<hbm>> -> memref<128xi32, #tpu.memory_space<hbm>>
        tpu.wait_dma2 semaphore(%run_scoped3A_808 : memref<!tpu.dma_semaphore, #tpu.memory_space<semaphore_mem>>) src(%dma_wait3A_820 : memref<128xi32, #tpu.memory_space<hbm>>) dst(%arg9 : memref<128xi32, #tpu.memory_space<vmem>>)
        tpu.yield
      }) : () -> ()
      "tpu.region"() ({
        %run_scoped3A_808 = tpu.sem_alloc : memref<!tpu.dma_semaphore, #tpu.memory_space<semaphore_mem>>
        %dma_start3A_809 = arith.constant 0 : i32
        %dma_start3A_810 = arith.constant 0 : i32
        %dma_start3A_811 = tpu.memref_slice %arg12[%dma_start3A_809, %dma_start3A_810] : memref<10240x128xf32, #tpu.memory_space<vmem_shared>> -> memref<10240x128xf32, #tpu.memory_space<vmem_shared>>
        tpu.enqueue_indirect_dma source(%arg10 : memref<128x128xf32, #tpu.memory_space<vmem>>) target(%dma_start3A_811 : memref<10240x128xf32, #tpu.memory_space<vmem_shared>>) offsets(%arg9 : memref<128xi32, #tpu.memory_space<vmem>>) semaphore(%run_scoped3A_808 : memref<!tpu.dma_semaphore, #tpu.memory_space<semaphore_mem>>) {add = true}
        %dma_wait3A_812 = arith.constant 0 : i32
        %dma_wait3A_813 = arith.constant 0 : i32
        %dma_wait3A_814 = tpu.memref_slice %arg12[%dma_wait3A_812, %dma_wait3A_813] : memref<10240x128xf32, #tpu.memory_space<vmem_shared>> -> memref<10240x128xf32, #tpu.memory_space<vmem_shared>>
        tpu.wait_indirect_dma semaphore(%run_scoped3A_808 : memref<!tpu.dma_semaphore, #tpu.memory_space<semaphore_mem>>) src(%arg10 : memref<128x128xf32, #tpu.memory_space<vmem>>) dst(%dma_wait3A_814 : memref<10240x128xf32, #tpu.memory_space<vmem_shared>>)
        tpu.yield
      }) : () -> ()
      %lt3A = arith.constant 39 : i32
      %lt3A_799 = arith.cmpi slt, %scan3A_787, %lt3A : i32
      %convert_element_type3A = arith.extui %lt3A_799 : i1 to i32
      %cond3A = arith.constant 0 : i32
      %cond3A_800 = arith.cmpi ne, %convert_element_type3A, %cond3A : i32
      scf.if %cond3A_800 {
        %mul3A_808 = arith.constant 2 : i32
        %mul3A_809 = arith.muli %mul3A_808, %scan3A_787 : i32
        %add3A_810 = arith.constant 2 : i32
        %add3A_811 = arith.addi %mul3A_809, %add3A_810 : i32
        "tpu.region"() ({
          %run_scoped3A_815 = tpu.sem_alloc : memref<!tpu.dma_semaphore, #tpu.memory_space<semaphore_mem>>
          %dma_start3A_816 = arith.constant 0 : i32
          %dma_start3A_817 = tpu.memref_slice %arg3[%add3A, %add3A_811, %dma_start3A_816] : memref<32x80x128xi32, #tpu.memory_space<hbm>> -> memref<1x1x128xi32, #tpu.memory_space<hbm>>
          %dma_start3A_818 = tpu.memref_squeeze %dma_start3A_817 : memref<1x1x128xi32, #tpu.memory_space<hbm>> -> memref<128xi32, #tpu.memory_space<hbm>>
          %dma_start3A_819 = arith.constant 0 : i32
          %dma_start3A_820 = tpu.memref_slice %arg3[%add3A, %add3A_811, %dma_start3A_819] : memref<32x80x128xi32, #tpu.memory_space<hbm>> -> memref<1x1x128xi32, #tpu.memory_space<hbm>>
          %dma_start3A_821 = tpu.memref_squeeze %dma_start3A_820 : memref<1x1x128xi32, #tpu.memory_space<hbm>> -> memref<128xi32, #tpu.memory_space<hbm>>
          tpu.enqueue_dma source(%dma_start3A_821 : memref<128xi32, #tpu.memory_space<hbm>>) target(%arg7 : memref<128xi32, #tpu.memory_space<vmem>>) target_semaphore(%run_scoped3A_815 : memref<!tpu.dma_semaphore, #tpu.memory_space<semaphore_mem>>)
          %dma_wait3A_822 = arith.constant 0 : i32
          %dma_wait3A_823 = tpu.memref_slice %arg3[%add3A, %add3A_811, %dma_wait3A_822] : memref<32x80x128xi32, #tpu.memory_space<hbm>> -> memref<1x1x128xi32, #tpu.memory_space<hbm>>
          %dma_wait3A_824 = tpu.memref_squeeze %dma_wait3A_823 : memref<1x1x128xi32, #tpu.memory_space<hbm>> -> memref<128xi32, #tpu.memory_space<hbm>>
          %dma_wait3A_825 = arith.constant 0 : i32
          %dma_wait3A_826 = tpu.memref_slice %arg3[%add3A, %add3A_811, %dma_wait3A_825] : memref<32x80x128xi32, #tpu.memory_space<hbm>> -> memref<1x1x128xi32, #tpu.memory_space<hbm>>
          %dma_wait3A_827 = tpu.memref_squeeze %dma_wait3A_826 : memref<1x1x128xi32, #tpu.memory_space<hbm>> -> memref<128xi32, #tpu.memory_space<hbm>>
          tpu.wait_dma2 semaphore(%run_scoped3A_815 : memref<!tpu.dma_semaphore, #tpu.memory_space<semaphore_mem>>) src(%dma_wait3A_827 : memref<128xi32, #tpu.memory_space<hbm>>) dst(%arg7 : memref<128xi32, #tpu.memory_space<vmem>>)
          tpu.yield
        }) : () -> ()
        %dma_start3A_812 = arith.constant 0 : i32
        %dma_start3A_813 = arith.constant 0 : i32
        %dma_start3A_814 = tpu.memref_slice %arg2[%dma_start3A_812, %dma_start3A_813] : memref<10000x128xf32, #tpu.memory_space<hbm>> -> memref<10000x128xf32, #tpu.memory_space<hbm>>
        tpu.enqueue_indirect_dma source(%dma_start3A_814 : memref<10000x128xf32, #tpu.memory_space<hbm>>) target(%arg10 : memref<128x128xf32, #tpu.memory_space<vmem>>) offsets(%arg7 : memref<128xi32, #tpu.memory_space<vmem>>) semaphore(%arg13 : memref<!tpu.dma_semaphore, #tpu.memory_space<semaphore_mem>>)
      } else {
      }
      %dma_wait3A_801 = arith.constant 0 : i32
      %dma_wait3A_802 = arith.constant 0 : i32
      %dma_wait3A_803 = tpu.memref_slice %arg2[%dma_wait3A_801, %dma_wait3A_802] : memref<10000x128xf32, #tpu.memory_space<hbm>> -> memref<10000x128xf32, #tpu.memory_space<hbm>>
      tpu.wait_indirect_dma semaphore(%arg14 : memref<!tpu.dma_semaphore, #tpu.memory_space<semaphore_mem>>) src(%dma_wait3A_803 : memref<10000x128xf32, #tpu.memory_space<hbm>>) dst(%arg11 : memref<128x128xf32, #tpu.memory_space<vmem>>)
      %mul3A_804 = arith.constant 2 : i32
      %mul3A_805 = arith.muli %mul3A_804, %scan3A_787 : i32
      %add3A_806 = arith.constant 1 : i32
      %add3A_807 = arith.addi %mul3A_805, %add3A_806 : i32
      "tpu.region"() ({
        %run_scoped3A_808 = tpu.sem_alloc : memref<!tpu.dma_semaphore, #tpu.memory_space<semaphore_mem>>
        %dma_start3A_809 = arith.constant 0 : i32
        %dma_start3A_810 = tpu.memref_slice %arg4[%add3A, %add3A_807, %dma_start3A_809] : memref<32x80x128xi32, #tpu.memory_space<hbm>> -> memref<1x1x128xi32, #tpu.memory_space<hbm>>
        %dma_start3A_811 = tpu.memref_squeeze %dma_start3A_810 : memref<1x1x128xi32, #tpu.memory_space<hbm>> -> memref<128xi32, #tpu.memory_space<hbm>>
        %dma_start3A_812 = arith.constant 0 : i32
        %dma_start3A_813 = tpu.memref_slice %arg4[%add3A, %add3A_807, %dma_start3A_812] : memref<32x80x128xi32, #tpu.memory_space<hbm>> -> memref<1x1x128xi32, #tpu.memory_space<hbm>>
        %dma_start3A_814 = tpu.memref_squeeze %dma_start3A_813 : memref<1x1x128xi32, #tpu.memory_space<hbm>> -> memref<128xi32, #tpu.memory_space<hbm>>
        tpu.enqueue_dma source(%dma_start3A_814 : memref<128xi32, #tpu.memory_space<hbm>>) target(%arg9 : memref<128xi32, #tpu.memory_space<vmem>>) target_semaphore(%run_scoped3A_808 : memref<!tpu.dma_semaphore, #tpu.memory_space<semaphore_mem>>)
        %dma_wait3A_815 = arith.constant 0 : i32
        %dma_wait3A_816 = tpu.memref_slice %arg4[%add3A, %add3A_807, %dma_wait3A_815] : memref<32x80x128xi32, #tpu.memory_space<hbm>> -> memref<1x1x128xi32, #tpu.memory_space<hbm>>
        %dma_wait3A_817 = tpu.memref_squeeze %dma_wait3A_816 : memref<1x1x128xi32, #tpu.memory_space<hbm>> -> memref<128xi32, #tpu.memory_space<hbm>>
        %dma_wait3A_818 = arith.constant 0 : i32
        %dma_wait3A_819 = tpu.memref_slice %arg4[%add3A, %add3A_807, %dma_wait3A_818] : memref<32x80x128xi32, #tpu.memory_space<hbm>> -> memref<1x1x128xi32, #tpu.memory_space<hbm>>
        %dma_wait3A_820 = tpu.memref_squeeze %dma_wait3A_819 : memref<1x1x128xi32, #tpu.memory_space<hbm>> -> memref<128xi32, #tpu.memory_space<hbm>>
        tpu.wait_dma2 semaphore(%run_scoped3A_808 : memref<!tpu.dma_semaphore, #tpu.memory_space<semaphore_mem>>) src(%dma_wait3A_820 : memref<128xi32, #tpu.memory_space<hbm>>) dst(%arg9 : memref<128xi32, #tpu.memory_space<vmem>>)
        tpu.yield
      }) : () -> ()
      "tpu.region"() ({
        %run_scoped3A_808 = tpu.sem_alloc : memref<!tpu.dma_semaphore, #tpu.memory_space<semaphore_mem>>
        %dma_start3A_809 = arith.constant 0 : i32
        %dma_start3A_810 = arith.constant 0 : i32
        %dma_start3A_811 = tpu.memref_slice %arg12[%dma_start3A_809, %dma_start3A_810] : memref<10240x128xf32, #tpu.memory_space<vmem_shared>> -> memref<10240x128xf32, #tpu.memory_space<vmem_shared>>
        tpu.enqueue_indirect_dma source(%arg11 : memref<128x128xf32, #tpu.memory_space<vmem>>) target(%dma_start3A_811 : memref<10240x128xf32, #tpu.memory_space<vmem_shared>>) offsets(%arg9 : memref<128xi32, #tpu.memory_space<vmem>>) semaphore(%run_scoped3A_808 : memref<!tpu.dma_semaphore, #tpu.memory_space<semaphore_mem>>) {add = true}
        %dma_wait3A_812 = arith.constant 0 : i32
        %dma_wait3A_813 = arith.constant 0 : i32
        %dma_wait3A_814 = tpu.memref_slice %arg12[%dma_wait3A_812, %dma_wait3A_813] : memref<10240x128xf32, #tpu.memory_space<vmem_shared>> -> memref<10240x128xf32, #tpu.memory_space<vmem_shared>>
        tpu.wait_indirect_dma semaphore(%run_scoped3A_808 : memref<!tpu.dma_semaphore, #tpu.memory_space<semaphore_mem>>) src(%arg11 : memref<128x128xf32, #tpu.memory_space<vmem>>) dst(%dma_wait3A_814 : memref<10240x128xf32, #tpu.memory_space<vmem_shared>>)
        tpu.yield
      }) : () -> ()
    }
    %scan3A_385 = arith.constant 40 : i32
    %barrier3A_386 = arith.constant 0 : index
    tpu.barrier barrier_id(%barrier3A_386)
    %mul3A_387 = arith.constant 640 : i32
    %mul3A_388 = arith.muli %arg1, %mul3A_387 : i32
    %add3A_389 = arith.constant 0 : i32
    %add3A_390 = arith.addi %mul3A_388, %add3A_389 : i32
    %iota3A_391 = tpu.iota {dimensions = array<i32: 0>} : vector<16xi32>
    %add3A_392 = arith.constant 0 : i32
    %add3A_393 = arith.addi %add3A_390, %add3A_392 : i32
    %add3A_394 = vector.broadcast %add3A_393 : i32 to vector<16xi32>
    %add3A_395 = arith.addi %iota3A_391, %add3A_394 : vector<16xi32>
    %swap3A_396 = arith.constant 0 : index
    %swap3A_397 = tpu.vector_load %arg9[%swap3A_396] {strides = array<i32>} : memref<128xi32, #tpu.memory_space<vmem>>, vector<16xi32>,
    %swap3A_398 = vector.shape_cast %swap3A_397 : vector<16xi32> to vector<16xi32>
    %swap3A_399 = vector.shape_cast %add3A_395 : vector<16xi32> to vector<16xi32>
    tpu.vector_store %arg9[%swap3A_396], %swap3A_399 {strides = array<i32>} : memref<128xi32, #tpu.memory_space<vmem>>, vector<16xi32>,
    %iota3A_400 = tpu.iota {dimensions = array<i32: 0>} : vector<16xi32>
    %add3A_401 = arith.constant 16 : i32
    %add3A_402 = arith.addi %add3A_390, %add3A_401 : i32
    %add3A_403 = vector.broadcast %add3A_402 : i32 to vector<16xi32>
    %add3A_404 = arith.addi %iota3A_400, %add3A_403 : vector<16xi32>
    %swap3A_405 = arith.constant 16 : index
    %swap3A_406 = tpu.vector_load %arg9[%swap3A_405] {strides = array<i32>} : memref<128xi32, #tpu.memory_space<vmem>>, vector<16xi32>,
    %swap3A_407 = vector.shape_cast %swap3A_406 : vector<16xi32> to vector<16xi32>
    %swap3A_408 = vector.shape_cast %add3A_404 : vector<16xi32> to vector<16xi32>
    tpu.vector_store %arg9[%swap3A_405], %swap3A_408 {strides = array<i32>} : memref<128xi32, #tpu.memory_space<vmem>>, vector<16xi32>,
    %iota3A_409 = tpu.iota {dimensions = array<i32: 0>} : vector<16xi32>
    %add3A_410 = arith.constant 32 : i32
    %add3A_411 = arith.addi %add3A_390, %add3A_410 : i32
    %add3A_412 = vector.broadcast %add3A_411 : i32 to vector<16xi32>
    %add3A_413 = arith.addi %iota3A_409, %add3A_412 : vector<16xi32>
    %swap3A_414 = arith.constant 32 : index
    %swap3A_415 = tpu.vector_load %arg9[%swap3A_414] {strides = array<i32>} : memref<128xi32, #tpu.memory_space<vmem>>, vector<16xi32>,
    %swap3A_416 = vector.shape_cast %swap3A_415 : vector<16xi32> to vector<16xi32>
    %swap3A_417 = vector.shape_cast %add3A_413 : vector<16xi32> to vector<16xi32>
    tpu.vector_store %arg9[%swap3A_414], %swap3A_417 {strides = array<i32>} : memref<128xi32, #tpu.memory_space<vmem>>, vector<16xi32>,
    %iota3A_418 = tpu.iota {dimensions = array<i32: 0>} : vector<16xi32>
    %add3A_419 = arith.constant 48 : i32
    %add3A_420 = arith.addi %add3A_390, %add3A_419 : i32
    %add3A_421 = vector.broadcast %add3A_420 : i32 to vector<16xi32>
    %add3A_422 = arith.addi %iota3A_418, %add3A_421 : vector<16xi32>
    %swap3A_423 = arith.constant 48 : index
    %swap3A_424 = tpu.vector_load %arg9[%swap3A_423] {strides = array<i32>} : memref<128xi32, #tpu.memory_space<vmem>>, vector<16xi32>,
    %swap3A_425 = vector.shape_cast %swap3A_424 : vector<16xi32> to vector<16xi32>
    %swap3A_426 = vector.shape_cast %add3A_422 : vector<16xi32> to vector<16xi32>
    tpu.vector_store %arg9[%swap3A_423], %swap3A_426 {strides = array<i32>} : memref<128xi32, #tpu.memory_space<vmem>>, vector<16xi32>,
    %iota3A_427 = tpu.iota {dimensions = array<i32: 0>} : vector<16xi32>
    %add3A_428 = arith.constant 64 : i32
    %add3A_429 = arith.addi %add3A_390, %add3A_428 : i32
    %add3A_430 = vector.broadcast %add3A_429 : i32 to vector<16xi32>
    %add3A_431 = arith.addi %iota3A_427, %add3A_430 : vector<16xi32>
    %swap3A_432 = arith.constant 64 : index
    %swap3A_433 = tpu.vector_load %arg9[%swap3A_432] {strides = array<i32>} : memref<128xi32, #tpu.memory_space<vmem>>, vector<16xi32>,
    %swap3A_434 = vector.shape_cast %swap3A_433 : vector<16xi32> to vector<16xi32>
    %swap3A_435 = vector.shape_cast %add3A_431 : vector<16xi32> to vector<16xi32>
    tpu.vector_store %arg9[%swap3A_432], %swap3A_435 {strides = array<i32>} : memref<128xi32, #tpu.memory_space<vmem>>, vector<16xi32>,
    %iota3A_436 = tpu.iota {dimensions = array<i32: 0>} : vector<16xi32>
    %add3A_437 = arith.constant 80 : i32
    %add3A_438 = arith.addi %add3A_390, %add3A_437 : i32
    %add3A_439 = vector.broadcast %add3A_438 : i32 to vector<16xi32>
    %add3A_440 = arith.addi %iota3A_436, %add3A_439 : vector<16xi32>
    %swap3A_441 = arith.constant 80 : index
    %swap3A_442 = tpu.vector_load %arg9[%swap3A_441] {strides = array<i32>} : memref<128xi32, #tpu.memory_space<vmem>>, vector<16xi32>,
    %swap3A_443 = vector.shape_cast %swap3A_442 : vector<16xi32> to vector<16xi32>
    %swap3A_444 = vector.shape_cast %add3A_440 : vector<16xi32> to vector<16xi32>
    tpu.vector_store %arg9[%swap3A_441], %swap3A_444 {strides = array<i32>} : memref<128xi32, #tpu.memory_space<vmem>>, vector<16xi32>,
    %iota3A_445 = tpu.iota {dimensions = array<i32: 0>} : vector<16xi32>
    %add3A_446 = arith.constant 96 : i32
    %add3A_447 = arith.addi %add3A_390, %add3A_446 : i32
    %add3A_448 = vector.broadcast %add3A_447 : i32 to vector<16xi32>
    %add3A_449 = arith.addi %iota3A_445, %add3A_448 : vector<16xi32>
    %swap3A_450 = arith.constant 96 : index
    %swap3A_451 = tpu.vector_load %arg9[%swap3A_450] {strides = array<i32>} : memref<128xi32, #tpu.memory_space<vmem>>, vector<16xi32>,
    %swap3A_452 = vector.shape_cast %swap3A_451 : vector<16xi32> to vector<16xi32>
    %swap3A_453 = vector.shape_cast %add3A_449 : vector<16xi32> to vector<16xi32>
    tpu.vector_store %arg9[%swap3A_450], %swap3A_453 {strides = array<i32>} : memref<128xi32, #tpu.memory_space<vmem>>, vector<16xi32>,
    %iota3A_454 = tpu.iota {dimensions = array<i32: 0>} : vector<16xi32>
    %add3A_455 = arith.constant 112 : i32
    %add3A_456 = arith.addi %add3A_390, %add3A_455 : i32
    %add3A_457 = vector.broadcast %add3A_456 : i32 to vector<16xi32>
    %add3A_458 = arith.addi %iota3A_454, %add3A_457 : vector<16xi32>
    %swap3A_459 = arith.constant 112 : index
    %swap3A_460 = tpu.vector_load %arg9[%swap3A_459] {strides = array<i32>} : memref<128xi32, #tpu.memory_space<vmem>>, vector<16xi32>,
    %swap3A_461 = vector.shape_cast %swap3A_460 : vector<16xi32> to vector<16xi32>
    %swap3A_462 = vector.shape_cast %add3A_458 : vector<16xi32> to vector<16xi32>
    tpu.vector_store %arg9[%swap3A_459], %swap3A_462 {strides = array<i32>} : memref<128xi32, #tpu.memory_space<vmem>>, vector<16xi32>,
    "tpu.region"() ({
      %run_scoped3A_787 = tpu.sem_alloc : memref<!tpu.dma_semaphore, #tpu.memory_space<semaphore_mem>>
      %dma_start3A_788 = arith.constant 0 : i32
      %dma_start3A_789 = arith.constant 0 : i32
      %dma_start3A_790 = tpu.memref_slice %arg12[%dma_start3A_788, %dma_start3A_789] : memref<10240x128xf32, #tpu.memory_space<vmem_shared>> -> memref<10240x128xf32, #tpu.memory_space<vmem_shared>>
      tpu.enqueue_indirect_dma source(%dma_start3A_790 : memref<10240x128xf32, #tpu.memory_space<vmem_shared>>) target(%arg10 : memref<128x128xf32, #tpu.memory_space<vmem>>) offsets(%arg9 : memref<128xi32, #tpu.memory_space<vmem>>) semaphore(%run_scoped3A_787 : memref<!tpu.dma_semaphore, #tpu.memory_space<semaphore_mem>>)
      %dma_wait3A = arith.constant 0 : i32
      %dma_wait3A_791 = arith.constant 0 : i32
      %dma_wait3A_792 = tpu.memref_slice %arg12[%dma_wait3A, %dma_wait3A_791] : memref<10240x128xf32, #tpu.memory_space<vmem_shared>> -> memref<10240x128xf32, #tpu.memory_space<vmem_shared>>
      tpu.wait_indirect_dma semaphore(%run_scoped3A_787 : memref<!tpu.dma_semaphore, #tpu.memory_space<semaphore_mem>>) src(%dma_wait3A_792 : memref<10240x128xf32, #tpu.memory_space<vmem_shared>>) dst(%arg10 : memref<128x128xf32, #tpu.memory_space<vmem>>)
      tpu.yield
    }) : () -> ()
    %mul3A_463 = arith.constant 640 : i32
    %mul3A_464 = arith.muli %arg1, %mul3A_463 : i32
    %add3A_465 = arith.constant 0 : i32
    %add3A_466 = arith.addi %mul3A_464, %add3A_465 : i32
    "tpu.region"() ({
      %run_scoped3A_787 = tpu.sem_alloc : memref<!tpu.dma_semaphore, #tpu.memory_space<semaphore_mem>>
      %dma_start3A_788 = arith.constant 0 : i32
      %dma_start3A_789 = tpu.memref_slice %arg6[%arg0, %add3A_466, %dma_start3A_788] : memref<2x10240x128xf32, #tpu.memory_space<hbm>> -> memref<1x128x128xf32, #tpu.memory_space<hbm>>
      %dma_start3A_790 = tpu.memref_squeeze %dma_start3A_789 : memref<1x128x128xf32, #tpu.memory_space<hbm>> -> memref<128x128xf32, #tpu.memory_space<hbm>>
      %dma_start3A_791 = arith.constant 0 : i32
      %dma_start3A_792 = tpu.memref_slice %arg6[%arg0, %add3A_466, %dma_start3A_791] : memref<2x10240x128xf32, #tpu.memory_space<hbm>> -> memref<1x128x128xf32, #tpu.memory_space<hbm>>
      %dma_start3A_793 = tpu.memref_squeeze %dma_start3A_792 : memref<1x128x128xf32, #tpu.memory_space<hbm>> -> memref<128x128xf32, #tpu.memory_space<hbm>>
      tpu.enqueue_dma source(%arg10 : memref<128x128xf32, #tpu.memory_space<vmem>>) target(%dma_start3A_793 : memref<128x128xf32, #tpu.memory_space<hbm>>) target_semaphore(%run_scoped3A_787 : memref<!tpu.dma_semaphore, #tpu.memory_space<semaphore_mem>>)
      %dma_wait3A = arith.constant 0 : i32
      %dma_wait3A_794 = tpu.memref_slice %arg6[%arg0, %add3A_466, %dma_wait3A] : memref<2x10240x128xf32, #tpu.memory_space<hbm>> -> memref<1x128x128xf32, #tpu.memory_space<hbm>>
      %dma_wait3A_795 = tpu.memref_squeeze %dma_wait3A_794 : memref<1x128x128xf32, #tpu.memory_space<hbm>> -> memref<128x128xf32, #tpu.memory_space<hbm>>
      %dma_wait3A_796 = arith.constant 0 : i32
      %dma_wait3A_797 = tpu.memref_slice %arg6[%arg0, %add3A_466, %dma_wait3A_796] : memref<2x10240x128xf32, #tpu.memory_space<hbm>> -> memref<1x128x128xf32, #tpu.memory_space<hbm>>
      %dma_wait3A_798 = tpu.memref_squeeze %dma_wait3A_797 : memref<1x128x128xf32, #tpu.memory_space<hbm>> -> memref<128x128xf32, #tpu.memory_space<hbm>>
      tpu.wait_dma2 semaphore(%run_scoped3A_787 : memref<!tpu.dma_semaphore, #tpu.memory_space<semaphore_mem>>) src(%arg10 : memref<128x128xf32, #tpu.memory_space<vmem>>) dst(%dma_wait3A_798 : memref<128x128xf32, #tpu.memory_space<hbm>>)
      tpu.yield
    }) : () -> ()
    %mul3A_467 = arith.constant 640 : i32
    %mul3A_468 = arith.muli %arg1, %mul3A_467 : i32
    %add3A_469 = arith.constant 128 : i32
    %add3A_470 = arith.addi %mul3A_468, %add3A_469 : i32
    %iota3A_471 = tpu.iota {dimensions = array<i32: 0>} : vector<16xi32>
    %add3A_472 = arith.constant 0 : i32
    %add3A_473 = arith.addi %add3A_470, %add3A_472 : i32
    %add3A_474 = vector.broadcast %add3A_473 : i32 to vector<16xi32>
    %add3A_475 = arith.addi %iota3A_471, %add3A_474 : vector<16xi32>
    %swap3A_476 = arith.constant 0 : index
    %swap3A_477 = tpu.vector_load %arg9[%swap3A_476] {strides = array<i32>} : memref<128xi32, #tpu.memory_space<vmem>>, vector<16xi32>,
    %swap3A_478 = vector.shape_cast %swap3A_477 : vector<16xi32> to vector<16xi32>
    %swap3A_479 = vector.shape_cast %add3A_475 : vector<16xi32> to vector<16xi32>
    tpu.vector_store %arg9[%swap3A_476], %swap3A_479 {strides = array<i32>} : memref<128xi32, #tpu.memory_space<vmem>>, vector<16xi32>,
    %iota3A_480 = tpu.iota {dimensions = array<i32: 0>} : vector<16xi32>
    %add3A_481 = arith.constant 16 : i32
    %add3A_482 = arith.addi %add3A_470, %add3A_481 : i32
    %add3A_483 = vector.broadcast %add3A_482 : i32 to vector<16xi32>
    %add3A_484 = arith.addi %iota3A_480, %add3A_483 : vector<16xi32>
    %swap3A_485 = arith.constant 16 : index
    %swap3A_486 = tpu.vector_load %arg9[%swap3A_485] {strides = array<i32>} : memref<128xi32, #tpu.memory_space<vmem>>, vector<16xi32>,
    %swap3A_487 = vector.shape_cast %swap3A_486 : vector<16xi32> to vector<16xi32>
    %swap3A_488 = vector.shape_cast %add3A_484 : vector<16xi32> to vector<16xi32>
    tpu.vector_store %arg9[%swap3A_485], %swap3A_488 {strides = array<i32>} : memref<128xi32, #tpu.memory_space<vmem>>, vector<16xi32>,
    %iota3A_489 = tpu.iota {dimensions = array<i32: 0>} : vector<16xi32>
    %add3A_490 = arith.constant 32 : i32
    %add3A_491 = arith.addi %add3A_470, %add3A_490 : i32
    %add3A_492 = vector.broadcast %add3A_491 : i32 to vector<16xi32>
    %add3A_493 = arith.addi %iota3A_489, %add3A_492 : vector<16xi32>
    %swap3A_494 = arith.constant 32 : index
    %swap3A_495 = tpu.vector_load %arg9[%swap3A_494] {strides = array<i32>} : memref<128xi32, #tpu.memory_space<vmem>>, vector<16xi32>,
    %swap3A_496 = vector.shape_cast %swap3A_495 : vector<16xi32> to vector<16xi32>
    %swap3A_497 = vector.shape_cast %add3A_493 : vector<16xi32> to vector<16xi32>
    tpu.vector_store %arg9[%swap3A_494], %swap3A_497 {strides = array<i32>} : memref<128xi32, #tpu.memory_space<vmem>>, vector<16xi32>,
    %iota3A_498 = tpu.iota {dimensions = array<i32: 0>} : vector<16xi32>
    %add3A_499 = arith.constant 48 : i32
    %add3A_500 = arith.addi %add3A_470, %add3A_499 : i32
    %add3A_501 = vector.broadcast %add3A_500 : i32 to vector<16xi32>
    %add3A_502 = arith.addi %iota3A_498, %add3A_501 : vector<16xi32>
    %swap3A_503 = arith.constant 48 : index
    %swap3A_504 = tpu.vector_load %arg9[%swap3A_503] {strides = array<i32>} : memref<128xi32, #tpu.memory_space<vmem>>, vector<16xi32>,
    %swap3A_505 = vector.shape_cast %swap3A_504 : vector<16xi32> to vector<16xi32>
    %swap3A_506 = vector.shape_cast %add3A_502 : vector<16xi32> to vector<16xi32>
    tpu.vector_store %arg9[%swap3A_503], %swap3A_506 {strides = array<i32>} : memref<128xi32, #tpu.memory_space<vmem>>, vector<16xi32>,
    %iota3A_507 = tpu.iota {dimensions = array<i32: 0>} : vector<16xi32>
    %add3A_508 = arith.constant 64 : i32
    %add3A_509 = arith.addi %add3A_470, %add3A_508 : i32
    %add3A_510 = vector.broadcast %add3A_509 : i32 to vector<16xi32>
    %add3A_511 = arith.addi %iota3A_507, %add3A_510 : vector<16xi32>
    %swap3A_512 = arith.constant 64 : index
    %swap3A_513 = tpu.vector_load %arg9[%swap3A_512] {strides = array<i32>} : memref<128xi32, #tpu.memory_space<vmem>>, vector<16xi32>,
    %swap3A_514 = vector.shape_cast %swap3A_513 : vector<16xi32> to vector<16xi32>
    %swap3A_515 = vector.shape_cast %add3A_511 : vector<16xi32> to vector<16xi32>
    tpu.vector_store %arg9[%swap3A_512], %swap3A_515 {strides = array<i32>} : memref<128xi32, #tpu.memory_space<vmem>>, vector<16xi32>,
    %iota3A_516 = tpu.iota {dimensions = array<i32: 0>} : vector<16xi32>
    %add3A_517 = arith.constant 80 : i32
    %add3A_518 = arith.addi %add3A_470, %add3A_517 : i32
    %add3A_519 = vector.broadcast %add3A_518 : i32 to vector<16xi32>
    %add3A_520 = arith.addi %iota3A_516, %add3A_519 : vector<16xi32>
    %swap3A_521 = arith.constant 80 : index
    %swap3A_522 = tpu.vector_load %arg9[%swap3A_521] {strides = array<i32>} : memref<128xi32, #tpu.memory_space<vmem>>, vector<16xi32>,
    %swap3A_523 = vector.shape_cast %swap3A_522 : vector<16xi32> to vector<16xi32>
    %swap3A_524 = vector.shape_cast %add3A_520 : vector<16xi32> to vector<16xi32>
    tpu.vector_store %arg9[%swap3A_521], %swap3A_524 {strides = array<i32>} : memref<128xi32, #tpu.memory_space<vmem>>, vector<16xi32>,
    %iota3A_525 = tpu.iota {dimensions = array<i32: 0>} : vector<16xi32>
    %add3A_526 = arith.constant 96 : i32
    %add3A_527 = arith.addi %add3A_470, %add3A_526 : i32
    %add3A_528 = vector.broadcast %add3A_527 : i32 to vector<16xi32>
    %add3A_529 = arith.addi %iota3A_525, %add3A_528 : vector<16xi32>
    %swap3A_530 = arith.constant 96 : index
    %swap3A_531 = tpu.vector_load %arg9[%swap3A_530] {strides = array<i32>} : memref<128xi32, #tpu.memory_space<vmem>>, vector<16xi32>,
    %swap3A_532 = vector.shape_cast %swap3A_531 : vector<16xi32> to vector<16xi32>
    %swap3A_533 = vector.shape_cast %add3A_529 : vector<16xi32> to vector<16xi32>
    tpu.vector_store %arg9[%swap3A_530], %swap3A_533 {strides = array<i32>} : memref<128xi32, #tpu.memory_space<vmem>>, vector<16xi32>,
    %iota3A_534 = tpu.iota {dimensions = array<i32: 0>} : vector<16xi32>
    %add3A_535 = arith.constant 112 : i32
    %add3A_536 = arith.addi %add3A_470, %add3A_535 : i32
    %add3A_537 = vector.broadcast %add3A_536 : i32 to vector<16xi32>
    %add3A_538 = arith.addi %iota3A_534, %add3A_537 : vector<16xi32>
    %swap3A_539 = arith.constant 112 : index
    %swap3A_540 = tpu.vector_load %arg9[%swap3A_539] {strides = array<i32>} : memref<128xi32, #tpu.memory_space<vmem>>, vector<16xi32>,
    %swap3A_541 = vector.shape_cast %swap3A_540 : vector<16xi32> to vector<16xi32>
    %swap3A_542 = vector.shape_cast %add3A_538 : vector<16xi32> to vector<16xi32>
    tpu.vector_store %arg9[%swap3A_539], %swap3A_542 {strides = array<i32>} : memref<128xi32, #tpu.memory_space<vmem>>, vector<16xi32>,
    "tpu.region"() ({
      %run_scoped3A_787 = tpu.sem_alloc : memref<!tpu.dma_semaphore, #tpu.memory_space<semaphore_mem>>
      %dma_start3A_788 = arith.constant 0 : i32
      %dma_start3A_789 = arith.constant 0 : i32
      %dma_start3A_790 = tpu.memref_slice %arg12[%dma_start3A_788, %dma_start3A_789] : memref<10240x128xf32, #tpu.memory_space<vmem_shared>> -> memref<10240x128xf32, #tpu.memory_space<vmem_shared>>
      tpu.enqueue_indirect_dma source(%dma_start3A_790 : memref<10240x128xf32, #tpu.memory_space<vmem_shared>>) target(%arg10 : memref<128x128xf32, #tpu.memory_space<vmem>>) offsets(%arg9 : memref<128xi32, #tpu.memory_space<vmem>>) semaphore(%run_scoped3A_787 : memref<!tpu.dma_semaphore, #tpu.memory_space<semaphore_mem>>)
      %dma_wait3A = arith.constant 0 : i32
      %dma_wait3A_791 = arith.constant 0 : i32
      %dma_wait3A_792 = tpu.memref_slice %arg12[%dma_wait3A, %dma_wait3A_791] : memref<10240x128xf32, #tpu.memory_space<vmem_shared>> -> memref<10240x128xf32, #tpu.memory_space<vmem_shared>>
      tpu.wait_indirect_dma semaphore(%run_scoped3A_787 : memref<!tpu.dma_semaphore, #tpu.memory_space<semaphore_mem>>) src(%dma_wait3A_792 : memref<10240x128xf32, #tpu.memory_space<vmem_shared>>) dst(%arg10 : memref<128x128xf32, #tpu.memory_space<vmem>>)
      tpu.yield
    }) : () -> ()
    %mul3A_543 = arith.constant 640 : i32
    %mul3A_544 = arith.muli %arg1, %mul3A_543 : i32
    %add3A_545 = arith.constant 128 : i32
    %add3A_546 = arith.addi %mul3A_544, %add3A_545 : i32
    "tpu.region"() ({
      %run_scoped3A_787 = tpu.sem_alloc : memref<!tpu.dma_semaphore, #tpu.memory_space<semaphore_mem>>
      %dma_start3A_788 = arith.constant 0 : i32
      %dma_start3A_789 = tpu.memref_slice %arg6[%arg0, %add3A_546, %dma_start3A_788] : memref<2x10240x128xf32, #tpu.memory_space<hbm>> -> memref<1x128x128xf32, #tpu.memory_space<hbm>>
      %dma_start3A_790 = tpu.memref_squeeze %dma_start3A_789 : memref<1x128x128xf32, #tpu.memory_space<hbm>> -> memref<128x128xf32, #tpu.memory_space<hbm>>
      %dma_start3A_791 = arith.constant 0 : i32
      %dma_start3A_792 = tpu.memref_slice %arg6[%arg0, %add3A_546, %dma_start3A_791] : memref<2x10240x128xf32, #tpu.memory_space<hbm>> -> memref<1x128x128xf32, #tpu.memory_space<hbm>>
      %dma_start3A_793 = tpu.memref_squeeze %dma_start3A_792 : memref<1x128x128xf32, #tpu.memory_space<hbm>> -> memref<128x128xf32, #tpu.memory_space<hbm>>
      tpu.enqueue_dma source(%arg10 : memref<128x128xf32, #tpu.memory_space<vmem>>) target(%dma_start3A_793 : memref<128x128xf32, #tpu.memory_space<hbm>>) target_semaphore(%run_scoped3A_787 : memref<!tpu.dma_semaphore, #tpu.memory_space<semaphore_mem>>)
      %dma_wait3A = arith.constant 0 : i32
      %dma_wait3A_794 = tpu.memref_slice %arg6[%arg0, %add3A_546, %dma_wait3A] : memref<2x10240x128xf32, #tpu.memory_space<hbm>> -> memref<1x128x128xf32, #tpu.memory_space<hbm>>
      %dma_wait3A_795 = tpu.memref_squeeze %dma_wait3A_794 : memref<1x128x128xf32, #tpu.memory_space<hbm>> -> memref<128x128xf32, #tpu.memory_space<hbm>>
      %dma_wait3A_796 = arith.constant 0 : i32
      %dma_wait3A_797 = tpu.memref_slice %arg6[%arg0, %add3A_546, %dma_wait3A_796] : memref<2x10240x128xf32, #tpu.memory_space<hbm>> -> memref<1x128x128xf32, #tpu.memory_space<hbm>>
      %dma_wait3A_798 = tpu.memref_squeeze %dma_wait3A_797 : memref<1x128x128xf32, #tpu.memory_space<hbm>> -> memref<128x128xf32, #tpu.memory_space<hbm>>
      tpu.wait_dma2 semaphore(%run_scoped3A_787 : memref<!tpu.dma_semaphore, #tpu.memory_space<semaphore_mem>>) src(%arg10 : memref<128x128xf32, #tpu.memory_space<vmem>>) dst(%dma_wait3A_798 : memref<128x128xf32, #tpu.memory_space<hbm>>)
      tpu.yield
    }) : () -> ()
    %mul3A_547 = arith.constant 640 : i32
    %mul3A_548 = arith.muli %arg1, %mul3A_547 : i32
    %add3A_549 = arith.constant 256 : i32
    %add3A_550 = arith.addi %mul3A_548, %add3A_549 : i32
    %iota3A_551 = tpu.iota {dimensions = array<i32: 0>} : vector<16xi32>
    %add3A_552 = arith.constant 0 : i32
    %add3A_553 = arith.addi %add3A_550, %add3A_552 : i32
    %add3A_554 = vector.broadcast %add3A_553 : i32 to vector<16xi32>
    %add3A_555 = arith.addi %iota3A_551, %add3A_554 : vector<16xi32>
    %swap3A_556 = arith.constant 0 : index
    %swap3A_557 = tpu.vector_load %arg9[%swap3A_556] {strides = array<i32>} : memref<128xi32, #tpu.memory_space<vmem>>, vector<16xi32>,
    %swap3A_558 = vector.shape_cast %swap3A_557 : vector<16xi32> to vector<16xi32>
    %swap3A_559 = vector.shape_cast %add3A_555 : vector<16xi32> to vector<16xi32>
    tpu.vector_store %arg9[%swap3A_556], %swap3A_559 {strides = array<i32>} : memref<128xi32, #tpu.memory_space<vmem>>, vector<16xi32>,
    %iota3A_560 = tpu.iota {dimensions = array<i32: 0>} : vector<16xi32>
    %add3A_561 = arith.constant 16 : i32
    %add3A_562 = arith.addi %add3A_550, %add3A_561 : i32
    %add3A_563 = vector.broadcast %add3A_562 : i32 to vector<16xi32>
    %add3A_564 = arith.addi %iota3A_560, %add3A_563 : vector<16xi32>
    %swap3A_565 = arith.constant 16 : index
    %swap3A_566 = tpu.vector_load %arg9[%swap3A_565] {strides = array<i32>} : memref<128xi32, #tpu.memory_space<vmem>>, vector<16xi32>,
    %swap3A_567 = vector.shape_cast %swap3A_566 : vector<16xi32> to vector<16xi32>
    %swap3A_568 = vector.shape_cast %add3A_564 : vector<16xi32> to vector<16xi32>
    tpu.vector_store %arg9[%swap3A_565], %swap3A_568 {strides = array<i32>} : memref<128xi32, #tpu.memory_space<vmem>>, vector<16xi32>,
    %iota3A_569 = tpu.iota {dimensions = array<i32: 0>} : vector<16xi32>
    %add3A_570 = arith.constant 32 : i32
    %add3A_571 = arith.addi %add3A_550, %add3A_570 : i32
    %add3A_572 = vector.broadcast %add3A_571 : i32 to vector<16xi32>
    %add3A_573 = arith.addi %iota3A_569, %add3A_572 : vector<16xi32>
    %swap3A_574 = arith.constant 32 : index
    %swap3A_575 = tpu.vector_load %arg9[%swap3A_574] {strides = array<i32>} : memref<128xi32, #tpu.memory_space<vmem>>, vector<16xi32>,
    %swap3A_576 = vector.shape_cast %swap3A_575 : vector<16xi32> to vector<16xi32>
    %swap3A_577 = vector.shape_cast %add3A_573 : vector<16xi32> to vector<16xi32>
    tpu.vector_store %arg9[%swap3A_574], %swap3A_577 {strides = array<i32>} : memref<128xi32, #tpu.memory_space<vmem>>, vector<16xi32>,
    %iota3A_578 = tpu.iota {dimensions = array<i32: 0>} : vector<16xi32>
    %add3A_579 = arith.constant 48 : i32
    %add3A_580 = arith.addi %add3A_550, %add3A_579 : i32
    %add3A_581 = vector.broadcast %add3A_580 : i32 to vector<16xi32>
    %add3A_582 = arith.addi %iota3A_578, %add3A_581 : vector<16xi32>
    %swap3A_583 = arith.constant 48 : index
    %swap3A_584 = tpu.vector_load %arg9[%swap3A_583] {strides = array<i32>} : memref<128xi32, #tpu.memory_space<vmem>>, vector<16xi32>,
    %swap3A_585 = vector.shape_cast %swap3A_584 : vector<16xi32> to vector<16xi32>
    %swap3A_586 = vector.shape_cast %add3A_582 : vector<16xi32> to vector<16xi32>
    tpu.vector_store %arg9[%swap3A_583], %swap3A_586 {strides = array<i32>} : memref<128xi32, #tpu.memory_space<vmem>>, vector<16xi32>,
    %iota3A_587 = tpu.iota {dimensions = array<i32: 0>} : vector<16xi32>
    %add3A_588 = arith.constant 64 : i32
    %add3A_589 = arith.addi %add3A_550, %add3A_588 : i32
    %add3A_590 = vector.broadcast %add3A_589 : i32 to vector<16xi32>
    %add3A_591 = arith.addi %iota3A_587, %add3A_590 : vector<16xi32>
    %swap3A_592 = arith.constant 64 : index
    %swap3A_593 = tpu.vector_load %arg9[%swap3A_592] {strides = array<i32>} : memref<128xi32, #tpu.memory_space<vmem>>, vector<16xi32>,
    %swap3A_594 = vector.shape_cast %swap3A_593 : vector<16xi32> to vector<16xi32>
    %swap3A_595 = vector.shape_cast %add3A_591 : vector<16xi32> to vector<16xi32>
    tpu.vector_store %arg9[%swap3A_592], %swap3A_595 {strides = array<i32>} : memref<128xi32, #tpu.memory_space<vmem>>, vector<16xi32>,
    %iota3A_596 = tpu.iota {dimensions = array<i32: 0>} : vector<16xi32>
    %add3A_597 = arith.constant 80 : i32
    %add3A_598 = arith.addi %add3A_550, %add3A_597 : i32
    %add3A_599 = vector.broadcast %add3A_598 : i32 to vector<16xi32>
    %add3A_600 = arith.addi %iota3A_596, %add3A_599 : vector<16xi32>
    %swap3A_601 = arith.constant 80 : index
    %swap3A_602 = tpu.vector_load %arg9[%swap3A_601] {strides = array<i32>} : memref<128xi32, #tpu.memory_space<vmem>>, vector<16xi32>,
    %swap3A_603 = vector.shape_cast %swap3A_602 : vector<16xi32> to vector<16xi32>
    %swap3A_604 = vector.shape_cast %add3A_600 : vector<16xi32> to vector<16xi32>
    tpu.vector_store %arg9[%swap3A_601], %swap3A_604 {strides = array<i32>} : memref<128xi32, #tpu.memory_space<vmem>>, vector<16xi32>,
    %iota3A_605 = tpu.iota {dimensions = array<i32: 0>} : vector<16xi32>
    %add3A_606 = arith.constant 96 : i32
    %add3A_607 = arith.addi %add3A_550, %add3A_606 : i32
    %add3A_608 = vector.broadcast %add3A_607 : i32 to vector<16xi32>
    %add3A_609 = arith.addi %iota3A_605, %add3A_608 : vector<16xi32>
    %swap3A_610 = arith.constant 96 : index
    %swap3A_611 = tpu.vector_load %arg9[%swap3A_610] {strides = array<i32>} : memref<128xi32, #tpu.memory_space<vmem>>, vector<16xi32>,
    %swap3A_612 = vector.shape_cast %swap3A_611 : vector<16xi32> to vector<16xi32>
    %swap3A_613 = vector.shape_cast %add3A_609 : vector<16xi32> to vector<16xi32>
    tpu.vector_store %arg9[%swap3A_610], %swap3A_613 {strides = array<i32>} : memref<128xi32, #tpu.memory_space<vmem>>, vector<16xi32>,
    %iota3A_614 = tpu.iota {dimensions = array<i32: 0>} : vector<16xi32>
    %add3A_615 = arith.constant 112 : i32
    %add3A_616 = arith.addi %add3A_550, %add3A_615 : i32
    %add3A_617 = vector.broadcast %add3A_616 : i32 to vector<16xi32>
    %add3A_618 = arith.addi %iota3A_614, %add3A_617 : vector<16xi32>
    %swap3A_619 = arith.constant 112 : index
    %swap3A_620 = tpu.vector_load %arg9[%swap3A_619] {strides = array<i32>} : memref<128xi32, #tpu.memory_space<vmem>>, vector<16xi32>,
    %swap3A_621 = vector.shape_cast %swap3A_620 : vector<16xi32> to vector<16xi32>
    %swap3A_622 = vector.shape_cast %add3A_618 : vector<16xi32> to vector<16xi32>
    tpu.vector_store %arg9[%swap3A_619], %swap3A_622 {strides = array<i32>} : memref<128xi32, #tpu.memory_space<vmem>>, vector<16xi32>,
    "tpu.region"() ({
      %run_scoped3A_787 = tpu.sem_alloc : memref<!tpu.dma_semaphore, #tpu.memory_space<semaphore_mem>>
      %dma_start3A_788 = arith.constant 0 : i32
      %dma_start3A_789 = arith.constant 0 : i32
      %dma_start3A_790 = tpu.memref_slice %arg12[%dma_start3A_788, %dma_start3A_789] : memref<10240x128xf32, #tpu.memory_space<vmem_shared>> -> memref<10240x128xf32, #tpu.memory_space<vmem_shared>>
      tpu.enqueue_indirect_dma source(%dma_start3A_790 : memref<10240x128xf32, #tpu.memory_space<vmem_shared>>) target(%arg10 : memref<128x128xf32, #tpu.memory_space<vmem>>) offsets(%arg9 : memref<128xi32, #tpu.memory_space<vmem>>) semaphore(%run_scoped3A_787 : memref<!tpu.dma_semaphore, #tpu.memory_space<semaphore_mem>>)
      %dma_wait3A = arith.constant 0 : i32
      %dma_wait3A_791 = arith.constant 0 : i32
      %dma_wait3A_792 = tpu.memref_slice %arg12[%dma_wait3A, %dma_wait3A_791] : memref<10240x128xf32, #tpu.memory_space<vmem_shared>> -> memref<10240x128xf32, #tpu.memory_space<vmem_shared>>
      tpu.wait_indirect_dma semaphore(%run_scoped3A_787 : memref<!tpu.dma_semaphore, #tpu.memory_space<semaphore_mem>>) src(%dma_wait3A_792 : memref<10240x128xf32, #tpu.memory_space<vmem_shared>>) dst(%arg10 : memref<128x128xf32, #tpu.memory_space<vmem>>)
      tpu.yield
    }) : () -> ()
    %mul3A_623 = arith.constant 640 : i32
    %mul3A_624 = arith.muli %arg1, %mul3A_623 : i32
    %add3A_625 = arith.constant 256 : i32
    %add3A_626 = arith.addi %mul3A_624, %add3A_625 : i32
    "tpu.region"() ({
      %run_scoped3A_787 = tpu.sem_alloc : memref<!tpu.dma_semaphore, #tpu.memory_space<semaphore_mem>>
      %dma_start3A_788 = arith.constant 0 : i32
      %dma_start3A_789 = tpu.memref_slice %arg6[%arg0, %add3A_626, %dma_start3A_788] : memref<2x10240x128xf32, #tpu.memory_space<hbm>> -> memref<1x128x128xf32, #tpu.memory_space<hbm>>
      %dma_start3A_790 = tpu.memref_squeeze %dma_start3A_789 : memref<1x128x128xf32, #tpu.memory_space<hbm>> -> memref<128x128xf32, #tpu.memory_space<hbm>>
      %dma_start3A_791 = arith.constant 0 : i32
      %dma_start3A_792 = tpu.memref_slice %arg6[%arg0, %add3A_626, %dma_start3A_791] : memref<2x10240x128xf32, #tpu.memory_space<hbm>> -> memref<1x128x128xf32, #tpu.memory_space<hbm>>
      %dma_start3A_793 = tpu.memref_squeeze %dma_start3A_792 : memref<1x128x128xf32, #tpu.memory_space<hbm>> -> memref<128x128xf32, #tpu.memory_space<hbm>>
      tpu.enqueue_dma source(%arg10 : memref<128x128xf32, #tpu.memory_space<vmem>>) target(%dma_start3A_793 : memref<128x128xf32, #tpu.memory_space<hbm>>) target_semaphore(%run_scoped3A_787 : memref<!tpu.dma_semaphore, #tpu.memory_space<semaphore_mem>>)
      %dma_wait3A = arith.constant 0 : i32
      %dma_wait3A_794 = tpu.memref_slice %arg6[%arg0, %add3A_626, %dma_wait3A] : memref<2x10240x128xf32, #tpu.memory_space<hbm>> -> memref<1x128x128xf32, #tpu.memory_space<hbm>>
      %dma_wait3A_795 = tpu.memref_squeeze %dma_wait3A_794 : memref<1x128x128xf32, #tpu.memory_space<hbm>> -> memref<128x128xf32, #tpu.memory_space<hbm>>
      %dma_wait3A_796 = arith.constant 0 : i32
      %dma_wait3A_797 = tpu.memref_slice %arg6[%arg0, %add3A_626, %dma_wait3A_796] : memref<2x10240x128xf32, #tpu.memory_space<hbm>> -> memref<1x128x128xf32, #tpu.memory_space<hbm>>
      %dma_wait3A_798 = tpu.memref_squeeze %dma_wait3A_797 : memref<1x128x128xf32, #tpu.memory_space<hbm>> -> memref<128x128xf32, #tpu.memory_space<hbm>>
      tpu.wait_dma2 semaphore(%run_scoped3A_787 : memref<!tpu.dma_semaphore, #tpu.memory_space<semaphore_mem>>) src(%arg10 : memref<128x128xf32, #tpu.memory_space<vmem>>) dst(%dma_wait3A_798 : memref<128x128xf32, #tpu.memory_space<hbm>>)
      tpu.yield
    }) : () -> ()
    %mul3A_627 = arith.constant 640 : i32
    %mul3A_628 = arith.muli %arg1, %mul3A_627 : i32
    %add3A_629 = arith.constant 384 : i32
    %add3A_630 = arith.addi %mul3A_628, %add3A_629 : i32
    %iota3A_631 = tpu.iota {dimensions = array<i32: 0>} : vector<16xi32>
    %add3A_632 = arith.constant 0 : i32
    %add3A_633 = arith.addi %add3A_630, %add3A_632 : i32
    %add3A_634 = vector.broadcast %add3A_633 : i32 to vector<16xi32>
    %add3A_635 = arith.addi %iota3A_631, %add3A_634 : vector<16xi32>
    %swap3A_636 = arith.constant 0 : index
    %swap3A_637 = tpu.vector_load %arg9[%swap3A_636] {strides = array<i32>} : memref<128xi32, #tpu.memory_space<vmem>>, vector<16xi32>,
    %swap3A_638 = vector.shape_cast %swap3A_637 : vector<16xi32> to vector<16xi32>
    %swap3A_639 = vector.shape_cast %add3A_635 : vector<16xi32> to vector<16xi32>
    tpu.vector_store %arg9[%swap3A_636], %swap3A_639 {strides = array<i32>} : memref<128xi32, #tpu.memory_space<vmem>>, vector<16xi32>,
    %iota3A_640 = tpu.iota {dimensions = array<i32: 0>} : vector<16xi32>
    %add3A_641 = arith.constant 16 : i32
    %add3A_642 = arith.addi %add3A_630, %add3A_641 : i32
    %add3A_643 = vector.broadcast %add3A_642 : i32 to vector<16xi32>
    %add3A_644 = arith.addi %iota3A_640, %add3A_643 : vector<16xi32>
    %swap3A_645 = arith.constant 16 : index
    %swap3A_646 = tpu.vector_load %arg9[%swap3A_645] {strides = array<i32>} : memref<128xi32, #tpu.memory_space<vmem>>, vector<16xi32>,
    %swap3A_647 = vector.shape_cast %swap3A_646 : vector<16xi32> to vector<16xi32>
    %swap3A_648 = vector.shape_cast %add3A_644 : vector<16xi32> to vector<16xi32>
    tpu.vector_store %arg9[%swap3A_645], %swap3A_648 {strides = array<i32>} : memref<128xi32, #tpu.memory_space<vmem>>, vector<16xi32>,
    %iota3A_649 = tpu.iota {dimensions = array<i32: 0>} : vector<16xi32>
    %add3A_650 = arith.constant 32 : i32
    %add3A_651 = arith.addi %add3A_630, %add3A_650 : i32
    %add3A_652 = vector.broadcast %add3A_651 : i32 to vector<16xi32>
    %add3A_653 = arith.addi %iota3A_649, %add3A_652 : vector<16xi32>
    %swap3A_654 = arith.constant 32 : index
    %swap3A_655 = tpu.vector_load %arg9[%swap3A_654] {strides = array<i32>} : memref<128xi32, #tpu.memory_space<vmem>>, vector<16xi32>,
    %swap3A_656 = vector.shape_cast %swap3A_655 : vector<16xi32> to vector<16xi32>
    %swap3A_657 = vector.shape_cast %add3A_653 : vector<16xi32> to vector<16xi32>
    tpu.vector_store %arg9[%swap3A_654], %swap3A_657 {strides = array<i32>} : memref<128xi32, #tpu.memory_space<vmem>>, vector<16xi32>,
    %iota3A_658 = tpu.iota {dimensions = array<i32: 0>} : vector<16xi32>
    %add3A_659 = arith.constant 48 : i32
    %add3A_660 = arith.addi %add3A_630, %add3A_659 : i32
    %add3A_661 = vector.broadcast %add3A_660 : i32 to vector<16xi32>
    %add3A_662 = arith.addi %iota3A_658, %add3A_661 : vector<16xi32>
    %swap3A_663 = arith.constant 48 : index
    %swap3A_664 = tpu.vector_load %arg9[%swap3A_663] {strides = array<i32>} : memref<128xi32, #tpu.memory_space<vmem>>, vector<16xi32>,
    %swap3A_665 = vector.shape_cast %swap3A_664 : vector<16xi32> to vector<16xi32>
    %swap3A_666 = vector.shape_cast %add3A_662 : vector<16xi32> to vector<16xi32>
    tpu.vector_store %arg9[%swap3A_663], %swap3A_666 {strides = array<i32>} : memref<128xi32, #tpu.memory_space<vmem>>, vector<16xi32>,
    %iota3A_667 = tpu.iota {dimensions = array<i32: 0>} : vector<16xi32>
    %add3A_668 = arith.constant 64 : i32
    %add3A_669 = arith.addi %add3A_630, %add3A_668 : i32
    %add3A_670 = vector.broadcast %add3A_669 : i32 to vector<16xi32>
    %add3A_671 = arith.addi %iota3A_667, %add3A_670 : vector<16xi32>
    %swap3A_672 = arith.constant 64 : index
    %swap3A_673 = tpu.vector_load %arg9[%swap3A_672] {strides = array<i32>} : memref<128xi32, #tpu.memory_space<vmem>>, vector<16xi32>,
    %swap3A_674 = vector.shape_cast %swap3A_673 : vector<16xi32> to vector<16xi32>
    %swap3A_675 = vector.shape_cast %add3A_671 : vector<16xi32> to vector<16xi32>
    tpu.vector_store %arg9[%swap3A_672], %swap3A_675 {strides = array<i32>} : memref<128xi32, #tpu.memory_space<vmem>>, vector<16xi32>,
    %iota3A_676 = tpu.iota {dimensions = array<i32: 0>} : vector<16xi32>
    %add3A_677 = arith.constant 80 : i32
    %add3A_678 = arith.addi %add3A_630, %add3A_677 : i32
    %add3A_679 = vector.broadcast %add3A_678 : i32 to vector<16xi32>
    %add3A_680 = arith.addi %iota3A_676, %add3A_679 : vector<16xi32>
    %swap3A_681 = arith.constant 80 : index
    %swap3A_682 = tpu.vector_load %arg9[%swap3A_681] {strides = array<i32>} : memref<128xi32, #tpu.memory_space<vmem>>, vector<16xi32>,
    %swap3A_683 = vector.shape_cast %swap3A_682 : vector<16xi32> to vector<16xi32>
    %swap3A_684 = vector.shape_cast %add3A_680 : vector<16xi32> to vector<16xi32>
    tpu.vector_store %arg9[%swap3A_681], %swap3A_684 {strides = array<i32>} : memref<128xi32, #tpu.memory_space<vmem>>, vector<16xi32>,
    %iota3A_685 = tpu.iota {dimensions = array<i32: 0>} : vector<16xi32>
    %add3A_686 = arith.constant 96 : i32
    %add3A_687 = arith.addi %add3A_630, %add3A_686 : i32
    %add3A_688 = vector.broadcast %add3A_687 : i32 to vector<16xi32>
    %add3A_689 = arith.addi %iota3A_685, %add3A_688 : vector<16xi32>
    %swap3A_690 = arith.constant 96 : index
    %swap3A_691 = tpu.vector_load %arg9[%swap3A_690] {strides = array<i32>} : memref<128xi32, #tpu.memory_space<vmem>>, vector<16xi32>,
    %swap3A_692 = vector.shape_cast %swap3A_691 : vector<16xi32> to vector<16xi32>
    %swap3A_693 = vector.shape_cast %add3A_689 : vector<16xi32> to vector<16xi32>
    tpu.vector_store %arg9[%swap3A_690], %swap3A_693 {strides = array<i32>} : memref<128xi32, #tpu.memory_space<vmem>>, vector<16xi32>,
    %iota3A_694 = tpu.iota {dimensions = array<i32: 0>} : vector<16xi32>
    %add3A_695 = arith.constant 112 : i32
    %add3A_696 = arith.addi %add3A_630, %add3A_695 : i32
    %add3A_697 = vector.broadcast %add3A_696 : i32 to vector<16xi32>
    %add3A_698 = arith.addi %iota3A_694, %add3A_697 : vector<16xi32>
    %swap3A_699 = arith.constant 112 : index
    %swap3A_700 = tpu.vector_load %arg9[%swap3A_699] {strides = array<i32>} : memref<128xi32, #tpu.memory_space<vmem>>, vector<16xi32>,
    %swap3A_701 = vector.shape_cast %swap3A_700 : vector<16xi32> to vector<16xi32>
    %swap3A_702 = vector.shape_cast %add3A_698 : vector<16xi32> to vector<16xi32>
    tpu.vector_store %arg9[%swap3A_699], %swap3A_702 {strides = array<i32>} : memref<128xi32, #tpu.memory_space<vmem>>, vector<16xi32>,
    "tpu.region"() ({
      %run_scoped3A_787 = tpu.sem_alloc : memref<!tpu.dma_semaphore, #tpu.memory_space<semaphore_mem>>
      %dma_start3A_788 = arith.constant 0 : i32
      %dma_start3A_789 = arith.constant 0 : i32
      %dma_start3A_790 = tpu.memref_slice %arg12[%dma_start3A_788, %dma_start3A_789] : memref<10240x128xf32, #tpu.memory_space<vmem_shared>> -> memref<10240x128xf32, #tpu.memory_space<vmem_shared>>
      tpu.enqueue_indirect_dma source(%dma_start3A_790 : memref<10240x128xf32, #tpu.memory_space<vmem_shared>>) target(%arg10 : memref<128x128xf32, #tpu.memory_space<vmem>>) offsets(%arg9 : memref<128xi32, #tpu.memory_space<vmem>>) semaphore(%run_scoped3A_787 : memref<!tpu.dma_semaphore, #tpu.memory_space<semaphore_mem>>)
      %dma_wait3A = arith.constant 0 : i32
      %dma_wait3A_791 = arith.constant 0 : i32
      %dma_wait3A_792 = tpu.memref_slice %arg12[%dma_wait3A, %dma_wait3A_791] : memref<10240x128xf32, #tpu.memory_space<vmem_shared>> -> memref<10240x128xf32, #tpu.memory_space<vmem_shared>>
      tpu.wait_indirect_dma semaphore(%run_scoped3A_787 : memref<!tpu.dma_semaphore, #tpu.memory_space<semaphore_mem>>) src(%dma_wait3A_792 : memref<10240x128xf32, #tpu.memory_space<vmem_shared>>) dst(%arg10 : memref<128x128xf32, #tpu.memory_space<vmem>>)
      tpu.yield
    }) : () -> ()
    %mul3A_703 = arith.constant 640 : i32
    %mul3A_704 = arith.muli %arg1, %mul3A_703 : i32
    %add3A_705 = arith.constant 384 : i32
    %add3A_706 = arith.addi %mul3A_704, %add3A_705 : i32
    "tpu.region"() ({
      %run_scoped3A_787 = tpu.sem_alloc : memref<!tpu.dma_semaphore, #tpu.memory_space<semaphore_mem>>
      %dma_start3A_788 = arith.constant 0 : i32
      %dma_start3A_789 = tpu.memref_slice %arg6[%arg0, %add3A_706, %dma_start3A_788] : memref<2x10240x128xf32, #tpu.memory_space<hbm>> -> memref<1x128x128xf32, #tpu.memory_space<hbm>>
      %dma_start3A_790 = tpu.memref_squeeze %dma_start3A_789 : memref<1x128x128xf32, #tpu.memory_space<hbm>> -> memref<128x128xf32, #tpu.memory_space<hbm>>
      %dma_start3A_791 = arith.constant 0 : i32
      %dma_start3A_792 = tpu.memref_slice %arg6[%arg0, %add3A_706, %dma_start3A_791] : memref<2x10240x128xf32, #tpu.memory_space<hbm>> -> memref<1x128x128xf32, #tpu.memory_space<hbm>>
      %dma_start3A_793 = tpu.memref_squeeze %dma_start3A_792 : memref<1x128x128xf32, #tpu.memory_space<hbm>> -> memref<128x128xf32, #tpu.memory_space<hbm>>
      tpu.enqueue_dma source(%arg10 : memref<128x128xf32, #tpu.memory_space<vmem>>) target(%dma_start3A_793 : memref<128x128xf32, #tpu.memory_space<hbm>>) target_semaphore(%run_scoped3A_787 : memref<!tpu.dma_semaphore, #tpu.memory_space<semaphore_mem>>)
      %dma_wait3A = arith.constant 0 : i32
      %dma_wait3A_794 = tpu.memref_slice %arg6[%arg0, %add3A_706, %dma_wait3A] : memref<2x10240x128xf32, #tpu.memory_space<hbm>> -> memref<1x128x128xf32, #tpu.memory_space<hbm>>
      %dma_wait3A_795 = tpu.memref_squeeze %dma_wait3A_794 : memref<1x128x128xf32, #tpu.memory_space<hbm>> -> memref<128x128xf32, #tpu.memory_space<hbm>>
      %dma_wait3A_796 = arith.constant 0 : i32
      %dma_wait3A_797 = tpu.memref_slice %arg6[%arg0, %add3A_706, %dma_wait3A_796] : memref<2x10240x128xf32, #tpu.memory_space<hbm>> -> memref<1x128x128xf32, #tpu.memory_space<hbm>>
      %dma_wait3A_798 = tpu.memref_squeeze %dma_wait3A_797 : memref<1x128x128xf32, #tpu.memory_space<hbm>> -> memref<128x128xf32, #tpu.memory_space<hbm>>
      tpu.wait_dma2 semaphore(%run_scoped3A_787 : memref<!tpu.dma_semaphore, #tpu.memory_space<semaphore_mem>>) src(%arg10 : memref<128x128xf32, #tpu.memory_space<vmem>>) dst(%dma_wait3A_798 : memref<128x128xf32, #tpu.memory_space<hbm>>)
      tpu.yield
    }) : () -> ()
    %mul3A_707 = arith.constant 640 : i32
    %mul3A_708 = arith.muli %arg1, %mul3A_707 : i32
    %add3A_709 = arith.constant 512 : i32
    %add3A_710 = arith.addi %mul3A_708, %add3A_709 : i32
    %iota3A_711 = tpu.iota {dimensions = array<i32: 0>} : vector<16xi32>
    %add3A_712 = arith.constant 0 : i32
    %add3A_713 = arith.addi %add3A_710, %add3A_712 : i32
    %add3A_714 = vector.broadcast %add3A_713 : i32 to vector<16xi32>
    %add3A_715 = arith.addi %iota3A_711, %add3A_714 : vector<16xi32>
    %swap3A_716 = arith.constant 0 : index
    %swap3A_717 = tpu.vector_load %arg9[%swap3A_716] {strides = array<i32>} : memref<128xi32, #tpu.memory_space<vmem>>, vector<16xi32>,
    %swap3A_718 = vector.shape_cast %swap3A_717 : vector<16xi32> to vector<16xi32>
    %swap3A_719 = vector.shape_cast %add3A_715 : vector<16xi32> to vector<16xi32>
    tpu.vector_store %arg9[%swap3A_716], %swap3A_719 {strides = array<i32>} : memref<128xi32, #tpu.memory_space<vmem>>, vector<16xi32>,
    %iota3A_720 = tpu.iota {dimensions = array<i32: 0>} : vector<16xi32>
    %add3A_721 = arith.constant 16 : i32
    %add3A_722 = arith.addi %add3A_710, %add3A_721 : i32
    %add3A_723 = vector.broadcast %add3A_722 : i32 to vector<16xi32>
    %add3A_724 = arith.addi %iota3A_720, %add3A_723 : vector<16xi32>
    %swap3A_725 = arith.constant 16 : index
    %swap3A_726 = tpu.vector_load %arg9[%swap3A_725] {strides = array<i32>} : memref<128xi32, #tpu.memory_space<vmem>>, vector<16xi32>,
    %swap3A_727 = vector.shape_cast %swap3A_726 : vector<16xi32> to vector<16xi32>
    %swap3A_728 = vector.shape_cast %add3A_724 : vector<16xi32> to vector<16xi32>
    tpu.vector_store %arg9[%swap3A_725], %swap3A_728 {strides = array<i32>} : memref<128xi32, #tpu.memory_space<vmem>>, vector<16xi32>,
    %iota3A_729 = tpu.iota {dimensions = array<i32: 0>} : vector<16xi32>
    %add3A_730 = arith.constant 32 : i32
    %add3A_731 = arith.addi %add3A_710, %add3A_730 : i32
    %add3A_732 = vector.broadcast %add3A_731 : i32 to vector<16xi32>
    %add3A_733 = arith.addi %iota3A_729, %add3A_732 : vector<16xi32>
    %swap3A_734 = arith.constant 32 : index
    %swap3A_735 = tpu.vector_load %arg9[%swap3A_734] {strides = array<i32>} : memref<128xi32, #tpu.memory_space<vmem>>, vector<16xi32>,
    %swap3A_736 = vector.shape_cast %swap3A_735 : vector<16xi32> to vector<16xi32>
    %swap3A_737 = vector.shape_cast %add3A_733 : vector<16xi32> to vector<16xi32>
    tpu.vector_store %arg9[%swap3A_734], %swap3A_737 {strides = array<i32>} : memref<128xi32, #tpu.memory_space<vmem>>, vector<16xi32>,
    %iota3A_738 = tpu.iota {dimensions = array<i32: 0>} : vector<16xi32>
    %add3A_739 = arith.constant 48 : i32
    %add3A_740 = arith.addi %add3A_710, %add3A_739 : i32
    %add3A_741 = vector.broadcast %add3A_740 : i32 to vector<16xi32>
    %add3A_742 = arith.addi %iota3A_738, %add3A_741 : vector<16xi32>
    %swap3A_743 = arith.constant 48 : index
    %swap3A_744 = tpu.vector_load %arg9[%swap3A_743] {strides = array<i32>} : memref<128xi32, #tpu.memory_space<vmem>>, vector<16xi32>,
    %swap3A_745 = vector.shape_cast %swap3A_744 : vector<16xi32> to vector<16xi32>
    %swap3A_746 = vector.shape_cast %add3A_742 : vector<16xi32> to vector<16xi32>
    tpu.vector_store %arg9[%swap3A_743], %swap3A_746 {strides = array<i32>} : memref<128xi32, #tpu.memory_space<vmem>>, vector<16xi32>,
    %iota3A_747 = tpu.iota {dimensions = array<i32: 0>} : vector<16xi32>
    %add3A_748 = arith.constant 64 : i32
    %add3A_749 = arith.addi %add3A_710, %add3A_748 : i32
    %add3A_750 = vector.broadcast %add3A_749 : i32 to vector<16xi32>
    %add3A_751 = arith.addi %iota3A_747, %add3A_750 : vector<16xi32>
    %swap3A_752 = arith.constant 64 : index
    %swap3A_753 = tpu.vector_load %arg9[%swap3A_752] {strides = array<i32>} : memref<128xi32, #tpu.memory_space<vmem>>, vector<16xi32>,
    %swap3A_754 = vector.shape_cast %swap3A_753 : vector<16xi32> to vector<16xi32>
    %swap3A_755 = vector.shape_cast %add3A_751 : vector<16xi32> to vector<16xi32>
    tpu.vector_store %arg9[%swap3A_752], %swap3A_755 {strides = array<i32>} : memref<128xi32, #tpu.memory_space<vmem>>, vector<16xi32>,
    %iota3A_756 = tpu.iota {dimensions = array<i32: 0>} : vector<16xi32>
    %add3A_757 = arith.constant 80 : i32
    %add3A_758 = arith.addi %add3A_710, %add3A_757 : i32
    %add3A_759 = vector.broadcast %add3A_758 : i32 to vector<16xi32>
    %add3A_760 = arith.addi %iota3A_756, %add3A_759 : vector<16xi32>
    %swap3A_761 = arith.constant 80 : index
    %swap3A_762 = tpu.vector_load %arg9[%swap3A_761] {strides = array<i32>} : memref<128xi32, #tpu.memory_space<vmem>>, vector<16xi32>,
    %swap3A_763 = vector.shape_cast %swap3A_762 : vector<16xi32> to vector<16xi32>
    %swap3A_764 = vector.shape_cast %add3A_760 : vector<16xi32> to vector<16xi32>
    tpu.vector_store %arg9[%swap3A_761], %swap3A_764 {strides = array<i32>} : memref<128xi32, #tpu.memory_space<vmem>>, vector<16xi32>,
    %iota3A_765 = tpu.iota {dimensions = array<i32: 0>} : vector<16xi32>
    %add3A_766 = arith.constant 96 : i32
    %add3A_767 = arith.addi %add3A_710, %add3A_766 : i32
    %add3A_768 = vector.broadcast %add3A_767 : i32 to vector<16xi32>
    %add3A_769 = arith.addi %iota3A_765, %add3A_768 : vector<16xi32>
    %swap3A_770 = arith.constant 96 : index
    %swap3A_771 = tpu.vector_load %arg9[%swap3A_770] {strides = array<i32>} : memref<128xi32, #tpu.memory_space<vmem>>, vector<16xi32>,
    %swap3A_772 = vector.shape_cast %swap3A_771 : vector<16xi32> to vector<16xi32>
    %swap3A_773 = vector.shape_cast %add3A_769 : vector<16xi32> to vector<16xi32>
    tpu.vector_store %arg9[%swap3A_770], %swap3A_773 {strides = array<i32>} : memref<128xi32, #tpu.memory_space<vmem>>, vector<16xi32>,
    %iota3A_774 = tpu.iota {dimensions = array<i32: 0>} : vector<16xi32>
    %add3A_775 = arith.constant 112 : i32
    %add3A_776 = arith.addi %add3A_710, %add3A_775 : i32
    %add3A_777 = vector.broadcast %add3A_776 : i32 to vector<16xi32>
    %add3A_778 = arith.addi %iota3A_774, %add3A_777 : vector<16xi32>
    %swap3A_779 = arith.constant 112 : index
    %swap3A_780 = tpu.vector_load %arg9[%swap3A_779] {strides = array<i32>} : memref<128xi32, #tpu.memory_space<vmem>>, vector<16xi32>,
    %swap3A_781 = vector.shape_cast %swap3A_780 : vector<16xi32> to vector<16xi32>
    %swap3A_782 = vector.shape_cast %add3A_778 : vector<16xi32> to vector<16xi32>
    tpu.vector_store %arg9[%swap3A_779], %swap3A_782 {strides = array<i32>} : memref<128xi32, #tpu.memory_space<vmem>>, vector<16xi32>,
    "tpu.region"() ({
      %run_scoped3A_787 = tpu.sem_alloc : memref<!tpu.dma_semaphore, #tpu.memory_space<semaphore_mem>>
      %dma_start3A_788 = arith.constant 0 : i32
      %dma_start3A_789 = arith.constant 0 : i32
      %dma_start3A_790 = tpu.memref_slice %arg12[%dma_start3A_788, %dma_start3A_789] : memref<10240x128xf32, #tpu.memory_space<vmem_shared>> -> memref<10240x128xf32, #tpu.memory_space<vmem_shared>>
      tpu.enqueue_indirect_dma source(%dma_start3A_790 : memref<10240x128xf32, #tpu.memory_space<vmem_shared>>) target(%arg10 : memref<128x128xf32, #tpu.memory_space<vmem>>) offsets(%arg9 : memref<128xi32, #tpu.memory_space<vmem>>) semaphore(%run_scoped3A_787 : memref<!tpu.dma_semaphore, #tpu.memory_space<semaphore_mem>>)
      %dma_wait3A = arith.constant 0 : i32
      %dma_wait3A_791 = arith.constant 0 : i32
      %dma_wait3A_792 = tpu.memref_slice %arg12[%dma_wait3A, %dma_wait3A_791] : memref<10240x128xf32, #tpu.memory_space<vmem_shared>> -> memref<10240x128xf32, #tpu.memory_space<vmem_shared>>
      tpu.wait_indirect_dma semaphore(%run_scoped3A_787 : memref<!tpu.dma_semaphore, #tpu.memory_space<semaphore_mem>>) src(%dma_wait3A_792 : memref<10240x128xf32, #tpu.memory_space<vmem_shared>>) dst(%arg10 : memref<128x128xf32, #tpu.memory_space<vmem>>)
      tpu.yield
    }) : () -> ()
    %mul3A_783 = arith.constant 640 : i32
    %mul3A_784 = arith.muli %arg1, %mul3A_783 : i32
    %add3A_785 = arith.constant 512 : i32
    %add3A_786 = arith.addi %mul3A_784, %add3A_785 : i32
    "tpu.region"() ({
      %run_scoped3A_787 = tpu.sem_alloc : memref<!tpu.dma_semaphore, #tpu.memory_space<semaphore_mem>>
      %dma_start3A_788 = arith.constant 0 : i32
      %dma_start3A_789 = tpu.memref_slice %arg6[%arg0, %add3A_786, %dma_start3A_788] : memref<2x10240x128xf32, #tpu.memory_space<hbm>> -> memref<1x128x128xf32, #tpu.memory_space<hbm>>
      %dma_start3A_790 = tpu.memref_squeeze %dma_start3A_789 : memref<1x128x128xf32, #tpu.memory_space<hbm>> -> memref<128x128xf32, #tpu.memory_space<hbm>>
      %dma_start3A_791 = arith.constant 0 : i32
      %dma_start3A_792 = tpu.memref_slice %arg6[%arg0, %add3A_786, %dma_start3A_791] : memref<2x10240x128xf32, #tpu.memory_space<hbm>> -> memref<1x128x128xf32, #tpu.memory_space<hbm>>
      %dma_start3A_793 = tpu.memref_squeeze %dma_start3A_792 : memref<1x128x128xf32, #tpu.memory_space<hbm>> -> memref<128x128xf32, #tpu.memory_space<hbm>>
      tpu.enqueue_dma source(%arg10 : memref<128x128xf32, #tpu.memory_space<vmem>>) target(%dma_start3A_793 : memref<128x128xf32, #tpu.memory_space<hbm>>) target_semaphore(%run_scoped3A_787 : memref<!tpu.dma_semaphore, #tpu.memory_space<semaphore_mem>>)
      %dma_wait3A = arith.constant 0 : i32
      %dma_wait3A_794 = tpu.memref_slice %arg6[%arg0, %add3A_786, %dma_wait3A] : memref<2x10240x128xf32, #tpu.memory_space<hbm>> -> memref<1x128x128xf32, #tpu.memory_space<hbm>>
      %dma_wait3A_795 = tpu.memref_squeeze %dma_wait3A_794 : memref<1x128x128xf32, #tpu.memory_space<hbm>> -> memref<128x128xf32, #tpu.memory_space<hbm>>
      %dma_wait3A_796 = arith.constant 0 : i32
      %dma_wait3A_797 = tpu.memref_slice %arg6[%arg0, %add3A_786, %dma_wait3A_796] : memref<2x10240x128xf32, #tpu.memory_space<hbm>> -> memref<1x128x128xf32, #tpu.memory_space<hbm>>
      %dma_wait3A_798 = tpu.memref_squeeze %dma_wait3A_797 : memref<1x128x128xf32, #tpu.memory_space<hbm>> -> memref<128x128xf32, #tpu.memory_space<hbm>>
      tpu.wait_dma2 semaphore(%run_scoped3A_787 : memref<!tpu.dma_semaphore, #tpu.memory_space<semaphore_mem>>) src(%arg10 : memref<128x128xf32, #tpu.memory_space<vmem>>) dst(%dma_wait3A_798 : memref<128x128xf32, #tpu.memory_space<hbm>>)
      tpu.yield
    }) : () -> ()
    return
  }
}

module attributes {stable_mosaic.version = 14 : i64} {
  func.func @_dinv_body(%arg0: memref<10240x128xf32, #tpu.memory_space<vmem>>, %arg1: memref<10240x128xf32, #tpu.memory_space<vmem>>, %arg2: memref<10240x128xf32, #tpu.memory_space<vmem>>) attributes {dimension_semantics = [], scalar_prefetch = 0 : i64, scratch_operands = 0 : i64, tpu.core_type = #tpu.core_type<tc>} {
    %get3A = arith.constant 0 : index
    %get3A_0 = arith.constant 0 : index
    %get3A_1 = vector.load %arg0[%get3A, %get3A_0] : memref<10240x128xf32, #tpu.memory_space<vmem>>, vector<10240x128xf32>
    %get3A_2 = arith.constant 0 : index
    %get3A_3 = arith.constant 0 : index
    %get3A_4 = vector.load %arg1[%get3A_2, %get3A_3] : memref<10240x128xf32, #tpu.memory_space<vmem>>, vector<10240x128xf32>
    %add3A = arith.addf %get3A_1, %get3A_4 : vector<10240x128xf32>
    %add3A_5 = arith.constant 1.000000e+00 : f32
    %add3A_6 = vector.broadcast %add3A_5 : f32 to vector<10240x128xf32>
    %add3A_7 = arith.addf %add3A, %add3A_6 : vector<10240x128xf32>
    %rsqrt3A = math.rsqrt %add3A_7 : vector<10240x128xf32>
    %swap3A = arith.constant 0 : index
    %swap3A_8 = arith.constant 0 : index
    %swap3A_9 = vector.load %arg2[%swap3A, %swap3A_8] : memref<10240x128xf32, #tpu.memory_space<vmem>>, vector<10240x128xf32>
    tpu.vector_store %arg2[%swap3A, %swap3A_8], %rsqrt3A {strides = array<i32>} : memref<10240x128xf32, #tpu.memory_space<vmem>>, vector<10240x128xf32>,
    return
  }
}

module attributes {stable_mosaic.version = 14 : i64} {
  func.func @_mm_scale_body(%arg0: i32, %arg1: memref<1000x128xf32, #tpu.memory_space<vmem>>, %arg2: memref<128x128xf32, #tpu.memory_space<vmem>>, %arg3: memref<1000x1xf32, #tpu.memory_space<vmem>>, %arg4: memref<1000x128xf32, #tpu.memory_space<vmem>>) attributes {dimension_semantics = [#tpu.dimension_semantics<arbitrary>], iteration_bounds = array<i64: 10>, scalar_prefetch = 0 : i64, scratch_operands = 0 : i64, tpu.core_type = #tpu.core_type<tc>, window_params = [{transform_indices = @transform_0, window_bounds = array<i64: 1000, 128>}, {pipeline_mode = #tpu.pipeline_mode<synchronous>, transform_indices = @transform_1, window_bounds = array<i64: 128, 128>}, {transform_indices = @transform_2, window_bounds = array<i64: 1000, 1>}, {transform_indices = @transform_3, window_bounds = array<i64: 1000, 128>}]} {
    %get3A = arith.constant 0 : index
    %get3A_0 = arith.constant 0 : index
    %get3A_1 = vector.load %arg1[%get3A, %get3A_0] : memref<1000x128xf32, #tpu.memory_space<vmem>>, vector<1000x128xf32>
    %get3A_2 = arith.constant 0 : index
    %get3A_3 = arith.constant 0 : index
    %get3A_4 = vector.load %arg2[%get3A_2, %get3A_3] : memref<128x128xf32, #tpu.memory_space<vmem>>, vector<128x128xf32>
    %dot_general3A = arith.constant dense<0.000000e+00> : vector<1000x128xf32>
    %dot_general3A_5 = tpu.matmul %get3A_1, %get3A_4, %dot_general3A {dimension_numbers = #tpu.dot_dimension_numbers<[1], [0], [0], [1], [0, 0, 1, 1], [], []>, precision = #tpu.contract_precision<fp32>, transpose_lhs_hint = false} : vector<1000x128xf32>, vector<128x128xf32>, vector<1000x128xf32> -> vector<1000x128xf32>
    %get3A_6 = arith.constant 0 : index
    %get3A_7 = arith.constant 0 : index
    %get3A_8 = vector.load %arg3[%get3A_6, %get3A_7] : memref<1000x1xf32, #tpu.memory_space<vmem>>, vector<1000x1xf32>
    %mul3A = vector.broadcast %get3A_8 : vector<1000x1xf32> to vector<1000x128xf32>
    %mul3A_9 = arith.mulf %dot_general3A_5, %mul3A : vector<1000x128xf32>
    %swap3A = arith.constant 0 : index
    %swap3A_10 = arith.constant 0 : index
    %swap3A_11 = vector.load %arg4[%swap3A, %swap3A_10] : memref<1000x128xf32, #tpu.memory_space<vmem>>, vector<1000x128xf32>
    tpu.vector_store %arg4[%swap3A, %swap3A_10], %mul3A_9 {strides = array<i32>} : memref<1000x128xf32, #tpu.memory_space<vmem>>, vector<1000x128xf32>,
    return
  }
  func.func @transform_0(%arg0: i32) -> (i32, i32) {
    %c0_i32 = arith.constant 0 : i32
    %c0_i32_0 = arith.constant 0 : i32
    return %arg0, %c0_i32 : i32, i32
  }
  func.func @transform_1(%arg0: i32) -> (i32, i32) {
    %c0_i32 = arith.constant 0 : i32
    %c0_i32_0 = arith.constant 0 : i32
    %c0_i32_1 = arith.constant 0 : i32
    return %c0_i32, %c0_i32_0 : i32, i32
  }
  func.func @transform_2(%arg0: i32) -> (i32, i32) {
    %c0_i32 = arith.constant 0 : i32
    %c0_i32_0 = arith.constant 0 : i32
    return %arg0, %c0_i32 : i32, i32
  }
  func.func @transform_3(%arg0: i32) -> (i32, i32) {
    %c0_i32 = arith.constant 0 : i32
    %c0_i32_0 = arith.constant 0 : i32
    return %arg0, %c0_i32 : i32, i32
  }
}

module attributes {stable_mosaic.version = 14 : i64} {
  func.func @_combine_mm_body(%arg0: i32, %arg1: memref<1000x128xf32, #tpu.memory_space<vmem>>, %arg2: memref<1000x128xf32, #tpu.memory_space<vmem>>, %arg3: memref<1000x128xf32, #tpu.memory_space<vmem>>, %arg4: memref<1000x1xf32, #tpu.memory_space<vmem>>, %arg5: memref<1x128xf32, #tpu.memory_space<vmem>>, %arg6: memref<128x128xf32, #tpu.memory_space<vmem>>, %arg7: memref<1000x128xf32, #tpu.memory_space<vmem>>) attributes {dimension_semantics = [#tpu.dimension_semantics<arbitrary>], iteration_bounds = array<i64: 10>, scalar_prefetch = 0 : i64, scratch_operands = 0 : i64, tpu.core_type = #tpu.core_type<tc>, window_params = [{transform_indices = @transform_0, window_bounds = array<i64: 1000, 128>}, {transform_indices = @transform_1, window_bounds = array<i64: 1000, 128>}, {transform_indices = @transform_2, window_bounds = array<i64: 1000, 128>}, {transform_indices = @transform_3, window_bounds = array<i64: 1000, 1>}, {pipeline_mode = #tpu.pipeline_mode<synchronous>, transform_indices = @transform_4, window_bounds = array<i64: 1, 128>}, {pipeline_mode = #tpu.pipeline_mode<synchronous>, transform_indices = @transform_5, window_bounds = array<i64: 128, 128>}, {transform_indices = @transform_6, window_bounds = array<i64: 1000, 128>}]} {
    %get3A = arith.constant 0 : index
    %get3A_0 = arith.constant 0 : index
    %get3A_1 = vector.load %arg1[%get3A, %get3A_0] : memref<1000x128xf32, #tpu.memory_space<vmem>>, vector<1000x128xf32>
    %get3A_2 = arith.constant 0 : index
    %get3A_3 = arith.constant 0 : index
    %get3A_4 = vector.load %arg2[%get3A_2, %get3A_3] : memref<1000x128xf32, #tpu.memory_space<vmem>>, vector<1000x128xf32>
    %add3A = arith.addf %get3A_1, %get3A_4 : vector<1000x128xf32>
    %get3A_5 = arith.constant 0 : index
    %get3A_6 = arith.constant 0 : index
    %get3A_7 = vector.load %arg3[%get3A_5, %get3A_6] : memref<1000x128xf32, #tpu.memory_space<vmem>>, vector<1000x128xf32>
    %add3A_8 = arith.addf %add3A, %get3A_7 : vector<1000x128xf32>
    %get3A_9 = arith.constant 0 : index
    %get3A_10 = arith.constant 0 : index
    %get3A_11 = vector.load %arg4[%get3A_9, %get3A_10] : memref<1000x1xf32, #tpu.memory_space<vmem>>, vector<1000x1xf32>
    %mul3A = vector.broadcast %get3A_11 : vector<1000x1xf32> to vector<1000x128xf32>
    %mul3A_12 = arith.mulf %add3A_8, %mul3A : vector<1000x128xf32>
    %get3A_13 = arith.constant 0 : index
    %get3A_14 = arith.constant 0 : index
    %get3A_15 = vector.load %arg5[%get3A_13, %get3A_14] : memref<1x128xf32, #tpu.memory_space<vmem>>, vector<1x128xf32>
    %add3A_16 = vector.broadcast %get3A_15 : vector<1x128xf32> to vector<1000x128xf32>
    %add3A_17 = arith.addf %mul3A_12, %add3A_16 : vector<1000x128xf32>
    %max3A = arith.constant 0.000000e+00 : f32
    %max3A_18 = vector.broadcast %max3A : f32 to vector<1000x128xf32>
    %max3A_19 = arith.maximumf %add3A_17, %max3A_18 : vector<1000x128xf32>
    %get3A_20 = arith.constant 0 : index
    %get3A_21 = arith.constant 0 : index
    %get3A_22 = vector.load %arg6[%get3A_20, %get3A_21] : memref<128x128xf32, #tpu.memory_space<vmem>>, vector<128x128xf32>
    %dot_general3A = arith.constant dense<0.000000e+00> : vector<1000x128xf32>
    %dot_general3A_23 = tpu.matmul %max3A_19, %get3A_22, %dot_general3A {dimension_numbers = #tpu.dot_dimension_numbers<[1], [0], [0], [1], [0, 0, 1, 1], [], []>, precision = #tpu.contract_precision<fp32>, transpose_lhs_hint = false} : vector<1000x128xf32>, vector<128x128xf32>, vector<1000x128xf32> -> vector<1000x128xf32>
    %get3A_24 = arith.constant 0 : index
    %get3A_25 = arith.constant 0 : index
    %get3A_26 = vector.load %arg4[%get3A_24, %get3A_25] : memref<1000x1xf32, #tpu.memory_space<vmem>>, vector<1000x1xf32>
    %mul3A_27 = vector.broadcast %get3A_26 : vector<1000x1xf32> to vector<1000x128xf32>
    %mul3A_28 = arith.mulf %dot_general3A_23, %mul3A_27 : vector<1000x128xf32>
    %swap3A = arith.constant 0 : index
    %swap3A_29 = arith.constant 0 : index
    %swap3A_30 = vector.load %arg7[%swap3A, %swap3A_29] : memref<1000x128xf32, #tpu.memory_space<vmem>>, vector<1000x128xf32>
    tpu.vector_store %arg7[%swap3A, %swap3A_29], %mul3A_28 {strides = array<i32>} : memref<1000x128xf32, #tpu.memory_space<vmem>>, vector<1000x128xf32>,
    return
  }
  func.func @transform_0(%arg0: i32) -> (i32, i32) {
    %c0_i32 = arith.constant 0 : i32
    %c0_i32_0 = arith.constant 0 : i32
    return %arg0, %c0_i32 : i32, i32
  }
  func.func @transform_1(%arg0: i32) -> (i32, i32) {
    %c0_i32 = arith.constant 0 : i32
    %c0_i32_0 = arith.constant 0 : i32
    return %arg0, %c0_i32 : i32, i32
  }
  func.func @transform_2(%arg0: i32) -> (i32, i32) {
    %c0_i32 = arith.constant 0 : i32
    %c0_i32_0 = arith.constant 0 : i32
    return %arg0, %c0_i32 : i32, i32
  }
  func.func @transform_3(%arg0: i32) -> (i32, i32) {
    %c0_i32 = arith.constant 0 : i32
    %c0_i32_0 = arith.constant 0 : i32
    return %arg0, %c0_i32 : i32, i32
  }
  func.func @transform_4(%arg0: i32) -> (i32, i32) {
    %c0_i32 = arith.constant 0 : i32
    %c0_i32_0 = arith.constant 0 : i32
    %c0_i32_1 = arith.constant 0 : i32
    return %c0_i32, %c0_i32_0 : i32, i32
  }
  func.func @transform_5(%arg0: i32) -> (i32, i32) {
    %c0_i32 = arith.constant 0 : i32
    %c0_i32_0 = arith.constant 0 : i32
    %c0_i32_1 = arith.constant 0 : i32
    return %c0_i32, %c0_i32_0 : i32, i32
  }
  func.func @transform_6(%arg0: i32) -> (i32, i32) {
    %c0_i32 = arith.constant 0 : i32
    %c0_i32_0 = arith.constant 0 : i32
    return %arg0, %c0_i32 : i32, i32
  }
}

module attributes {stable_mosaic.version = 14 : i64} {
  func.func @_final_body(%arg0: i32, %arg1: memref<1000x128xf32, #tpu.memory_space<vmem>>, %arg2: memref<1000x128xf32, #tpu.memory_space<vmem>>, %arg3: memref<1000x128xf32, #tpu.memory_space<vmem>>, %arg4: memref<1000x1xf32, #tpu.memory_space<vmem>>, %arg5: memref<1x128xf32, #tpu.memory_space<vmem>>, %arg6: memref<1000x128xf32, #tpu.memory_space<vmem>>) attributes {dimension_semantics = [#tpu.dimension_semantics<arbitrary>], iteration_bounds = array<i64: 10>, scalar_prefetch = 0 : i64, scratch_operands = 0 : i64, tpu.core_type = #tpu.core_type<tc>, window_params = [{transform_indices = @transform_0, window_bounds = array<i64: 1000, 128>}, {transform_indices = @transform_1, window_bounds = array<i64: 1000, 128>}, {transform_indices = @transform_2, window_bounds = array<i64: 1000, 128>}, {transform_indices = @transform_3, window_bounds = array<i64: 1000, 1>}, {pipeline_mode = #tpu.pipeline_mode<synchronous>, transform_indices = @transform_4, window_bounds = array<i64: 1, 128>}, {transform_indices = @transform_5, window_bounds = array<i64: 1000, 128>}]} {
    %get3A = arith.constant 0 : index
    %get3A_0 = arith.constant 0 : index
    %get3A_1 = vector.load %arg1[%get3A, %get3A_0] : memref<1000x128xf32, #tpu.memory_space<vmem>>, vector<1000x128xf32>
    %get3A_2 = arith.constant 0 : index
    %get3A_3 = arith.constant 0 : index
    %get3A_4 = vector.load %arg2[%get3A_2, %get3A_3] : memref<1000x128xf32, #tpu.memory_space<vmem>>, vector<1000x128xf32>
    %add3A = arith.addf %get3A_1, %get3A_4 : vector<1000x128xf32>
    %get3A_5 = arith.constant 0 : index
    %get3A_6 = arith.constant 0 : index
    %get3A_7 = vector.load %arg3[%get3A_5, %get3A_6] : memref<1000x128xf32, #tpu.memory_space<vmem>>, vector<1000x128xf32>
    %add3A_8 = arith.addf %add3A, %get3A_7 : vector<1000x128xf32>
    %get3A_9 = arith.constant 0 : index
    %get3A_10 = arith.constant 0 : index
    %get3A_11 = vector.load %arg4[%get3A_9, %get3A_10] : memref<1000x1xf32, #tpu.memory_space<vmem>>, vector<1000x1xf32>
    %mul3A = vector.broadcast %get3A_11 : vector<1000x1xf32> to vector<1000x128xf32>
    %mul3A_12 = arith.mulf %add3A_8, %mul3A : vector<1000x128xf32>
    %get3A_13 = arith.constant 0 : index
    %get3A_14 = arith.constant 0 : index
    %get3A_15 = vector.load %arg5[%get3A_13, %get3A_14] : memref<1x128xf32, #tpu.memory_space<vmem>>, vector<1x128xf32>
    %add3A_16 = vector.broadcast %get3A_15 : vector<1x128xf32> to vector<1000x128xf32>
    %add3A_17 = arith.addf %mul3A_12, %add3A_16 : vector<1000x128xf32>
    %swap3A = arith.constant 0 : index
    %swap3A_18 = arith.constant 0 : index
    %swap3A_19 = vector.load %arg6[%swap3A, %swap3A_18] : memref<1000x128xf32, #tpu.memory_space<vmem>>, vector<1000x128xf32>
    tpu.vector_store %arg6[%swap3A, %swap3A_18], %add3A_17 {strides = array<i32>} : memref<1000x128xf32, #tpu.memory_space<vmem>>, vector<1000x128xf32>,
    return
  }
  func.func @transform_0(%arg0: i32) -> (i32, i32) {
    %c0_i32 = arith.constant 0 : i32
    %c0_i32_0 = arith.constant 0 : i32
    return %arg0, %c0_i32 : i32, i32
  }
  func.func @transform_1(%arg0: i32) -> (i32, i32) {
    %c0_i32 = arith.constant 0 : i32
    %c0_i32_0 = arith.constant 0 : i32
    return %arg0, %c0_i32 : i32, i32
  }
  func.func @transform_2(%arg0: i32) -> (i32, i32) {
    %c0_i32 = arith.constant 0 : i32
    %c0_i32_0 = arith.constant 0 : i32
    return %arg0, %c0_i32 : i32, i32
  }
  func.func @transform_3(%arg0: i32) -> (i32, i32) {
    %c0_i32 = arith.constant 0 : i32
    %c0_i32_0 = arith.constant 0 : i32
    return %arg0, %c0_i32 : i32, i32
  }
  func.func @transform_4(%arg0: i32) -> (i32, i32) {
    %c0_i32 = arith.constant 0 : i32
    %c0_i32_0 = arith.constant 0 : i32
    %c0_i32_1 = arith.constant 0 : i32
    return %c0_i32, %c0_i32_0 : i32, i32
  }
  func.func @transform_5(%arg0: i32) -> (i32, i32) {
    %c0_i32 = arith.constant 0 : i32
    %c0_i32_0 = arith.constant 0 : i32
    return %arg0, %c0_i32 : i32, i32
  }
}

</mosaic_0001>

<sc_bundles>
// kernel: kernel.12.cloned.1.call-start
scs
__scs_entry_jumppad:
0x0: {  	(pc) =	sbr.rel $0x88, $3  }
0x1: {  	(tag) =	ssettag $0x0;
	lr =	simm.s32 $0x1  }
0x2: {  	[smem:$0x3F9B] =	sst lr;
	_ =	strace $0xD0000000  }
0x3: {  	_ = 	snop  }
0x4: {  	_ = 	snop  }
0x5: {  	_ = 	snop  }
0x6: {  	_ = 	snop  }
0x7: {  	_ = 	snop  }
__scs_overlays_trampoline_lowered:
0x8: {  	[smem:$0x3FAA] =	sst s0  }
0x9: {  	[smem:$0x3FAB] =	sst s1  }
0xa: {  	[smem:$0x3FAC] =	sst s2  }
0xb: {  	[smem:$0x3FAD] =	sst s3  }
0xc: {  	[smem:$0x3FAE] =	sst s4  }
0xd: {  	[smem:$0x3FAF] =	sst s5  }
0xe: {  	[smem:$0x3FB0] =	sst s6  }
0xf: {  	[smem:$0x3FB1] =	sst s7  }
0x10: {  	[smem:$0x3FB2] =	sst s8  }
0x11: {  	[smem:$0x3FB3] =	sst s9;
	s0 =	simm.s32 @!p0 $0x0  }
0x12: {  	s1 =	sld [smem:$0x3F99];
	s0 =	simm.s32 @p0 $0x1  }
0x13: {  	[smem:$0x3FB4] =	sst s0;
	s0 =	simm.s32 @!p1 $0x0  }
0x14: {  	s2 =	sld [smem:$0x3F98];
	s0 =	simm.s32 @p1 $0x1  }
0x15: {  	[smem:$0x3FB5] =	sst s0;
	s0 =	simm.s32 @!p2 $0x0  }
0x16: {  	s3 =	sld [smem:$0x3FDB];
	s0 =	simm.s32 @p2 $0x1  }
0x17: {  	s4 =	simm.s32 $0x1BF5;
	[smem:$0x3FB7] =	sst s0  }
0x18: {  	s0 =	sld [smem:$0x3F9A];
	_ =	swait.ge [sflag:s4], $0x0  }
0x19: {  	s7 =	sld [smem:$0x3F9B]  }
0x1a: {  	s8 =	sadd.s32 $0xFFFFE003, lr  }
0x1b: {  	s9 =	sadd.s32 $0xFFFFFEF7, lr;
	s5 =	simm.s32 $0xFFFFFFFF;
	p2 =	slt.u32 s8, $0xFFFFF086  }
0x1c: {  	p1 =	slt.u32 s9, $0xF7A;
	s5 =	simm.s32 @!p2 $0x0  }
0x1d: {  	s5 =	simm.s32 @p1 $0x1;
	p0 =	seq.s32 s7, s2  }
0x1e: {  	s7 =	smul.u32 @!p0 $0xF7A, s2;
	p2 =	seq.s32 @!p0 s5, $0x0  }
0x1f: {  	s9 =	smul.u32 $0xF7A, s1;
	s8 =	simm.s32 @!p0 $0x1BF5;
	p2 =	por !p2, p0  }
0x20: {  	[sflag:s8] =	ssyncset.s32 @!p0 $0xFFFFF086;
	s6 =	sadd.s32 @!p0 s3, s7;
	s7 =	simm.s32 @!p0 $0x108  }
0x21: {  	s3 =	sadd.s32 s3, s9;
	s6 =	sadd.s32 @!p0 $0x88, s6;
	s7 =	simm.s32 @p2 $0x1082  }
0x22: {  	[simem:s7], [sflag:s8] =	dma.local @!p0 [hbm:s6], $0xF7A  }
0x23: {  	s9 =	sor.u32 $0xD0000000, s2;
	s6 =	simm.s32 $0x108;
	_ =	swait.ge @!p0 [sflag:s8], $0x0  }
0x24: {  	s3 =	sadd.s32 $0x88, s3;
	s6 =	simm.s32 @!p1 $0x1082;
	[sflag:s4] =	ssyncset.s32 $0xFFFFF086  }
0x25: {  	[simem:s6], [sflag:s4] =	dma.local [hbm:s3], $0xF7A  }
0x26: {  	[smem:$0x3F9B] =	sst s1;
	(tag) =	ssettag s2;
	_ =	strace s9  }
0x27: {  	s1 =	sld [smem:$0x3FAB]  }
0x28: {  	s2 =	sld [smem:$0x3FAC]  }
0x29: {  	s4 =	sld [smem:$0x3FAE]  }
0x2a: {  	p0 =	seq.s32 s5, $0x0;
	s5 =	sld [smem:$0x3FAF]  }
0x2b: {  	s6 =	sld [smem:$0x3FB0]  }
0x2c: {  	s7 =	sld [smem:$0x3FB1]  }
0x2d: {  	s3 =	simm.s32 $0x108;
	s8 =	sld [smem:$0x3FB2]  }
0x2e: {  	s3 =	simm.s32 @!p0 $0x1082;
	s9 =	sld [smem:$0x3FB3]  }
0x2f: {  	lr =	sadd.s32 s0, s3;
	s0 =	sld [smem:$0x3FAA]  }
0x30: {  	s3 =	sld [smem:$0x3FAD]  }
0x31: {  	[smem:$0x3FB6] =	sst s10  }
0x32: {  	s10 =	sld [smem:$0x3FB4];
	_ =	sdelay $0x3  }
0x33: {  	p0 =	seq.s32 s10, $0x1;
	s10 =	sld [smem:$0x3FB6];
	_ =	sdelay $0x3  }
0x34: {  	[smem:$0x3FB6] =	sst s10  }
0x35: {  	s10 =	sld [smem:$0x3FB5];
	_ =	sdelay $0x3  }
0x36: {  	p1 =	seq.s32 s10, $0x1;
	s10 =	sld [smem:$0x3FB6];
	_ =	sdelay $0x3  }
0x37: {  	[smem:$0x3FB6] =	sst s10  }
0x38: {  	s10 =	sld [smem:$0x3FB7]  }
0x39: {  	_ = 	snop;
	(pc) =	sbr.ind lr, $3  }
0x3a: {  	_ = 	snop  }
0x3b: {  	_ = 	snop  }
0x3c: {  	p2 =	seq.s32 s10, $0x1;
	s10 =	sld [smem:$0x3FB6]  }
0x3d: {  	_ =	shalt  }
0x3e: {  	_ =	shalt  }
0x3f: {  	_ =	shalt  }
0x40: {  	_ =	shalt  }
0x41: {  	_ =	shalt  }
0x42: {  	_ =	shalt  }
0x43: {  	_ =	shalt  }
0x44: {  	_ =	shalt  }
0x45: {  	_ =	shalt  }
0x46: {  	_ =	shalt  }
0x47: {  	_ =	shalt  }
0x48: {  	_ =	shalt  }
0x49: {  	_ =	shalt  }
0x4a: {  	_ =	shalt  }
0x4b: {  	_ =	shalt  }
0x4c: {  	_ =	shalt  }
0x4d: {  	_ =	shalt  }
0x4e: {  	_ =	shalt  }
0x4f: {  	_ =	shalt  }
0x50: {  	_ =	shalt  }
0x51: {  	_ =	shalt  }
0x52: {  	_ =	shalt  }
0x53: {  	_ =	shalt  }
0x54: {  	_ =	shalt  }
0x55: {  	_ =	shalt  }
0x56: {  	_ =	shalt  }
0x57: {  	_ =	shalt  }
0x58: {  	_ =	shalt  }
0x59: {  	_ =	shalt  }
0x5a: {  	_ =	shalt  }
0x5b: {  	_ =	shalt  }
0x5c: {  	_ =	shalt  }
0x5d: {  	_ =	shalt  }
0x5e: {  	_ =	shalt  }
0x5f: {  	_ =	shalt  }
0x60: {  	_ =	shalt  }
0x61: {  	_ =	shalt  }
0x62: {  	_ =	shalt  }
0x63: {  	_ =	shalt  }
0x64: {  	_ =	shalt  }
0x65: {  	_ =	shalt  }
0x66: {  	_ =	shalt  }
0x67: {  	_ =	shalt  }
0x68: {  	_ =	shalt  }
0x69: {  	_ =	shalt  }
0x6a: {  	_ =	shalt  }
0x6b: {  	_ =	shalt  }
0x6c: {  	_ =	shalt  }
0x6d: {  	_ =	shalt  }
0x6e: {  	_ =	shalt  }
0x6f: {  	_ =	shalt  }
0x70: {  	_ =	shalt  }
0x71: {  	_ =	shalt  }
0x72: {  	_ =	shalt  }
0x73: {  	_ =	shalt  }
0x74: {  	_ =	shalt  }
0x75: {  	_ =	shalt  }
0x76: {  	_ =	shalt  }
0x77: {  	_ =	shalt  }
0x78: {  	_ =	shalt  }
0x79: {  	_ =	shalt  }
0x7a: {  	_ =	shalt  }
0x7b: {  	_ =	shalt  }
0x7c: {  	_ =	shalt  }
0x7d: {  	_ =	shalt  }
0x7e: {  	_ =	shalt  }
0x7f: {  	_ =	shalt  }
0x80: {  	_ =	shalt  }
0x81: {  	_ =	shalt  }
0x82: {  	_ =	shalt  }
0x83: {  	_ =	shalt  }
0x84: {  	_ =	shalt  }
0x85: {  	_ =	shalt  }
0x86: {  	_ =	shalt  }
0x87: {  	_ =	shalt  }
.Lfunc_end0:
.L_simem_size_0:
called_computation.1_lowered:
.L_overlay_start_0:
0x88: {  	s2 =	sld [smem:$0x3FD9]  }
0x89: {  	s3 =	sld [smem:$0x3FFE];
	_ =	sdelay $0x1  }
0x8a: {  	s1 =	srdreg.scid  }
0x8b: {  	s0 =	sand.u32 $0x1, s1  }
0x8c: {  	s17 =	sshll.u32 s0, $0xA;
	s2 =	sadd.s32 s3, s2  }
0x8d: {  	s2 =	sadd.s32 s2, s17  }
0x8e: {  	[smem:$0x3FC2] =	sst s2  }
0x8f: {  	_ = 	snop  }
0x90: {  	s2 =	sld [smem:$0x3FD0];
	(tm) =	ssettm $0x1  }
0x91: {  	s18 =	sld [smem:$0x3FFB];
	_ =	sdelay $0x3  }
0x92: {  	_ =	strace s18  }
0x93: {  	s3 =	sld [smem:$0x3FFC];
	_ =	sdelay $0x3  }
0x94: {  	_ =	strace s3  }
0x95: {  	s3 =	sld [smem:$0x3FFD];
	_ =	sdelay $0x3  }
0x96: {  	_ =	strace s3  }
0x97: {  	_ =	strace $0x8FFFFFFF  }
0x98: {  	s19 =	sld [smem:$0x3FDB];
	_ =	sdelay $0x1  }
0x99: {  	s4 =	simm.s32 $_scs_section_size  }
0x9a: {  	s5 =	simm.s32 $_size__tile_overlayer_lowered;
	s6 =	simm.s32 $_tile_overlayer_lowered  }
0x9b: {  	s22 =	simm.s32 $0x1BFF;
	s21 =	sshll.u32 s6, $0x1;
	s3 =	sadd.s32 s4, s19  }
0x9c: {  	s7 =	simm.s32 $0x0;
	s20 =	sshll.u32 s5, $0x1;
	s5 =	sadd.s32 s21, s3  }
0x9d: {  	[timem:s7], [sflag:s22] =	dma.local [hbm:s5], s20  }
0x9e: {  	_ =	swait.ge [sflag:s22], s20  }
0x9f: {  	s4 =	ssub.s32 $0x0, s20;
	[sflag:s22] =	ssyncset.done $0x0  }
0xa0: {  	[sflag:s22] =	ssyncadd.s32 s4;
	_ =	sdelay $0x1  }
0xa1: {  	s23 =	simm.s32 $0x1B8B  }
0xa2: {  	_ =	swait.ge [sflag:s23], $0x1  }
0xa3: {  	[sflag:s23] =	ssyncset.done $0x0  }
0xa4: {  	s25 =	simm.s32 $0x1B8E;
	s24 =	sld [smem:$0x3FFE];
	[sflag:s23] =	ssyncadd.s32 $0xFFFFFFFF  }
0xa5: {  	s26 =	simm.s32 $execute0_lowered;
	[smem:$0x3FD2] =	sst s25  }
0xa6: {  	s5 =	sshll.u32 s26, $0x1;
	_ =	strace $0x80000049;
	[dreg:$0x1] =	wrdreg $0xFFFFFFFF  }
0xa7: {  	s28 =	simm.s32 $_size_execute0_lowered;
	s3 =	sadd.s32 s3, s5;
	[dreg:$0x0] =	wrdreg $0x0  }
0xa8: {  	s5 =	sshll.u32 s28, $0x1;
	[dreg:$0x2] =	wrdreg s3  }
0xa9: {  	[dreg:$0x3] =	wrdreg s5  }
0xaa: {  	[dreg:$0x4] =	wrdreg $0xC0  }
0xab: {  	_ =	task [dreg:s7], $0x5FFFF  }
0xac: {  	[dreg:$0x1] =	wrdreg $0xFFFFFFFF  }
0xad: {  	[dreg:$0x0] =	wrdreg $0x60  }
0xae: {  	[dreg:$0x2] =	wrdreg s2  }
0xaf: {  	[dreg:$0x3] =	wrdreg s24  }
0xb0: {  	[dreg:$0x4] =	wrdreg $0x81800  }
0xb1: {  	[dreg:$0x5] =	wrdreg $0x9  }
0xb2: {  	_ =	task.clear_ibuf [dreg:s7], $0x6FFFF;
	_ =	strace $0x90000049  }
0xb3: {  	s29 =	simm.s32 $0x9;
	_ =	strace $0x8000004B  }
0xb4: {  	_ =	swait.ge [sflag:s29], $0x1  }
0xb5: {  	[sflag:s29] =	ssyncadd.s32 $0xFFFFFFFF  }
0xb6: {  	_ =	strace $0x9000004B  }
0xb7: {  	_ =	sfence  }
0xb8: {  	s30 =	sld [smem:$0x0];
	_ =	sdelay $0x2  }
0xb9: {  	s31 =	sshll.u32 s1, $0xD;
	s1 =	sshrl.u32 s1, $0x2  }
0xba: {  	s3 =	sand.u32 $0x4000, s31;
	s1 =	sadd.s32 s1, s30  }
0xbb: {  	s0 =	sor.u32 s3, s0;
	s1 =	sshll.u32 s1, $0x11  }
0xbc: {  	s0 =	sor.u32 s1, s0  }
0xbd: {  	s0 =	sadd.s32 $0x8F2B, s0  }
0xbe: {  	[sflag:s0] =	ssyncadd.remote.s32 $0x1  }
0xbf: {  	_ =	sfence.sel $0xFFFF  }
0xc0: {  	[dreg:$0x0] =	wrdreg $0xFFFFFFFF;
	(pc) =	sbr.abs _section_cstart, $3  }
0xc1: {  	[dreg:$0x1] =	wrdreg $0xFFFFFFFF  }
0xc2: {  	_ =	task.clear_ibuf [dreg:s7], $0x2FFFF;
	_ =	strace $0x9FFFFFFF  }
0xc3: {  	(tm) =	ssettm $0x7FFFFFFF  }
tec
execute0_lowered:
.L_overlay_start_1:
0x0: {  	(tag) =	ssettag $0x1  }
0x1: {  	s1 =	rddreg [dreg:$0x0]  }
0x2: {  	s8 =	rddreg [dreg:$0x1]  }
0x3: {  	s2 =	rddreg [dreg:$0x2]  }
0x4: {  	s3 =	simm.s32 $0x0;
	s4 =	srdreg.scid;
	s0 =	stileid.u32  }
0x5: {  	[smem:$0x7FF] =	sst s3;
	s5 =	sadd.s32 $0x5DA00, s8;
	s9 =	sand.u32 $0x1, s4  }
0x6: {  	s6 =	sadd.s32 $0x3200, s8;
	s7 =	sadd.s32 $0xD200, s8;
	s14 =	smul.u32 $0x280, s0  }
0x7: {  	s12 =	sadd.s32 $0x67A00, s8;
	s26 =	smul.u32 $0x14000, s0;
	_ =	strace $0x8000004A  }
0x8: {  	s10 =	ssub.s32 $0x2, s9;
	s31 =	sshll.u32 s9, $0x4;
	s4 =	smul.u32 $0x140000, s9  }
0x9: {  	s11 =	sshrl.u32 s10, $0x1;
	s13 =	sor.u32 s0, s31;
	s17 =	sor.u32 $0x10, s14  }
0xa: {  	s19 =	sor.u32 $0x20, s14;
	s20 =	sor.u32 $0x30, s14;
	s21 =	sor.u32 $0x40, s14  }
0xb: {  	s22 =	sadd.s32 $0x80, s14;
	s23 =	sadd.s32 $0x100, s14;
	s16 =	sadd.s32 $0x180, s14  }
0xc: {  	s18 =	sadd.s32 $0x200, s14;
	s15 =	ssub.s32 s10, s11;
	s9 =	sadd.s32 s26, s4  }
0xd: {  	s28 =	sshll.u32 s22, $0x7;
	s29 =	sshll.u32 s23, $0x7;
	s24 =	sshll.u32 s16, $0x7  }
0xe: {  	v39 =	vlaneseq.u32;
	s25 =	sshll.u32 s18, $0x7;
	s26 =	sor.u32 $0x50, s14;
	s13 =	smul.u32 $0x2800, s13  }
0xf: {  	v1 =	vor.u32 s19, v39;
	v2 =	vor.u32 s20, v39;
	v3 =	vor.u32 s21, v39;
	s19 =	sadd.s32 $0xE0, s14;
	s20 =	sadd.s32 $0xF0, s14;
	s21 =	sadd.s32 $0x110, s14  }
0x10: {  	v0 =	vor.u32 s17, v39;
	v7 =	vor.u32 s22, v39;
	s22 =	sadd.s32 $0x150, s14;
	s17 =	sadd.s32 $0x190, s14;
	v15 =	vor.u32 s23, v39;
	s23 =	sadd.s32 $0x1E0, s14  }
0x11: {  	s9 =	sshrl.u32 s9, $0x3;
	s10 =	sadd.s32 s4, s28;
	s11 =	sadd.s32 s4, s29  }
0x12: {  	s24 =	sadd.s32 s4, s24;
	s25 =	sadd.s32 s4, s25;
	s28 =	sadd.s32 $0x90, s14  }
0x13: {  	s29 =	sadd.s32 $0xA0, s14;
	v4 =	vor.u32 s26, v39;
	s26 =	sadd.s32 $0x140, s14;
	v13 =	vor.u32 s19, v39;
	s19 =	sadd.s32 $0x1C0, s14  }
0x14: {  	v14 =	vor.u32 s20, v39;
	s20 =	sadd.s32 $0x1D0, s14;
	v16 =	vor.u32 s21, v39;
	s21 =	sadd.s32 $0x1F0, s14;
	v20 =	vor.u32 s22, v39;
	s22 =	sadd.s32 $0x230, s14  }
0x15: {  	v30 =	vor.u32 s23, v39;
	s15 =	smax.u32 s15, $0x1;
	s23 =	simm.s32 $0x1;
	s8 =	sadd.s32 s12, s9  }
0x16: {  	s30 =	sshrl.u32 s10, $0x3;
	s31 =	sshrl.u32 s11, $0x3;
	s0 =	sshrl.u32 s24, $0x3  }
0x17: {  	s4 =	sshrl.u32 s25, $0x3;
	s25 =	sor.u32 $0x60, s14;
	s24 =	sadd.s32 $0x120, s14  }
0x18: {  	v8 =	vor.u32 s28, v39;
	v9 =	vor.u32 s29, v39;
	s28 =	sadd.s32 $0x160, s14;
	v19 =	vor.u32 s26, v39;
	s26 =	sadd.s32 $0x240, s14;
	s29 =	sadd.s32 $0x260, s14  }
0x19: {  	v23 =	vor.u32 s16, v39;
	s16 =	sshrl.u32 s13, $0x3;
	v28 =	vor.u32 s19, v39;
	v29 =	vor.u32 s20, v39;
	s19 =	simm.s32 $0x180;
	s20 =	simm.s32 $0x3  }
0x1a: {  	v31 =	vor.u32 s21, v39;
	v35 =	vor.u32 s22, v39;
	s21 =	simm.s32 $0x80;
	s22 =	simm.s32 $0x4180;
	s9 =	sadd.s32 s12, s30  }
0x1b: {  	s10 =	sadd.s32 s12, s31;
	s11 =	sadd.s32 s12, s0;
	s12 =	sadd.s32 s12, s4  }
0x1c: {  	v24 =	vor.u32 s14, v39;
	v32 =	vor.u32 s18, v39;
	s0 =	sor.u32 $0x70, s14;
	s4 =	sadd.s32 $0xB0, s14;
	s30 =	sadd.s32 $0xC0, s14  }
0x1d: {  	v25 =	vor.u32 s17, v39;
	s31 =	sadd.s32 $0xD0, s14;
	v5 =	vor.u32 s25, v39;
	s25 =	sadd.s32 $0x130, s14;
	v17 =	vor.u32 s24, v39;
	s24 =	sadd.s32 $0x210, s14  }
0x1e: {  	v21 =	vor.u32 s28, v39;
	s28 =	sadd.s32 $0x250, s14;
	v36 =	vor.u32 s26, v39;
	s26 =	simm.s32 $0x0;
	v6 =	vor.u32 s0, v39;
	s0 =	sadd.s32 $0x170, s14  }
0x1f: {  	v10 =	vor.u32 s4, v39;
	v11 =	vor.u32 s30, v39;
	s30 =	sadd.s32 $0x1A0, s14;
	s4 =	sadd.s32 $0x1B0, s14;
	v18 =	vor.u32 s25, v39;
	s25 =	sadd.s32 $0x220, s14  }
0x20: {  	v12 =	vor.u32 s31, v39;
	s31 =	sadd.s32 $0x4F0, s16;
	v33 =	vor.u32 s24, v39;
	s24 =	simm.s32 $0x100;
	v22 =	vor.u32 s0, v39;
	s0 =	sadd.s32 $0x270, s14  }
0x21: {  	v38 =	vor.u32 s29, v39;
	v37 =	vor.u32 s28, v39;
	v27 =	vor.u32 s4, v39;
	s14 =	sadd.s32 s5, s16;
	s4 =	sadd.s32 s6, s16;
	s17 =	sadd.s32 s5, s31  }
0x22: {  	v26 =	vor.u32 s30, v39;
	s18 =	sadd.s32 s6, s31;
	v34 =	vor.u32 s25, v39;
	s25 =	simm.s32 $0x2;
	s16 =	sadd.s32 $0x4E0, s4;
	v39 =	vor.u32 s0, v39  }
.LBB2_1:
0x23: {  	[tilespmem:s19], [sflag:$0x3] =	stream.linear.gather [hbm4b:s7+s3], $0x4000, $0x38;
	[tilespmem:$0x1C180] =	vst v63  }
0x24: {  	_ =	swait.ge [sflag:s20], $0x4000  }
0x25: {  	[sflag:s20] =	ssyncset.done $0x0  }
0x26: {  	[sflag:s20] =	ssyncadd.s32 $0xFFFFC000  }
0x27: {  	[tilespmem:$0x100] =	vst v24  }
0x28: {  	[tilespmem:$0x110] =	vst v0  }
0x29: {  	[tilespmem:$0x120] =	vst v1  }
0x2a: {  	[tilespmem:$0x130] =	vst v2  }
0x2b: {  	[tilespmem:$0x140] =	vst v3  }
0x2c: {  	[tilespmem:$0x150] =	vst v4  }
0x2d: {  	[tilespmem:$0x160] =	vst v5  }
0x2e: {  	[tilespmem:$0x170] =	vst v6  }
0x2f: {  	[spmem:s2] =	stream.indirect.scatter [tilespmem:s19], [sflag:$0x3], $0x80, s24, s21, $0xb8;
	[tilespmem:$0x1C180] =	vst v63  }
0x30: {  	_ =	swait.ge [sflag:s20], $0x4000  }
0x31: {  	[sflag:s20] =	ssyncset.done $0x0  }
0x32: {  	[sflag:s20] =	ssyncadd.s32 $0xFFFFC000  }
0x33: {  	[tilespmem:$0x100] =	vst v7  }
0x34: {  	[tilespmem:$0x110] =	vst v8  }
0x35: {  	[tilespmem:$0x120] =	vst v9  }
0x36: {  	[tilespmem:$0x130] =	vst v10  }
0x37: {  	[tilespmem:$0x140] =	vst v11  }
0x38: {  	[tilespmem:$0x150] =	vst v12  }
0x39: {  	[tilespmem:$0x160] =	vst v13  }
0x3a: {  	[tilespmem:$0x170] =	vst v14  }
0x3b: {  	[spmem:s2] =	stream.indirect.scatter [tilespmem:s19], [sflag:$0x3], $0x80, s24, s21, $0xb8;
	[tilespmem:$0x1C180] =	vst v63  }
0x3c: {  	_ =	swait.ge [sflag:s20], $0x4000  }
0x3d: {  	[sflag:s20] =	ssyncset.done $0x0  }
0x3e: {  	[sflag:s20] =	ssyncadd.s32 $0xFFFFC000  }
0x3f: {  	[tilespmem:$0x100] =	vst v15  }
0x40: {  	[tilespmem:$0x110] =	vst v16  }
0x41: {  	[tilespmem:$0x120] =	vst v17  }
0x42: {  	[tilespmem:$0x130] =	vst v18  }
0x43: {  	[tilespmem:$0x140] =	vst v19  }
0x44: {  	[tilespmem:$0x150] =	vst v20  }
0x45: {  	[tilespmem:$0x160] =	vst v21  }
0x46: {  	[tilespmem:$0x170] =	vst v22  }
0x47: {  	[spmem:s2] =	stream.indirect.scatter [tilespmem:s19], [sflag:$0x3], $0x80, s24, s21, $0xb8;
	[tilespmem:$0x1C180] =	vst v63  }
0x48: {  	_ =	swait.ge [sflag:s20], $0x4000  }
0x49: {  	[sflag:s20] =	ssyncset.done $0x0  }
0x4a: {  	[sflag:s20] =	ssyncadd.s32 $0xFFFFC000  }
0x4b: {  	[tilespmem:$0x100] =	vst v23  }
0x4c: {  	[tilespmem:$0x110] =	vst v25  }
0x4d: {  	[tilespmem:$0x120] =	vst v26  }
0x4e: {  	[tilespmem:$0x130] =	vst v27  }
0x4f: {  	[tilespmem:$0x140] =	vst v28  }
0x50: {  	[tilespmem:$0x150] =	vst v29  }
0x51: {  	[tilespmem:$0x160] =	vst v30  }
0x52: {  	[tilespmem:$0x170] =	vst v31  }
0x53: {  	[spmem:s2] =	stream.indirect.scatter [tilespmem:s19], [sflag:$0x3], $0x80, s24, s21, $0xb8;
	[tilespmem:$0x1C180] =	vst v63  }
0x54: {  	_ =	swait.ge [sflag:s20], $0x4000  }
0x55: {  	[sflag:s20] =	ssyncset.done $0x0  }
0x56: {  	[sflag:s20] =	ssyncadd.s32 $0xFFFFC000  }
0x57: {  	[tilespmem:$0x100] =	vst v32  }
0x58: {  	[tilespmem:$0x110] =	vst v33  }
0x59: {  	[tilespmem:$0x120] =	vst v34  }
0x5a: {  	[tilespmem:$0x130] =	vst v35  }
0x5b: {  	[tilespmem:$0x140] =	vst v36  }
0x5c: {  	[tilespmem:$0x150] =	vst v37  }
0x5d: {  	[tilespmem:$0x160] =	vst v38  }
0x5e: {  	[tilespmem:$0x170] =	vst v39  }
0x5f: {  	[spmem:s2] =	stream.indirect.scatter [tilespmem:s19], [sflag:$0x3], $0x80, s24, s21, $0xb8;
	[tilespmem:$0x1C180] =	vst v63  }
0x60: {  	_ =	swait.ge [sflag:s20], $0x4000  }
0x61: {  	s0 =	simm.s32 $0x0;
	[sflag:s20] =	ssyncset.done $0x0  }
0x62: {  	s28 =	sand.u32 $0x3C00, s0;
	[sflag:s20] =	ssyncadd.s32 $0xFFFFC000  }
0x63: {  	s0 =	sand.u32 $0x300, s0;
	s28 =	sadd.s32 s13, s28;
	[bflag:$0x0] =	sbarrier.arrive $0xFFFF  }
0x64: {  	[tilespmem:s3], [sflag:$0x3] =	stream.linear.gather [hbm4b:s14+s3], $0x80, $0x38;
	[tilespmem:$0x1C180] =	vst v63  }
0x65: {  	s0 =	sor.u32 s0, s28;
	_ =	swait.ge [sflag:s20], $0x80  }
0x66: {  	s0 =	sshrl.u32 s0, $0x3;
	[sflag:s20] =	ssyncset.done $0x0  }
0x67: {  	s28 =	sor.u32 $0x10, s0;
	[sflag:s20] =	ssyncadd.s32 $0xFFFFFF80  }
0x68: {  	[tilespmem:s19], [sflag:$0x1] =	stream.indirect.gather [hbm4b:s1+s21], $0x80, s3, s21, $0xb8;
	[tilespmem:$0x1C180] =	vst v63  }
0x69: {  	s29 =	sadd.s32 s5, s28  }
0x6a: {  	[tilespmem:s21], [sflag:$0x3] =	stream.linear.gather [hbm4b:s29+s3], $0x80, $0x38;
	[tilespmem:$0x1C180] =	vst v63  }
0x6b: {  	_ =	swait.ge [sflag:s20], $0x80  }
0x6c: {  	[sflag:s20] =	ssyncset.done $0x0  }
0x6d: {  	[sflag:s20] =	ssyncadd.s32 $0xFFFFFF80  }
0x6e: {  	[tilespmem:s22], [sflag:$0x2] =	stream.indirect.gather [hbm4b:s1+s21], $0x80, s21, s21, $0xb8;
	[tilespmem:$0x1C180] =	vst v63  }
0x6f: {  	_ =	swait.ge [sflag:s23], $0x4000  }
0x70: {  	[sflag:s23] =	ssyncset.done $0x0  }
0x71: {  	s0 =	sadd.s32 s6, s0;
	[sflag:s23] =	ssyncadd.s32 $0xFFFFC000  }
0x72: {  	[tilespmem:s24], [sflag:$0x3] =	stream.linear.gather [hbm4b:s0+s3], $0x80, $0x38;
	[tilespmem:$0x1C180] =	vst v63  }
0x73: {  	_ =	swait.ge [sflag:s20], $0x80  }
0x74: {  	s4 =	sand.u32 $0x7C00, s24;
	[sflag:s20] =	ssyncset.done $0x0  }
0x75: {  	s29 =	sand.u32 $0x300, s24;
	s0 =	sadd.s32 s13, s4;
	[sflag:s20] =	ssyncadd.s32 $0xFFFFFF80  }
0x76: {  	[spmem:s2] =	stream.indirect.scatter.add.f32 [tilespmem:s19], [sflag:$0x3], $0x80, s24, s21, $0xb8;
	[tilespmem:$0x1C180] =	vst v63  }
0x77: {  	s0 =	sor.u32 s29, s0;
	_ =	swait.ge [sflag:s20], $0x4000  }
0x78: {  	s0 =	sshrl.u32 s0, $0x3;
	[sflag:s20] =	ssyncset.done $0x0  }
0x79: {  	s0 =	sadd.s32 s5, s0;
	[sflag:s20] =	ssyncadd.s32 $0xFFFFC000  }
0x7a: {  	[tilespmem:s3], [sflag:$0x3] =	stream.linear.gather [hbm4b:s0+s3], $0x80, $0x38;
	[tilespmem:$0x1C180] =	vst v63  }
0x7b: {  	_ =	swait.ge [sflag:s20], $0x80  }
0x7c: {  	[sflag:s20] =	ssyncset.done $0x0  }
0x7d: {  	s31 =	simm.s32 $0x100;
	[sflag:s20] =	ssyncadd.s32 $0xFFFFFF80  }
0x7e: {  	[tilespmem:s19], [sflag:$0x1] =	stream.indirect.gather [hbm4b:s1+s21], $0x80, s3, s21, $0xb8;
	[tilespmem:$0x1C180] =	vst v63  }
0x7f: {  	s29 =	sand.u32 $0x3C00, s31;
	_ =	swait.ge [sflag:s25], $0x4000  }
0x80: {  	s28 =	sadd.s32 s6, s28;
	s30 =	sadd.s32 s13, s29;
	[sflag:s25] =	ssyncset.done $0x0  }
0x81: {  	s29 =	simm.s32 $0x300;
	s0 =	sand.u32 $0x300, s31;
	[sflag:s25] =	ssyncadd.s32 $0xFFFFC000  }
0x82: {  	[tilespmem:s24], [sflag:$0x3] =	stream.linear.gather [hbm4b:s28+s3], $0x80, $0x38;
	[tilespmem:$0x1C180] =	vst v63  }
0x83: {  	s30 =	sor.u32 s0, s30;
	s28 =	simm.s32 $0x200;
	_ =	swait.ge [sflag:s20], $0x80  }
.LBB2_2:
0x84: {  	p0 =	sne.s32 s29, $0x2700  }
0x85: {  	[sflag:s20] =	ssyncset.done $0x0;
	s0 =	smov.u32 s29;
	s29 =	sadd.s32 $0x100, s29  }
0x86: {  	[sflag:s20] =	ssyncadd.s32 $0xFFFFFF80  }
0x87: {  	[spmem:s2] =	stream.indirect.scatter.add.f32 [tilespmem:s22], [sflag:$0x3], $0x80, s24, s21, $0xb8;
	[tilespmem:$0x1C180] =	vst v63  }
0x88: {  	s30 =	sshrl.u32 s30, $0x3;
	_ =	swait.ge [sflag:s20], $0x4000  }
0x89: {  	s31 =	sor.u32 $0x10, s30;
	[sflag:s20] =	ssyncset.done $0x0  }
0x8a: {  	s4 =	sadd.s32 s5, s31;
	[sflag:s20] =	ssyncadd.s32 $0xFFFFC000  }
0x8b: {  	[tilespmem:s21], [sflag:$0x3] =	stream.linear.gather [hbm4b:s4+s3], $0x80, $0x38;
	[tilespmem:$0x1C180] =	vst v63  }
0x8c: {  	_ =	swait.ge [sflag:s20], $0x80  }
0x8d: {  	[sflag:s20] =	ssyncset.done $0x0  }
0x8e: {  	[sflag:s20] =	ssyncadd.s32 $0xFFFFFF80  }
0x8f: {  	[tilespmem:s22], [sflag:$0x2] =	stream.indirect.gather [hbm4b:s1+s21], $0x80, s21, s21, $0xb8;
	[tilespmem:$0x1C180] =	vst v63  }
0x90: {  	_ =	swait.ge [sflag:s23], $0x4000  }
0x91: {  	[sflag:s23] =	ssyncset.done $0x0  }
0x92: {  	s4 =	sadd.s32 s6, s30;
	[sflag:s23] =	ssyncadd.s32 $0xFFFFC000  }
0x93: {  	[tilespmem:s24], [sflag:$0x3] =	stream.linear.gather [hbm4b:s4+s3], $0x80, $0x38;
	[tilespmem:$0x1C180] =	vst v63  }
0x94: {  	_ =	swait.ge [sflag:s20], $0x80  }
0x95: {  	[sflag:s20] =	ssyncset.done $0x0  }
0x96: {  	s30 =	sand.u32 $0x300, s28;
	s4 =	sand.u32 $0x7C00, s28;
	[sflag:s20] =	ssyncadd.s32 $0xFFFFFF80  }
0x97: {  	[spmem:s2] =	stream.indirect.scatter.add.f32 [tilespmem:s19], [sflag:$0x3], $0x80, s24, s21, $0xb8;
	[tilespmem:$0x1C180] =	vst v63  }
0x98: {  	s28 =	smov.u32 s0;
	s4 =	sadd.s32 s13, s4;
	_ =	swait.ge [sflag:s20], $0x4000  }
0x99: {  	s0 =	sor.u32 s30, s4;
	[sflag:s20] =	ssyncset.done $0x0  }
0x9a: {  	s0 =	sshrl.u32 s0, $0x3;
	[sflag:s20] =	ssyncadd.s32 $0xFFFFC000  }
0x9b: {  	s0 =	sadd.s32 s5, s0  }
0x9c: {  	[tilespmem:s3], [sflag:$0x3] =	stream.linear.gather [hbm4b:s0+s3], $0x80, $0x38;
	[tilespmem:$0x1C180] =	vst v63  }
0x9d: {  	_ =	swait.ge [sflag:s20], $0x80  }
0x9e: {  	[sflag:s20] =	ssyncset.done $0x0  }
0x9f: {  	[sflag:s20] =	ssyncadd.s32 $0xFFFFFF80  }
0xa0: {  	[tilespmem:s19], [sflag:$0x1] =	stream.indirect.gather [hbm4b:s1+s21], $0x80, s3, s21, $0xb8;
	[tilespmem:$0x1C180] =	vst v63  }
.Ltmp0:
0xa1: {  	s0 =	sadd.s32 $0xFFFFFF00, s28;
	_ =	swait.ge [sflag:s25], $0x4000;
	(pc) =	sbr.rel @p0 .LBB2_2-.Ltmp0, $4  }
0xa2: {  	s30 =	sadd.s32 s6, s31;
	s4 =	sand.u32 $0x3C00, s0;
	[sflag:s25] =	ssyncset.done $0x0  }
0xa3: {  	s0 =	sand.u32 $0x300, s0;
	s4 =	sadd.s32 s13, s4;
	[sflag:s25] =	ssyncadd.s32 $0xFFFFC000  }
0xa4: {  	[tilespmem:s24], [sflag:$0x3] =	stream.linear.gather [hbm4b:s30+s3], $0x80, $0x38;
	[tilespmem:$0x1C180] =	vst v63  }
0xa5: {  	s30 =	sor.u32 s0, s4;
	_ =	swait.ge [sflag:s20], $0x80  }
0xa6: {  	[sflag:s20] =	ssyncset.done $0x0  }
0xa7: {  	[sflag:s20] =	ssyncadd.s32 $0xFFFFFF80  }
0xa8: {  	[spmem:s2] =	stream.indirect.scatter.add.f32 [tilespmem:s22], [sflag:$0x3], $0x80, s24, s21, $0xb8;
	[tilespmem:$0x1C180] =	vst v63  }
0xa9: {  	s0 =	sshrl.u32 s30, $0x3;
	_ =	swait.ge [sflag:s20], $0x4000  }
0xaa: {  	s4 =	sor.u32 $0x10, s0;
	[sflag:s20] =	ssyncset.done $0x0  }
0xab: {  	s29 =	sadd.s32 s5, s4;
	[sflag:s20] =	ssyncadd.s32 $0xFFFFC000  }
0xac: {  	[tilespmem:s21], [sflag:$0x3] =	stream.linear.gather [hbm4b:s29+s3], $0x80, $0x38;
	[tilespmem:$0x1C180] =	vst v63  }
0xad: {  	_ =	swait.ge [sflag:s20], $0x80  }
0xae: {  	[sflag:s20] =	ssyncset.done $0x0  }
0xaf: {  	[sflag:s20] =	ssyncadd.s32 $0xFFFFFF80  }
0xb0: {  	[tilespmem:s22], [sflag:$0x2] =	stream.indirect.gather [hbm4b:s1+s21], $0x80, s21, s21, $0xb8;
	[tilespmem:$0x1C180] =	vst v63  }
0xb1: {  	_ =	swait.ge [sflag:s23], $0x4000  }
0xb2: {  	[sflag:s23] =	ssyncset.done $0x0  }
0xb3: {  	s0 =	sadd.s32 s6, s0;
	[sflag:s23] =	ssyncadd.s32 $0xFFFFC000  }
0xb4: {  	[tilespmem:s24], [sflag:$0x3] =	stream.linear.gather [hbm4b:s0+s3], $0x80, $0x38;
	[tilespmem:$0x1C180] =	vst v63  }
0xb5: {  	_ =	swait.ge [sflag:s20], $0x80  }
0xb6: {  	s29 =	sand.u32 $0x7C00, s28;
	[sflag:s20] =	ssyncset.done $0x0  }
0xb7: {  	s30 =	sand.u32 $0x300, s28;
	s0 =	sadd.s32 s13, s29;
	[sflag:s20] =	ssyncadd.s32 $0xFFFFFF80  }
0xb8: {  	[spmem:s2] =	stream.indirect.scatter.add.f32 [tilespmem:s19], [sflag:$0x3], $0x80, s24, s21, $0xb8;
	[tilespmem:$0x1C180] =	vst v63  }
0xb9: {  	s0 =	sor.u32 s30, s0;
	_ =	swait.ge [sflag:s20], $0x4000  }
0xba: {  	s0 =	sshrl.u32 s0, $0x3;
	[sflag:s20] =	ssyncset.done $0x0  }
0xbb: {  	s0 =	sadd.s32 s5, s0;
	[sflag:s20] =	ssyncadd.s32 $0xFFFFC000  }
0xbc: {  	[tilespmem:s3], [sflag:$0x3] =	stream.linear.gather [hbm4b:s0+s3], $0x80, $0x38;
	[tilespmem:$0x1C180] =	vst v63  }
0xbd: {  	_ =	swait.ge [sflag:s20], $0x80  }
0xbe: {  	[sflag:s20] =	ssyncset.done $0x0  }
0xbf: {  	[sflag:s20] =	ssyncadd.s32 $0xFFFFFF80  }
0xc0: {  	[tilespmem:s19], [sflag:$0x1] =	stream.indirect.gather [hbm4b:s1+s21], $0x80, s3, s21, $0xb8;
	[tilespmem:$0x1C180] =	vst v63  }
0xc1: {  	_ =	swait.ge [sflag:s25], $0x4000  }
0xc2: {  	[sflag:s25] =	ssyncset.done $0x0  }
0xc3: {  	s31 =	sadd.s32 s6, s4;
	[sflag:s25] =	ssyncadd.s32 $0xFFFFC000  }
0xc4: {  	[tilespmem:s24], [sflag:$0x3] =	stream.linear.gather [hbm4b:s31+s3], $0x80, $0x38;
	[tilespmem:$0x1C180] =	vst v63  }
0xc5: {  	_ =	swait.ge [sflag:s20], $0x80  }
0xc6: {  	[sflag:s20] =	ssyncset.done $0x0  }
0xc7: {  	[sflag:s20] =	ssyncadd.s32 $0xFFFFFF80  }
0xc8: {  	[spmem:s2] =	stream.indirect.scatter.add.f32 [tilespmem:s22], [sflag:$0x3], $0x80, s24, s21, $0xb8;
	[tilespmem:$0x1C180] =	vst v63  }
0xc9: {  	_ =	swait.ge [sflag:s20], $0x4000  }
0xca: {  	[sflag:s20] =	ssyncset.done $0x0  }
0xcb: {  	[sflag:s20] =	ssyncadd.s32 $0xFFFFC000  }
0xcc: {  	[tilespmem:s21], [sflag:$0x3] =	stream.linear.gather [hbm4b:s17+s3], $0x80, $0x38;
	[tilespmem:$0x1C180] =	vst v63  }
0xcd: {  	_ =	swait.ge [sflag:s20], $0x80  }
0xce: {  	[sflag:s20] =	ssyncset.done $0x0  }
0xcf: {  	[sflag:s20] =	ssyncadd.s32 $0xFFFFFF80  }
0xd0: {  	[tilespmem:s22], [sflag:$0x2] =	stream.indirect.gather [hbm4b:s1+s21], $0x80, s21, s21, $0xb8;
	[tilespmem:$0x1C180] =	vst v63  }
0xd1: {  	_ =	swait.ge [sflag:s23], $0x4000  }
0xd2: {  	[sflag:s23] =	ssyncset.done $0x0  }
0xd3: {  	[sflag:s23] =	ssyncadd.s32 $0xFFFFC000  }
0xd4: {  	[tilespmem:s24], [sflag:$0x3] =	stream.linear.gather [hbm4b:s16+s3], $0x80, $0x38;
	[tilespmem:$0x1C180] =	vst v63  }
0xd5: {  	_ =	swait.ge [sflag:s20], $0x80  }
0xd6: {  	[sflag:s20] =	ssyncset.done $0x0  }
0xd7: {  	[sflag:s20] =	ssyncadd.s32 $0xFFFFFF80  }
0xd8: {  	[spmem:s2] =	stream.indirect.scatter.add.f32 [tilespmem:s19], [sflag:$0x3], $0x80, s24, s21, $0xb8;
	[tilespmem:$0x1C180] =	vst v63  }
0xd9: {  	_ =	swait.ge [sflag:s20], $0x4000  }
0xda: {  	[sflag:s20] =	ssyncset.done $0x0  }
0xdb: {  	[sflag:s20] =	ssyncadd.s32 $0xFFFFC000  }
0xdc: {  	_ =	swait.ge [sflag:s25], $0x4000  }
0xdd: {  	[sflag:s25] =	ssyncset.done $0x0  }
0xde: {  	[sflag:s25] =	ssyncadd.s32 $0xFFFFC000  }
0xdf: {  	[tilespmem:s24], [sflag:$0x3] =	stream.linear.gather [hbm4b:s18+s3], $0x80, $0x38;
	[tilespmem:$0x1C180] =	vst v63  }
0xe0: {  	_ =	swait.ge [sflag:s20], $0x80  }
0xe1: {  	[sflag:s20] =	ssyncset.done $0x0  }
0xe2: {  	[sflag:s20] =	ssyncadd.s32 $0xFFFFFF80  }
0xe3: {  	[spmem:s2] =	stream.indirect.scatter.add.f32 [tilespmem:s22], [sflag:$0x3], $0x80, s24, s21, $0xb8;
	[tilespmem:$0x1C180] =	vst v63  }
0xe4: {  	_ =	swait.ge [sflag:s20], $0x4000  }
0xe5: {  	[sflag:s20] =	ssyncset.done $0x0  }
0xe6: {  	[sflag:s20] =	ssyncadd.s32 $0xFFFFC000  }
0xe7: {  	[bflag:$0x0] =	sbarrier.arrive $0xFFFF  }
0xe8: {  	[tilespmem:$0x100] =	vst v24  }
0xe9: {  	[tilespmem:$0x110] =	vst v0  }
0xea: {  	[tilespmem:$0x120] =	vst v1  }
0xeb: {  	[tilespmem:$0x130] =	vst v2  }
0xec: {  	[tilespmem:$0x140] =	vst v3  }
0xed: {  	[tilespmem:$0x150] =	vst v4  }
0xee: {  	[tilespmem:$0x160] =	vst v5  }
0xef: {  	[tilespmem:$0x170] =	vst v6  }
0xf0: {  	[tilespmem:s19], [sflag:$0x3] =	stream.indirect.gather [spmem:s2], $0x80, s24, s21, $0xb8;
	[tilespmem:$0x1C180] =	vst v63  }
0xf1: {  	_ =	swait.ge [sflag:s20], $0x4000  }
0xf2: {  	[sflag:s20] =	ssyncset.done $0x0  }
0xf3: {  	[sflag:s20] =	ssyncadd.s32 $0xFFFFC000  }
0xf4: {  	[hbm4b:s8+s3] =	stream.linear.scatter [tilespmem:s19], [sflag:$0x3], $0x4000, $0x38;
	[tilespmem:$0x1C180] =	vst v63  }
0xf5: {  	_ =	swait.ge [sflag:s20], $0x4000  }
0xf6: {  	[sflag:s20] =	ssyncset.done $0x0  }
0xf7: {  	[sflag:s20] =	ssyncadd.s32 $0xFFFFC000  }
0xf8: {  	[tilespmem:$0x100] =	vst v7  }
0xf9: {  	[tilespmem:$0x110] =	vst v8  }
0xfa: {  	[tilespmem:$0x120] =	vst v9  }
0xfb: {  	[tilespmem:$0x130] =	vst v10  }
0xfc: {  	[tilespmem:$0x140] =	vst v11  }
0xfd: {  	[tilespmem:$0x150] =	vst v12  }
0xfe: {  	[tilespmem:$0x160] =	vst v13  }
0xff: {  	[tilespmem:$0x170] =	vst v14  }
0x100: {  	[tilespmem:s19], [sflag:$0x3] =	stream.indirect.gather [spmem:s2], $0x80, s24, s21, $0xb8;
	[tilespmem:$0x1C180] =	vst v63  }
0x101: {  	_ =	swait.ge [sflag:s20], $0x4000  }
0x102: {  	[sflag:s20] =	ssyncset.done $0x0  }
0x103: {  	[sflag:s20] =	ssyncadd.s32 $0xFFFFC000  }
0x104: {  	[hbm4b:s9+s3] =	stream.linear.scatter [tilespmem:s19], [sflag:$0x3], $0x4000, $0x38;
	[tilespmem:$0x1C180] =	vst v63  }
0x105: {  	_ =	swait.ge [sflag:s20], $0x4000  }
0x106: {  	[sflag:s20] =	ssyncset.done $0x0  }
0x107: {  	[sflag:s20] =	ssyncadd.s32 $0xFFFFC000  }
0x108: {  	[tilespmem:$0x100] =	vst v15  }
0x109: {  	[tilespmem:$0x110] =	vst v16  }
0x10a: {  	[tilespmem:$0x120] =	vst v17  }
0x10b: {  	[tilespmem:$0x130] =	vst v18  }
0x10c: {  	[tilespmem:$0x140] =	vst v19  }
0x10d: {  	[tilespmem:$0x150] =	vst v20  }
0x10e: {  	[tilespmem:$0x160] =	vst v21  }
0x10f: {  	[tilespmem:$0x170] =	vst v22  }
0x110: {  	[tilespmem:s19], [sflag:$0x3] =	stream.indirect.gather [spmem:s2], $0x80, s24, s21, $0xb8;
	[tilespmem:$0x1C180] =	vst v63  }
0x111: {  	_ =	swait.ge [sflag:s20], $0x4000  }
0x112: {  	[sflag:s20] =	ssyncset.done $0x0  }
0x113: {  	[sflag:s20] =	ssyncadd.s32 $0xFFFFC000  }
0x114: {  	[hbm4b:s10+s3] =	stream.linear.scatter [tilespmem:s19], [sflag:$0x3], $0x4000, $0x38;
	[tilespmem:$0x1C180] =	vst v63  }
0x115: {  	_ =	swait.ge [sflag:s20], $0x4000  }
0x116: {  	[sflag:s20] =	ssyncset.done $0x0  }
0x117: {  	[sflag:s20] =	ssyncadd.s32 $0xFFFFC000  }
0x118: {  	[tilespmem:$0x100] =	vst v23  }
0x119: {  	[tilespmem:$0x110] =	vst v25  }
0x11a: {  	[tilespmem:$0x120] =	vst v26  }
0x11b: {  	[tilespmem:$0x130] =	vst v27  }
0x11c: {  	[tilespmem:$0x140] =	vst v28  }
0x11d: {  	[tilespmem:$0x150] =	vst v29  }
0x11e: {  	[tilespmem:$0x160] =	vst v30  }
0x11f: {  	[tilespmem:$0x170] =	vst v31  }
0x120: {  	[tilespmem:s19], [sflag:$0x3] =	stream.indirect.gather [spmem:s2], $0x80, s24, s21, $0xb8;
	[tilespmem:$0x1C180] =	vst v63  }
0x121: {  	_ =	swait.ge [sflag:s20], $0x4000  }
0x122: {  	[sflag:s20] =	ssyncset.done $0x0  }
0x123: {  	[sflag:s20] =	ssyncadd.s32 $0xFFFFC000  }
0x124: {  	[hbm4b:s11+s3] =	stream.linear.scatter [tilespmem:s19], [sflag:$0x3], $0x4000, $0x38;
	[tilespmem:$0x1C180] =	vst v63  }
0x125: {  	_ =	swait.ge [sflag:s20], $0x4000  }
0x126: {  	[sflag:s20] =	ssyncset.done $0x0  }
0x127: {  	[sflag:s20] =	ssyncadd.s32 $0xFFFFC000  }
0x128: {  	[tilespmem:$0x100] =	vst v32  }
0x129: {  	[tilespmem:$0x110] =	vst v33  }
0x12a: {  	[tilespmem:$0x120] =	vst v34  }
0x12b: {  	[tilespmem:$0x130] =	vst v35  }
0x12c: {  	[tilespmem:$0x140] =	vst v36  }
0x12d: {  	[tilespmem:$0x150] =	vst v37  }
0x12e: {  	[tilespmem:$0x160] =	vst v38  }
0x12f: {  	[tilespmem:$0x170] =	vst v39  }
0x130: {  	[tilespmem:s19], [sflag:$0x3] =	stream.indirect.gather [spmem:s2], $0x80, s24, s21, $0xb8;
	[tilespmem:$0x1C180] =	vst v63  }
0x131: {  	s26 =	sadd.s32 $0x1, s26;
	_ =	swait.ge [sflag:s20], $0x4000  }
0x132: {  	p0 =	sne.s32 s26, s15;
	[sflag:s20] =	ssyncset.done $0x0  }
.Ltmp1:
0x133: {  	[sflag:s20] =	ssyncadd.s32 $0xFFFFC000;
	(pc) =	sbr.rel @p0 .LBB2_1-.Ltmp1, $4  }
0x134: {  	[hbm4b:s12+s3] =	stream.linear.scatter [tilespmem:s19], [sflag:$0x3], $0x4000, $0x38;
	[tilespmem:$0x1C180] =	vst v63  }
0x135: {  	_ =	swait.ge [sflag:s20], $0x4000  }
0x136: {  	[sflag:s20] =	ssyncset.done $0x0  }
0x137: {  	[sflag:s20] =	ssyncadd.s32 $0xFFFFC000  }
0x138: {  	_ =	sfence.sel $0x180000  }
0x139: {  	[bflag:$0x0] =	sbarrier.arrive $0xFFFF  }
0x13a: {  	_ =	strace $0x9000004A  }
0x13b: {  	s0 =	stileid.u32;
	[bflag:$0x2] =	sbarrier.arrive $0xFFFF  }
0x13c: {  	p0 =	sne.s32 s0, $0x0;
	s0 =	rddreg [dreg:$0x3]  }
0x13d: {  	s0 =	sadd.s32 @!p0 $0x100000, s0  }
0x13e: {  	[sflag:s0] =	ssyncadd.tile.s32 @!p0 $0x1;
	_ =	shalt  }
.Lfunc_end2:
_tile_overlayer_lowered:
.L_overlay_start_2:
0x13f: {  	(tag) =	ssettag $0x2  }
0x140: {  	s0 =	rddreg [dreg:$0x0];
	s2 =	stileid.u32  }
0x141: {  	s1 =	rddreg [dreg:$0x1];
	p0 =	sne.s32 s2, $0x0  }
0x142: {  	s3 =	rddreg [dreg:$0x2];
	[bflag:$0x3] =	sbarrier.arrive $0xFFFF;
	s2 =	simm.s32 @!p0 $0x1C03  }
0x143: {  	[timem:s3], [sflag:s2] =	dma.local @!p0 [hbm:s0], s1  }
0x144: {  	s0 =	simm.s32 @!p0 $0x3  }
0x145: {  	_ =	swait.ge @!p0 [sflag:s0], s1  }
0x146: {  	s1 =	ssub.s32 @!p0 $0x0, s1;
	[sflag:s0] =	ssyncset.done @!p0 $0x0  }
0x147: {  	[sflag:s0] =	ssyncadd.s32 @!p0 s1  }
0x148: {  	[bflag:$0x3] =	sbarrier.arrive $0xFFFF  }
0x149: {  	_ =	shalt  }

// kernel: kernel.15.cloned.1.call-start
scs
__scs_entry_jumppad:
0x0: {  	(pc) =	sbr.rel $0x88, $3  }
0x1: {  	(tag) =	ssettag $0x0;
	lr =	simm.s32 $0x1  }
0x2: {  	[smem:$0x3F9B] =	sst lr;
	_ =	strace $0xD0000000  }
0x3: {  	_ = 	snop  }
0x4: {  	_ = 	snop  }
0x5: {  	_ = 	snop  }
0x6: {  	_ = 	snop  }
0x7: {  	_ = 	snop  }
__scs_overlays_trampoline_lowered:
0x8: {  	[smem:$0x3FAA] =	sst s0  }
0x9: {  	[smem:$0x3FAB] =	sst s1  }
0xa: {  	[smem:$0x3FAC] =	sst s2  }
0xb: {  	[smem:$0x3FAD] =	sst s3  }
0xc: {  	[smem:$0x3FAE] =	sst s4  }
0xd: {  	[smem:$0x3FAF] =	sst s5  }
0xe: {  	[smem:$0x3FB0] =	sst s6  }
0xf: {  	[smem:$0x3FB1] =	sst s7  }
0x10: {  	[smem:$0x3FB2] =	sst s8  }
0x11: {  	[smem:$0x3FB3] =	sst s9;
	s0 =	simm.s32 @!p0 $0x0  }
0x12: {  	s1 =	sld [smem:$0x3F99];
	s0 =	simm.s32 @p0 $0x1  }
0x13: {  	[smem:$0x3FB4] =	sst s0;
	s0 =	simm.s32 @!p1 $0x0  }
0x14: {  	s2 =	sld [smem:$0x3F98];
	s0 =	simm.s32 @p1 $0x1  }
0x15: {  	[smem:$0x3FB5] =	sst s0;
	s0 =	simm.s32 @!p2 $0x0  }
0x16: {  	s3 =	sld [smem:$0x3FDB];
	s0 =	simm.s32 @p2 $0x1  }
0x17: {  	s4 =	simm.s32 $0x1BF5;
	[smem:$0x3FB7] =	sst s0  }
0x18: {  	s0 =	sld [smem:$0x3F9A];
	_ =	swait.ge [sflag:s4], $0x0  }
0x19: {  	s7 =	sld [smem:$0x3F9B]  }
0x1a: {  	s8 =	sadd.s32 $0xFFFFE003, lr  }
0x1b: {  	s9 =	sadd.s32 $0xFFFFFEF7, lr;
	s5 =	simm.s32 $0xFFFFFFFF;
	p2 =	slt.u32 s8, $0xFFFFF086  }
0x1c: {  	p1 =	slt.u32 s9, $0xF7A;
	s5 =	simm.s32 @!p2 $0x0  }
0x1d: {  	s5 =	simm.s32 @p1 $0x1;
	p0 =	seq.s32 s7, s2  }
0x1e: {  	s7 =	smul.u32 @!p0 $0xF7A, s2;
	p2 =	seq.s32 @!p0 s5, $0x0  }
0x1f: {  	s9 =	smul.u32 $0xF7A, s1;
	s8 =	simm.s32 @!p0 $0x1BF5;
	p2 =	por !p2, p0  }
0x20: {  	[sflag:s8] =	ssyncset.s32 @!p0 $0xFFFFF086;
	s6 =	sadd.s32 @!p0 s3, s7;
	s7 =	simm.s32 @!p0 $0x108  }
0x21: {  	s3 =	sadd.s32 s3, s9;
	s6 =	sadd.s32 @!p0 $0x88, s6;
	s7 =	simm.s32 @p2 $0x1082  }
0x22: {  	[simem:s7], [sflag:s8] =	dma.local @!p0 [hbm:s6], $0xF7A  }
0x23: {  	s9 =	sor.u32 $0xD0000000, s2;
	s6 =	simm.s32 $0x108;
	_ =	swait.ge @!p0 [sflag:s8], $0x0  }
0x24: {  	s3 =	sadd.s32 $0x88, s3;
	s6 =	simm.s32 @!p1 $0x1082;
	[sflag:s4] =	ssyncset.s32 $0xFFFFF086  }
0x25: {  	[simem:s6], [sflag:s4] =	dma.local [hbm:s3], $0xF7A  }
0x26: {  	[smem:$0x3F9B] =	sst s1;
	(tag) =	ssettag s2;
	_ =	strace s9  }
0x27: {  	s1 =	sld [smem:$0x3FAB]  }
0x28: {  	s2 =	sld [smem:$0x3FAC]  }
0x29: {  	s4 =	sld [smem:$0x3FAE]  }
0x2a: {  	p0 =	seq.s32 s5, $0x0;
	s5 =	sld [smem:$0x3FAF]  }
0x2b: {  	s6 =	sld [smem:$0x3FB0]  }
0x2c: {  	s7 =	sld [smem:$0x3FB1]  }
0x2d: {  	s3 =	simm.s32 $0x108;
	s8 =	sld [smem:$0x3FB2]  }
0x2e: {  	s3 =	simm.s32 @!p0 $0x1082;
	s9 =	sld [smem:$0x3FB3]  }
0x2f: {  	lr =	sadd.s32 s0, s3;
	s0 =	sld [smem:$0x3FAA]  }
0x30: {  	s3 =	sld [smem:$0x3FAD]  }
0x31: {  	[smem:$0x3FB6] =	sst s10  }
0x32: {  	s10 =	sld [smem:$0x3FB4];
	_ =	sdelay $0x3  }
0x33: {  	p0 =	seq.s32 s10, $0x1;
	s10 =	sld [smem:$0x3FB6];
	_ =	sdelay $0x3  }
0x34: {  	[smem:$0x3FB6] =	sst s10  }
0x35: {  	s10 =	sld [smem:$0x3FB5];
	_ =	sdelay $0x3  }
0x36: {  	p1 =	seq.s32 s10, $0x1;
	s10 =	sld [smem:$0x3FB6];
	_ =	sdelay $0x3  }
0x37: {  	[smem:$0x3FB6] =	sst s10  }
0x38: {  	s10 =	sld [smem:$0x3FB7]  }
0x39: {  	_ = 	snop;
	(pc) =	sbr.ind lr, $3  }
0x3a: {  	_ = 	snop  }
0x3b: {  	_ = 	snop  }
0x3c: {  	p2 =	seq.s32 s10, $0x1;
	s10 =	sld [smem:$0x3FB6]  }
0x3d: {  	_ =	shalt  }
0x3e: {  	_ =	shalt  }
0x3f: {  	_ =	shalt  }
0x40: {  	_ =	shalt  }
0x41: {  	_ =	shalt  }
0x42: {  	_ =	shalt  }
0x43: {  	_ =	shalt  }
0x44: {  	_ =	shalt  }
0x45: {  	_ =	shalt  }
0x46: {  	_ =	shalt  }
0x47: {  	_ =	shalt  }
0x48: {  	_ =	shalt  }
0x49: {  	_ =	shalt  }
0x4a: {  	_ =	shalt  }
0x4b: {  	_ =	shalt  }
0x4c: {  	_ =	shalt  }
0x4d: {  	_ =	shalt  }
0x4e: {  	_ =	shalt  }
0x4f: {  	_ =	shalt  }
0x50: {  	_ =	shalt  }
0x51: {  	_ =	shalt  }
0x52: {  	_ =	shalt  }
0x53: {  	_ =	shalt  }
0x54: {  	_ =	shalt  }
0x55: {  	_ =	shalt  }
0x56: {  	_ =	shalt  }
0x57: {  	_ =	shalt  }
0x58: {  	_ =	shalt  }
0x59: {  	_ =	shalt  }
0x5a: {  	_ =	shalt  }
0x5b: {  	_ =	shalt  }
0x5c: {  	_ =	shalt  }
0x5d: {  	_ =	shalt  }
0x5e: {  	_ =	shalt  }
0x5f: {  	_ =	shalt  }
0x60: {  	_ =	shalt  }
0x61: {  	_ =	shalt  }
0x62: {  	_ =	shalt  }
0x63: {  	_ =	shalt  }
0x64: {  	_ =	shalt  }
0x65: {  	_ =	shalt  }
0x66: {  	_ =	shalt  }
0x67: {  	_ =	shalt  }
0x68: {  	_ =	shalt  }
0x69: {  	_ =	shalt  }
0x6a: {  	_ =	shalt  }
0x6b: {  	_ =	shalt  }
0x6c: {  	_ =	shalt  }
0x6d: {  	_ =	shalt  }
0x6e: {  	_ =	shalt  }
0x6f: {  	_ =	shalt  }
0x70: {  	_ =	shalt  }
0x71: {  	_ =	shalt  }
0x72: {  	_ =	shalt  }
0x73: {  	_ =	shalt  }
0x74: {  	_ =	shalt  }
0x75: {  	_ =	shalt  }
0x76: {  	_ =	shalt  }
0x77: {  	_ =	shalt  }
0x78: {  	_ =	shalt  }
0x79: {  	_ =	shalt  }
0x7a: {  	_ =	shalt  }
0x7b: {  	_ =	shalt  }
0x7c: {  	_ =	shalt  }
0x7d: {  	_ =	shalt  }
0x7e: {  	_ =	shalt  }
0x7f: {  	_ =	shalt  }
0x80: {  	_ =	shalt  }
0x81: {  	_ =	shalt  }
0x82: {  	_ =	shalt  }
0x83: {  	_ =	shalt  }
0x84: {  	_ =	shalt  }
0x85: {  	_ =	shalt  }
0x86: {  	_ =	shalt  }
0x87: {  	_ =	shalt  }
.Lfunc_end0:
.L_simem_size_0:
called_computation.2_lowered:
.L_overlay_start_0:
0x88: {  	s2 =	sld [smem:$0x3FD9]  }
0x89: {  	s3 =	sld [smem:$0x3FFE];
	_ =	sdelay $0x1  }
0x8a: {  	s1 =	srdreg.scid  }
0x8b: {  	s0 =	sand.u32 $0x1, s1  }
0x8c: {  	s17 =	sshll.u32 s0, $0xA;
	s2 =	sadd.s32 s3, s2  }
0x8d: {  	s2 =	sadd.s32 s2, s17  }
0x8e: {  	[smem:$0x3FC2] =	sst s2  }
0x8f: {  	_ = 	snop  }
0x90: {  	s2 =	sld [smem:$0x3FD0];
	(tm) =	ssettm $0x1  }
0x91: {  	s18 =	sld [smem:$0x3FFB];
	_ =	sdelay $0x3  }
0x92: {  	_ =	strace s18  }
0x93: {  	s3 =	sld [smem:$0x3FFC];
	_ =	sdelay $0x3  }
0x94: {  	_ =	strace s3  }
0x95: {  	s3 =	sld [smem:$0x3FFD];
	_ =	sdelay $0x3  }
0x96: {  	_ =	strace s3  }
0x97: {  	_ =	strace $0x8FFFFFFF  }
0x98: {  	s19 =	sld [smem:$0x3FDB];
	_ =	sdelay $0x1  }
0x99: {  	s4 =	simm.s32 $_scs_section_size  }
0x9a: {  	s5 =	simm.s32 $_size__tile_overlayer_lowered;
	s6 =	simm.s32 $_tile_overlayer_lowered  }
0x9b: {  	s22 =	simm.s32 $0x1BFF;
	s21 =	sshll.u32 s6, $0x1;
	s3 =	sadd.s32 s4, s19  }
0x9c: {  	s7 =	simm.s32 $0x0;
	s20 =	sshll.u32 s5, $0x1;
	s5 =	sadd.s32 s21, s3  }
0x9d: {  	[timem:s7], [sflag:s22] =	dma.local [hbm:s5], s20  }
0x9e: {  	_ =	swait.ge [sflag:s22], s20  }
0x9f: {  	s4 =	ssub.s32 $0x0, s20;
	[sflag:s22] =	ssyncset.done $0x0  }
0xa0: {  	[sflag:s22] =	ssyncadd.s32 s4;
	_ =	sdelay $0x1  }
0xa1: {  	s23 =	simm.s32 $0x1B8B  }
0xa2: {  	_ =	swait.ge [sflag:s23], $0x1  }
0xa3: {  	[sflag:s23] =	ssyncset.done $0x0  }
0xa4: {  	s25 =	simm.s32 $0x1B8E;
	s24 =	sld [smem:$0x3FFE];
	[sflag:s23] =	ssyncadd.s32 $0xFFFFFFFF  }
0xa5: {  	s26 =	simm.s32 $execute0_lowered;
	[smem:$0x3FD2] =	sst s25  }
0xa6: {  	s5 =	sshll.u32 s26, $0x1;
	_ =	strace $0x8000004C;
	[dreg:$0x1] =	wrdreg $0xFFFFFFFF  }
0xa7: {  	s28 =	simm.s32 $_size_execute0_lowered;
	s3 =	sadd.s32 s3, s5;
	[dreg:$0x0] =	wrdreg $0x0  }
0xa8: {  	s5 =	sshll.u32 s28, $0x1;
	[dreg:$0x2] =	wrdreg s3  }
0xa9: {  	[dreg:$0x3] =	wrdreg s5  }
0xaa: {  	[dreg:$0x4] =	wrdreg $0xC0  }
0xab: {  	_ =	task [dreg:s7], $0x5FFFF  }
0xac: {  	[dreg:$0x1] =	wrdreg $0xFFFFFFFF  }
0xad: {  	[dreg:$0x0] =	wrdreg $0x60  }
0xae: {  	[dreg:$0x2] =	wrdreg s2  }
0xaf: {  	[dreg:$0x3] =	wrdreg s24  }
0xb0: {  	[dreg:$0x4] =	wrdreg $0x81800  }
0xb1: {  	[dreg:$0x5] =	wrdreg $0x9  }
0xb2: {  	_ =	task.clear_ibuf [dreg:s7], $0x6FFFF;
	_ =	strace $0x9000004C  }
0xb3: {  	s29 =	simm.s32 $0x9;
	_ =	strace $0x8000004E  }
0xb4: {  	_ =	swait.ge [sflag:s29], $0x1  }
0xb5: {  	[sflag:s29] =	ssyncadd.s32 $0xFFFFFFFF  }
0xb6: {  	_ =	strace $0x9000004E  }
0xb7: {  	_ =	sfence  }
0xb8: {  	s30 =	sld [smem:$0x0];
	_ =	sdelay $0x2  }
0xb9: {  	s31 =	sshll.u32 s1, $0xD;
	s1 =	sshrl.u32 s1, $0x2  }
0xba: {  	s3 =	sand.u32 $0x4000, s31;
	s1 =	sadd.s32 s1, s30  }
0xbb: {  	s0 =	sor.u32 s3, s0;
	s1 =	sshll.u32 s1, $0x11  }
0xbc: {  	s0 =	sor.u32 s1, s0  }
0xbd: {  	s0 =	sadd.s32 $0x8F2B, s0  }
0xbe: {  	[sflag:s0] =	ssyncadd.remote.s32 $0x1  }
0xbf: {  	_ =	sfence.sel $0xFFFF  }
0xc0: {  	[dreg:$0x0] =	wrdreg $0xFFFFFFFF;
	(pc) =	sbr.abs _section_cstart, $3  }
0xc1: {  	[dreg:$0x1] =	wrdreg $0xFFFFFFFF  }
0xc2: {  	_ =	task.clear_ibuf [dreg:s7], $0x2FFFF;
	_ =	strace $0x9FFFFFFF  }
0xc3: {  	(tm) =	ssettm $0x7FFFFFFF  }
tec
execute0_lowered:
.L_overlay_start_1:
0x0: {  	(tag) =	ssettag $0x1  }
0x1: {  	s1 =	rddreg [dreg:$0x0]  }
0x2: {  	s8 =	rddreg [dreg:$0x1]  }
0x3: {  	s2 =	rddreg [dreg:$0x2]  }
0x4: {  	s3 =	simm.s32 $0x0;
	s4 =	srdreg.scid;
	s0 =	stileid.u32  }
0x5: {  	[smem:$0x7FF] =	sst s3;
	s5 =	sadd.s32 $0x5DA00, s8;
	s9 =	sand.u32 $0x1, s4  }
0x6: {  	s6 =	sadd.s32 $0x3200, s8;
	s7 =	sadd.s32 $0xD200, s8;
	s14 =	smul.u32 $0x280, s0  }
0x7: {  	s12 =	sadd.s32 $0x67A00, s8;
	s26 =	smul.u32 $0x14000, s0;
	_ =	strace $0x8000004D  }
0x8: {  	s10 =	ssub.s32 $0x2, s9;
	s31 =	sshll.u32 s9, $0x4;
	s4 =	smul.u32 $0x140000, s9  }
0x9: {  	s11 =	sshrl.u32 s10, $0x1;
	s13 =	sor.u32 s0, s31;
	s17 =	sor.u32 $0x10, s14  }
0xa: {  	s19 =	sor.u32 $0x20, s14;
	s20 =	sor.u32 $0x30, s14;
	s21 =	sor.u32 $0x40, s14  }
0xb: {  	s22 =	sadd.s32 $0x80, s14;
	s23 =	sadd.s32 $0x100, s14;
	s16 =	sadd.s32 $0x180, s14  }
0xc: {  	s18 =	sadd.s32 $0x200, s14;
	s15 =	ssub.s32 s10, s11;
	s9 =	sadd.s32 s26, s4  }
0xd: {  	s28 =	sshll.u32 s22, $0x7;
	s29 =	sshll.u32 s23, $0x7;
	s24 =	sshll.u32 s16, $0x7  }
0xe: {  	v39 =	vlaneseq.u32;
	s25 =	sshll.u32 s18, $0x7;
	s26 =	sor.u32 $0x50, s14;
	s13 =	smul.u32 $0x2800, s13  }
0xf: {  	v1 =	vor.u32 s19, v39;
	v2 =	vor.u32 s20, v39;
	v3 =	vor.u32 s21, v39;
	s19 =	sadd.s32 $0xE0, s14;
	s20 =	sadd.s32 $0xF0, s14;
	s21 =	sadd.s32 $0x110, s14  }
0x10: {  	v0 =	vor.u32 s17, v39;
	v7 =	vor.u32 s22, v39;
	s22 =	sadd.s32 $0x150, s14;
	s17 =	sadd.s32 $0x190, s14;
	v15 =	vor.u32 s23, v39;
	s23 =	sadd.s32 $0x1E0, s14  }
0x11: {  	s9 =	sshrl.u32 s9, $0x3;
	s10 =	sadd.s32 s4, s28;
	s11 =	sadd.s32 s4, s29  }
0x12: {  	s24 =	sadd.s32 s4, s24;
	s25 =	sadd.s32 s4, s25;
	s28 =	sadd.s32 $0x90, s14  }
0x13: {  	s29 =	sadd.s32 $0xA0, s14;
	v4 =	vor.u32 s26, v39;
	s26 =	sadd.s32 $0x140, s14;
	v13 =	vor.u32 s19, v39;
	s19 =	sadd.s32 $0x1C0, s14  }
0x14: {  	v14 =	vor.u32 s20, v39;
	s20 =	sadd.s32 $0x1D0, s14;
	v16 =	vor.u32 s21, v39;
	s21 =	sadd.s32 $0x1F0, s14;
	v20 =	vor.u32 s22, v39;
	s22 =	sadd.s32 $0x230, s14  }
0x15: {  	v30 =	vor.u32 s23, v39;
	s15 =	smax.u32 s15, $0x1;
	s23 =	simm.s32 $0x1;
	s8 =	sadd.s32 s12, s9  }
0x16: {  	s30 =	sshrl.u32 s10, $0x3;
	s31 =	sshrl.u32 s11, $0x3;
	s0 =	sshrl.u32 s24, $0x3  }
0x17: {  	s4 =	sshrl.u32 s25, $0x3;
	s25 =	sor.u32 $0x60, s14;
	s24 =	sadd.s32 $0x120, s14  }
0x18: {  	v8 =	vor.u32 s28, v39;
	v9 =	vor.u32 s29, v39;
	s28 =	sadd.s32 $0x160, s14;
	v19 =	vor.u32 s26, v39;
	s26 =	sadd.s32 $0x240, s14;
	s29 =	sadd.s32 $0x260, s14  }
0x19: {  	v23 =	vor.u32 s16, v39;
	s16 =	sshrl.u32 s13, $0x3;
	v28 =	vor.u32 s19, v39;
	v29 =	vor.u32 s20, v39;
	s19 =	simm.s32 $0x180;
	s20 =	simm.s32 $0x3  }
0x1a: {  	v31 =	vor.u32 s21, v39;
	v35 =	vor.u32 s22, v39;
	s21 =	simm.s32 $0x80;
	s22 =	simm.s32 $0x4180;
	s9 =	sadd.s32 s12, s30  }
0x1b: {  	s10 =	sadd.s32 s12, s31;
	s11 =	sadd.s32 s12, s0;
	s12 =	sadd.s32 s12, s4  }
0x1c: {  	v24 =	vor.u32 s14, v39;
	v32 =	vor.u32 s18, v39;
	s0 =	sor.u32 $0x70, s14;
	s4 =	sadd.s32 $0xB0, s14;
	s30 =	sadd.s32 $0xC0, s14  }
0x1d: {  	v25 =	vor.u32 s17, v39;
	s31 =	sadd.s32 $0xD0, s14;
	v5 =	vor.u32 s25, v39;
	s25 =	sadd.s32 $0x130, s14;
	v17 =	vor.u32 s24, v39;
	s24 =	sadd.s32 $0x210, s14  }
0x1e: {  	v21 =	vor.u32 s28, v39;
	s28 =	sadd.s32 $0x250, s14;
	v36 =	vor.u32 s26, v39;
	s26 =	simm.s32 $0x0;
	v6 =	vor.u32 s0, v39;
	s0 =	sadd.s32 $0x170, s14  }
0x1f: {  	v10 =	vor.u32 s4, v39;
	v11 =	vor.u32 s30, v39;
	s30 =	sadd.s32 $0x1A0, s14;
	s4 =	sadd.s32 $0x1B0, s14;
	v18 =	vor.u32 s25, v39;
	s25 =	sadd.s32 $0x220, s14  }
0x20: {  	v12 =	vor.u32 s31, v39;
	s31 =	sadd.s32 $0x4F0, s16;
	v33 =	vor.u32 s24, v39;
	s24 =	simm.s32 $0x100;
	v22 =	vor.u32 s0, v39;
	s0 =	sadd.s32 $0x270, s14  }
0x21: {  	v38 =	vor.u32 s29, v39;
	v37 =	vor.u32 s28, v39;
	v27 =	vor.u32 s4, v39;
	s14 =	sadd.s32 s5, s16;
	s4 =	sadd.s32 s6, s16;
	s17 =	sadd.s32 s5, s31  }
0x22: {  	v26 =	vor.u32 s30, v39;
	s18 =	sadd.s32 s6, s31;
	v34 =	vor.u32 s25, v39;
	s25 =	simm.s32 $0x2;
	s16 =	sadd.s32 $0x4E0, s4;
	v39 =	vor.u32 s0, v39  }
.LBB2_1:
0x23: {  	[tilespmem:s19], [sflag:$0x3] =	stream.linear.gather [hbm4b:s7+s3], $0x4000, $0x38;
	[tilespmem:$0x1C180] =	vst v63  }
0x24: {  	_ =	swait.ge [sflag:s20], $0x4000  }
0x25: {  	[sflag:s20] =	ssyncset.done $0x0  }
0x26: {  	[sflag:s20] =	ssyncadd.s32 $0xFFFFC000  }
0x27: {  	[tilespmem:$0x100] =	vst v24  }
0x28: {  	[tilespmem:$0x110] =	vst v0  }
0x29: {  	[tilespmem:$0x120] =	vst v1  }
0x2a: {  	[tilespmem:$0x130] =	vst v2  }
0x2b: {  	[tilespmem:$0x140] =	vst v3  }
0x2c: {  	[tilespmem:$0x150] =	vst v4  }
0x2d: {  	[tilespmem:$0x160] =	vst v5  }
0x2e: {  	[tilespmem:$0x170] =	vst v6  }
0x2f: {  	[spmem:s2] =	stream.indirect.scatter [tilespmem:s19], [sflag:$0x3], $0x80, s24, s21, $0xb8;
	[tilespmem:$0x1C180] =	vst v63  }
0x30: {  	_ =	swait.ge [sflag:s20], $0x4000  }
0x31: {  	[sflag:s20] =	ssyncset.done $0x0  }
0x32: {  	[sflag:s20] =	ssyncadd.s32 $0xFFFFC000  }
0x33: {  	[tilespmem:$0x100] =	vst v7  }
0x34: {  	[tilespmem:$0x110] =	vst v8  }
0x35: {  	[tilespmem:$0x120] =	vst v9  }
0x36: {  	[tilespmem:$0x130] =	vst v10  }
0x37: {  	[tilespmem:$0x140] =	vst v11  }
0x38: {  	[tilespmem:$0x150] =	vst v12  }
0x39: {  	[tilespmem:$0x160] =	vst v13  }
0x3a: {  	[tilespmem:$0x170] =	vst v14  }
0x3b: {  	[spmem:s2] =	stream.indirect.scatter [tilespmem:s19], [sflag:$0x3], $0x80, s24, s21, $0xb8;
	[tilespmem:$0x1C180] =	vst v63  }
0x3c: {  	_ =	swait.ge [sflag:s20], $0x4000  }
0x3d: {  	[sflag:s20] =	ssyncset.done $0x0  }
0x3e: {  	[sflag:s20] =	ssyncadd.s32 $0xFFFFC000  }
0x3f: {  	[tilespmem:$0x100] =	vst v15  }
0x40: {  	[tilespmem:$0x110] =	vst v16  }
0x41: {  	[tilespmem:$0x120] =	vst v17  }
0x42: {  	[tilespmem:$0x130] =	vst v18  }
0x43: {  	[tilespmem:$0x140] =	vst v19  }
0x44: {  	[tilespmem:$0x150] =	vst v20  }
0x45: {  	[tilespmem:$0x160] =	vst v21  }
0x46: {  	[tilespmem:$0x170] =	vst v22  }
0x47: {  	[spmem:s2] =	stream.indirect.scatter [tilespmem:s19], [sflag:$0x3], $0x80, s24, s21, $0xb8;
	[tilespmem:$0x1C180] =	vst v63  }
0x48: {  	_ =	swait.ge [sflag:s20], $0x4000  }
0x49: {  	[sflag:s20] =	ssyncset.done $0x0  }
0x4a: {  	[sflag:s20] =	ssyncadd.s32 $0xFFFFC000  }
0x4b: {  	[tilespmem:$0x100] =	vst v23  }
0x4c: {  	[tilespmem:$0x110] =	vst v25  }
0x4d: {  	[tilespmem:$0x120] =	vst v26  }
0x4e: {  	[tilespmem:$0x130] =	vst v27  }
0x4f: {  	[tilespmem:$0x140] =	vst v28  }
0x50: {  	[tilespmem:$0x150] =	vst v29  }
0x51: {  	[tilespmem:$0x160] =	vst v30  }
0x52: {  	[tilespmem:$0x170] =	vst v31  }
0x53: {  	[spmem:s2] =	stream.indirect.scatter [tilespmem:s19], [sflag:$0x3], $0x80, s24, s21, $0xb8;
	[tilespmem:$0x1C180] =	vst v63  }
0x54: {  	_ =	swait.ge [sflag:s20], $0x4000  }
0x55: {  	[sflag:s20] =	ssyncset.done $0x0  }
0x56: {  	[sflag:s20] =	ssyncadd.s32 $0xFFFFC000  }
0x57: {  	[tilespmem:$0x100] =	vst v32  }
0x58: {  	[tilespmem:$0x110] =	vst v33  }
0x59: {  	[tilespmem:$0x120] =	vst v34  }
0x5a: {  	[tilespmem:$0x130] =	vst v35  }
0x5b: {  	[tilespmem:$0x140] =	vst v36  }
0x5c: {  	[tilespmem:$0x150] =	vst v37  }
0x5d: {  	[tilespmem:$0x160] =	vst v38  }
0x5e: {  	[tilespmem:$0x170] =	vst v39  }
0x5f: {  	[spmem:s2] =	stream.indirect.scatter [tilespmem:s19], [sflag:$0x3], $0x80, s24, s21, $0xb8;
	[tilespmem:$0x1C180] =	vst v63  }
0x60: {  	_ =	swait.ge [sflag:s20], $0x4000  }
0x61: {  	s0 =	simm.s32 $0x0;
	[sflag:s20] =	ssyncset.done $0x0  }
0x62: {  	s28 =	sand.u32 $0x3C00, s0;
	[sflag:s20] =	ssyncadd.s32 $0xFFFFC000  }
0x63: {  	s0 =	sand.u32 $0x300, s0;
	s28 =	sadd.s32 s13, s28;
	[bflag:$0x0] =	sbarrier.arrive $0xFFFF  }
0x64: {  	[tilespmem:s3], [sflag:$0x3] =	stream.linear.gather [hbm4b:s14+s3], $0x80, $0x38;
	[tilespmem:$0x1C180] =	vst v63  }
0x65: {  	s0 =	sor.u32 s0, s28;
	_ =	swait.ge [sflag:s20], $0x80  }
0x66: {  	s0 =	sshrl.u32 s0, $0x3;
	[sflag:s20] =	ssyncset.done $0x0  }
0x67: {  	s28 =	sor.u32 $0x10, s0;
	[sflag:s20] =	ssyncadd.s32 $0xFFFFFF80  }
0x68: {  	[tilespmem:s19], [sflag:$0x1] =	stream.indirect.gather [hbm4b:s1+s21], $0x80, s3, s21, $0xb8;
	[tilespmem:$0x1C180] =	vst v63  }
0x69: {  	s29 =	sadd.s32 s5, s28  }
0x6a: {  	[tilespmem:s21], [sflag:$0x3] =	stream.linear.gather [hbm4b:s29+s3], $0x80, $0x38;
	[tilespmem:$0x1C180] =	vst v63  }
0x6b: {  	_ =	swait.ge [sflag:s20], $0x80  }
0x6c: {  	[sflag:s20] =	ssyncset.done $0x0  }
0x6d: {  	[sflag:s20] =	ssyncadd.s32 $0xFFFFFF80  }
0x6e: {  	[tilespmem:s22], [sflag:$0x2] =	stream.indirect.gather [hbm4b:s1+s21], $0x80, s21, s21, $0xb8;
	[tilespmem:$0x1C180] =	vst v63  }
0x6f: {  	_ =	swait.ge [sflag:s23], $0x4000  }
0x70: {  	[sflag:s23] =	ssyncset.done $0x0  }
0x71: {  	s0 =	sadd.s32 s6, s0;
	[sflag:s23] =	ssyncadd.s32 $0xFFFFC000  }
0x72: {  	[tilespmem:s24], [sflag:$0x3] =	stream.linear.gather [hbm4b:s0+s3], $0x80, $0x38;
	[tilespmem:$0x1C180] =	vst v63  }
0x73: {  	_ =	swait.ge [sflag:s20], $0x80  }
0x74: {  	s4 =	sand.u32 $0x7C00, s24;
	[sflag:s20] =	ssyncset.done $0x0  }
0x75: {  	s29 =	sand.u32 $0x300, s24;
	s0 =	sadd.s32 s13, s4;
	[sflag:s20] =	ssyncadd.s32 $0xFFFFFF80  }
0x76: {  	[spmem:s2] =	stream.indirect.scatter.add.f32 [tilespmem:s19], [sflag:$0x3], $0x80, s24, s21, $0xb8;
	[tilespmem:$0x1C180] =	vst v63  }
0x77: {  	s0 =	sor.u32 s29, s0;
	_ =	swait.ge [sflag:s20], $0x4000  }
0x78: {  	s0 =	sshrl.u32 s0, $0x3;
	[sflag:s20] =	ssyncset.done $0x0  }
0x79: {  	s0 =	sadd.s32 s5, s0;
	[sflag:s20] =	ssyncadd.s32 $0xFFFFC000  }
0x7a: {  	[tilespmem:s3], [sflag:$0x3] =	stream.linear.gather [hbm4b:s0+s3], $0x80, $0x38;
	[tilespmem:$0x1C180] =	vst v63  }
0x7b: {  	_ =	swait.ge [sflag:s20], $0x80  }
0x7c: {  	[sflag:s20] =	ssyncset.done $0x0  }
0x7d: {  	s31 =	simm.s32 $0x100;
	[sflag:s20] =	ssyncadd.s32 $0xFFFFFF80  }
0x7e: {  	[tilespmem:s19], [sflag:$0x1] =	stream.indirect.gather [hbm4b:s1+s21], $0x80, s3, s21, $0xb8;
	[tilespmem:$0x1C180] =	vst v63  }
0x7f: {  	s29 =	sand.u32 $0x3C00, s31;
	_ =	swait.ge [sflag:s25], $0x4000  }
0x80: {  	s28 =	sadd.s32 s6, s28;
	s30 =	sadd.s32 s13, s29;
	[sflag:s25] =	ssyncset.done $0x0  }
0x81: {  	s29 =	simm.s32 $0x300;
	s0 =	sand.u32 $0x300, s31;
	[sflag:s25] =	ssyncadd.s32 $0xFFFFC000  }
0x82: {  	[tilespmem:s24], [sflag:$0x3] =	stream.linear.gather [hbm4b:s28+s3], $0x80, $0x38;
	[tilespmem:$0x1C180] =	vst v63  }
0x83: {  	s30 =	sor.u32 s0, s30;
	s28 =	simm.s32 $0x200;
	_ =	swait.ge [sflag:s20], $0x80  }
.LBB2_2:
0x84: {  	p0 =	sne.s32 s29, $0x2700  }
0x85: {  	[sflag:s20] =	ssyncset.done $0x0;
	s0 =	smov.u32 s29;
	s29 =	sadd.s32 $0x100, s29  }
0x86: {  	[sflag:s20] =	ssyncadd.s32 $0xFFFFFF80  }
0x87: {  	[spmem:s2] =	stream.indirect.scatter.add.f32 [tilespmem:s22], [sflag:$0x3], $0x80, s24, s21, $0xb8;
	[tilespmem:$0x1C180] =	vst v63  }
0x88: {  	s30 =	sshrl.u32 s30, $0x3;
	_ =	swait.ge [sflag:s20], $0x4000  }
0x89: {  	s31 =	sor.u32 $0x10, s30;
	[sflag:s20] =	ssyncset.done $0x0  }
0x8a: {  	s4 =	sadd.s32 s5, s31;
	[sflag:s20] =	ssyncadd.s32 $0xFFFFC000  }
0x8b: {  	[tilespmem:s21], [sflag:$0x3] =	stream.linear.gather [hbm4b:s4+s3], $0x80, $0x38;
	[tilespmem:$0x1C180] =	vst v63  }
0x8c: {  	_ =	swait.ge [sflag:s20], $0x80  }
0x8d: {  	[sflag:s20] =	ssyncset.done $0x0  }
0x8e: {  	[sflag:s20] =	ssyncadd.s32 $0xFFFFFF80  }
0x8f: {  	[tilespmem:s22], [sflag:$0x2] =	stream.indirect.gather [hbm4b:s1+s21], $0x80, s21, s21, $0xb8;
	[tilespmem:$0x1C180] =	vst v63  }
0x90: {  	_ =	swait.ge [sflag:s23], $0x4000  }
0x91: {  	[sflag:s23] =	ssyncset.done $0x0  }
0x92: {  	s4 =	sadd.s32 s6, s30;
	[sflag:s23] =	ssyncadd.s32 $0xFFFFC000  }
0x93: {  	[tilespmem:s24], [sflag:$0x3] =	stream.linear.gather [hbm4b:s4+s3], $0x80, $0x38;
	[tilespmem:$0x1C180] =	vst v63  }
0x94: {  	_ =	swait.ge [sflag:s20], $0x80  }
0x95: {  	[sflag:s20] =	ssyncset.done $0x0  }
0x96: {  	s30 =	sand.u32 $0x300, s28;
	s4 =	sand.u32 $0x7C00, s28;
	[sflag:s20] =	ssyncadd.s32 $0xFFFFFF80  }
0x97: {  	[spmem:s2] =	stream.indirect.scatter.add.f32 [tilespmem:s19], [sflag:$0x3], $0x80, s24, s21, $0xb8;
	[tilespmem:$0x1C180] =	vst v63  }
0x98: {  	s28 =	smov.u32 s0;
	s4 =	sadd.s32 s13, s4;
	_ =	swait.ge [sflag:s20], $0x4000  }
0x99: {  	s0 =	sor.u32 s30, s4;
	[sflag:s20] =	ssyncset.done $0x0  }
0x9a: {  	s0 =	sshrl.u32 s0, $0x3;
	[sflag:s20] =	ssyncadd.s32 $0xFFFFC000  }
0x9b: {  	s0 =	sadd.s32 s5, s0  }
0x9c: {  	[tilespmem:s3], [sflag:$0x3] =	stream.linear.gather [hbm4b:s0+s3], $0x80, $0x38;
	[tilespmem:$0x1C180] =	vst v63  }
0x9d: {  	_ =	swait.ge [sflag:s20], $0x80  }
0x9e: {  	[sflag:s20] =	ssyncset.done $0x0  }
0x9f: {  	[sflag:s20] =	ssyncadd.s32 $0xFFFFFF80  }
0xa0: {  	[tilespmem:s19], [sflag:$0x1] =	stream.indirect.gather [hbm4b:s1+s21], $0x80, s3, s21, $0xb8;
	[tilespmem:$0x1C180] =	vst v63  }
.Ltmp0:
0xa1: {  	s0 =	sadd.s32 $0xFFFFFF00, s28;
	_ =	swait.ge [sflag:s25], $0x4000;
	(pc) =	sbr.rel @p0 .LBB2_2-.Ltmp0, $4  }
0xa2: {  	s30 =	sadd.s32 s6, s31;
	s4 =	sand.u32 $0x3C00, s0;
	[sflag:s25] =	ssyncset.done $0x0  }
0xa3: {  	s0 =	sand.u32 $0x300, s0;
	s4 =	sadd.s32 s13, s4;
	[sflag:s25] =	ssyncadd.s32 $0xFFFFC000  }
0xa4: {  	[tilespmem:s24], [sflag:$0x3] =	stream.linear.gather [hbm4b:s30+s3], $0x80, $0x38;
	[tilespmem:$0x1C180] =	vst v63  }
0xa5: {  	s30 =	sor.u32 s0, s4;
	_ =	swait.ge [sflag:s20], $0x80  }
0xa6: {  	[sflag:s20] =	ssyncset.done $0x0  }
0xa7: {  	[sflag:s20] =	ssyncadd.s32 $0xFFFFFF80  }
0xa8: {  	[spmem:s2] =	stream.indirect.scatter.add.f32 [tilespmem:s22], [sflag:$0x3], $0x80, s24, s21, $0xb8;
	[tilespmem:$0x1C180] =	vst v63  }
0xa9: {  	s0 =	sshrl.u32 s30, $0x3;
	_ =	swait.ge [sflag:s20], $0x4000  }
0xaa: {  	s4 =	sor.u32 $0x10, s0;
	[sflag:s20] =	ssyncset.done $0x0  }
0xab: {  	s29 =	sadd.s32 s5, s4;
	[sflag:s20] =	ssyncadd.s32 $0xFFFFC000  }
0xac: {  	[tilespmem:s21], [sflag:$0x3] =	stream.linear.gather [hbm4b:s29+s3], $0x80, $0x38;
	[tilespmem:$0x1C180] =	vst v63  }
0xad: {  	_ =	swait.ge [sflag:s20], $0x80  }
0xae: {  	[sflag:s20] =	ssyncset.done $0x0  }
0xaf: {  	[sflag:s20] =	ssyncadd.s32 $0xFFFFFF80  }
0xb0: {  	[tilespmem:s22], [sflag:$0x2] =	stream.indirect.gather [hbm4b:s1+s21], $0x80, s21, s21, $0xb8;
	[tilespmem:$0x1C180] =	vst v63  }
0xb1: {  	_ =	swait.ge [sflag:s23], $0x4000  }
0xb2: {  	[sflag:s23] =	ssyncset.done $0x0  }
0xb3: {  	s0 =	sadd.s32 s6, s0;
	[sflag:s23] =	ssyncadd.s32 $0xFFFFC000  }
0xb4: {  	[tilespmem:s24], [sflag:$0x3] =	stream.linear.gather [hbm4b:s0+s3], $0x80, $0x38;
	[tilespmem:$0x1C180] =	vst v63  }
0xb5: {  	_ =	swait.ge [sflag:s20], $0x80  }
0xb6: {  	s29 =	sand.u32 $0x7C00, s28;
	[sflag:s20] =	ssyncset.done $0x0  }
0xb7: {  	s30 =	sand.u32 $0x300, s28;
	s0 =	sadd.s32 s13, s29;
	[sflag:s20] =	ssyncadd.s32 $0xFFFFFF80  }
0xb8: {  	[spmem:s2] =	stream.indirect.scatter.add.f32 [tilespmem:s19], [sflag:$0x3], $0x80, s24, s21, $0xb8;
	[tilespmem:$0x1C180] =	vst v63  }
0xb9: {  	s0 =	sor.u32 s30, s0;
	_ =	swait.ge [sflag:s20], $0x4000  }
0xba: {  	s0 =	sshrl.u32 s0, $0x3;
	[sflag:s20] =	ssyncset.done $0x0  }
0xbb: {  	s0 =	sadd.s32 s5, s0;
	[sflag:s20] =	ssyncadd.s32 $0xFFFFC000  }
0xbc: {  	[tilespmem:s3], [sflag:$0x3] =	stream.linear.gather [hbm4b:s0+s3], $0x80, $0x38;
	[tilespmem:$0x1C180] =	vst v63  }
0xbd: {  	_ =	swait.ge [sflag:s20], $0x80  }
0xbe: {  	[sflag:s20] =	ssyncset.done $0x0  }
0xbf: {  	[sflag:s20] =	ssyncadd.s32 $0xFFFFFF80  }
0xc0: {  	[tilespmem:s19], [sflag:$0x1] =	stream.indirect.gather [hbm4b:s1+s21], $0x80, s3, s21, $0xb8;
	[tilespmem:$0x1C180] =	vst v63  }
0xc1: {  	_ =	swait.ge [sflag:s25], $0x4000  }
0xc2: {  	[sflag:s25] =	ssyncset.done $0x0  }
0xc3: {  	s31 =	sadd.s32 s6, s4;
	[sflag:s25] =	ssyncadd.s32 $0xFFFFC000  }
0xc4: {  	[tilespmem:s24], [sflag:$0x3] =	stream.linear.gather [hbm4b:s31+s3], $0x80, $0x38;
	[tilespmem:$0x1C180] =	vst v63  }
0xc5: {  	_ =	swait.ge [sflag:s20], $0x80  }
0xc6: {  	[sflag:s20] =	ssyncset.done $0x0  }
0xc7: {  	[sflag:s20] =	ssyncadd.s32 $0xFFFFFF80  }
0xc8: {  	[spmem:s2] =	stream.indirect.scatter.add.f32 [tilespmem:s22], [sflag:$0x3], $0x80, s24, s21, $0xb8;
	[tilespmem:$0x1C180] =	vst v63  }
0xc9: {  	_ =	swait.ge [sflag:s20], $0x4000  }
0xca: {  	[sflag:s20] =	ssyncset.done $0x0  }
0xcb: {  	[sflag:s20] =	ssyncadd.s32 $0xFFFFC000  }
0xcc: {  	[tilespmem:s21], [sflag:$0x3] =	stream.linear.gather [hbm4b:s17+s3], $0x80, $0x38;
	[tilespmem:$0x1C180] =	vst v63  }
0xcd: {  	_ =	swait.ge [sflag:s20], $0x80  }
0xce: {  	[sflag:s20] =	ssyncset.done $0x0  }
0xcf: {  	[sflag:s20] =	ssyncadd.s32 $0xFFFFFF80  }
0xd0: {  	[tilespmem:s22], [sflag:$0x2] =	stream.indirect.gather [hbm4b:s1+s21], $0x80, s21, s21, $0xb8;
	[tilespmem:$0x1C180] =	vst v63  }
0xd1: {  	_ =	swait.ge [sflag:s23], $0x4000  }
0xd2: {  	[sflag:s23] =	ssyncset.done $0x0  }
0xd3: {  	[sflag:s23] =	ssyncadd.s32 $0xFFFFC000  }
0xd4: {  	[tilespmem:s24], [sflag:$0x3] =	stream.linear.gather [hbm4b:s16+s3], $0x80, $0x38;
	[tilespmem:$0x1C180] =	vst v63  }
0xd5: {  	_ =	swait.ge [sflag:s20], $0x80  }
0xd6: {  	[sflag:s20] =	ssyncset.done $0x0  }
0xd7: {  	[sflag:s20] =	ssyncadd.s32 $0xFFFFFF80  }
0xd8: {  	[spmem:s2] =	stream.indirect.scatter.add.f32 [tilespmem:s19], [sflag:$0x3], $0x80, s24, s21, $0xb8;
	[tilespmem:$0x1C180] =	vst v63  }
0xd9: {  	_ =	swait.ge [sflag:s20], $0x4000  }
0xda: {  	[sflag:s20] =	ssyncset.done $0x0  }
0xdb: {  	[sflag:s20] =	ssyncadd.s32 $0xFFFFC000  }
0xdc: {  	_ =	swait.ge [sflag:s25], $0x4000  }
0xdd: {  	[sflag:s25] =	ssyncset.done $0x0  }
0xde: {  	[sflag:s25] =	ssyncadd.s32 $0xFFFFC000  }
0xdf: {  	[tilespmem:s24], [sflag:$0x3] =	stream.linear.gather [hbm4b:s18+s3], $0x80, $0x38;
	[tilespmem:$0x1C180] =	vst v63  }
0xe0: {  	_ =	swait.ge [sflag:s20], $0x80  }
0xe1: {  	[sflag:s20] =	ssyncset.done $0x0  }
0xe2: {  	[sflag:s20] =	ssyncadd.s32 $0xFFFFFF80  }
0xe3: {  	[spmem:s2] =	stream.indirect.scatter.add.f32 [tilespmem:s22], [sflag:$0x3], $0x80, s24, s21, $0xb8;
	[tilespmem:$0x1C180] =	vst v63  }
0xe4: {  	_ =	swait.ge [sflag:s20], $0x4000  }
0xe5: {  	[sflag:s20] =	ssyncset.done $0x0  }
0xe6: {  	[sflag:s20] =	ssyncadd.s32 $0xFFFFC000  }
0xe7: {  	[bflag:$0x0] =	sbarrier.arrive $0xFFFF  }
0xe8: {  	[tilespmem:$0x100] =	vst v24  }
0xe9: {  	[tilespmem:$0x110] =	vst v0  }
0xea: {  	[tilespmem:$0x120] =	vst v1  }
0xeb: {  	[tilespmem:$0x130] =	vst v2  }
0xec: {  	[tilespmem:$0x140] =	vst v3  }
0xed: {  	[tilespmem:$0x150] =	vst v4  }
0xee: {  	[tilespmem:$0x160] =	vst v5  }
0xef: {  	[tilespmem:$0x170] =	vst v6  }
0xf0: {  	[tilespmem:s19], [sflag:$0x3] =	stream.indirect.gather [spmem:s2], $0x80, s24, s21, $0xb8;
	[tilespmem:$0x1C180] =	vst v63  }
0xf1: {  	_ =	swait.ge [sflag:s20], $0x4000  }
0xf2: {  	[sflag:s20] =	ssyncset.done $0x0  }
0xf3: {  	[sflag:s20] =	ssyncadd.s32 $0xFFFFC000  }
0xf4: {  	[hbm4b:s8+s3] =	stream.linear.scatter [tilespmem:s19], [sflag:$0x3], $0x4000, $0x38;
	[tilespmem:$0x1C180] =	vst v63  }
0xf5: {  	_ =	swait.ge [sflag:s20], $0x4000  }
0xf6: {  	[sflag:s20] =	ssyncset.done $0x0  }
0xf7: {  	[sflag:s20] =	ssyncadd.s32 $0xFFFFC000  }
0xf8: {  	[tilespmem:$0x100] =	vst v7  }
0xf9: {  	[tilespmem:$0x110] =	vst v8  }
0xfa: {  	[tilespmem:$0x120] =	vst v9  }
0xfb: {  	[tilespmem:$0x130] =	vst v10  }
0xfc: {  	[tilespmem:$0x140] =	vst v11  }
0xfd: {  	[tilespmem:$0x150] =	vst v12  }
0xfe: {  	[tilespmem:$0x160] =	vst v13  }
0xff: {  	[tilespmem:$0x170] =	vst v14  }
0x100: {  	[tilespmem:s19], [sflag:$0x3] =	stream.indirect.gather [spmem:s2], $0x80, s24, s21, $0xb8;
	[tilespmem:$0x1C180] =	vst v63  }
0x101: {  	_ =	swait.ge [sflag:s20], $0x4000  }
0x102: {  	[sflag:s20] =	ssyncset.done $0x0  }
0x103: {  	[sflag:s20] =	ssyncadd.s32 $0xFFFFC000  }
0x104: {  	[hbm4b:s9+s3] =	stream.linear.scatter [tilespmem:s19], [sflag:$0x3], $0x4000, $0x38;
	[tilespmem:$0x1C180] =	vst v63  }
0x105: {  	_ =	swait.ge [sflag:s20], $0x4000  }
0x106: {  	[sflag:s20] =	ssyncset.done $0x0  }
0x107: {  	[sflag:s20] =	ssyncadd.s32 $0xFFFFC000  }
0x108: {  	[tilespmem:$0x100] =	vst v15  }
0x109: {  	[tilespmem:$0x110] =	vst v16  }
0x10a: {  	[tilespmem:$0x120] =	vst v17  }
0x10b: {  	[tilespmem:$0x130] =	vst v18  }
0x10c: {  	[tilespmem:$0x140] =	vst v19  }
0x10d: {  	[tilespmem:$0x150] =	vst v20  }
0x10e: {  	[tilespmem:$0x160] =	vst v21  }
0x10f: {  	[tilespmem:$0x170] =	vst v22  }
0x110: {  	[tilespmem:s19], [sflag:$0x3] =	stream.indirect.gather [spmem:s2], $0x80, s24, s21, $0xb8;
	[tilespmem:$0x1C180] =	vst v63  }
0x111: {  	_ =	swait.ge [sflag:s20], $0x4000  }
0x112: {  	[sflag:s20] =	ssyncset.done $0x0  }
0x113: {  	[sflag:s20] =	ssyncadd.s32 $0xFFFFC000  }
0x114: {  	[hbm4b:s10+s3] =	stream.linear.scatter [tilespmem:s19], [sflag:$0x3], $0x4000, $0x38;
	[tilespmem:$0x1C180] =	vst v63  }
0x115: {  	_ =	swait.ge [sflag:s20], $0x4000  }
0x116: {  	[sflag:s20] =	ssyncset.done $0x0  }
0x117: {  	[sflag:s20] =	ssyncadd.s32 $0xFFFFC000  }
0x118: {  	[tilespmem:$0x100] =	vst v23  }
0x119: {  	[tilespmem:$0x110] =	vst v25  }
0x11a: {  	[tilespmem:$0x120] =	vst v26  }
0x11b: {  	[tilespmem:$0x130] =	vst v27  }
0x11c: {  	[tilespmem:$0x140] =	vst v28  }
0x11d: {  	[tilespmem:$0x150] =	vst v29  }
0x11e: {  	[tilespmem:$0x160] =	vst v30  }
0x11f: {  	[tilespmem:$0x170] =	vst v31  }
0x120: {  	[tilespmem:s19], [sflag:$0x3] =	stream.indirect.gather [spmem:s2], $0x80, s24, s21, $0xb8;
	[tilespmem:$0x1C180] =	vst v63  }
0x121: {  	_ =	swait.ge [sflag:s20], $0x4000  }
0x122: {  	[sflag:s20] =	ssyncset.done $0x0  }
0x123: {  	[sflag:s20] =	ssyncadd.s32 $0xFFFFC000  }
0x124: {  	[hbm4b:s11+s3] =	stream.linear.scatter [tilespmem:s19], [sflag:$0x3], $0x4000, $0x38;
	[tilespmem:$0x1C180] =	vst v63  }
0x125: {  	_ =	swait.ge [sflag:s20], $0x4000  }
0x126: {  	[sflag:s20] =	ssyncset.done $0x0  }
0x127: {  	[sflag:s20] =	ssyncadd.s32 $0xFFFFC000  }
0x128: {  	[tilespmem:$0x100] =	vst v32  }
0x129: {  	[tilespmem:$0x110] =	vst v33  }
0x12a: {  	[tilespmem:$0x120] =	vst v34  }
0x12b: {  	[tilespmem:$0x130] =	vst v35  }
0x12c: {  	[tilespmem:$0x140] =	vst v36  }
0x12d: {  	[tilespmem:$0x150] =	vst v37  }
0x12e: {  	[tilespmem:$0x160] =	vst v38  }
0x12f: {  	[tilespmem:$0x170] =	vst v39  }
0x130: {  	[tilespmem:s19], [sflag:$0x3] =	stream.indirect.gather [spmem:s2], $0x80, s24, s21, $0xb8;
	[tilespmem:$0x1C180] =	vst v63  }
0x131: {  	s26 =	sadd.s32 $0x1, s26;
	_ =	swait.ge [sflag:s20], $0x4000  }
0x132: {  	p0 =	sne.s32 s26, s15;
	[sflag:s20] =	ssyncset.done $0x0  }
.Ltmp1:
0x133: {  	[sflag:s20] =	ssyncadd.s32 $0xFFFFC000;
	(pc) =	sbr.rel @p0 .LBB2_1-.Ltmp1, $4  }
0x134: {  	[hbm4b:s12+s3] =	stream.linear.scatter [tilespmem:s19], [sflag:$0x3], $0x4000, $0x38;
	[tilespmem:$0x1C180] =	vst v63  }
0x135: {  	_ =	swait.ge [sflag:s20], $0x4000  }
0x136: {  	[sflag:s20] =	ssyncset.done $0x0  }
0x137: {  	[sflag:s20] =	ssyncadd.s32 $0xFFFFC000  }
0x138: {  	_ =	sfence.sel $0x180000  }
0x139: {  	[bflag:$0x0] =	sbarrier.arrive $0xFFFF  }
0x13a: {  	_ =	strace $0x9000004D  }
0x13b: {  	s0 =	stileid.u32;
	[bflag:$0x2] =	sbarrier.arrive $0xFFFF  }
0x13c: {  	p0 =	sne.s32 s0, $0x0;
	s0 =	rddreg [dreg:$0x3]  }
0x13d: {  	s0 =	sadd.s32 @!p0 $0x100000, s0  }
0x13e: {  	[sflag:s0] =	ssyncadd.tile.s32 @!p0 $0x1;
	_ =	shalt  }
.Lfunc_end2:
_tile_overlayer_lowered:
.L_overlay_start_2:
0x13f: {  	(tag) =	ssettag $0x2  }
0x140: {  	s0 =	rddreg [dreg:$0x0];
	s2 =	stileid.u32  }
0x141: {  	s1 =	rddreg [dreg:$0x1];
	p0 =	sne.s32 s2, $0x0  }
0x142: {  	s3 =	rddreg [dreg:$0x2];
	[bflag:$0x3] =	sbarrier.arrive $0xFFFF;
	s2 =	simm.s32 @!p0 $0x1C03  }
0x143: {  	[timem:s3], [sflag:s2] =	dma.local @!p0 [hbm:s0], s1  }
0x144: {  	s0 =	simm.s32 @!p0 $0x3  }
0x145: {  	_ =	swait.ge @!p0 [sflag:s0], s1  }
0x146: {  	s1 =	ssub.s32 @!p0 $0x0, s1;
	[sflag:s0] =	ssyncset.done @!p0 $0x0  }
0x147: {  	[sflag:s0] =	ssyncadd.s32 @!p0 s1  }
0x148: {  	[bflag:$0x3] =	sbarrier.arrive $0xFFFF  }
0x149: {  	_ =	shalt  }

// kernel: kernel.9.cloned.1.call-start
scs
__scs_entry_jumppad:
0x0: {  	(pc) =	sbr.rel $0x88, $3  }
0x1: {  	(tag) =	ssettag $0x0;
	lr =	simm.s32 $0x1  }
0x2: {  	[smem:$0x3F9B] =	sst lr;
	_ =	strace $0xD0000000  }
0x3: {  	_ = 	snop  }
0x4: {  	_ = 	snop  }
0x5: {  	_ = 	snop  }
0x6: {  	_ = 	snop  }
0x7: {  	_ = 	snop  }
__scs_overlays_trampoline_lowered:
0x8: {  	[smem:$0x3FAA] =	sst s0  }
0x9: {  	[smem:$0x3FAB] =	sst s1  }
0xa: {  	[smem:$0x3FAC] =	sst s2  }
0xb: {  	[smem:$0x3FAD] =	sst s3  }
0xc: {  	[smem:$0x3FAE] =	sst s4  }
0xd: {  	[smem:$0x3FAF] =	sst s5  }
0xe: {  	[smem:$0x3FB0] =	sst s6  }
0xf: {  	[smem:$0x3FB1] =	sst s7  }
0x10: {  	[smem:$0x3FB2] =	sst s8  }
0x11: {  	[smem:$0x3FB3] =	sst s9;
	s0 =	simm.s32 @!p0 $0x0  }
0x12: {  	s1 =	sld [smem:$0x3F99];
	s0 =	simm.s32 @p0 $0x1  }
0x13: {  	[smem:$0x3FB4] =	sst s0;
	s0 =	simm.s32 @!p1 $0x0  }
0x14: {  	s2 =	sld [smem:$0x3F98];
	s0 =	simm.s32 @p1 $0x1  }
0x15: {  	[smem:$0x3FB5] =	sst s0;
	s0 =	simm.s32 @!p2 $0x0  }
0x16: {  	s3 =	sld [smem:$0x3FDB];
	s0 =	simm.s32 @p2 $0x1  }
0x17: {  	s4 =	simm.s32 $0x1BF5;
	[smem:$0x3FB7] =	sst s0  }
0x18: {  	s0 =	sld [smem:$0x3F9A];
	_ =	swait.ge [sflag:s4], $0x0  }
0x19: {  	s7 =	sld [smem:$0x3F9B]  }
0x1a: {  	s8 =	sadd.s32 $0xFFFFE003, lr  }
0x1b: {  	s9 =	sadd.s32 $0xFFFFFEF7, lr;
	s5 =	simm.s32 $0xFFFFFFFF;
	p2 =	slt.u32 s8, $0xFFFFF086  }
0x1c: {  	p1 =	slt.u32 s9, $0xF7A;
	s5 =	simm.s32 @!p2 $0x0  }
0x1d: {  	s5 =	simm.s32 @p1 $0x1;
	p0 =	seq.s32 s7, s2  }
0x1e: {  	s7 =	smul.u32 @!p0 $0xF7A, s2;
	p2 =	seq.s32 @!p0 s5, $0x0  }
0x1f: {  	s9 =	smul.u32 $0xF7A, s1;
	s8 =	simm.s32 @!p0 $0x1BF5;
	p2 =	por !p2, p0  }
0x20: {  	[sflag:s8] =	ssyncset.s32 @!p0 $0xFFFFF086;
	s6 =	sadd.s32 @!p0 s3, s7;
	s7 =	simm.s32 @!p0 $0x108  }
0x21: {  	s3 =	sadd.s32 s3, s9;
	s6 =	sadd.s32 @!p0 $0x88, s6;
	s7 =	simm.s32 @p2 $0x1082  }
0x22: {  	[simem:s7], [sflag:s8] =	dma.local @!p0 [hbm:s6], $0xF7A  }
0x23: {  	s9 =	sor.u32 $0xD0000000, s2;
	s6 =	simm.s32 $0x108;
	_ =	swait.ge @!p0 [sflag:s8], $0x0  }
0x24: {  	s3 =	sadd.s32 $0x88, s3;
	s6 =	simm.s32 @!p1 $0x1082;
	[sflag:s4] =	ssyncset.s32 $0xFFFFF086  }
0x25: {  	[simem:s6], [sflag:s4] =	dma.local [hbm:s3], $0xF7A  }
0x26: {  	[smem:$0x3F9B] =	sst s1;
	(tag) =	ssettag s2;
	_ =	strace s9  }
0x27: {  	s1 =	sld [smem:$0x3FAB]  }
0x28: {  	s2 =	sld [smem:$0x3FAC]  }
0x29: {  	s4 =	sld [smem:$0x3FAE]  }
0x2a: {  	p0 =	seq.s32 s5, $0x0;
	s5 =	sld [smem:$0x3FAF]  }
0x2b: {  	s6 =	sld [smem:$0x3FB0]  }
0x2c: {  	s7 =	sld [smem:$0x3FB1]  }
0x2d: {  	s3 =	simm.s32 $0x108;
	s8 =	sld [smem:$0x3FB2]  }
0x2e: {  	s3 =	simm.s32 @!p0 $0x1082;
	s9 =	sld [smem:$0x3FB3]  }
0x2f: {  	lr =	sadd.s32 s0, s3;
	s0 =	sld [smem:$0x3FAA]  }
0x30: {  	s3 =	sld [smem:$0x3FAD]  }
0x31: {  	[smem:$0x3FB6] =	sst s10  }
0x32: {  	s10 =	sld [smem:$0x3FB4];
	_ =	sdelay $0x3  }
0x33: {  	p0 =	seq.s32 s10, $0x1;
	s10 =	sld [smem:$0x3FB6];
	_ =	sdelay $0x3  }
0x34: {  	[smem:$0x3FB6] =	sst s10  }
0x35: {  	s10 =	sld [smem:$0x3FB5];
	_ =	sdelay $0x3  }
0x36: {  	p1 =	seq.s32 s10, $0x1;
	s10 =	sld [smem:$0x3FB6];
	_ =	sdelay $0x3  }
0x37: {  	[smem:$0x3FB6] =	sst s10  }
0x38: {  	s10 =	sld [smem:$0x3FB7]  }
0x39: {  	_ = 	snop;
	(pc) =	sbr.ind lr, $3  }
0x3a: {  	_ = 	snop  }
0x3b: {  	_ = 	snop  }
0x3c: {  	p2 =	seq.s32 s10, $0x1;
	s10 =	sld [smem:$0x3FB6]  }
0x3d: {  	_ =	shalt  }
0x3e: {  	_ =	shalt  }
0x3f: {  	_ =	shalt  }
0x40: {  	_ =	shalt  }
0x41: {  	_ =	shalt  }
0x42: {  	_ =	shalt  }
0x43: {  	_ =	shalt  }
0x44: {  	_ =	shalt  }
0x45: {  	_ =	shalt  }
0x46: {  	_ =	shalt  }
0x47: {  	_ =	shalt  }
0x48: {  	_ =	shalt  }
0x49: {  	_ =	shalt  }
0x4a: {  	_ =	shalt  }
0x4b: {  	_ =	shalt  }
0x4c: {  	_ =	shalt  }
0x4d: {  	_ =	shalt  }
0x4e: {  	_ =	shalt  }
0x4f: {  	_ =	shalt  }
0x50: {  	_ =	shalt  }
0x51: {  	_ =	shalt  }
0x52: {  	_ =	shalt  }
0x53: {  	_ =	shalt  }
0x54: {  	_ =	shalt  }
0x55: {  	_ =	shalt  }
0x56: {  	_ =	shalt  }
0x57: {  	_ =	shalt  }
0x58: {  	_ =	shalt  }
0x59: {  	_ =	shalt  }
0x5a: {  	_ =	shalt  }
0x5b: {  	_ =	shalt  }
0x5c: {  	_ =	shalt  }
0x5d: {  	_ =	shalt  }
0x5e: {  	_ =	shalt  }
0x5f: {  	_ =	shalt  }
0x60: {  	_ =	shalt  }
0x61: {  	_ =	shalt  }
0x62: {  	_ =	shalt  }
0x63: {  	_ =	shalt  }
0x64: {  	_ =	shalt  }
0x65: {  	_ =	shalt  }
0x66: {  	_ =	shalt  }
0x67: {  	_ =	shalt  }
0x68: {  	_ =	shalt  }
0x69: {  	_ =	shalt  }
0x6a: {  	_ =	shalt  }
0x6b: {  	_ =	shalt  }
0x6c: {  	_ =	shalt  }
0x6d: {  	_ =	shalt  }
0x6e: {  	_ =	shalt  }
0x6f: {  	_ =	shalt  }
0x70: {  	_ =	shalt  }
0x71: {  	_ =	shalt  }
0x72: {  	_ =	shalt  }
0x73: {  	_ =	shalt  }
0x74: {  	_ =	shalt  }
0x75: {  	_ =	shalt  }
0x76: {  	_ =	shalt  }
0x77: {  	_ =	shalt  }
0x78: {  	_ =	shalt  }
0x79: {  	_ =	shalt  }
0x7a: {  	_ =	shalt  }
0x7b: {  	_ =	shalt  }
0x7c: {  	_ =	shalt  }
0x7d: {  	_ =	shalt  }
0x7e: {  	_ =	shalt  }
0x7f: {  	_ =	shalt  }
0x80: {  	_ =	shalt  }
0x81: {  	_ =	shalt  }
0x82: {  	_ =	shalt  }
0x83: {  	_ =	shalt  }
0x84: {  	_ =	shalt  }
0x85: {  	_ =	shalt  }
0x86: {  	_ =	shalt  }
0x87: {  	_ =	shalt  }
.Lfunc_end0:
.L_simem_size_0:
called_computation_lowered:
.L_overlay_start_0:
0x88: {  	s2 =	sld [smem:$0x3FD9]  }
0x89: {  	s3 =	sld [smem:$0x3FFE];
	_ =	sdelay $0x1  }
0x8a: {  	s1 =	srdreg.scid  }
0x8b: {  	s0 =	sand.u32 $0x1, s1  }
0x8c: {  	s17 =	sshll.u32 s0, $0xA;
	s2 =	sadd.s32 s3, s2  }
0x8d: {  	s2 =	sadd.s32 s2, s17  }
0x8e: {  	[smem:$0x3FC2] =	sst s2  }
0x8f: {  	_ = 	snop  }
0x90: {  	s2 =	sld [smem:$0x3FD0];
	(tm) =	ssettm $0x1  }
0x91: {  	s18 =	sld [smem:$0x3FFB];
	_ =	sdelay $0x3  }
0x92: {  	_ =	strace s18  }
0x93: {  	s3 =	sld [smem:$0x3FFC];
	_ =	sdelay $0x3  }
0x94: {  	_ =	strace s3  }
0x95: {  	s3 =	sld [smem:$0x3FFD];
	_ =	sdelay $0x3  }
0x96: {  	_ =	strace s3  }
0x97: {  	_ =	strace $0x8FFFFFFF  }
0x98: {  	s19 =	sld [smem:$0x3FDB];
	_ =	sdelay $0x1  }
0x99: {  	s4 =	simm.s32 $_scs_section_size  }
0x9a: {  	s5 =	simm.s32 $_size__tile_overlayer_lowered;
	s6 =	simm.s32 $_tile_overlayer_lowered  }
0x9b: {  	s22 =	simm.s32 $0x1BFF;
	s21 =	sshll.u32 s6, $0x1;
	s3 =	sadd.s32 s4, s19  }
0x9c: {  	s7 =	simm.s32 $0x0;
	s20 =	sshll.u32 s5, $0x1;
	s5 =	sadd.s32 s21, s3  }
0x9d: {  	[timem:s7], [sflag:s22] =	dma.local [hbm:s5], s20  }
0x9e: {  	_ =	swait.ge [sflag:s22], s20  }
0x9f: {  	s4 =	ssub.s32 $0x0, s20;
	[sflag:s22] =	ssyncset.done $0x0  }
0xa0: {  	[sflag:s22] =	ssyncadd.s32 s4;
	_ =	sdelay $0x1  }
0xa1: {  	s23 =	simm.s32 $0x1B8B  }
0xa2: {  	_ =	swait.ge [sflag:s23], $0x1  }
0xa3: {  	[sflag:s23] =	ssyncset.done $0x0  }
0xa4: {  	s25 =	simm.s32 $0x1B8E;
	s24 =	sld [smem:$0x3FFE];
	[sflag:s23] =	ssyncadd.s32 $0xFFFFFFFF  }
0xa5: {  	s26 =	simm.s32 $execute0_lowered;
	[smem:$0x3FD2] =	sst s25  }
0xa6: {  	s5 =	sshll.u32 s26, $0x1;
	_ =	strace $0x80000046;
	[dreg:$0x1] =	wrdreg $0xFFFFFFFF  }
0xa7: {  	s28 =	simm.s32 $_size_execute0_lowered;
	s3 =	sadd.s32 s3, s5;
	[dreg:$0x0] =	wrdreg $0x0  }
0xa8: {  	s5 =	sshll.u32 s28, $0x1;
	[dreg:$0x2] =	wrdreg s3  }
0xa9: {  	[dreg:$0x3] =	wrdreg s5  }
0xaa: {  	[dreg:$0x4] =	wrdreg $0xC0  }
0xab: {  	_ =	task [dreg:s7], $0x5FFFF  }
0xac: {  	[dreg:$0x1] =	wrdreg $0xFFFFFFFF  }
0xad: {  	[dreg:$0x0] =	wrdreg $0x60  }
0xae: {  	[dreg:$0x2] =	wrdreg s24  }
0xaf: {  	[dreg:$0x3] =	wrdreg s2  }
0xb0: {  	[dreg:$0x4] =	wrdreg $0xA8800  }
0xb1: {  	[dreg:$0x5] =	wrdreg $0x9  }
0xb2: {  	_ =	task.clear_ibuf [dreg:s7], $0x6FFFF;
	_ =	strace $0x90000046  }
0xb3: {  	s29 =	simm.s32 $0x9;
	_ =	strace $0x80000048  }
0xb4: {  	_ =	swait.ge [sflag:s29], $0x1  }
0xb5: {  	[sflag:s29] =	ssyncadd.s32 $0xFFFFFFFF  }
0xb6: {  	_ =	strace $0x90000048  }
0xb7: {  	_ =	sfence  }
0xb8: {  	s30 =	sld [smem:$0x0];
	_ =	sdelay $0x2  }
0xb9: {  	s31 =	sshll.u32 s1, $0xD;
	s1 =	sshrl.u32 s1, $0x2  }
0xba: {  	s3 =	sand.u32 $0x4000, s31;
	s1 =	sadd.s32 s1, s30  }
0xbb: {  	s0 =	sor.u32 s3, s0;
	s1 =	sshll.u32 s1, $0x11  }
0xbc: {  	s0 =	sor.u32 s1, s0  }
0xbd: {  	s0 =	sadd.s32 $0x8F2B, s0  }
0xbe: {  	[sflag:s0] =	ssyncadd.remote.s32 $0x1  }
0xbf: {  	_ =	sfence.sel $0xFFFF  }
0xc0: {  	[dreg:$0x0] =	wrdreg $0xFFFFFFFF;
	(pc) =	sbr.abs _section_cstart, $3  }
0xc1: {  	[dreg:$0x1] =	wrdreg $0xFFFFFFFF  }
0xc2: {  	_ =	task.clear_ibuf [dreg:s7], $0x2FFFF;
	_ =	strace $0x9FFFFFFF  }
0xc3: {  	(tm) =	ssettm $0x7FFFFFFF  }
tec
execute0_lowered:
.L_overlay_start_1:
0x0: {  	(tag) =	ssettag $0x1  }
0x1: {  	s6 =	rddreg [dreg:$0x0]  }
0x2: {  	s0 =	srdreg.scid;
	s2 =	rddreg [dreg:$0x1]  }
0x3: {  	s3 =	rddreg [dreg:$0x2];
	s1 =	stileid.u32  }
0x4: {  	s4 =	simm.s32 $0x0;
	s7 =	sand.u32 $0x1, s0;
	s0 =	rddreg [dreg:$0x3]  }
0x5: {  	[smem:$0x7FF] =	sst s4;
	s12 =	smul.u32 $0x280, s1  }
0x6: {  	s11 =	sadd.s32 $0xDA00, s6;
	s10 =	smul.u32 $0x14000, s1;
	s5 =	sshll.u32 s7, $0x4  }
0x7: {  	_ =	strace $0x80000047;
	s9 =	ssub.s32 $0x2, s7;
	s15 =	smul.u32 $0x140000, s7  }
0x8: {  	s5 =	sor.u32 s1, s5;
	s26 =	sshrl.u32 s9, $0x1;
	s28 =	sor.u32 $0x10, s12  }
0x9: {  	s16 =	sor.u32 $0x30, s12;
	s17 =	sor.u32 $0x40, s12;
	s18 =	sor.u32 $0x50, s12  }
0xa: {  	s19 =	sor.u32 $0x60, s12;
	s20 =	sadd.s32 $0x80, s12;
	s21 =	sadd.s32 $0x100, s12  }
0xb: {  	s7 =	sadd.s32 $0x180, s12;
	s14 =	sadd.s32 $0x200, s12;
	s31 =	sor.u32 $0x70, s12  }
0xc: {  	s5 =	smul.u32 $0x500, s5;
	s13 =	ssub.s32 s9, s26;
	s9 =	sor.u32 $0x20, s12  }
0xd: {  	s22 =	sshll.u32 s20, $0x7;
	s23 =	sadd.s32 s10, s15;
	s29 =	sshll.u32 s21, $0x7  }
0xe: {  	v39 =	vlaneseq.u32;
	s30 =	sshll.u32 s7, $0x7;
	s25 =	sshll.u32 s14, $0x7;
	s26 =	sadd.s32 $0x90, s12  }
0xf: {  	v0 =	vor.u32 s28, v39;
	s28 =	sadd.s32 $0xB0, s12;
	v2 =	vor.u32 s16, v39;
	v3 =	vor.u32 s17, v39;
	s16 =	sadd.s32 $0xE0, s12;
	s17 =	sadd.s32 $0xF0, s12  }
0x10: {  	v5 =	vor.u32 s19, v39;
	v6 =	vor.u32 s31, v39;
	s19 =	sadd.s32 $0x110, s12;
	s31 =	sadd.s32 $0x130, s12;
	v7 =	vor.u32 s20, v39;
	s20 =	sadd.s32 $0x140, s12  }
0x11: {  	v4 =	vor.u32 s18, v39;
	v15 =	vor.u32 s21, v39;
	s21 =	sadd.s32 $0x1D0, s12;
	v31 =	vor.u32 s14, v39;
	s14 =	simm.s32 $0x1;
	s18 =	simm.s32 $0x0  }
0x12: {  	s22 =	sadd.s32 s15, s22;
	s24 =	sadd.s32 s15, s29;
	s10 =	sadd.s32 s15, s30  }
0x13: {  	s15 =	sadd.s32 s15, s25;
	s23 =	sshrl.u32 s23, $0x3;
	s30 =	sadd.s32 $0xA0, s12  }
0x14: {  	s29 =	sadd.s32 $0xC0, s12;
	v1 =	vor.u32 s9, v39;
	s9 =	sadd.s32 $0xD0, s12;
	s25 =	sadd.s32 $0x120, s12  }
0x15: {  	v8 =	vor.u32 s26, v39;
	s26 =	sadd.s32 $0x150, s12;
	v10 =	vor.u32 s28, v39;
	s28 =	sadd.s32 $0x190, s12;
	v13 =	vor.u32 s16, v39;
	s16 =	sadd.s32 $0x1B0, s12  }
0x16: {  	v14 =	vor.u32 s17, v39;
	s17 =	sadd.s32 $0x1C0, s12;
	v16 =	vor.u32 s19, v39;
	v18 =	vor.u32 s31, v39;
	s19 =	sadd.s32 $0x1E0, s12;
	s31 =	sadd.s32 $0x210, s12  }
0x17: {  	v19 =	vor.u32 s20, v39;
	s20 =	sadd.s32 $0x220, s12;
	s8 =	sadd.s32 s5, s6;
	s5 =	sadd.s32 $0xD200, s6  }
0x18: {  	s22 =	sshrl.u32 s22, $0x3;
	v9 =	vor.u32 s30, v39;
	s30 =	sadd.s32 $0x160, s12;
	v12 =	vor.u32 s9, v39;
	s9 =	sadd.s32 $0x170, s12  }
0x19: {  	v11 =	vor.u32 s29, v39;
	s29 =	sadd.s32 $0x1A0, s12;
	v17 =	vor.u32 s25, v39;
	s25 =	sadd.s32 $0x1F0, s12;
	v20 =	vor.u32 s26, v39;
	s26 =	sadd.s32 $0x230, s12  }
0x1a: {  	v32 =	vor.u32 s12, v39;
	v23 =	vor.u32 s7, v39;
	v28 =	vor.u32 s21, v39;
	s7 =	sadd.s32 s11, s23;
	s24 =	sshrl.u32 s24, $0x3;
	s10 =	sshrl.u32 s10, $0x3  }
0x1b: {  	v24 =	vor.u32 s28, v39;
	v26 =	vor.u32 s16, v39;
	s15 =	sshrl.u32 s15, $0x3;
	s28 =	sadd.s32 $0x250, s12;
	v33 =	vor.u32 s31, v39;
	s31 =	sadd.s32 $0x270, s12  }
0x1c: {  	v27 =	vor.u32 s17, v39;
	v29 =	vor.u32 s19, v39;
	v34 =	vor.u32 s20, v39;
	s16 =	simm.s32 $0x80;
	s17 =	simm.s32 $0x2800;
	s6 =	sadd.s32 $0x3200, s8  }
0x1d: {  	v21 =	vor.u32 s30, v39;
	s30 =	sadd.s32 $0x240, s12;
	v22 =	vor.u32 s9, v39;
	s8 =	sadd.s32 s11, s22;
	v25 =	vor.u32 s29, v39;
	s9 =	sadd.s32 s11, s24  }
0x1e: {  	v30 =	vor.u32 s25, v39;
	s10 =	sadd.s32 s11, s10;
	s11 =	sadd.s32 s11, s15;
	s29 =	sadd.s32 $0x260, s12;
	v35 =	vor.u32 s26, v39;
	v37 =	vor.u32 s28, v39  }
0x1f: {  	s12 =	smax.u32 s13, $0x1;
	s13 =	simm.s32 $0x2880;
	s15 =	simm.s32 $0x6880;
	v36 =	vor.u32 s30, v39;
	v38 =	vor.u32 s29, v39;
	v39 =	vor.u32 s31, v39  }
.LBB2_1:
0x20: {  	[tilespmem:s13], [sflag:$0x1] =	stream.linear.gather [hbm4b:s2+s4], $0x4000, $0x38;
	[tilespmem:$0x1E880] =	vst v63  }
0x21: {  	_ =	swait.ge [sflag:s14], $0x4000  }
0x22: {  	[sflag:s14] =	ssyncset.done $0x0  }
0x23: {  	[sflag:s14] =	ssyncadd.s32 $0xFFFFC000  }
0x24: {  	[tilespmem:s15], [sflag:$0x1] =	stream.linear.gather [hbm4b:s5+s4], $0x4000, $0x38;
	[tilespmem:$0x1E880] =	vst v63  }
0x25: {  	_ =	swait.ge [sflag:s14], $0x4000  }
0x26: {  	[sflag:s14] =	ssyncset.done $0x0  }
0x27: {  	[sflag:s14] =	ssyncadd.s32 $0xFFFFC000  }
0x28: {  	[tilespmem:s4], [sflag:$0x1] =	stream.linear.gather [hbm4b:s6+s4], $0x2800, $0x38;
	[tilespmem:$0x1E880] =	vst v63  }
0x29: {  	_ =	swait.ge [sflag:s14], $0x2800  }
0x2a: {  	[sflag:s14] =	ssyncset.done $0x0  }
0x2b: {  	[sflag:s14] =	ssyncadd.s32 $0xFFFFD800  }
0x2c: {  	[tilespmem:$0x2800] =	vst v32  }
0x2d: {  	[tilespmem:$0x2810] =	vst v0  }
0x2e: {  	[tilespmem:$0x2820] =	vst v1  }
0x2f: {  	[tilespmem:$0x2830] =	vst v2  }
0x30: {  	[tilespmem:$0x2840] =	vst v3  }
0x31: {  	[tilespmem:$0x2850] =	vst v4  }
0x32: {  	[tilespmem:$0x2860] =	vst v5  }
0x33: {  	[tilespmem:$0x2870] =	vst v6  }
0x34: {  	[spmem:s3] =	stream.indirect.scatter [tilespmem:s15], [sflag:$0x1], $0x80, s17, s16, $0xb8;
	[tilespmem:$0x1E880] =	vst v63  }
0x35: {  	_ =	swait.ge [sflag:s14], $0x4000  }
0x36: {  	[sflag:s14] =	ssyncset.done $0x0  }
0x37: {  	[sflag:s14] =	ssyncadd.s32 $0xFFFFC000  }
0x38: {  	[tilespmem:$0x2800] =	vst v7  }
0x39: {  	[tilespmem:$0x2810] =	vst v8  }
0x3a: {  	[tilespmem:$0x2820] =	vst v9  }
0x3b: {  	[tilespmem:$0x2830] =	vst v10  }
0x3c: {  	[tilespmem:$0x2840] =	vst v11  }
0x3d: {  	[tilespmem:$0x2850] =	vst v12  }
0x3e: {  	[tilespmem:$0x2860] =	vst v13  }
0x3f: {  	[tilespmem:$0x2870] =	vst v14  }
0x40: {  	[spmem:s3] =	stream.indirect.scatter [tilespmem:s15], [sflag:$0x1], $0x80, s17, s16, $0xb8;
	[tilespmem:$0x1E880] =	vst v63  }
0x41: {  	_ =	swait.ge [sflag:s14], $0x4000  }
0x42: {  	[sflag:s14] =	ssyncset.done $0x0  }
0x43: {  	[sflag:s14] =	ssyncadd.s32 $0xFFFFC000  }
0x44: {  	[tilespmem:$0x2800] =	vst v15  }
0x45: {  	[tilespmem:$0x2810] =	vst v16  }
0x46: {  	[tilespmem:$0x2820] =	vst v17  }
0x47: {  	[tilespmem:$0x2830] =	vst v18  }
0x48: {  	[tilespmem:$0x2840] =	vst v19  }
0x49: {  	[tilespmem:$0x2850] =	vst v20  }
0x4a: {  	[tilespmem:$0x2860] =	vst v21  }
0x4b: {  	[tilespmem:$0x2870] =	vst v22  }
0x4c: {  	[spmem:s3] =	stream.indirect.scatter [tilespmem:s15], [sflag:$0x1], $0x80, s17, s16, $0xb8;
	[tilespmem:$0x1E880] =	vst v63  }
0x4d: {  	_ =	swait.ge [sflag:s14], $0x4000  }
0x4e: {  	[sflag:s14] =	ssyncset.done $0x0  }
0x4f: {  	[sflag:s14] =	ssyncadd.s32 $0xFFFFC000  }
0x50: {  	[tilespmem:$0x2800] =	vst v23  }
0x51: {  	[tilespmem:$0x2810] =	vst v24  }
0x52: {  	[tilespmem:$0x2820] =	vst v25  }
0x53: {  	[tilespmem:$0x2830] =	vst v26  }
0x54: {  	[tilespmem:$0x2840] =	vst v27  }
0x55: {  	[tilespmem:$0x2850] =	vst v28  }
0x56: {  	[tilespmem:$0x2860] =	vst v29  }
0x57: {  	[tilespmem:$0x2870] =	vst v30  }
0x58: {  	[spmem:s3] =	stream.indirect.scatter [tilespmem:s15], [sflag:$0x1], $0x80, s17, s16, $0xb8;
	[tilespmem:$0x1E880] =	vst v63  }
0x59: {  	_ =	swait.ge [sflag:s14], $0x4000  }
0x5a: {  	[sflag:s14] =	ssyncset.done $0x0  }
0x5b: {  	[sflag:s14] =	ssyncadd.s32 $0xFFFFC000  }
0x5c: {  	[tilespmem:$0x2800] =	vst v31  }
0x5d: {  	[tilespmem:$0x2810] =	vst v33  }
0x5e: {  	[tilespmem:$0x2820] =	vst v34  }
0x5f: {  	[tilespmem:$0x2830] =	vst v35  }
0x60: {  	[tilespmem:$0x2840] =	vst v36  }
0x61: {  	[tilespmem:$0x2850] =	vst v37  }
0x62: {  	[tilespmem:$0x2860] =	vst v38  }
0x63: {  	[tilespmem:$0x2870] =	vst v39  }
0x64: {  	[spmem:s3] =	stream.indirect.scatter [tilespmem:s15], [sflag:$0x1], $0x80, s17, s16, $0xb8;
	[tilespmem:$0x1E880] =	vst v63  }
0x65: {  	_ =	swait.ge [sflag:s14], $0x4000  }
0x66: {  	[sflag:s14] =	ssyncset.done $0x0  }
0x67: {  	[sflag:s14] =	ssyncadd.s32 $0xFFFFC000  }
0x68: {  	s19 =	simm.s32 $0x0;
	[bflag:$0x0] =	sbarrier.arrive $0xFFFF  }
0x69: {  	v40 =	vld [tilespmem:s19+$0x0];
	_ =	sdelay $0x4  }
0x6a: {  	[tilespmem:$0x2800] =	vst v40  }
0x6b: {  	v40 =	vld [tilespmem:s19+$0x10];
	_ =	sdelay $0x4  }
0x6c: {  	[tilespmem:$0x2810] =	vst v40  }
0x6d: {  	v40 =	vld [tilespmem:s19+$0x20];
	_ =	sdelay $0x4  }
0x6e: {  	[tilespmem:$0x2820] =	vst v40  }
0x6f: {  	v40 =	vld [tilespmem:s19+$0x30];
	_ =	sdelay $0x4  }
0x70: {  	[tilespmem:$0x2830] =	vst v40  }
0x71: {  	v40 =	vld [tilespmem:s19+$0x40];
	_ =	sdelay $0x4  }
0x72: {  	[tilespmem:$0x2840] =	vst v40  }
0x73: {  	v40 =	vld [tilespmem:s19+$0x50];
	_ =	sdelay $0x4  }
0x74: {  	[tilespmem:$0x2850] =	vst v40  }
0x75: {  	v40 =	vld [tilespmem:s19+$0x60];
	_ =	sdelay $0x4  }
0x76: {  	[tilespmem:$0x2860] =	vst v40  }
0x77: {  	v40 =	vld [tilespmem:s19+$0x70];
	_ =	sdelay $0x4  }
0x78: {  	[tilespmem:$0x2870] =	vst v40  }
0x79: {  	[spmem:s3] =	stream.indirect.scatter.add.f32 [tilespmem:s13], [sflag:$0x1], $0x80, s17, s16, $0xb8;
	[tilespmem:$0x1E880] =	vst v63  }
0x7a: {  	_ =	swait.ge [sflag:s14], $0x4000  }
0x7b: {  	s21 =	simm.s32 $0x400;
	s19 =	simm.s32 $0x200;
	[sflag:s14] =	ssyncset.done $0x0  }
.LBB2_2:
0x7c: {  	s22 =	sshra.s32 s19, $0x2  }
0x7d: {  	[sflag:s14] =	ssyncadd.s32 $0xFFFFC000;
	s19 =	smov.u32 s21;
	s20 =	sadd.s32 $0x200, s21  }
0x7e: {  	p0 =	sne.s32 s21, $0x9E00;
	v40 =	vld [tilespmem:s22+$0x0];
	_ =	sdelay $0x4  }
0x7f: {  	[tilespmem:$0x2800] =	vst v40  }
0x80: {  	v40 =	vld [tilespmem:s22+$0x10];
	_ =	sdelay $0x4  }
0x81: {  	[tilespmem:$0x2810] =	vst v40  }
0x82: {  	v40 =	vld [tilespmem:s22+$0x20];
	_ =	sdelay $0x4  }
0x83: {  	[tilespmem:$0x2820] =	vst v40  }
0x84: {  	v40 =	vld [tilespmem:s22+$0x30];
	_ =	sdelay $0x4  }
0x85: {  	[tilespmem:$0x2830] =	vst v40  }
0x86: {  	v40 =	vld [tilespmem:s22+$0x40];
	_ =	sdelay $0x4  }
0x87: {  	[tilespmem:$0x2840] =	vst v40  }
0x88: {  	v40 =	vld [tilespmem:s22+$0x50];
	_ =	sdelay $0x4  }
0x89: {  	[tilespmem:$0x2850] =	vst v40  }
0x8a: {  	v40 =	vld [tilespmem:s22+$0x60];
	_ =	sdelay $0x4  }
0x8b: {  	[tilespmem:$0x2860] =	vst v40  }
0x8c: {  	v40 =	vld [tilespmem:s22+$0x70];
	_ =	sdelay $0x3  }
.Ltmp0:
0x8d: {  	(pc) =	sbr.rel @p0 .LBB2_2-.Ltmp0, $4  }
0x8e: {  	[tilespmem:$0x2870] =	vst v40  }
0x8f: {  	[spmem:s3] =	stream.indirect.scatter.add.f32 [tilespmem:s13], [sflag:$0x1], $0x80, s17, s16, $0xb8;
	[tilespmem:$0x1E880] =	vst v63  }
0x90: {  	_ =	swait.ge [sflag:s14], $0x4000  }
0x91: {  	s21 =	smov.u32 s20;
	[sflag:s14] =	ssyncset.done $0x0  }
0x92: {  	s19 =	sshra.s32 s19, $0x2;
	[sflag:s14] =	ssyncadd.s32 $0xFFFFC000  }
0x93: {  	v40 =	vld [tilespmem:s19+$0x0];
	_ =	sdelay $0x4  }
0x94: {  	[tilespmem:$0x2800] =	vst v40  }
0x95: {  	v40 =	vld [tilespmem:s19+$0x10];
	_ =	sdelay $0x4  }
0x96: {  	[tilespmem:$0x2810] =	vst v40  }
0x97: {  	v40 =	vld [tilespmem:s19+$0x20];
	_ =	sdelay $0x4  }
0x98: {  	[tilespmem:$0x2820] =	vst v40  }
0x99: {  	v40 =	vld [tilespmem:s19+$0x30];
	_ =	sdelay $0x4  }
0x9a: {  	[tilespmem:$0x2830] =	vst v40  }
0x9b: {  	v40 =	vld [tilespmem:s19+$0x40];
	_ =	sdelay $0x4  }
0x9c: {  	[tilespmem:$0x2840] =	vst v40  }
0x9d: {  	v40 =	vld [tilespmem:s19+$0x50];
	_ =	sdelay $0x4  }
0x9e: {  	[tilespmem:$0x2850] =	vst v40  }
0x9f: {  	v40 =	vld [tilespmem:s19+$0x60];
	_ =	sdelay $0x4  }
0xa0: {  	[tilespmem:$0x2860] =	vst v40  }
0xa1: {  	v40 =	vld [tilespmem:s19+$0x70];
	_ =	sdelay $0x4  }
0xa2: {  	[tilespmem:$0x2870] =	vst v40  }
0xa3: {  	[spmem:s3] =	stream.indirect.scatter.add.f32 [tilespmem:s13], [sflag:$0x1], $0x80, s17, s16, $0xb8;
	[tilespmem:$0x1E880] =	vst v63  }
0xa4: {  	_ =	swait.ge [sflag:s14], $0x4000  }
0xa5: {  	[sflag:s14] =	ssyncset.done $0x0  }
0xa6: {  	[sflag:s14] =	ssyncadd.s32 $0xFFFFC000  }
0xa7: {  	[bflag:$0x0] =	sbarrier.arrive $0xFFFF  }
0xa8: {  	[tilespmem:$0x2800] =	vst v32  }
0xa9: {  	[tilespmem:$0x2810] =	vst v0  }
0xaa: {  	[tilespmem:$0x2820] =	vst v1  }
0xab: {  	[tilespmem:$0x2830] =	vst v2  }
0xac: {  	[tilespmem:$0x2840] =	vst v3  }
0xad: {  	[tilespmem:$0x2850] =	vst v4  }
0xae: {  	[tilespmem:$0x2860] =	vst v5  }
0xaf: {  	[tilespmem:$0x2870] =	vst v6  }
0xb0: {  	[tilespmem:s15], [sflag:$0x1] =	stream.indirect.gather [spmem:s3], $0x80, s17, s16, $0xb8;
	[tilespmem:$0x1E880] =	vst v63  }
0xb1: {  	_ =	swait.ge [sflag:s14], $0x4000  }
0xb2: {  	[sflag:s14] =	ssyncset.done $0x0  }
0xb3: {  	[sflag:s14] =	ssyncadd.s32 $0xFFFFC000  }
0xb4: {  	[hbm4b:s7+s4] =	stream.linear.scatter [tilespmem:s15], [sflag:$0x1], $0x4000, $0x38;
	[tilespmem:$0x1E880] =	vst v63  }
0xb5: {  	_ =	swait.ge [sflag:s14], $0x4000  }
0xb6: {  	[sflag:s14] =	ssyncset.done $0x0  }
0xb7: {  	[sflag:s14] =	ssyncadd.s32 $0xFFFFC000  }
0xb8: {  	[tilespmem:$0x2800] =	vst v7  }
0xb9: {  	[tilespmem:$0x2810] =	vst v8  }
0xba: {  	[tilespmem:$0x2820] =	vst v9  }
0xbb: {  	[tilespmem:$0x2830] =	vst v10  }
0xbc: {  	[tilespmem:$0x2840] =	vst v11  }
0xbd: {  	[tilespmem:$0x2850] =	vst v12  }
0xbe: {  	[tilespmem:$0x2860] =	vst v13  }
0xbf: {  	[tilespmem:$0x2870] =	vst v14  }
0xc0: {  	[tilespmem:s15], [sflag:$0x1] =	stream.indirect.gather [spmem:s3], $0x80, s17, s16, $0xb8;
	[tilespmem:$0x1E880] =	vst v63  }
0xc1: {  	_ =	swait.ge [sflag:s14], $0x4000  }
0xc2: {  	[sflag:s14] =	ssyncset.done $0x0  }
0xc3: {  	[sflag:s14] =	ssyncadd.s32 $0xFFFFC000  }
0xc4: {  	[hbm4b:s8+s4] =	stream.linear.scatter [tilespmem:s15], [sflag:$0x1], $0x4000, $0x38;
	[tilespmem:$0x1E880] =	vst v63  }
0xc5: {  	_ =	swait.ge [sflag:s14], $0x4000  }
0xc6: {  	[sflag:s14] =	ssyncset.done $0x0  }
0xc7: {  	[sflag:s14] =	ssyncadd.s32 $0xFFFFC000  }
0xc8: {  	[tilespmem:$0x2800] =	vst v15  }
0xc9: {  	[tilespmem:$0x2810] =	vst v16  }
0xca: {  	[tilespmem:$0x2820] =	vst v17  }
0xcb: {  	[tilespmem:$0x2830] =	vst v18  }
0xcc: {  	[tilespmem:$0x2840] =	vst v19  }
0xcd: {  	[tilespmem:$0x2850] =	vst v20  }
0xce: {  	[tilespmem:$0x2860] =	vst v21  }
0xcf: {  	[tilespmem:$0x2870] =	vst v22  }
0xd0: {  	[tilespmem:s15], [sflag:$0x1] =	stream.indirect.gather [spmem:s3], $0x80, s17, s16, $0xb8;
	[tilespmem:$0x1E880] =	vst v63  }
0xd1: {  	_ =	swait.ge [sflag:s14], $0x4000  }
0xd2: {  	[sflag:s14] =	ssyncset.done $0x0  }
0xd3: {  	[sflag:s14] =	ssyncadd.s32 $0xFFFFC000  }
0xd4: {  	[hbm4b:s9+s4] =	stream.linear.scatter [tilespmem:s15], [sflag:$0x1], $0x4000, $0x38;
	[tilespmem:$0x1E880] =	vst v63  }
0xd5: {  	_ =	swait.ge [sflag:s14], $0x4000  }
0xd6: {  	[sflag:s14] =	ssyncset.done $0x0  }
0xd7: {  	[sflag:s14] =	ssyncadd.s32 $0xFFFFC000  }
0xd8: {  	[tilespmem:$0x2800] =	vst v23  }
0xd9: {  	[tilespmem:$0x2810] =	vst v24  }
0xda: {  	[tilespmem:$0x2820] =	vst v25  }
0xdb: {  	[tilespmem:$0x2830] =	vst v26  }
0xdc: {  	[tilespmem:$0x2840] =	vst v27  }
0xdd: {  	[tilespmem:$0x2850] =	vst v28  }
0xde: {  	[tilespmem:$0x2860] =	vst v29  }
0xdf: {  	[tilespmem:$0x2870] =	vst v30  }
0xe0: {  	[tilespmem:s15], [sflag:$0x1] =	stream.indirect.gather [spmem:s3], $0x80, s17, s16, $0xb8;
	[tilespmem:$0x1E880] =	vst v63  }
0xe1: {  	_ =	swait.ge [sflag:s14], $0x4000  }
0xe2: {  	[sflag:s14] =	ssyncset.done $0x0  }
0xe3: {  	[sflag:s14] =	ssyncadd.s32 $0xFFFFC000  }
0xe4: {  	[hbm4b:s10+s4] =	stream.linear.scatter [tilespmem:s15], [sflag:$0x1], $0x4000, $0x38;
	[tilespmem:$0x1E880] =	vst v63  }
0xe5: {  	_ =	swait.ge [sflag:s14], $0x4000  }
0xe6: {  	[sflag:s14] =	ssyncset.done $0x0  }
0xe7: {  	[sflag:s14] =	ssyncadd.s32 $0xFFFFC000  }
0xe8: {  	[tilespmem:$0x2800] =	vst v31  }
0xe9: {  	[tilespmem:$0x2810] =	vst v33  }
0xea: {  	[tilespmem:$0x2820] =	vst v34  }
0xeb: {  	[tilespmem:$0x2830] =	vst v35  }
0xec: {  	[tilespmem:$0x2840] =	vst v36  }
0xed: {  	[tilespmem:$0x2850] =	vst v37  }
0xee: {  	[tilespmem:$0x2860] =	vst v38  }
0xef: {  	[tilespmem:$0x2870] =	vst v39  }
0xf0: {  	[tilespmem:s15], [sflag:$0x1] =	stream.indirect.gather [spmem:s3], $0x80, s17, s16, $0xb8;
	[tilespmem:$0x1E880] =	vst v63  }
0xf1: {  	s18 =	sadd.s32 $0x1, s18;
	_ =	swait.ge [sflag:s14], $0x4000  }
0xf2: {  	p0 =	sne.s32 s18, s12;
	[sflag:s14] =	ssyncset.done $0x0  }
.Ltmp1:
0xf3: {  	[sflag:s14] =	ssyncadd.s32 $0xFFFFC000;
	(pc) =	sbr.rel @p0 .LBB2_1-.Ltmp1, $4  }
0xf4: {  	[hbm4b:s11+s4] =	stream.linear.scatter [tilespmem:s15], [sflag:$0x1], $0x4000, $0x38;
	[tilespmem:$0x1E880] =	vst v63  }
0xf5: {  	_ =	swait.ge [sflag:s14], $0x4000  }
0xf6: {  	[sflag:s14] =	ssyncset.done $0x0  }
0xf7: {  	[sflag:s14] =	ssyncadd.s32 $0xFFFFC000  }
0xf8: {  	_ =	sfence.sel $0x180000  }
0xf9: {  	[bflag:$0x0] =	sbarrier.arrive $0xFFFF  }
0xfa: {  	p0 =	sne.s32 s1, $0x0;
	_ =	strace $0x90000047  }
0xfb: {  	s0 =	sadd.s32 @!p0 $0x100000, s0;
	[bflag:$0x2] =	sbarrier.arrive $0xFFFF  }
0xfc: {  	[sflag:s0] =	ssyncadd.tile.s32 @!p0 $0x1;
	_ =	shalt  }
.Lfunc_end2:
_tile_overlayer_lowered:
.L_overlay_start_2:
0xfd: {  	(tag) =	ssettag $0x2  }
0xfe: {  	s0 =	rddreg [dreg:$0x0];
	s2 =	stileid.u32  }
0xff: {  	s1 =	rddreg [dreg:$0x1];
	p0 =	sne.s32 s2, $0x0  }
0x100: {  	s3 =	rddreg [dreg:$0x2];
	[bflag:$0x3] =	sbarrier.arrive $0xFFFF;
	s2 =	simm.s32 @!p0 $0x1C01  }
0x101: {  	[timem:s3], [sflag:s2] =	dma.local @!p0 [hbm:s0], s1  }
0x102: {  	s0 =	simm.s32 @!p0 $0x1  }
0x103: {  	_ =	swait.ge @!p0 [sflag:s0], s1  }
0x104: {  	s1 =	ssub.s32 @!p0 $0x0, s1;
	[sflag:s0] =	ssyncset.done @!p0 $0x0  }
0x105: {  	[sflag:s0] =	ssyncadd.s32 @!p0 s1  }
0x106: {  	[bflag:$0x3] =	sbarrier.arrive $0xFFFF  }
0x107: {  	_ =	shalt  }

</sc_bundles>
